<compile_context>
chip_gen: v7x
topology: tpu7x:2x2x1
jax: 0.10.2.dev20260603
libtpu: 0.0.44.dev20260713+nightly
codegen_flags: <defaults>
</compile_context>

<pallas_src>
import functools

import jax
import jax.numpy as jnp
from jax import lax
from jax.experimental import pallas as pl
from jax.experimental.pallas import tpu as pltpu
from jax.experimental.pallas import tpu_sc as plsc

N = 10000
E = 320000
C = 40
C_PAD = 48

NC = 2
NS = 16
NW = NC * NS
B = 128
EPW = 10112
E_PAD = EPW * NW
N_PAD = 10240
CH_A = 109
CH_B = 2 * (EPW // B) - CH_A
RPT = N_PAD // NS
DEG_D = 16


def _mesh():
    return plsc.VectorSubcoreMesh(core_axis_name="c", subcore_axis_name="s")


_SC_PARAMS = pltpu.CompilerParams(use_tc_tiling_on_sc=False)



@functools.partial(
    pl.kernel,
    out_type=jax.ShapeDtypeStruct((NC, N_PAD, DEG_D), jnp.float32),
    mesh=_mesh(),
    compiler_params=_SC_PARAMS,
    scratch_types=[
        pltpu.VMEM((EPW // B, B), jnp.int32),
        pltpu.VMEM((B, DEG_D), jnp.float32),
        pltpu.VMEM((B, DEG_D), jnp.float32),
        pltpu.VMEM_SHARED((N_PAD, DEG_D), jnp.float32),
    ],
)
def _deg_kernel(dstp_hbm, out_hbm, dst_all, ones_v, zero_v, acc_sh):
    cid = lax.axis_index("c")
    sid = lax.axis_index("s")
    wid = cid * NS + sid

    one16 = jnp.ones((DEG_D,), jnp.float32)
    z16 = jnp.zeros((DEG_D,), jnp.float32)

    def fill(i, _):
        ones_v[i, :] = one16
        zero_v[i, :] = z16
        return 0

    lax.fori_loop(0, B, fill, 0)
    pltpu.sync_copy(dstp_hbm.at[wid], dst_all)
    for k in range(RPT // B):
        pltpu.sync_copy(zero_v, acc_sh.at[pl.ds(sid * RPT + k * B, B)])
    plsc.subcore_barrier()

    def body(i, _):
        pltpu.sync_copy(ones_v, acc_sh.at[dst_all.at[i]], add=True)
        return 0

    lax.fori_loop(0, EPW // B, body, 0)
    plsc.subcore_barrier()
    pltpu.sync_copy(
        acc_sh.at[pl.ds(sid * RPT, RPT)], out_hbm.at[cid, pl.ds(sid * RPT, RPT)]
    )


def _make_agg(D):
    @functools.partial(
        pl.kernel,
        out_type=jax.ShapeDtypeStruct((NC, N_PAD, D), jnp.float32),
        mesh=_mesh(),
        compiler_params=_SC_PARAMS,
        scratch_types=[
            pltpu.VMEM((max(CH_A, CH_B) * B,), jnp.int32),
            pltpu.VMEM((B,), jnp.int32),
            pltpu.VMEM((B,), jnp.int32),
            pltpu.VMEM((B, D), jnp.float32),
            pltpu.VMEM((B, D), jnp.float32),
            pltpu.SemaphoreType.DMA,
            pltpu.SemaphoreType.DMA,
            pltpu.VMEM_SHARED((N_PAD, D), jnp.float32),
        ],
    )
    def agg(g_hbm, srcp_hbm, dstp_hbm, out_hbm, src_all, dst0, dst1,
            rows0, rows1, sem0, sem1, acc_sh):
        cid = lax.axis_index("c")
        sid = lax.axis_index("s")
        wid = cid * NS + sid
        base0 = wid * EPW

        z16 = jnp.zeros((16,), jnp.float32)
        dl = D // 16

        def zfill(i, _):
            rows0[i // dl, pl.ds((i % dl) * 16, 16)] = z16
            return 0

        lax.fori_loop(0, B * dl, zfill, 0)
        for k in range(RPT // B):
            pltpu.sync_copy(rows0, acc_sh.at[pl.ds(sid * RPT + k * B, B)])
        plsc.subcore_barrier()

        def run_pipe(nch, base0):
            epw = nch * B
            pltpu.sync_copy(
                srcp_hbm.at[pl.ds(base0, epw)], src_all.at[pl.ds(0, epw)]
                )
            pltpu.async_copy(g_hbm.at[src_all.at[pl.ds(0, B)]], rows0, sem0)
            pltpu.async_copy(g_hbm.at[src_all.at[pl.ds(B, B)]], rows1, sem1)

            def body(j, _):
                i0 = base0 + 2 * j * B
                o0 = 2 * j * B
                pltpu.sync_copy(dstp_hbm.at[pl.ds(i0, B)], dst0)
                pltpu.make_async_copy(
                    g_hbm.at[src_all.at[pl.ds(o0, B)]], rows0, sem0
                ).wait()
                pltpu.sync_copy(rows0, acc_sh.at[dst0], add=True)
                pltpu.async_copy(
                    g_hbm.at[src_all.at[pl.ds(o0 + 2 * B, B)]], rows0, sem0
                )
                pltpu.sync_copy(dstp_hbm.at[pl.ds(i0 + B, B)], dst1)
                pltpu.make_async_copy(
                    g_hbm.at[src_all.at[pl.ds(o0 + B, B)]], rows1, sem1
                ).wait()
                pltpu.sync_copy(rows1, acc_sh.at[dst1], add=True)
                pltpu.async_copy(
                    g_hbm.at[src_all.at[pl.ds(o0 + 3 * B, B)]], rows1, sem1
                )
                return 0

            lax.fori_loop(0, (nch - 3) // 2, body, 0)
            pltpu.sync_copy(dstp_hbm.at[pl.ds(base0 + epw - 3 * B, B)], dst0)
            pltpu.make_async_copy(
                g_hbm.at[src_all.at[pl.ds(epw - 3 * B, B)]], rows0, sem0
            ).wait()
            pltpu.sync_copy(rows0, acc_sh.at[dst0], add=True)
            pltpu.sync_copy(dstp_hbm.at[pl.ds(base0 + epw - 2 * B, B)], dst1)
            pltpu.make_async_copy(
                g_hbm.at[src_all.at[pl.ds(epw - 2 * B, B)]], rows1, sem1
            ).wait()
            pltpu.sync_copy(rows1, acc_sh.at[dst1], add=True)
            pltpu.async_copy(g_hbm.at[src_all.at[pl.ds(epw - B, B)]], rows0, sem0)
            pltpu.sync_copy(dstp_hbm.at[pl.ds(base0 + epw - B, B)], dst0)
            pltpu.make_async_copy(
                g_hbm.at[src_all.at[pl.ds(epw - B, B)]], rows0, sem0
            ).wait()
            pltpu.sync_copy(rows0, acc_sh.at[dst0], add=True)
        
        @pl.when(cid == 0)
        def _():
            run_pipe(CH_A, sid * CH_A * B)

        @pl.when(cid == 1)
        def _():
            run_pipe(CH_B, NS * CH_A * B + sid * CH_B * B)

        plsc.subcore_barrier()
        pltpu.sync_copy(
            acc_sh.at[pl.ds(sid * RPT, RPT)], out_hbm.at[cid, pl.ds(sid * RPT, RPT)]
        )

    return agg


_agg128 = _make_agg(128)
_agg64 = _make_agg(64)
_agg48 = _make_agg(C_PAD)



def _tc_first_body(deg_ref, x_ref, w_ref, d_ref, g_ref):
    deg = deg_ref[0] + deg_ref[1] + 1.0
    d = lax.rsqrt(deg)
    d_ref[...] = d
    g_ref[...] = d * jnp.dot(
        x_ref[...], w_ref[...], preferred_element_type=jnp.float32
    )


def _tc_mid_body(acc_ref, g_ref, d_ref, b_ref, w_ref, go_ref):
    a = acc_ref[0, 0:N, :] + acc_ref[1, 0:N, :] + g_ref[...]
    d = d_ref[...]
    h = jnp.maximum(d * a + b_ref[...], 0.0)
    go_ref[...] = d * jnp.dot(h, w_ref[...], preferred_element_type=jnp.float32)


def _tc_out_body(acc_ref, g_ref, d_ref, b_ref, o_ref):
    a = acc_ref[0, 0:N, :] + acc_ref[1, 0:N, :] + g_ref[...]
    o_ref[...] = d_ref[...] * a + b_ref[...]


def _tc_first(degs, x, W1):
    return pl.pallas_call(
        _tc_first_body,
        out_shape=[
            jax.ShapeDtypeStruct((N, 1), jnp.float32),
            jax.ShapeDtypeStruct((N, W1.shape[1]), jnp.float32),
        ],
    )(degs, x, W1)


def _tc_mid(acc, g, d, b, W):
    return pl.pallas_call(
        _tc_mid_body,
        out_shape=jax.ShapeDtypeStruct((N, W.shape[1]), jnp.float32),
    )(acc, g, d, b, W)


def _tc_out(acc, g, d, b):
    return pl.pallas_call(
        _tc_out_body,
        out_shape=jax.ShapeDtypeStruct((N, g.shape[1]), jnp.float32),
    )(acc, g, d, b)



def kernel(x, edge_index, W1, b1, W2, b2, W3, b3):
    src = edge_index[0].astype(jnp.int32)
    dst = edge_index[1].astype(jnp.int32)
    pad = E_PAD - E
    srcp = jnp.concatenate([src, jnp.zeros((pad,), jnp.int32)])
    pad_dst = N + (jnp.arange(pad, dtype=jnp.int32) % (N_PAD - N))
    dstp = jnp.concatenate([dst, pad_dst])

    deg_p = _deg_kernel(dstp.reshape(NW, EPW // B, B))
    degs = deg_p[:, :N, 0:1]

    d, g1 = _tc_first(degs, x, W1)
    acc1 = _agg128(g1, srcp, dstp)
    g2 = _tc_mid(acc1, g1, d, b1.reshape(1, -1), W2)
    acc2 = _agg64(g2, srcp, dstp)
    W3p = jnp.pad(W3, ((0, 0), (0, C_PAD - C)))
    b3p = jnp.pad(b3, (0, C_PAD - C)).reshape(1, -1)
    g3 = _tc_mid(acc2, g2, d, b2.reshape(1, -1), W3p)
    acc3 = _agg48(g3, srcp, dstp)
    out = _tc_out(acc3, g3, d, b3p)
    return out[:, :C]

# --- scband reference (transcript-rebuilt; emitter-appended) ---
"""Pipeline reference for scband-gcn-61572651156071 (READ-ONLY COPY).

The authoritative reference and input builder live on the scoring server;
editing this copy changes nothing except your own understanding.
"""

import jax, jax.numpy as jnp
import numpy as np

N = 10000
E = 320000
D_IN = 128
H = 128
H2 = 64
C = 40


def gcn_conv(x, src, dst, norm, W, b):
    # PyG GCNConv: lin (no bias) -> propagate with symmetric norm -> + bias
    h = x @ W
    msgs = h[src] * norm[:, None]
    out = jnp.zeros((x.shape[0], W.shape[1]), dtype=h.dtype).at[dst].add(msgs)
    return out + b


def setup_inputs(seed: int = 0):
    key = jax.random.key(seed)
    ks = jax.random.split(key, 8)
    x = jax.random.normal(ks[0], (N, D_IN), dtype=jnp.float32)
    edge_index = jax.random.randint(ks[1], (2, E), 0, N)
    W1 = jax.random.normal(ks[2], (D_IN, H), dtype=jnp.float32) * (1.0 / np.sqrt(D_IN))
    b1 = jnp.zeros((H,), dtype=jnp.float32)
    W2 = jax.random.normal(ks[3], (H, H2), dtype=jnp.float32) * (1.0 / np.sqrt(H))
    b2 = jnp.zeros((H2,), dtype=jnp.float32)
    W3 = jax.random.normal(ks[4], (H2, C), dtype=jnp.float32) * (1.0 / np.sqrt(H2))
    b3 = jnp.zeros((C,), dtype=jnp.float32)
    return {"x": x, "edge_index": edge_index, "W1": W1, "b1": b1, "W2": W2, "b2": b2, "W3": W3, "b3": b3}


def reference(x, edge_index, W1, b1, W2, b2, W3, b3):
    n = x.shape[0]
    loop = jnp.arange(n, dtype=edge_index.dtype)
    src = jnp.concatenate([edge_index[0], loop])
    dst = jnp.concatenate([edge_index[1], loop])
    # symmetric normalization (gcn_norm with add_self_loops=True)
    deg = jnp.zeros((n,), dtype=jnp.float32).at[dst].add(1.0)
    deg_inv_sqrt = jnp.where(deg > 0, jax.lax.rsqrt(jnp.maximum(deg, 1e-12)), 0.0)
    norm = deg_inv_sqrt[src] * deg_inv_sqrt[dst]
    # dropout is identity in eval mode
    h = gcn_conv(x, src, dst, norm, W1, b1)
    h = jax.nn.relu(h)
    h = gcn_conv(h, src, dst, norm, W2, b2)
    h = jax.nn.relu(h)
    out = gcn_conv(h, src, dst, norm, W3, b3)
    return out

if __name__ == "__main__":
    import jax
    _d = setup_inputs()
    print(jax.jit(kernel)(*tuple(_d.values())))

</pallas_src>

<mosaic_0001>
#map = affine_map<(d0, d1) -> (0, 0, 0)>
module attributes {stable_mosaic.version = 14 : i64} {
  func.func @_deg_kernel(%arg0: i32, %arg1: i32, %arg2: memref<32x79x128xi32, #tpu.memory_space<hbm>>, %arg3: memref<2x10240x16xf32, #tpu.memory_space<hbm>>, %arg4: memref<79x128xi32, #tpu.memory_space<vmem>>, %arg5: memref<128x16xf32, #tpu.memory_space<vmem>>, %arg6: memref<128x16xf32, #tpu.memory_space<vmem>>, %arg7: memref<10240x16xf32, #tpu.memory_space<vmem_shared>>) attributes {dimension_semantics = [#tpu.dimension_semantics<core_parallel>, #tpu.dimension_semantics<subcore_parallel>], iteration_bounds = array<i64: 2, 16>, scalar_prefetch = 0 : i64, scratch_operands = 4 : i64, tpu.core_type = #tpu.core_type<sc_vector_subcore>, window_params = [{transform_indices = #map}, {transform_indices = #map}]} {
    %mul3A = arith.constant 16 : i32
    %mul3A_0 = arith.muli %arg0, %mul3A : i32
    %add3A = arith.addi %mul3A_0, %arg1 : i32
    %broadcast_in_dim3A = arith.constant 1.000000e+00 : f32
    %broadcast_in_dim3A_1 = vector.broadcast %broadcast_in_dim3A : f32 to vector<16xf32>
    %broadcast_in_dim3A_2 = arith.constant 0.000000e+00 : f32
    %broadcast_in_dim3A_3 = vector.broadcast %broadcast_in_dim3A_2 : f32 to vector<16xf32>
    %scan3A = arith.constant 0 : i32
    %scan3A_4 = arith.constant 0 : i32
    %scan3A_5 = arith.constant 128 : i32
    %scan3A_6 = arith.addi %scan3A_4, %scan3A_5 : i32
    %scan3A_7 = arith.constant 1 : i32
    %scan3A_8 = scf.for %scan3A_42 = %scan3A_4 to %scan3A_6 step %scan3A_7 iter_args(%scan3A_43 = %scan3A) -> (i32)  : i32 {
      %swap3A = arith.index_cast %scan3A_42 : i32 to index
      %swap3A_44 = arith.constant 0 : index
      %swap3A_45 = tpu.vector_load %arg5[%swap3A, %swap3A_44] {strides = array<i32>} : memref<128x16xf32, #tpu.memory_space<vmem>>, vector<1x16xf32>,
      %swap3A_46 = vector.shape_cast %swap3A_45 : vector<1x16xf32> to vector<16xf32>
      %swap3A_47 = vector.shape_cast %broadcast_in_dim3A_1 : vector<16xf32> to vector<1x16xf32>
      tpu.vector_store %arg5[%swap3A, %swap3A_44], %swap3A_47 {strides = array<i32>} : memref<128x16xf32, #tpu.memory_space<vmem>>, vector<1x16xf32>,
      %swap3A_48 = arith.index_cast %scan3A_42 : i32 to index
      %swap3A_49 = arith.constant 0 : index
      %swap3A_50 = tpu.vector_load %arg6[%swap3A_48, %swap3A_49] {strides = array<i32>} : memref<128x16xf32, #tpu.memory_space<vmem>>, vector<1x16xf32>,
      %swap3A_51 = vector.shape_cast %swap3A_50 : vector<1x16xf32> to vector<16xf32>
      %swap3A_52 = vector.shape_cast %broadcast_in_dim3A_3 : vector<16xf32> to vector<1x16xf32>
      tpu.vector_store %arg6[%swap3A_48, %swap3A_49], %swap3A_52 {strides = array<i32>} : memref<128x16xf32, #tpu.memory_space<vmem>>, vector<1x16xf32>,
      %scan3A_53 = arith.constant 0 : i32
      scf.yield %scan3A_53 : i32
    }
    %scan3A_9 = arith.constant 128 : i32
    "tpu.region"() ({
      %run_scoped3A = tpu.sem_alloc : memref<!tpu.dma_semaphore, #tpu.memory_space<semaphore_mem>>
      %dma_start3A = arith.constant 0 : i32
      %dma_start3A_42 = arith.constant 0 : i32
      %dma_start3A_43 = tpu.memref_slice %arg2[%add3A, %dma_start3A, %dma_start3A_42] : memref<32x79x128xi32, #tpu.memory_space<hbm>> -> memref<1x79x128xi32, #tpu.memory_space<hbm>>
      %dma_start3A_44 = tpu.memref_squeeze %dma_start3A_43 : memref<1x79x128xi32, #tpu.memory_space<hbm>> -> memref<79x128xi32, #tpu.memory_space<hbm>>
      %dma_start3A_45 = arith.constant 0 : i32
      %dma_start3A_46 = arith.constant 0 : i32
      %dma_start3A_47 = tpu.memref_slice %arg2[%add3A, %dma_start3A_45, %dma_start3A_46] : memref<32x79x128xi32, #tpu.memory_space<hbm>> -> memref<1x79x128xi32, #tpu.memory_space<hbm>>
      %dma_start3A_48 = tpu.memref_squeeze %dma_start3A_47 : memref<1x79x128xi32, #tpu.memory_space<hbm>> -> memref<79x128xi32, #tpu.memory_space<hbm>>
      tpu.enqueue_dma source(%dma_start3A_48 : memref<79x128xi32, #tpu.memory_space<hbm>>) target(%arg4 : memref<79x128xi32, #tpu.memory_space<vmem>>) target_semaphore(%run_scoped3A : memref<!tpu.dma_semaphore, #tpu.memory_space<semaphore_mem>>)
      %dma_wait3A = arith.constant 0 : i32
      %dma_wait3A_49 = arith.constant 0 : i32
      %dma_wait3A_50 = tpu.memref_slice %arg2[%add3A, %dma_wait3A, %dma_wait3A_49] : memref<32x79x128xi32, #tpu.memory_space<hbm>> -> memref<1x79x128xi32, #tpu.memory_space<hbm>>
      %dma_wait3A_51 = tpu.memref_squeeze %dma_wait3A_50 : memref<1x79x128xi32, #tpu.memory_space<hbm>> -> memref<79x128xi32, #tpu.memory_space<hbm>>
      %dma_wait3A_52 = arith.constant 0 : i32
      %dma_wait3A_53 = arith.constant 0 : i32
      %dma_wait3A_54 = tpu.memref_slice %arg2[%add3A, %dma_wait3A_52, %dma_wait3A_53] : memref<32x79x128xi32, #tpu.memory_space<hbm>> -> memref<1x79x128xi32, #tpu.memory_space<hbm>>
      %dma_wait3A_55 = tpu.memref_squeeze %dma_wait3A_54 : memref<1x79x128xi32, #tpu.memory_space<hbm>> -> memref<79x128xi32, #tpu.memory_space<hbm>>
      tpu.wait_dma2 semaphore(%run_scoped3A : memref<!tpu.dma_semaphore, #tpu.memory_space<semaphore_mem>>) src(%dma_wait3A_55 : memref<79x128xi32, #tpu.memory_space<hbm>>) dst(%arg4 : memref<79x128xi32, #tpu.memory_space<vmem>>)
      tpu.yield
    }) : () -> ()
    %mul3A_10 = arith.constant 640 : i32
    %mul3A_11 = arith.muli %arg1, %mul3A_10 : i32
    %add3A_12 = arith.constant 0 : i32
    %add3A_13 = arith.addi %mul3A_11, %add3A_12 : i32
    "tpu.region"() ({
      %run_scoped3A = tpu.sem_alloc : memref<!tpu.dma_semaphore, #tpu.memory_space<semaphore_mem>>
      %dma_start3A = arith.constant 0 : i32
      %dma_start3A_42 = tpu.memref_slice %arg7[%add3A_13, %dma_start3A] : memref<10240x16xf32, #tpu.memory_space<vmem_shared>> -> memref<128x16xf32, #tpu.memory_space<vmem_shared>>
      %dma_start3A_43 = arith.constant 0 : i32
      %dma_start3A_44 = tpu.memref_slice %arg7[%add3A_13, %dma_start3A_43] : memref<10240x16xf32, #tpu.memory_space<vmem_shared>> -> memref<128x16xf32, #tpu.memory_space<vmem_shared>>
      tpu.enqueue_dma source(%arg6 : memref<128x16xf32, #tpu.memory_space<vmem>>) target(%dma_start3A_44 : memref<128x16xf32, #tpu.memory_space<vmem_shared>>) target_semaphore(%run_scoped3A : memref<!tpu.dma_semaphore, #tpu.memory_space<semaphore_mem>>)
      %dma_wait3A = arith.constant 0 : i32
      %dma_wait3A_45 = tpu.memref_slice %arg7[%add3A_13, %dma_wait3A] : memref<10240x16xf32, #tpu.memory_space<vmem_shared>> -> memref<128x16xf32, #tpu.memory_space<vmem_shared>>
      %dma_wait3A_46 = arith.constant 0 : i32
      %dma_wait3A_47 = tpu.memref_slice %arg7[%add3A_13, %dma_wait3A_46] : memref<10240x16xf32, #tpu.memory_space<vmem_shared>> -> memref<128x16xf32, #tpu.memory_space<vmem_shared>>
      tpu.wait_dma2 semaphore(%run_scoped3A : memref<!tpu.dma_semaphore, #tpu.memory_space<semaphore_mem>>) src(%arg6 : memref<128x16xf32, #tpu.memory_space<vmem>>) dst(%dma_wait3A_47 : memref<128x16xf32, #tpu.memory_space<vmem_shared>>)
      tpu.yield
    }) : () -> ()
    %mul3A_14 = arith.constant 640 : i32
    %mul3A_15 = arith.muli %arg1, %mul3A_14 : i32
    %add3A_16 = arith.constant 128 : i32
    %add3A_17 = arith.addi %mul3A_15, %add3A_16 : i32
    "tpu.region"() ({
      %run_scoped3A = tpu.sem_alloc : memref<!tpu.dma_semaphore, #tpu.memory_space<semaphore_mem>>
      %dma_start3A = arith.constant 0 : i32
      %dma_start3A_42 = tpu.memref_slice %arg7[%add3A_17, %dma_start3A] : memref<10240x16xf32, #tpu.memory_space<vmem_shared>> -> memref<128x16xf32, #tpu.memory_space<vmem_shared>>
      %dma_start3A_43 = arith.constant 0 : i32
      %dma_start3A_44 = tpu.memref_slice %arg7[%add3A_17, %dma_start3A_43] : memref<10240x16xf32, #tpu.memory_space<vmem_shared>> -> memref<128x16xf32, #tpu.memory_space<vmem_shared>>
      tpu.enqueue_dma source(%arg6 : memref<128x16xf32, #tpu.memory_space<vmem>>) target(%dma_start3A_44 : memref<128x16xf32, #tpu.memory_space<vmem_shared>>) target_semaphore(%run_scoped3A : memref<!tpu.dma_semaphore, #tpu.memory_space<semaphore_mem>>)
      %dma_wait3A = arith.constant 0 : i32
      %dma_wait3A_45 = tpu.memref_slice %arg7[%add3A_17, %dma_wait3A] : memref<10240x16xf32, #tpu.memory_space<vmem_shared>> -> memref<128x16xf32, #tpu.memory_space<vmem_shared>>
      %dma_wait3A_46 = arith.constant 0 : i32
      %dma_wait3A_47 = tpu.memref_slice %arg7[%add3A_17, %dma_wait3A_46] : memref<10240x16xf32, #tpu.memory_space<vmem_shared>> -> memref<128x16xf32, #tpu.memory_space<vmem_shared>>
      tpu.wait_dma2 semaphore(%run_scoped3A : memref<!tpu.dma_semaphore, #tpu.memory_space<semaphore_mem>>) src(%arg6 : memref<128x16xf32, #tpu.memory_space<vmem>>) dst(%dma_wait3A_47 : memref<128x16xf32, #tpu.memory_space<vmem_shared>>)
      tpu.yield
    }) : () -> ()
    %mul3A_18 = arith.constant 640 : i32
    %mul3A_19 = arith.muli %arg1, %mul3A_18 : i32
    %add3A_20 = arith.constant 256 : i32
    %add3A_21 = arith.addi %mul3A_19, %add3A_20 : i32
    "tpu.region"() ({
      %run_scoped3A = tpu.sem_alloc : memref<!tpu.dma_semaphore, #tpu.memory_space<semaphore_mem>>
      %dma_start3A = arith.constant 0 : i32
      %dma_start3A_42 = tpu.memref_slice %arg7[%add3A_21, %dma_start3A] : memref<10240x16xf32, #tpu.memory_space<vmem_shared>> -> memref<128x16xf32, #tpu.memory_space<vmem_shared>>
      %dma_start3A_43 = arith.constant 0 : i32
      %dma_start3A_44 = tpu.memref_slice %arg7[%add3A_21, %dma_start3A_43] : memref<10240x16xf32, #tpu.memory_space<vmem_shared>> -> memref<128x16xf32, #tpu.memory_space<vmem_shared>>
      tpu.enqueue_dma source(%arg6 : memref<128x16xf32, #tpu.memory_space<vmem>>) target(%dma_start3A_44 : memref<128x16xf32, #tpu.memory_space<vmem_shared>>) target_semaphore(%run_scoped3A : memref<!tpu.dma_semaphore, #tpu.memory_space<semaphore_mem>>)
      %dma_wait3A = arith.constant 0 : i32
      %dma_wait3A_45 = tpu.memref_slice %arg7[%add3A_21, %dma_wait3A] : memref<10240x16xf32, #tpu.memory_space<vmem_shared>> -> memref<128x16xf32, #tpu.memory_space<vmem_shared>>
      %dma_wait3A_46 = arith.constant 0 : i32
      %dma_wait3A_47 = tpu.memref_slice %arg7[%add3A_21, %dma_wait3A_46] : memref<10240x16xf32, #tpu.memory_space<vmem_shared>> -> memref<128x16xf32, #tpu.memory_space<vmem_shared>>
      tpu.wait_dma2 semaphore(%run_scoped3A : memref<!tpu.dma_semaphore, #tpu.memory_space<semaphore_mem>>) src(%arg6 : memref<128x16xf32, #tpu.memory_space<vmem>>) dst(%dma_wait3A_47 : memref<128x16xf32, #tpu.memory_space<vmem_shared>>)
      tpu.yield
    }) : () -> ()
    %mul3A_22 = arith.constant 640 : i32
    %mul3A_23 = arith.muli %arg1, %mul3A_22 : i32
    %add3A_24 = arith.constant 384 : i32
    %add3A_25 = arith.addi %mul3A_23, %add3A_24 : i32
    "tpu.region"() ({
      %run_scoped3A = tpu.sem_alloc : memref<!tpu.dma_semaphore, #tpu.memory_space<semaphore_mem>>
      %dma_start3A = arith.constant 0 : i32
      %dma_start3A_42 = tpu.memref_slice %arg7[%add3A_25, %dma_start3A] : memref<10240x16xf32, #tpu.memory_space<vmem_shared>> -> memref<128x16xf32, #tpu.memory_space<vmem_shared>>
      %dma_start3A_43 = arith.constant 0 : i32
      %dma_start3A_44 = tpu.memref_slice %arg7[%add3A_25, %dma_start3A_43] : memref<10240x16xf32, #tpu.memory_space<vmem_shared>> -> memref<128x16xf32, #tpu.memory_space<vmem_shared>>
      tpu.enqueue_dma source(%arg6 : memref<128x16xf32, #tpu.memory_space<vmem>>) target(%dma_start3A_44 : memref<128x16xf32, #tpu.memory_space<vmem_shared>>) target_semaphore(%run_scoped3A : memref<!tpu.dma_semaphore, #tpu.memory_space<semaphore_mem>>)
      %dma_wait3A = arith.constant 0 : i32
      %dma_wait3A_45 = tpu.memref_slice %arg7[%add3A_25, %dma_wait3A] : memref<10240x16xf32, #tpu.memory_space<vmem_shared>> -> memref<128x16xf32, #tpu.memory_space<vmem_shared>>
      %dma_wait3A_46 = arith.constant 0 : i32
      %dma_wait3A_47 = tpu.memref_slice %arg7[%add3A_25, %dma_wait3A_46] : memref<10240x16xf32, #tpu.memory_space<vmem_shared>> -> memref<128x16xf32, #tpu.memory_space<vmem_shared>>
      tpu.wait_dma2 semaphore(%run_scoped3A : memref<!tpu.dma_semaphore, #tpu.memory_space<semaphore_mem>>) src(%arg6 : memref<128x16xf32, #tpu.memory_space<vmem>>) dst(%dma_wait3A_47 : memref<128x16xf32, #tpu.memory_space<vmem_shared>>)
      tpu.yield
    }) : () -> ()
    %mul3A_26 = arith.constant 640 : i32
    %mul3A_27 = arith.muli %arg1, %mul3A_26 : i32
    %add3A_28 = arith.constant 512 : i32
    %add3A_29 = arith.addi %mul3A_27, %add3A_28 : i32
    "tpu.region"() ({
      %run_scoped3A = tpu.sem_alloc : memref<!tpu.dma_semaphore, #tpu.memory_space<semaphore_mem>>
      %dma_start3A = arith.constant 0 : i32
      %dma_start3A_42 = tpu.memref_slice %arg7[%add3A_29, %dma_start3A] : memref<10240x16xf32, #tpu.memory_space<vmem_shared>> -> memref<128x16xf32, #tpu.memory_space<vmem_shared>>
      %dma_start3A_43 = arith.constant 0 : i32
      %dma_start3A_44 = tpu.memref_slice %arg7[%add3A_29, %dma_start3A_43] : memref<10240x16xf32, #tpu.memory_space<vmem_shared>> -> memref<128x16xf32, #tpu.memory_space<vmem_shared>>
      tpu.enqueue_dma source(%arg6 : memref<128x16xf32, #tpu.memory_space<vmem>>) target(%dma_start3A_44 : memref<128x16xf32, #tpu.memory_space<vmem_shared>>) target_semaphore(%run_scoped3A : memref<!tpu.dma_semaphore, #tpu.memory_space<semaphore_mem>>)
      %dma_wait3A = arith.constant 0 : i32
      %dma_wait3A_45 = tpu.memref_slice %arg7[%add3A_29, %dma_wait3A] : memref<10240x16xf32, #tpu.memory_space<vmem_shared>> -> memref<128x16xf32, #tpu.memory_space<vmem_shared>>
      %dma_wait3A_46 = arith.constant 0 : i32
      %dma_wait3A_47 = tpu.memref_slice %arg7[%add3A_29, %dma_wait3A_46] : memref<10240x16xf32, #tpu.memory_space<vmem_shared>> -> memref<128x16xf32, #tpu.memory_space<vmem_shared>>
      tpu.wait_dma2 semaphore(%run_scoped3A : memref<!tpu.dma_semaphore, #tpu.memory_space<semaphore_mem>>) src(%arg6 : memref<128x16xf32, #tpu.memory_space<vmem>>) dst(%dma_wait3A_47 : memref<128x16xf32, #tpu.memory_space<vmem_shared>>)
      tpu.yield
    }) : () -> ()
    %barrier3A = arith.constant 0 : index
    tpu.barrier barrier_id(%barrier3A)
    %scan3A_30 = arith.constant 0 : i32
    %scan3A_31 = arith.constant 0 : i32
    %scan3A_32 = arith.constant 79 : i32
    %scan3A_33 = arith.addi %scan3A_31, %scan3A_32 : i32
    %scan3A_34 = arith.constant 1 : i32
    %scan3A_35 = scf.for %scan3A_42 = %scan3A_31 to %scan3A_33 step %scan3A_34 iter_args(%scan3A_43 = %scan3A_30) -> (i32)  : i32 {
      "tpu.region"() ({
        %run_scoped3A = tpu.sem_alloc : memref<!tpu.dma_semaphore, #tpu.memory_space<semaphore_mem>>
        %dma_start3A = arith.constant 0 : i32
        %dma_start3A_45 = tpu.memref_slice %arg4[%scan3A_42, %dma_start3A] : memref<79x128xi32, #tpu.memory_space<vmem>> -> memref<1x128xi32, #tpu.memory_space<vmem>>
        %dma_start3A_46 = tpu.memref_squeeze %dma_start3A_45 : memref<1x128xi32, #tpu.memory_space<vmem>> -> memref<128xi32, #tpu.memory_space<vmem>>
        %dma_start3A_47 = arith.constant 0 : i32
        %dma_start3A_48 = arith.constant 0 : i32
        %dma_start3A_49 = tpu.memref_slice %arg7[%dma_start3A_47, %dma_start3A_48] : memref<10240x16xf32, #tpu.memory_space<vmem_shared>> -> memref<10240x16xf32, #tpu.memory_space<vmem_shared>>
        tpu.enqueue_indirect_dma source(%arg5 : memref<128x16xf32, #tpu.memory_space<vmem>>) target(%dma_start3A_49 : memref<10240x16xf32, #tpu.memory_space<vmem_shared>>) offsets(%dma_start3A_46 : memref<128xi32, #tpu.memory_space<vmem>>) semaphore(%run_scoped3A : memref<!tpu.dma_semaphore, #tpu.memory_space<semaphore_mem>>) {add = true}
        %dma_wait3A = arith.constant 0 : i32
        %dma_wait3A_50 = tpu.memref_slice %arg4[%scan3A_42, %dma_wait3A] : memref<79x128xi32, #tpu.memory_space<vmem>> -> memref<1x128xi32, #tpu.memory_space<vmem>>
        %dma_wait3A_51 = tpu.memref_squeeze %dma_wait3A_50 : memref<1x128xi32, #tpu.memory_space<vmem>> -> memref<128xi32, #tpu.memory_space<vmem>>
        %dma_wait3A_52 = arith.constant 0 : i32
        %dma_wait3A_53 = arith.constant 0 : i32
        %dma_wait3A_54 = tpu.memref_slice %arg7[%dma_wait3A_52, %dma_wait3A_53] : memref<10240x16xf32, #tpu.memory_space<vmem_shared>> -> memref<10240x16xf32, #tpu.memory_space<vmem_shared>>
        tpu.wait_indirect_dma semaphore(%run_scoped3A : memref<!tpu.dma_semaphore, #tpu.memory_space<semaphore_mem>>) src(%arg5 : memref<128x16xf32, #tpu.memory_space<vmem>>) dst(%dma_wait3A_54 : memref<10240x16xf32, #tpu.memory_space<vmem_shared>>)
        tpu.yield
      }) : () -> ()
      %scan3A_44 = arith.constant 0 : i32
      scf.yield %scan3A_44 : i32
    }
    %scan3A_36 = arith.constant 79 : i32
    %barrier3A_37 = arith.constant 0 : index
    tpu.barrier barrier_id(%barrier3A_37)
    %mul3A_38 = arith.constant 640 : i32
    %mul3A_39 = arith.muli %arg1, %mul3A_38 : i32
    %mul3A_40 = arith.constant 640 : i32
    %mul3A_41 = arith.muli %arg1, %mul3A_40 : i32
    "tpu.region"() ({
      %run_scoped3A = tpu.sem_alloc : memref<!tpu.dma_semaphore, #tpu.memory_space<semaphore_mem>>
      %dma_start3A = arith.constant 0 : i32
      %dma_start3A_42 = tpu.memref_slice %arg3[%arg0, %mul3A_41, %dma_start3A] : memref<2x10240x16xf32, #tpu.memory_space<hbm>> -> memref<1x640x16xf32, #tpu.memory_space<hbm>>
      %dma_start3A_43 = tpu.memref_squeeze %dma_start3A_42 : memref<1x640x16xf32, #tpu.memory_space<hbm>> -> memref<640x16xf32, #tpu.memory_space<hbm>>
      %dma_start3A_44 = arith.constant 0 : i32
      %dma_start3A_45 = tpu.memref_slice %arg7[%mul3A_39, %dma_start3A_44] : memref<10240x16xf32, #tpu.memory_space<vmem_shared>> -> memref<640x16xf32, #tpu.memory_space<vmem_shared>>
      tpu.enqueue_dma source(%dma_start3A_45 : memref<640x16xf32, #tpu.memory_space<vmem_shared>>) target(%dma_start3A_43 : memref<640x16xf32, #tpu.memory_space<hbm>>) target_semaphore(%run_scoped3A : memref<!tpu.dma_semaphore, #tpu.memory_space<semaphore_mem>>)
      %dma_wait3A = arith.constant 0 : i32
      %dma_wait3A_46 = tpu.memref_slice %arg3[%arg0, %mul3A_41, %dma_wait3A] : memref<2x10240x16xf32, #tpu.memory_space<hbm>> -> memref<1x640x16xf32, #tpu.memory_space<hbm>>
      %dma_wait3A_47 = tpu.memref_squeeze %dma_wait3A_46 : memref<1x640x16xf32, #tpu.memory_space<hbm>> -> memref<640x16xf32, #tpu.memory_space<hbm>>
      %dma_wait3A_48 = arith.constant 0 : i32
      %dma_wait3A_49 = tpu.memref_slice %arg7[%mul3A_39, %dma_wait3A_48] : memref<10240x16xf32, #tpu.memory_space<vmem_shared>> -> memref<640x16xf32, #tpu.memory_space<vmem_shared>>
      tpu.wait_dma2 semaphore(%run_scoped3A : memref<!tpu.dma_semaphore, #tpu.memory_space<semaphore_mem>>) src(%dma_wait3A_49 : memref<640x16xf32, #tpu.memory_space<vmem_shared>>) dst(%dma_wait3A_47 : memref<640x16xf32, #tpu.memory_space<hbm>>)
      tpu.yield
    }) : () -> ()
    return
  }
}

#map = affine_map<(d0, d1) -> (0, 0)>
#map1 = affine_map<(d0, d1) -> (0)>
#map2 = affine_map<(d0, d1) -> (0, 0, 0)>
module attributes {stable_mosaic.version = 14 : i64} {
  func.func @agg(%arg0: i32, %arg1: i32, %arg2: memref<10000x128xf32, #tpu.memory_space<hbm>>, %arg3: memref<323584xi32, #tpu.memory_space<hbm>>, %arg4: memref<323584xi32, #tpu.memory_space<hbm>>, %arg5: memref<2x10240x128xf32, #tpu.memory_space<hbm>>, %arg6: memref<13952xi32, #tpu.memory_space<vmem>>, %arg7: memref<128xi32, #tpu.memory_space<vmem>>, %arg8: memref<128xi32, #tpu.memory_space<vmem>>, %arg9: memref<128x128xf32, #tpu.memory_space<vmem>>, %arg10: memref<128x128xf32, #tpu.memory_space<vmem>>, %arg11: memref<!tpu.dma_semaphore, #tpu.memory_space<semaphore_mem>>, %arg12: memref<!tpu.dma_semaphore, #tpu.memory_space<semaphore_mem>>, %arg13: memref<10240x128xf32, #tpu.memory_space<vmem_shared>>) attributes {dimension_semantics = [#tpu.dimension_semantics<core_parallel>, #tpu.dimension_semantics<subcore_parallel>], iteration_bounds = array<i64: 2, 16>, scalar_prefetch = 0 : i64, scratch_operands = 8 : i64, tpu.core_type = #tpu.core_type<sc_vector_subcore>, window_params = [{transform_indices = #map}, {transform_indices = #map1}, {transform_indices = #map1}, {transform_indices = #map2}]} {
    %mul3A = arith.constant 16 : i32
    %mul3A_0 = arith.muli %arg0, %mul3A : i32
    %add3A = arith.addi %mul3A_0, %arg1 : i32
    %mul3A_1 = arith.constant 10112 : i32
    %mul3A_2 = arith.muli %add3A, %mul3A_1 : i32
    %broadcast_in_dim3A = arith.constant 0.000000e+00 : f32
    %broadcast_in_dim3A_3 = vector.broadcast %broadcast_in_dim3A : f32 to vector<16xf32>
    %scan3A = arith.constant 0 : i32
    %scan3A_4 = arith.constant 0 : i32
    %scan3A_5 = arith.constant 1024 : i32
    %scan3A_6 = arith.addi %scan3A_4, %scan3A_5 : i32
    %scan3A_7 = arith.constant 1 : i32
    %scan3A_8 = scf.for %scan3A_42 = %scan3A_4 to %scan3A_6 step %scan3A_7 iter_args(%scan3A_43 = %scan3A) -> (i32)  : i32 {
      %jit3A = arith.constant 8 : i32
      %div3A = arith.divsi %scan3A_42, %jit3A : i32
      %sign3A = arith.constant 0 : i32
      %sign3A_44 = arith.cmpi sgt, %scan3A_42, %sign3A : i32
      %sign3A_45 = arith.extui %sign3A_44 : i1 to i32
      %sign3A_46 = arith.constant 0 : i32
      %sign3A_47 = arith.cmpi slt, %scan3A_42, %sign3A_46 : i32
      %sign3A_48 = arith.extui %sign3A_47 : i1 to i32
      %sign3A_49 = arith.subi %sign3A_45, %sign3A_48 : i32
      %sign3A_50 = arith.constant 0 : i32
      %sign3A_51 = arith.cmpi sgt, %jit3A, %sign3A_50 : i32
      %sign3A_52 = arith.extui %sign3A_51 : i1 to i32
      %sign3A_53 = arith.constant 0 : i32
      %sign3A_54 = arith.cmpi slt, %jit3A, %sign3A_53 : i32
      %sign3A_55 = arith.extui %sign3A_54 : i1 to i32
      %sign3A_56 = arith.subi %sign3A_52, %sign3A_55 : i32
      %ne3A = arith.cmpi ne, %sign3A_49, %sign3A_56 : i32
      %rem3A = arith.remsi %scan3A_42, %jit3A : i32
      %ne3A_57 = arith.constant 0 : i32
      %ne3A_58 = arith.cmpi ne, %rem3A, %ne3A_57 : i32
      %and3A = arith.andi %ne3A, %ne3A_58 : i1
      %sub3A = arith.constant 1 : i32
      %sub3A_59 = arith.subi %div3A, %sub3A : i32
      %select_n3A = arith.select %and3A, %sub3A_59, %div3A : i32
      %jit3A_60 = arith.constant 8 : i32
      %eq3A_61 = arith.constant 0 : i32
      %eq3A_62 = arith.cmpi eq, %jit3A_60, %eq3A_61 : i32
      %jit3A_63 = arith.constant 1 : i32
      %select_n3A_64 = arith.select %eq3A_62, %jit3A_63, %jit3A_60 : i32
      %rem3A_65 = arith.remsi %scan3A_42, %select_n3A_64 : i32
      %ne3A_66 = arith.constant 0 : i32
      %ne3A_67 = arith.cmpi ne, %rem3A_65, %ne3A_66 : i32
      %lt3A = arith.constant 0 : i32
      %lt3A_68 = arith.cmpi slt, %rem3A_65, %lt3A : i32
      %lt3A_69 = arith.constant 0 : i32
      %lt3A_70 = arith.cmpi slt, %select_n3A_64, %lt3A_69 : i32
      %ne3A_71 = arith.xori %lt3A_68, %lt3A_70 : i1
      %and3A_72 = arith.andi %ne3A_71, %ne3A_67 : i1
      %add3A_73 = arith.addi %rem3A_65, %select_n3A_64 : i32
      %select_n3A_74 = arith.select %and3A_72, %add3A_73, %rem3A_65 : i32
      %mul3A_75 = arith.constant 16 : i32
      %mul3A_76 = arith.muli %select_n3A_74, %mul3A_75 : i32
      %swap3A = arith.index_cast %select_n3A : i32 to index
      %swap3A_77 = arith.index_cast %mul3A_76 : i32 to index
      %swap3A_78 = tpu.vector_load %arg9[%swap3A, %swap3A_77] {strides = array<i32>} : memref<128x128xf32, #tpu.memory_space<vmem>>, vector<1x16xf32>,
      %swap3A_79 = vector.shape_cast %swap3A_78 : vector<1x16xf32> to vector<16xf32>
      %swap3A_80 = vector.shape_cast %broadcast_in_dim3A_3 : vector<16xf32> to vector<1x16xf32>
      tpu.vector_store %arg9[%swap3A, %swap3A_77], %swap3A_80 {strides = array<i32>} : memref<128x128xf32, #tpu.memory_space<vmem>>, vector<1x16xf32>,
      %scan3A_81 = arith.constant 0 : i32
      scf.yield %scan3A_81 : i32
    }
    %scan3A_9 = arith.constant 1024 : i32
    %mul3A_10 = arith.constant 640 : i32
    %mul3A_11 = arith.muli %arg1, %mul3A_10 : i32
    %add3A_12 = arith.constant 0 : i32
    %add3A_13 = arith.addi %mul3A_11, %add3A_12 : i32
    "tpu.region"() ({
      %run_scoped3A = tpu.sem_alloc : memref<!tpu.dma_semaphore, #tpu.memory_space<semaphore_mem>>
      %dma_start3A = arith.constant 0 : i32
      %dma_start3A_42 = tpu.memref_slice %arg13[%add3A_13, %dma_start3A] : memref<10240x128xf32, #tpu.memory_space<vmem_shared>> -> memref<128x128xf32, #tpu.memory_space<vmem_shared>>
      %dma_start3A_43 = arith.constant 0 : i32
      %dma_start3A_44 = tpu.memref_slice %arg13[%add3A_13, %dma_start3A_43] : memref<10240x128xf32, #tpu.memory_space<vmem_shared>> -> memref<128x128xf32, #tpu.memory_space<vmem_shared>>
      tpu.enqueue_dma source(%arg9 : memref<128x128xf32, #tpu.memory_space<vmem>>) target(%dma_start3A_44 : memref<128x128xf32, #tpu.memory_space<vmem_shared>>) target_semaphore(%run_scoped3A : memref<!tpu.dma_semaphore, #tpu.memory_space<semaphore_mem>>)
      %dma_wait3A = arith.constant 0 : i32
      %dma_wait3A_45 = tpu.memref_slice %arg13[%add3A_13, %dma_wait3A] : memref<10240x128xf32, #tpu.memory_space<vmem_shared>> -> memref<128x128xf32, #tpu.memory_space<vmem_shared>>
      %dma_wait3A_46 = arith.constant 0 : i32
      %dma_wait3A_47 = tpu.memref_slice %arg13[%add3A_13, %dma_wait3A_46] : memref<10240x128xf32, #tpu.memory_space<vmem_shared>> -> memref<128x128xf32, #tpu.memory_space<vmem_shared>>
      tpu.wait_dma2 semaphore(%run_scoped3A : memref<!tpu.dma_semaphore, #tpu.memory_space<semaphore_mem>>) src(%arg9 : memref<128x128xf32, #tpu.memory_space<vmem>>) dst(%dma_wait3A_47 : memref<128x128xf32, #tpu.memory_space<vmem_shared>>)
      tpu.yield
    }) : () -> ()
    %mul3A_14 = arith.constant 640 : i32
    %mul3A_15 = arith.muli %arg1, %mul3A_14 : i32
    %add3A_16 = arith.constant 128 : i32
    %add3A_17 = arith.addi %mul3A_15, %add3A_16 : i32
    "tpu.region"() ({
      %run_scoped3A = tpu.sem_alloc : memref<!tpu.dma_semaphore, #tpu.memory_space<semaphore_mem>>
      %dma_start3A = arith.constant 0 : i32
      %dma_start3A_42 = tpu.memref_slice %arg13[%add3A_17, %dma_start3A] : memref<10240x128xf32, #tpu.memory_space<vmem_shared>> -> memref<128x128xf32, #tpu.memory_space<vmem_shared>>
      %dma_start3A_43 = arith.constant 0 : i32
      %dma_start3A_44 = tpu.memref_slice %arg13[%add3A_17, %dma_start3A_43] : memref<10240x128xf32, #tpu.memory_space<vmem_shared>> -> memref<128x128xf32, #tpu.memory_space<vmem_shared>>
      tpu.enqueue_dma source(%arg9 : memref<128x128xf32, #tpu.memory_space<vmem>>) target(%dma_start3A_44 : memref<128x128xf32, #tpu.memory_space<vmem_shared>>) target_semaphore(%run_scoped3A : memref<!tpu.dma_semaphore, #tpu.memory_space<semaphore_mem>>)
      %dma_wait3A = arith.constant 0 : i32
      %dma_wait3A_45 = tpu.memref_slice %arg13[%add3A_17, %dma_wait3A] : memref<10240x128xf32, #tpu.memory_space<vmem_shared>> -> memref<128x128xf32, #tpu.memory_space<vmem_shared>>
      %dma_wait3A_46 = arith.constant 0 : i32
      %dma_wait3A_47 = tpu.memref_slice %arg13[%add3A_17, %dma_wait3A_46] : memref<10240x128xf32, #tpu.memory_space<vmem_shared>> -> memref<128x128xf32, #tpu.memory_space<vmem_shared>>
      tpu.wait_dma2 semaphore(%run_scoped3A : memref<!tpu.dma_semaphore, #tpu.memory_space<semaphore_mem>>) src(%arg9 : memref<128x128xf32, #tpu.memory_space<vmem>>) dst(%dma_wait3A_47 : memref<128x128xf32, #tpu.memory_space<vmem_shared>>)
      tpu.yield
    }) : () -> ()
    %mul3A_18 = arith.constant 640 : i32
    %mul3A_19 = arith.muli %arg1, %mul3A_18 : i32
    %add3A_20 = arith.constant 256 : i32
    %add3A_21 = arith.addi %mul3A_19, %add3A_20 : i32
    "tpu.region"() ({
      %run_scoped3A = tpu.sem_alloc : memref<!tpu.dma_semaphore, #tpu.memory_space<semaphore_mem>>
      %dma_start3A = arith.constant 0 : i32
      %dma_start3A_42 = tpu.memref_slice %arg13[%add3A_21, %dma_start3A] : memref<10240x128xf32, #tpu.memory_space<vmem_shared>> -> memref<128x128xf32, #tpu.memory_space<vmem_shared>>
      %dma_start3A_43 = arith.constant 0 : i32
      %dma_start3A_44 = tpu.memref_slice %arg13[%add3A_21, %dma_start3A_43] : memref<10240x128xf32, #tpu.memory_space<vmem_shared>> -> memref<128x128xf32, #tpu.memory_space<vmem_shared>>
      tpu.enqueue_dma source(%arg9 : memref<128x128xf32, #tpu.memory_space<vmem>>) target(%dma_start3A_44 : memref<128x128xf32, #tpu.memory_space<vmem_shared>>) target_semaphore(%run_scoped3A : memref<!tpu.dma_semaphore, #tpu.memory_space<semaphore_mem>>)
      %dma_wait3A = arith.constant 0 : i32
      %dma_wait3A_45 = tpu.memref_slice %arg13[%add3A_21, %dma_wait3A] : memref<10240x128xf32, #tpu.memory_space<vmem_shared>> -> memref<128x128xf32, #tpu.memory_space<vmem_shared>>
      %dma_wait3A_46 = arith.constant 0 : i32
      %dma_wait3A_47 = tpu.memref_slice %arg13[%add3A_21, %dma_wait3A_46] : memref<10240x128xf32, #tpu.memory_space<vmem_shared>> -> memref<128x128xf32, #tpu.memory_space<vmem_shared>>
      tpu.wait_dma2 semaphore(%run_scoped3A : memref<!tpu.dma_semaphore, #tpu.memory_space<semaphore_mem>>) src(%arg9 : memref<128x128xf32, #tpu.memory_space<vmem>>) dst(%dma_wait3A_47 : memref<128x128xf32, #tpu.memory_space<vmem_shared>>)
      tpu.yield
    }) : () -> ()
    %mul3A_22 = arith.constant 640 : i32
    %mul3A_23 = arith.muli %arg1, %mul3A_22 : i32
    %add3A_24 = arith.constant 384 : i32
    %add3A_25 = arith.addi %mul3A_23, %add3A_24 : i32
    "tpu.region"() ({
      %run_scoped3A = tpu.sem_alloc : memref<!tpu.dma_semaphore, #tpu.memory_space<semaphore_mem>>
      %dma_start3A = arith.constant 0 : i32
      %dma_start3A_42 = tpu.memref_slice %arg13[%add3A_25, %dma_start3A] : memref<10240x128xf32, #tpu.memory_space<vmem_shared>> -> memref<128x128xf32, #tpu.memory_space<vmem_shared>>
      %dma_start3A_43 = arith.constant 0 : i32
      %dma_start3A_44 = tpu.memref_slice %arg13[%add3A_25, %dma_start3A_43] : memref<10240x128xf32, #tpu.memory_space<vmem_shared>> -> memref<128x128xf32, #tpu.memory_space<vmem_shared>>
      tpu.enqueue_dma source(%arg9 : memref<128x128xf32, #tpu.memory_space<vmem>>) target(%dma_start3A_44 : memref<128x128xf32, #tpu.memory_space<vmem_shared>>) target_semaphore(%run_scoped3A : memref<!tpu.dma_semaphore, #tpu.memory_space<semaphore_mem>>)
      %dma_wait3A = arith.constant 0 : i32
      %dma_wait3A_45 = tpu.memref_slice %arg13[%add3A_25, %dma_wait3A] : memref<10240x128xf32, #tpu.memory_space<vmem_shared>> -> memref<128x128xf32, #tpu.memory_space<vmem_shared>>
      %dma_wait3A_46 = arith.constant 0 : i32
      %dma_wait3A_47 = tpu.memref_slice %arg13[%add3A_25, %dma_wait3A_46] : memref<10240x128xf32, #tpu.memory_space<vmem_shared>> -> memref<128x128xf32, #tpu.memory_space<vmem_shared>>
      tpu.wait_dma2 semaphore(%run_scoped3A : memref<!tpu.dma_semaphore, #tpu.memory_space<semaphore_mem>>) src(%arg9 : memref<128x128xf32, #tpu.memory_space<vmem>>) dst(%dma_wait3A_47 : memref<128x128xf32, #tpu.memory_space<vmem_shared>>)
      tpu.yield
    }) : () -> ()
    %mul3A_26 = arith.constant 640 : i32
    %mul3A_27 = arith.muli %arg1, %mul3A_26 : i32
    %add3A_28 = arith.constant 512 : i32
    %add3A_29 = arith.addi %mul3A_27, %add3A_28 : i32
    "tpu.region"() ({
      %run_scoped3A = tpu.sem_alloc : memref<!tpu.dma_semaphore, #tpu.memory_space<semaphore_mem>>
      %dma_start3A = arith.constant 0 : i32
      %dma_start3A_42 = tpu.memref_slice %arg13[%add3A_29, %dma_start3A] : memref<10240x128xf32, #tpu.memory_space<vmem_shared>> -> memref<128x128xf32, #tpu.memory_space<vmem_shared>>
      %dma_start3A_43 = arith.constant 0 : i32
      %dma_start3A_44 = tpu.memref_slice %arg13[%add3A_29, %dma_start3A_43] : memref<10240x128xf32, #tpu.memory_space<vmem_shared>> -> memref<128x128xf32, #tpu.memory_space<vmem_shared>>
      tpu.enqueue_dma source(%arg9 : memref<128x128xf32, #tpu.memory_space<vmem>>) target(%dma_start3A_44 : memref<128x128xf32, #tpu.memory_space<vmem_shared>>) target_semaphore(%run_scoped3A : memref<!tpu.dma_semaphore, #tpu.memory_space<semaphore_mem>>)
      %dma_wait3A = arith.constant 0 : i32
      %dma_wait3A_45 = tpu.memref_slice %arg13[%add3A_29, %dma_wait3A] : memref<10240x128xf32, #tpu.memory_space<vmem_shared>> -> memref<128x128xf32, #tpu.memory_space<vmem_shared>>
      %dma_wait3A_46 = arith.constant 0 : i32
      %dma_wait3A_47 = tpu.memref_slice %arg13[%add3A_29, %dma_wait3A_46] : memref<10240x128xf32, #tpu.memory_space<vmem_shared>> -> memref<128x128xf32, #tpu.memory_space<vmem_shared>>
      tpu.wait_dma2 semaphore(%run_scoped3A : memref<!tpu.dma_semaphore, #tpu.memory_space<semaphore_mem>>) src(%arg9 : memref<128x128xf32, #tpu.memory_space<vmem>>) dst(%dma_wait3A_47 : memref<128x128xf32, #tpu.memory_space<vmem_shared>>)
      tpu.yield
    }) : () -> ()
    %barrier3A = arith.constant 0 : index
    tpu.barrier barrier_id(%barrier3A)
    %eq3A = arith.constant 0 : i32
    %eq3A_30 = arith.cmpi eq, %arg0, %eq3A : i32
    %convert_element_type3A = arith.extui %eq3A_30 : i1 to i32
    %cond3A = arith.constant 0 : i32
    %cond3A_31 = arith.cmpi ne, %convert_element_type3A, %cond3A : i32
    scf.if %cond3A_31 {
      %mul3A_42 = arith.constant 109 : i32
      %mul3A_43 = arith.muli %arg1, %mul3A_42 : i32
      %mul3A_44 = arith.constant 128 : i32
      %mul3A_45 = arith.muli %mul3A_43, %mul3A_44 : i32
      "tpu.region"() ({
        %run_scoped3A = tpu.sem_alloc : memref<!tpu.dma_semaphore, #tpu.memory_space<semaphore_mem>>
        %dma_start3A_92 = arith.constant 0 : i32
        %dma_start3A_93 = tpu.memref_slice %arg6[%dma_start3A_92] : memref<13952xi32, #tpu.memory_space<vmem>> -> memref<13952xi32, #tpu.memory_space<vmem>>
        %dma_start3A_94 = tpu.memref_slice %arg3[%mul3A_45] : memref<323584xi32, #tpu.memory_space<hbm>> -> memref<13952xi32, #tpu.memory_space<hbm>>
        %dma_start3A_95 = arith.constant 0 : i32
        %dma_start3A_96 = tpu.memref_slice %arg6[%dma_start3A_95] : memref<13952xi32, #tpu.memory_space<vmem>> -> memref<13952xi32, #tpu.memory_space<vmem>>
        %dma_start3A_97 = tpu.memref_slice %arg3[%mul3A_45] : memref<323584xi32, #tpu.memory_space<hbm>> -> memref<13952xi32, #tpu.memory_space<hbm>>
        tpu.enqueue_dma source(%dma_start3A_97 : memref<13952xi32, #tpu.memory_space<hbm>>) target(%dma_start3A_96 : memref<13952xi32, #tpu.memory_space<vmem>>) target_semaphore(%run_scoped3A : memref<!tpu.dma_semaphore, #tpu.memory_space<semaphore_mem>>)
        %dma_wait3A_98 = arith.constant 0 : i32
        %dma_wait3A_99 = tpu.memref_slice %arg6[%dma_wait3A_98] : memref<13952xi32, #tpu.memory_space<vmem>> -> memref<13952xi32, #tpu.memory_space<vmem>>
        %dma_wait3A_100 = tpu.memref_slice %arg3[%mul3A_45] : memref<323584xi32, #tpu.memory_space<hbm>> -> memref<13952xi32, #tpu.memory_space<hbm>>
        %dma_wait3A_101 = arith.constant 0 : i32
        %dma_wait3A_102 = tpu.memref_slice %arg6[%dma_wait3A_101] : memref<13952xi32, #tpu.memory_space<vmem>> -> memref<13952xi32, #tpu.memory_space<vmem>>
        %dma_wait3A_103 = tpu.memref_slice %arg3[%mul3A_45] : memref<323584xi32, #tpu.memory_space<hbm>> -> memref<13952xi32, #tpu.memory_space<hbm>>
        tpu.wait_dma2 semaphore(%run_scoped3A : memref<!tpu.dma_semaphore, #tpu.memory_space<semaphore_mem>>) src(%dma_wait3A_103 : memref<13952xi32, #tpu.memory_space<hbm>>) dst(%dma_wait3A_102 : memref<13952xi32, #tpu.memory_space<vmem>>)
        tpu.yield
      }) : () -> ()
      %dma_start3A = arith.constant 0 : i32
      %dma_start3A_46 = tpu.memref_slice %arg6[%dma_start3A] : memref<13952xi32, #tpu.memory_space<vmem>> -> memref<128xi32, #tpu.memory_space<vmem>>
      %dma_start3A_47 = arith.constant 0 : i32
      %dma_start3A_48 = arith.constant 0 : i32
      %dma_start3A_49 = tpu.memref_slice %arg2[%dma_start3A_47, %dma_start3A_48] : memref<10000x128xf32, #tpu.memory_space<hbm>> -> memref<10000x128xf32, #tpu.memory_space<hbm>>
      tpu.enqueue_indirect_dma source(%dma_start3A_49 : memref<10000x128xf32, #tpu.memory_space<hbm>>) target(%arg9 : memref<128x128xf32, #tpu.memory_space<vmem>>) offsets(%dma_start3A_46 : memref<128xi32, #tpu.memory_space<vmem>>) semaphore(%arg11 : memref<!tpu.dma_semaphore, #tpu.memory_space<semaphore_mem>>)
      %dma_start3A_50 = arith.constant 128 : i32
      %dma_start3A_51 = tpu.memref_slice %arg6[%dma_start3A_50] : memref<13952xi32, #tpu.memory_space<vmem>> -> memref<128xi32, #tpu.memory_space<vmem>>
      %dma_start3A_52 = arith.constant 0 : i32
      %dma_start3A_53 = arith.constant 0 : i32
      %dma_start3A_54 = tpu.memref_slice %arg2[%dma_start3A_52, %dma_start3A_53] : memref<10000x128xf32, #tpu.memory_space<hbm>> -> memref<10000x128xf32, #tpu.memory_space<hbm>>
      tpu.enqueue_indirect_dma source(%dma_start3A_54 : memref<10000x128xf32, #tpu.memory_space<hbm>>) target(%arg10 : memref<128x128xf32, #tpu.memory_space<vmem>>) offsets(%dma_start3A_51 : memref<128xi32, #tpu.memory_space<vmem>>) semaphore(%arg12 : memref<!tpu.dma_semaphore, #tpu.memory_space<semaphore_mem>>)
      %scan3A_55 = arith.constant 0 : i32
      %scan3A_56 = arith.constant 0 : i32
      %scan3A_57 = arith.constant 53 : i32
      %scan3A_58 = arith.addi %scan3A_56, %scan3A_57 : i32
      %scan3A_59 = arith.constant 1 : i32
      %scan3A_60 = scf.for %scan3A_92 = %scan3A_56 to %scan3A_58 step %scan3A_59 iter_args(%scan3A_93 = %scan3A_55) -> (i32)  : i32 {
        %mul3A_94 = arith.constant 2 : i32
        %mul3A_95 = arith.muli %mul3A_94, %scan3A_92 : i32
        %mul3A_96 = arith.constant 128 : i32
        %mul3A_97 = arith.muli %mul3A_95, %mul3A_96 : i32
        %add3A_98 = arith.addi %mul3A_45, %mul3A_97 : i32
        %mul3A_99 = arith.constant 2 : i32
        %mul3A_100 = arith.muli %mul3A_99, %scan3A_92 : i32
        %mul3A_101 = arith.constant 128 : i32
        %mul3A_102 = arith.muli %mul3A_100, %mul3A_101 : i32
        "tpu.region"() ({
          %run_scoped3A = tpu.sem_alloc : memref<!tpu.dma_semaphore, #tpu.memory_space<semaphore_mem>>
          %dma_start3A_128 = tpu.memref_slice %arg4[%add3A_98] : memref<323584xi32, #tpu.memory_space<hbm>> -> memref<128xi32, #tpu.memory_space<hbm>>
          %dma_start3A_129 = tpu.memref_slice %arg4[%add3A_98] : memref<323584xi32, #tpu.memory_space<hbm>> -> memref<128xi32, #tpu.memory_space<hbm>>
          tpu.enqueue_dma source(%dma_start3A_129 : memref<128xi32, #tpu.memory_space<hbm>>) target(%arg7 : memref<128xi32, #tpu.memory_space<vmem>>) target_semaphore(%run_scoped3A : memref<!tpu.dma_semaphore, #tpu.memory_space<semaphore_mem>>)
          %dma_wait3A_130 = tpu.memref_slice %arg4[%add3A_98] : memref<323584xi32, #tpu.memory_space<hbm>> -> memref<128xi32, #tpu.memory_space<hbm>>
          %dma_wait3A_131 = tpu.memref_slice %arg4[%add3A_98] : memref<323584xi32, #tpu.memory_space<hbm>> -> memref<128xi32, #tpu.memory_space<hbm>>
          tpu.wait_dma2 semaphore(%run_scoped3A : memref<!tpu.dma_semaphore, #tpu.memory_space<semaphore_mem>>) src(%dma_wait3A_131 : memref<128xi32, #tpu.memory_space<hbm>>) dst(%arg7 : memref<128xi32, #tpu.memory_space<vmem>>)
          tpu.yield
        }) : () -> ()
        %dma_wait3A_103 = tpu.memref_slice %arg6[%mul3A_102] : memref<13952xi32, #tpu.memory_space<vmem>> -> memref<128xi32, #tpu.memory_space<vmem>>
        %dma_wait3A_104 = arith.constant 0 : i32
        %dma_wait3A_105 = arith.constant 0 : i32
        %dma_wait3A_106 = tpu.memref_slice %arg2[%dma_wait3A_104, %dma_wait3A_105] : memref<10000x128xf32, #tpu.memory_space<hbm>> -> memref<10000x128xf32, #tpu.memory_space<hbm>>
        tpu.wait_indirect_dma semaphore(%arg11 : memref<!tpu.dma_semaphore, #tpu.memory_space<semaphore_mem>>) src(%dma_wait3A_106 : memref<10000x128xf32, #tpu.memory_space<hbm>>) dst(%arg9 : memref<128x128xf32, #tpu.memory_space<vmem>>)
        "tpu.region"() ({
          %run_scoped3A = tpu.sem_alloc : memref<!tpu.dma_semaphore, #tpu.memory_space<semaphore_mem>>
          %dma_start3A_128 = arith.constant 0 : i32
          %dma_start3A_129 = arith.constant 0 : i32
          %dma_start3A_130 = tpu.memref_slice %arg13[%dma_start3A_128, %dma_start3A_129] : memref<10240x128xf32, #tpu.memory_space<vmem_shared>> -> memref<10240x128xf32, #tpu.memory_space<vmem_shared>>
          tpu.enqueue_indirect_dma source(%arg9 : memref<128x128xf32, #tpu.memory_space<vmem>>) target(%dma_start3A_130 : memref<10240x128xf32, #tpu.memory_space<vmem_shared>>) offsets(%arg7 : memref<128xi32, #tpu.memory_space<vmem>>) semaphore(%run_scoped3A : memref<!tpu.dma_semaphore, #tpu.memory_space<semaphore_mem>>) {add = true}
          %dma_wait3A_131 = arith.constant 0 : i32
          %dma_wait3A_132 = arith.constant 0 : i32
          %dma_wait3A_133 = tpu.memref_slice %arg13[%dma_wait3A_131, %dma_wait3A_132] : memref<10240x128xf32, #tpu.memory_space<vmem_shared>> -> memref<10240x128xf32, #tpu.memory_space<vmem_shared>>
          tpu.wait_indirect_dma semaphore(%run_scoped3A : memref<!tpu.dma_semaphore, #tpu.memory_space<semaphore_mem>>) src(%arg9 : memref<128x128xf32, #tpu.memory_space<vmem>>) dst(%dma_wait3A_133 : memref<10240x128xf32, #tpu.memory_space<vmem_shared>>)
          tpu.yield
        }) : () -> ()
        %add3A_107 = arith.constant 256 : i32
        %add3A_108 = arith.addi %mul3A_102, %add3A_107 : i32
        %dma_start3A_109 = tpu.memref_slice %arg6[%add3A_108] : memref<13952xi32, #tpu.memory_space<vmem>> -> memref<128xi32, #tpu.memory_space<vmem>>
        %dma_start3A_110 = arith.constant 0 : i32
        %dma_start3A_111 = arith.constant 0 : i32
        %dma_start3A_112 = tpu.memref_slice %arg2[%dma_start3A_110, %dma_start3A_111] : memref<10000x128xf32, #tpu.memory_space<hbm>> -> memref<10000x128xf32, #tpu.memory_space<hbm>>
        tpu.enqueue_indirect_dma source(%dma_start3A_112 : memref<10000x128xf32, #tpu.memory_space<hbm>>) target(%arg9 : memref<128x128xf32, #tpu.memory_space<vmem>>) offsets(%dma_start3A_109 : memref<128xi32, #tpu.memory_space<vmem>>) semaphore(%arg11 : memref<!tpu.dma_semaphore, #tpu.memory_space<semaphore_mem>>)
        %add3A_113 = arith.constant 128 : i32
        %add3A_114 = arith.addi %add3A_98, %add3A_113 : i32
        "tpu.region"() ({
          %run_scoped3A = tpu.sem_alloc : memref<!tpu.dma_semaphore, #tpu.memory_space<semaphore_mem>>
          %dma_start3A_128 = tpu.memref_slice %arg4[%add3A_114] : memref<323584xi32, #tpu.memory_space<hbm>> -> memref<128xi32, #tpu.memory_space<hbm>>
          %dma_start3A_129 = tpu.memref_slice %arg4[%add3A_114] : memref<323584xi32, #tpu.memory_space<hbm>> -> memref<128xi32, #tpu.memory_space<hbm>>
          tpu.enqueue_dma source(%dma_start3A_129 : memref<128xi32, #tpu.memory_space<hbm>>) target(%arg8 : memref<128xi32, #tpu.memory_space<vmem>>) target_semaphore(%run_scoped3A : memref<!tpu.dma_semaphore, #tpu.memory_space<semaphore_mem>>)
          %dma_wait3A_130 = tpu.memref_slice %arg4[%add3A_114] : memref<323584xi32, #tpu.memory_space<hbm>> -> memref<128xi32, #tpu.memory_space<hbm>>
          %dma_wait3A_131 = tpu.memref_slice %arg4[%add3A_114] : memref<323584xi32, #tpu.memory_space<hbm>> -> memref<128xi32, #tpu.memory_space<hbm>>
          tpu.wait_dma2 semaphore(%run_scoped3A : memref<!tpu.dma_semaphore, #tpu.memory_space<semaphore_mem>>) src(%dma_wait3A_131 : memref<128xi32, #tpu.memory_space<hbm>>) dst(%arg8 : memref<128xi32, #tpu.memory_space<vmem>>)
          tpu.yield
        }) : () -> ()
        %add3A_115 = arith.constant 128 : i32
        %add3A_116 = arith.addi %mul3A_102, %add3A_115 : i32
        %dma_wait3A_117 = tpu.memref_slice %arg6[%add3A_116] : memref<13952xi32, #tpu.memory_space<vmem>> -> memref<128xi32, #tpu.memory_space<vmem>>
        %dma_wait3A_118 = arith.constant 0 : i32
        %dma_wait3A_119 = arith.constant 0 : i32
        %dma_wait3A_120 = tpu.memref_slice %arg2[%dma_wait3A_118, %dma_wait3A_119] : memref<10000x128xf32, #tpu.memory_space<hbm>> -> memref<10000x128xf32, #tpu.memory_space<hbm>>
        tpu.wait_indirect_dma semaphore(%arg12 : memref<!tpu.dma_semaphore, #tpu.memory_space<semaphore_mem>>) src(%dma_wait3A_120 : memref<10000x128xf32, #tpu.memory_space<hbm>>) dst(%arg10 : memref<128x128xf32, #tpu.memory_space<vmem>>)
        "tpu.region"() ({
          %run_scoped3A = tpu.sem_alloc : memref<!tpu.dma_semaphore, #tpu.memory_space<semaphore_mem>>
          %dma_start3A_128 = arith.constant 0 : i32
          %dma_start3A_129 = arith.constant 0 : i32
          %dma_start3A_130 = tpu.memref_slice %arg13[%dma_start3A_128, %dma_start3A_129] : memref<10240x128xf32, #tpu.memory_space<vmem_shared>> -> memref<10240x128xf32, #tpu.memory_space<vmem_shared>>
          tpu.enqueue_indirect_dma source(%arg10 : memref<128x128xf32, #tpu.memory_space<vmem>>) target(%dma_start3A_130 : memref<10240x128xf32, #tpu.memory_space<vmem_shared>>) offsets(%arg8 : memref<128xi32, #tpu.memory_space<vmem>>) semaphore(%run_scoped3A : memref<!tpu.dma_semaphore, #tpu.memory_space<semaphore_mem>>) {add = true}
          %dma_wait3A_131 = arith.constant 0 : i32
          %dma_wait3A_132 = arith.constant 0 : i32
          %dma_wait3A_133 = tpu.memref_slice %arg13[%dma_wait3A_131, %dma_wait3A_132] : memref<10240x128xf32, #tpu.memory_space<vmem_shared>> -> memref<10240x128xf32, #tpu.memory_space<vmem_shared>>
          tpu.wait_indirect_dma semaphore(%run_scoped3A : memref<!tpu.dma_semaphore, #tpu.memory_space<semaphore_mem>>) src(%arg10 : memref<128x128xf32, #tpu.memory_space<vmem>>) dst(%dma_wait3A_133 : memref<10240x128xf32, #tpu.memory_space<vmem_shared>>)
          tpu.yield
        }) : () -> ()
        %add3A_121 = arith.constant 384 : i32
        %add3A_122 = arith.addi %mul3A_102, %add3A_121 : i32
        %dma_start3A_123 = tpu.memref_slice %arg6[%add3A_122] : memref<13952xi32, #tpu.memory_space<vmem>> -> memref<128xi32, #tpu.memory_space<vmem>>
        %dma_start3A_124 = arith.constant 0 : i32
        %dma_start3A_125 = arith.constant 0 : i32
        %dma_start3A_126 = tpu.memref_slice %arg2[%dma_start3A_124, %dma_start3A_125] : memref<10000x128xf32, #tpu.memory_space<hbm>> -> memref<10000x128xf32, #tpu.memory_space<hbm>>
        tpu.enqueue_indirect_dma source(%dma_start3A_126 : memref<10000x128xf32, #tpu.memory_space<hbm>>) target(%arg10 : memref<128x128xf32, #tpu.memory_space<vmem>>) offsets(%dma_start3A_123 : memref<128xi32, #tpu.memory_space<vmem>>) semaphore(%arg12 : memref<!tpu.dma_semaphore, #tpu.memory_space<semaphore_mem>>)
        %scan3A_127 = arith.constant 0 : i32
        scf.yield %scan3A_127 : i32
      }
      %scan3A_61 = arith.constant 53 : i32
      %add3A_62 = arith.constant 13952 : i32
      %add3A_63 = arith.addi %mul3A_45, %add3A_62 : i32
      %sub3A = arith.constant 384 : i32
      %sub3A_64 = arith.subi %add3A_63, %sub3A : i32
      "tpu.region"() ({
        %run_scoped3A = tpu.sem_alloc : memref<!tpu.dma_semaphore, #tpu.memory_space<semaphore_mem>>
        %dma_start3A_92 = tpu.memref_slice %arg4[%sub3A_64] : memref<323584xi32, #tpu.memory_space<hbm>> -> memref<128xi32, #tpu.memory_space<hbm>>
        %dma_start3A_93 = tpu.memref_slice %arg4[%sub3A_64] : memref<323584xi32, #tpu.memory_space<hbm>> -> memref<128xi32, #tpu.memory_space<hbm>>
        tpu.enqueue_dma source(%dma_start3A_93 : memref<128xi32, #tpu.memory_space<hbm>>) target(%arg7 : memref<128xi32, #tpu.memory_space<vmem>>) target_semaphore(%run_scoped3A : memref<!tpu.dma_semaphore, #tpu.memory_space<semaphore_mem>>)
        %dma_wait3A_94 = tpu.memref_slice %arg4[%sub3A_64] : memref<323584xi32, #tpu.memory_space<hbm>> -> memref<128xi32, #tpu.memory_space<hbm>>
        %dma_wait3A_95 = tpu.memref_slice %arg4[%sub3A_64] : memref<323584xi32, #tpu.memory_space<hbm>> -> memref<128xi32, #tpu.memory_space<hbm>>
        tpu.wait_dma2 semaphore(%run_scoped3A : memref<!tpu.dma_semaphore, #tpu.memory_space<semaphore_mem>>) src(%dma_wait3A_95 : memref<128xi32, #tpu.memory_space<hbm>>) dst(%arg7 : memref<128xi32, #tpu.memory_space<vmem>>)
        tpu.yield
      }) : () -> ()
      %dma_wait3A = arith.constant 13568 : i32
      %dma_wait3A_65 = tpu.memref_slice %arg6[%dma_wait3A] : memref<13952xi32, #tpu.memory_space<vmem>> -> memref<128xi32, #tpu.memory_space<vmem>>
      %dma_wait3A_66 = arith.constant 0 : i32
      %dma_wait3A_67 = arith.constant 0 : i32
      %dma_wait3A_68 = tpu.memref_slice %arg2[%dma_wait3A_66, %dma_wait3A_67] : memref<10000x128xf32, #tpu.memory_space<hbm>> -> memref<10000x128xf32, #tpu.memory_space<hbm>>
      tpu.wait_indirect_dma semaphore(%arg11 : memref<!tpu.dma_semaphore, #tpu.memory_space<semaphore_mem>>) src(%dma_wait3A_68 : memref<10000x128xf32, #tpu.memory_space<hbm>>) dst(%arg9 : memref<128x128xf32, #tpu.memory_space<vmem>>)
      "tpu.region"() ({
        %run_scoped3A = tpu.sem_alloc : memref<!tpu.dma_semaphore, #tpu.memory_space<semaphore_mem>>
        %dma_start3A_92 = arith.constant 0 : i32
        %dma_start3A_93 = arith.constant 0 : i32
        %dma_start3A_94 = tpu.memref_slice %arg13[%dma_start3A_92, %dma_start3A_93] : memref<10240x128xf32, #tpu.memory_space<vmem_shared>> -> memref<10240x128xf32, #tpu.memory_space<vmem_shared>>
        tpu.enqueue_indirect_dma source(%arg9 : memref<128x128xf32, #tpu.memory_space<vmem>>) target(%dma_start3A_94 : memref<10240x128xf32, #tpu.memory_space<vmem_shared>>) offsets(%arg7 : memref<128xi32, #tpu.memory_space<vmem>>) semaphore(%run_scoped3A : memref<!tpu.dma_semaphore, #tpu.memory_space<semaphore_mem>>) {add = true}
        %dma_wait3A_95 = arith.constant 0 : i32
        %dma_wait3A_96 = arith.constant 0 : i32
        %dma_wait3A_97 = tpu.memref_slice %arg13[%dma_wait3A_95, %dma_wait3A_96] : memref<10240x128xf32, #tpu.memory_space<vmem_shared>> -> memref<10240x128xf32, #tpu.memory_space<vmem_shared>>
        tpu.wait_indirect_dma semaphore(%run_scoped3A : memref<!tpu.dma_semaphore, #tpu.memory_space<semaphore_mem>>) src(%arg9 : memref<128x128xf32, #tpu.memory_space<vmem>>) dst(%dma_wait3A_97 : memref<10240x128xf32, #tpu.memory_space<vmem_shared>>)
        tpu.yield
      }) : () -> ()
      %add3A_69 = arith.constant 13952 : i32
      %add3A_70 = arith.addi %mul3A_45, %add3A_69 : i32
      %sub3A_71 = arith.constant 256 : i32
      %sub3A_72 = arith.subi %add3A_70, %sub3A_71 : i32
      "tpu.region"() ({
        %run_scoped3A = tpu.sem_alloc : memref<!tpu.dma_semaphore, #tpu.memory_space<semaphore_mem>>
        %dma_start3A_92 = tpu.memref_slice %arg4[%sub3A_72] : memref<323584xi32, #tpu.memory_space<hbm>> -> memref<128xi32, #tpu.memory_space<hbm>>
        %dma_start3A_93 = tpu.memref_slice %arg4[%sub3A_72] : memref<323584xi32, #tpu.memory_space<hbm>> -> memref<128xi32, #tpu.memory_space<hbm>>
        tpu.enqueue_dma source(%dma_start3A_93 : memref<128xi32, #tpu.memory_space<hbm>>) target(%arg8 : memref<128xi32, #tpu.memory_space<vmem>>) target_semaphore(%run_scoped3A : memref<!tpu.dma_semaphore, #tpu.memory_space<semaphore_mem>>)
        %dma_wait3A_94 = tpu.memref_slice %arg4[%sub3A_72] : memref<323584xi32, #tpu.memory_space<hbm>> -> memref<128xi32, #tpu.memory_space<hbm>>
        %dma_wait3A_95 = tpu.memref_slice %arg4[%sub3A_72] : memref<323584xi32, #tpu.memory_space<hbm>> -> memref<128xi32, #tpu.memory_space<hbm>>
        tpu.wait_dma2 semaphore(%run_scoped3A : memref<!tpu.dma_semaphore, #tpu.memory_space<semaphore_mem>>) src(%dma_wait3A_95 : memref<128xi32, #tpu.memory_space<hbm>>) dst(%arg8 : memref<128xi32, #tpu.memory_space<vmem>>)
        tpu.yield
      }) : () -> ()
      %dma_wait3A_73 = arith.constant 13696 : i32
      %dma_wait3A_74 = tpu.memref_slice %arg6[%dma_wait3A_73] : memref<13952xi32, #tpu.memory_space<vmem>> -> memref<128xi32, #tpu.memory_space<vmem>>
      %dma_wait3A_75 = arith.constant 0 : i32
      %dma_wait3A_76 = arith.constant 0 : i32
      %dma_wait3A_77 = tpu.memref_slice %arg2[%dma_wait3A_75, %dma_wait3A_76] : memref<10000x128xf32, #tpu.memory_space<hbm>> -> memref<10000x128xf32, #tpu.memory_space<hbm>>
      tpu.wait_indirect_dma semaphore(%arg12 : memref<!tpu.dma_semaphore, #tpu.memory_space<semaphore_mem>>) src(%dma_wait3A_77 : memref<10000x128xf32, #tpu.memory_space<hbm>>) dst(%arg10 : memref<128x128xf32, #tpu.memory_space<vmem>>)
      "tpu.region"() ({
        %run_scoped3A = tpu.sem_alloc : memref<!tpu.dma_semaphore, #tpu.memory_space<semaphore_mem>>
        %dma_start3A_92 = arith.constant 0 : i32
        %dma_start3A_93 = arith.constant 0 : i32
        %dma_start3A_94 = tpu.memref_slice %arg13[%dma_start3A_92, %dma_start3A_93] : memref<10240x128xf32, #tpu.memory_space<vmem_shared>> -> memref<10240x128xf32, #tpu.memory_space<vmem_shared>>
        tpu.enqueue_indirect_dma source(%arg10 : memref<128x128xf32, #tpu.memory_space<vmem>>) target(%dma_start3A_94 : memref<10240x128xf32, #tpu.memory_space<vmem_shared>>) offsets(%arg8 : memref<128xi32, #tpu.memory_space<vmem>>) semaphore(%run_scoped3A : memref<!tpu.dma_semaphore, #tpu.memory_space<semaphore_mem>>) {add = true}
        %dma_wait3A_95 = arith.constant 0 : i32
        %dma_wait3A_96 = arith.constant 0 : i32
        %dma_wait3A_97 = tpu.memref_slice %arg13[%dma_wait3A_95, %dma_wait3A_96] : memref<10240x128xf32, #tpu.memory_space<vmem_shared>> -> memref<10240x128xf32, #tpu.memory_space<vmem_shared>>
        tpu.wait_indirect_dma semaphore(%run_scoped3A : memref<!tpu.dma_semaphore, #tpu.memory_space<semaphore_mem>>) src(%arg10 : memref<128x128xf32, #tpu.memory_space<vmem>>) dst(%dma_wait3A_97 : memref<10240x128xf32, #tpu.memory_space<vmem_shared>>)
        tpu.yield
      }) : () -> ()
      %dma_start3A_78 = arith.constant 13824 : i32
      %dma_start3A_79 = tpu.memref_slice %arg6[%dma_start3A_78] : memref<13952xi32, #tpu.memory_space<vmem>> -> memref<128xi32, #tpu.memory_space<vmem>>
      %dma_start3A_80 = arith.constant 0 : i32
      %dma_start3A_81 = arith.constant 0 : i32
      %dma_start3A_82 = tpu.memref_slice %arg2[%dma_start3A_80, %dma_start3A_81] : memref<10000x128xf32, #tpu.memory_space<hbm>> -> memref<10000x128xf32, #tpu.memory_space<hbm>>
      tpu.enqueue_indirect_dma source(%dma_start3A_82 : memref<10000x128xf32, #tpu.memory_space<hbm>>) target(%arg9 : memref<128x128xf32, #tpu.memory_space<vmem>>) offsets(%dma_start3A_79 : memref<128xi32, #tpu.memory_space<vmem>>) semaphore(%arg11 : memref<!tpu.dma_semaphore, #tpu.memory_space<semaphore_mem>>)
      %add3A_83 = arith.constant 13952 : i32
      %add3A_84 = arith.addi %mul3A_45, %add3A_83 : i32
      %sub3A_85 = arith.constant 128 : i32
      %sub3A_86 = arith.subi %add3A_84, %sub3A_85 : i32
      "tpu.region"() ({
        %run_scoped3A = tpu.sem_alloc : memref<!tpu.dma_semaphore, #tpu.memory_space<semaphore_mem>>
        %dma_start3A_92 = tpu.memref_slice %arg4[%sub3A_86] : memref<323584xi32, #tpu.memory_space<hbm>> -> memref<128xi32, #tpu.memory_space<hbm>>
        %dma_start3A_93 = tpu.memref_slice %arg4[%sub3A_86] : memref<323584xi32, #tpu.memory_space<hbm>> -> memref<128xi32, #tpu.memory_space<hbm>>
        tpu.enqueue_dma source(%dma_start3A_93 : memref<128xi32, #tpu.memory_space<hbm>>) target(%arg7 : memref<128xi32, #tpu.memory_space<vmem>>) target_semaphore(%run_scoped3A : memref<!tpu.dma_semaphore, #tpu.memory_space<semaphore_mem>>)
        %dma_wait3A_94 = tpu.memref_slice %arg4[%sub3A_86] : memref<323584xi32, #tpu.memory_space<hbm>> -> memref<128xi32, #tpu.memory_space<hbm>>
        %dma_wait3A_95 = tpu.memref_slice %arg4[%sub3A_86] : memref<323584xi32, #tpu.memory_space<hbm>> -> memref<128xi32, #tpu.memory_space<hbm>>
        tpu.wait_dma2 semaphore(%run_scoped3A : memref<!tpu.dma_semaphore, #tpu.memory_space<semaphore_mem>>) src(%dma_wait3A_95 : memref<128xi32, #tpu.memory_space<hbm>>) dst(%arg7 : memref<128xi32, #tpu.memory_space<vmem>>)
        tpu.yield
      }) : () -> ()
      %dma_wait3A_87 = arith.constant 13824 : i32
      %dma_wait3A_88 = tpu.memref_slice %arg6[%dma_wait3A_87] : memref<13952xi32, #tpu.memory_space<vmem>> -> memref<128xi32, #tpu.memory_space<vmem>>
      %dma_wait3A_89 = arith.constant 0 : i32
      %dma_wait3A_90 = arith.constant 0 : i32
      %dma_wait3A_91 = tpu.memref_slice %arg2[%dma_wait3A_89, %dma_wait3A_90] : memref<10000x128xf32, #tpu.memory_space<hbm>> -> memref<10000x128xf32, #tpu.memory_space<hbm>>
      tpu.wait_indirect_dma semaphore(%arg11 : memref<!tpu.dma_semaphore, #tpu.memory_space<semaphore_mem>>) src(%dma_wait3A_91 : memref<10000x128xf32, #tpu.memory_space<hbm>>) dst(%arg9 : memref<128x128xf32, #tpu.memory_space<vmem>>)
      "tpu.region"() ({
        %run_scoped3A = tpu.sem_alloc : memref<!tpu.dma_semaphore, #tpu.memory_space<semaphore_mem>>
        %dma_start3A_92 = arith.constant 0 : i32
        %dma_start3A_93 = arith.constant 0 : i32
        %dma_start3A_94 = tpu.memref_slice %arg13[%dma_start3A_92, %dma_start3A_93] : memref<10240x128xf32, #tpu.memory_space<vmem_shared>> -> memref<10240x128xf32, #tpu.memory_space<vmem_shared>>
        tpu.enqueue_indirect_dma source(%arg9 : memref<128x128xf32, #tpu.memory_space<vmem>>) target(%dma_start3A_94 : memref<10240x128xf32, #tpu.memory_space<vmem_shared>>) offsets(%arg7 : memref<128xi32, #tpu.memory_space<vmem>>) semaphore(%run_scoped3A : memref<!tpu.dma_semaphore, #tpu.memory_space<semaphore_mem>>) {add = true}
        %dma_wait3A_95 = arith.constant 0 : i32
        %dma_wait3A_96 = arith.constant 0 : i32
        %dma_wait3A_97 = tpu.memref_slice %arg13[%dma_wait3A_95, %dma_wait3A_96] : memref<10240x128xf32, #tpu.memory_space<vmem_shared>> -> memref<10240x128xf32, #tpu.memory_space<vmem_shared>>
        tpu.wait_indirect_dma semaphore(%run_scoped3A : memref<!tpu.dma_semaphore, #tpu.memory_space<semaphore_mem>>) src(%arg9 : memref<128x128xf32, #tpu.memory_space<vmem>>) dst(%dma_wait3A_97 : memref<10240x128xf32, #tpu.memory_space<vmem_shared>>)
        tpu.yield
      }) : () -> ()
    } else {
    }
    %eq3A_32 = arith.constant 1 : i32
    %eq3A_33 = arith.cmpi eq, %arg0, %eq3A_32 : i32
    %convert_element_type3A_34 = arith.extui %eq3A_33 : i1 to i32
    %cond3A_35 = arith.constant 0 : i32
    %cond3A_36 = arith.cmpi ne, %convert_element_type3A_34, %cond3A_35 : i32
    scf.if %cond3A_36 {
      %mul3A_42 = arith.constant 49 : i32
      %mul3A_43 = arith.muli %arg1, %mul3A_42 : i32
      %mul3A_44 = arith.constant 128 : i32
      %mul3A_45 = arith.muli %mul3A_43, %mul3A_44 : i32
      %add3A_46 = arith.constant 223232 : i32
      %add3A_47 = arith.addi %add3A_46, %mul3A_45 : i32
      "tpu.region"() ({
        %run_scoped3A = tpu.sem_alloc : memref<!tpu.dma_semaphore, #tpu.memory_space<semaphore_mem>>
        %dma_start3A_94 = arith.constant 0 : i32
        %dma_start3A_95 = tpu.memref_slice %arg6[%dma_start3A_94] : memref<13952xi32, #tpu.memory_space<vmem>> -> memref<6272xi32, #tpu.memory_space<vmem>>
        %dma_start3A_96 = tpu.memref_slice %arg3[%add3A_47] : memref<323584xi32, #tpu.memory_space<hbm>> -> memref<6272xi32, #tpu.memory_space<hbm>>
        %dma_start3A_97 = arith.constant 0 : i32
        %dma_start3A_98 = tpu.memref_slice %arg6[%dma_start3A_97] : memref<13952xi32, #tpu.memory_space<vmem>> -> memref<6272xi32, #tpu.memory_space<vmem>>
        %dma_start3A_99 = tpu.memref_slice %arg3[%add3A_47] : memref<323584xi32, #tpu.memory_space<hbm>> -> memref<6272xi32, #tpu.memory_space<hbm>>
        tpu.enqueue_dma source(%dma_start3A_99 : memref<6272xi32, #tpu.memory_space<hbm>>) target(%dma_start3A_98 : memref<6272xi32, #tpu.memory_space<vmem>>) target_semaphore(%run_scoped3A : memref<!tpu.dma_semaphore, #tpu.memory_space<semaphore_mem>>)
        %dma_wait3A_100 = arith.constant 0 : i32
        %dma_wait3A_101 = tpu.memref_slice %arg6[%dma_wait3A_100] : memref<13952xi32, #tpu.memory_space<vmem>> -> memref<6272xi32, #tpu.memory_space<vmem>>
        %dma_wait3A_102 = tpu.memref_slice %arg3[%add3A_47] : memref<323584xi32, #tpu.memory_space<hbm>> -> memref<6272xi32, #tpu.memory_space<hbm>>
        %dma_wait3A_103 = arith.constant 0 : i32
        %dma_wait3A_104 = tpu.memref_slice %arg6[%dma_wait3A_103] : memref<13952xi32, #tpu.memory_space<vmem>> -> memref<6272xi32, #tpu.memory_space<vmem>>
        %dma_wait3A_105 = tpu.memref_slice %arg3[%add3A_47] : memref<323584xi32, #tpu.memory_space<hbm>> -> memref<6272xi32, #tpu.memory_space<hbm>>
        tpu.wait_dma2 semaphore(%run_scoped3A : memref<!tpu.dma_semaphore, #tpu.memory_space<semaphore_mem>>) src(%dma_wait3A_105 : memref<6272xi32, #tpu.memory_space<hbm>>) dst(%dma_wait3A_104 : memref<6272xi32, #tpu.memory_space<vmem>>)
        tpu.yield
      }) : () -> ()
      %dma_start3A = arith.constant 0 : i32
      %dma_start3A_48 = tpu.memref_slice %arg6[%dma_start3A] : memref<13952xi32, #tpu.memory_space<vmem>> -> memref<128xi32, #tpu.memory_space<vmem>>
      %dma_start3A_49 = arith.constant 0 : i32
      %dma_start3A_50 = arith.constant 0 : i32
      %dma_start3A_51 = tpu.memref_slice %arg2[%dma_start3A_49, %dma_start3A_50] : memref<10000x128xf32, #tpu.memory_space<hbm>> -> memref<10000x128xf32, #tpu.memory_space<hbm>>
      tpu.enqueue_indirect_dma source(%dma_start3A_51 : memref<10000x128xf32, #tpu.memory_space<hbm>>) target(%arg9 : memref<128x128xf32, #tpu.memory_space<vmem>>) offsets(%dma_start3A_48 : memref<128xi32, #tpu.memory_space<vmem>>) semaphore(%arg11 : memref<!tpu.dma_semaphore, #tpu.memory_space<semaphore_mem>>)
      %dma_start3A_52 = arith.constant 128 : i32
      %dma_start3A_53 = tpu.memref_slice %arg6[%dma_start3A_52] : memref<13952xi32, #tpu.memory_space<vmem>> -> memref<128xi32, #tpu.memory_space<vmem>>
      %dma_start3A_54 = arith.constant 0 : i32
      %dma_start3A_55 = arith.constant 0 : i32
      %dma_start3A_56 = tpu.memref_slice %arg2[%dma_start3A_54, %dma_start3A_55] : memref<10000x128xf32, #tpu.memory_space<hbm>> -> memref<10000x128xf32, #tpu.memory_space<hbm>>
      tpu.enqueue_indirect_dma source(%dma_start3A_56 : memref<10000x128xf32, #tpu.memory_space<hbm>>) target(%arg10 : memref<128x128xf32, #tpu.memory_space<vmem>>) offsets(%dma_start3A_53 : memref<128xi32, #tpu.memory_space<vmem>>) semaphore(%arg12 : memref<!tpu.dma_semaphore, #tpu.memory_space<semaphore_mem>>)
      %scan3A_57 = arith.constant 0 : i32
      %scan3A_58 = arith.constant 0 : i32
      %scan3A_59 = arith.constant 23 : i32
      %scan3A_60 = arith.addi %scan3A_58, %scan3A_59 : i32
      %scan3A_61 = arith.constant 1 : i32
      %scan3A_62 = scf.for %scan3A_94 = %scan3A_58 to %scan3A_60 step %scan3A_61 iter_args(%scan3A_95 = %scan3A_57) -> (i32)  : i32 {
        %mul3A_96 = arith.constant 2 : i32
        %mul3A_97 = arith.muli %mul3A_96, %scan3A_94 : i32
        %mul3A_98 = arith.constant 128 : i32
        %mul3A_99 = arith.muli %mul3A_97, %mul3A_98 : i32
        %add3A_100 = arith.addi %add3A_47, %mul3A_99 : i32
        %mul3A_101 = arith.constant 2 : i32
        %mul3A_102 = arith.muli %mul3A_101, %scan3A_94 : i32
        %mul3A_103 = arith.constant 128 : i32
        %mul3A_104 = arith.muli %mul3A_102, %mul3A_103 : i32
        "tpu.region"() ({
          %run_scoped3A = tpu.sem_alloc : memref<!tpu.dma_semaphore, #tpu.memory_space<semaphore_mem>>
          %dma_start3A_130 = tpu.memref_slice %arg4[%add3A_100] : memref<323584xi32, #tpu.memory_space<hbm>> -> memref<128xi32, #tpu.memory_space<hbm>>
          %dma_start3A_131 = tpu.memref_slice %arg4[%add3A_100] : memref<323584xi32, #tpu.memory_space<hbm>> -> memref<128xi32, #tpu.memory_space<hbm>>
          tpu.enqueue_dma source(%dma_start3A_131 : memref<128xi32, #tpu.memory_space<hbm>>) target(%arg7 : memref<128xi32, #tpu.memory_space<vmem>>) target_semaphore(%run_scoped3A : memref<!tpu.dma_semaphore, #tpu.memory_space<semaphore_mem>>)
          %dma_wait3A_132 = tpu.memref_slice %arg4[%add3A_100] : memref<323584xi32, #tpu.memory_space<hbm>> -> memref<128xi32, #tpu.memory_space<hbm>>
          %dma_wait3A_133 = tpu.memref_slice %arg4[%add3A_100] : memref<323584xi32, #tpu.memory_space<hbm>> -> memref<128xi32, #tpu.memory_space<hbm>>
          tpu.wait_dma2 semaphore(%run_scoped3A : memref<!tpu.dma_semaphore, #tpu.memory_space<semaphore_mem>>) src(%dma_wait3A_133 : memref<128xi32, #tpu.memory_space<hbm>>) dst(%arg7 : memref<128xi32, #tpu.memory_space<vmem>>)
          tpu.yield
        }) : () -> ()
        %dma_wait3A_105 = tpu.memref_slice %arg6[%mul3A_104] : memref<13952xi32, #tpu.memory_space<vmem>> -> memref<128xi32, #tpu.memory_space<vmem>>
        %dma_wait3A_106 = arith.constant 0 : i32
        %dma_wait3A_107 = arith.constant 0 : i32
        %dma_wait3A_108 = tpu.memref_slice %arg2[%dma_wait3A_106, %dma_wait3A_107] : memref<10000x128xf32, #tpu.memory_space<hbm>> -> memref<10000x128xf32, #tpu.memory_space<hbm>>
        tpu.wait_indirect_dma semaphore(%arg11 : memref<!tpu.dma_semaphore, #tpu.memory_space<semaphore_mem>>) src(%dma_wait3A_108 : memref<10000x128xf32, #tpu.memory_space<hbm>>) dst(%arg9 : memref<128x128xf32, #tpu.memory_space<vmem>>)
        "tpu.region"() ({
          %run_scoped3A = tpu.sem_alloc : memref<!tpu.dma_semaphore, #tpu.memory_space<semaphore_mem>>
          %dma_start3A_130 = arith.constant 0 : i32
          %dma_start3A_131 = arith.constant 0 : i32
          %dma_start3A_132 = tpu.memref_slice %arg13[%dma_start3A_130, %dma_start3A_131] : memref<10240x128xf32, #tpu.memory_space<vmem_shared>> -> memref<10240x128xf32, #tpu.memory_space<vmem_shared>>
          tpu.enqueue_indirect_dma source(%arg9 : memref<128x128xf32, #tpu.memory_space<vmem>>) target(%dma_start3A_132 : memref<10240x128xf32, #tpu.memory_space<vmem_shared>>) offsets(%arg7 : memref<128xi32, #tpu.memory_space<vmem>>) semaphore(%run_scoped3A : memref<!tpu.dma_semaphore, #tpu.memory_space<semaphore_mem>>) {add = true}
          %dma_wait3A_133 = arith.constant 0 : i32
          %dma_wait3A_134 = arith.constant 0 : i32
          %dma_wait3A_135 = tpu.memref_slice %arg13[%dma_wait3A_133, %dma_wait3A_134] : memref<10240x128xf32, #tpu.memory_space<vmem_shared>> -> memref<10240x128xf32, #tpu.memory_space<vmem_shared>>
          tpu.wait_indirect_dma semaphore(%run_scoped3A : memref<!tpu.dma_semaphore, #tpu.memory_space<semaphore_mem>>) src(%arg9 : memref<128x128xf32, #tpu.memory_space<vmem>>) dst(%dma_wait3A_135 : memref<10240x128xf32, #tpu.memory_space<vmem_shared>>)
          tpu.yield
        }) : () -> ()
        %add3A_109 = arith.constant 256 : i32
        %add3A_110 = arith.addi %mul3A_104, %add3A_109 : i32
        %dma_start3A_111 = tpu.memref_slice %arg6[%add3A_110] : memref<13952xi32, #tpu.memory_space<vmem>> -> memref<128xi32, #tpu.memory_space<vmem>>
        %dma_start3A_112 = arith.constant 0 : i32
        %dma_start3A_113 = arith.constant 0 : i32
        %dma_start3A_114 = tpu.memref_slice %arg2[%dma_start3A_112, %dma_start3A_113] : memref<10000x128xf32, #tpu.memory_space<hbm>> -> memref<10000x128xf32, #tpu.memory_space<hbm>>
        tpu.enqueue_indirect_dma source(%dma_start3A_114 : memref<10000x128xf32, #tpu.memory_space<hbm>>) target(%arg9 : memref<128x128xf32, #tpu.memory_space<vmem>>) offsets(%dma_start3A_111 : memref<128xi32, #tpu.memory_space<vmem>>) semaphore(%arg11 : memref<!tpu.dma_semaphore, #tpu.memory_space<semaphore_mem>>)
        %add3A_115 = arith.constant 128 : i32
        %add3A_116 = arith.addi %add3A_100, %add3A_115 : i32
        "tpu.region"() ({
          %run_scoped3A = tpu.sem_alloc : memref<!tpu.dma_semaphore, #tpu.memory_space<semaphore_mem>>
          %dma_start3A_130 = tpu.memref_slice %arg4[%add3A_116] : memref<323584xi32, #tpu.memory_space<hbm>> -> memref<128xi32, #tpu.memory_space<hbm>>
          %dma_start3A_131 = tpu.memref_slice %arg4[%add3A_116] : memref<323584xi32, #tpu.memory_space<hbm>> -> memref<128xi32, #tpu.memory_space<hbm>>
          tpu.enqueue_dma source(%dma_start3A_131 : memref<128xi32, #tpu.memory_space<hbm>>) target(%arg8 : memref<128xi32, #tpu.memory_space<vmem>>) target_semaphore(%run_scoped3A : memref<!tpu.dma_semaphore, #tpu.memory_space<semaphore_mem>>)
          %dma_wait3A_132 = tpu.memref_slice %arg4[%add3A_116] : memref<323584xi32, #tpu.memory_space<hbm>> -> memref<128xi32, #tpu.memory_space<hbm>>
          %dma_wait3A_133 = tpu.memref_slice %arg4[%add3A_116] : memref<323584xi32, #tpu.memory_space<hbm>> -> memref<128xi32, #tpu.memory_space<hbm>>
          tpu.wait_dma2 semaphore(%run_scoped3A : memref<!tpu.dma_semaphore, #tpu.memory_space<semaphore_mem>>) src(%dma_wait3A_133 : memref<128xi32, #tpu.memory_space<hbm>>) dst(%arg8 : memref<128xi32, #tpu.memory_space<vmem>>)
          tpu.yield
        }) : () -> ()
        %add3A_117 = arith.constant 128 : i32
        %add3A_118 = arith.addi %mul3A_104, %add3A_117 : i32
        %dma_wait3A_119 = tpu.memref_slice %arg6[%add3A_118] : memref<13952xi32, #tpu.memory_space<vmem>> -> memref<128xi32, #tpu.memory_space<vmem>>
        %dma_wait3A_120 = arith.constant 0 : i32
        %dma_wait3A_121 = arith.constant 0 : i32
        %dma_wait3A_122 = tpu.memref_slice %arg2[%dma_wait3A_120, %dma_wait3A_121] : memref<10000x128xf32, #tpu.memory_space<hbm>> -> memref<10000x128xf32, #tpu.memory_space<hbm>>
        tpu.wait_indirect_dma semaphore(%arg12 : memref<!tpu.dma_semaphore, #tpu.memory_space<semaphore_mem>>) src(%dma_wait3A_122 : memref<10000x128xf32, #tpu.memory_space<hbm>>) dst(%arg10 : memref<128x128xf32, #tpu.memory_space<vmem>>)
        "tpu.region"() ({
          %run_scoped3A = tpu.sem_alloc : memref<!tpu.dma_semaphore, #tpu.memory_space<semaphore_mem>>
          %dma_start3A_130 = arith.constant 0 : i32
          %dma_start3A_131 = arith.constant 0 : i32
          %dma_start3A_132 = tpu.memref_slice %arg13[%dma_start3A_130, %dma_start3A_131] : memref<10240x128xf32, #tpu.memory_space<vmem_shared>> -> memref<10240x128xf32, #tpu.memory_space<vmem_shared>>
          tpu.enqueue_indirect_dma source(%arg10 : memref<128x128xf32, #tpu.memory_space<vmem>>) target(%dma_start3A_132 : memref<10240x128xf32, #tpu.memory_space<vmem_shared>>) offsets(%arg8 : memref<128xi32, #tpu.memory_space<vmem>>) semaphore(%run_scoped3A : memref<!tpu.dma_semaphore, #tpu.memory_space<semaphore_mem>>) {add = true}
          %dma_wait3A_133 = arith.constant 0 : i32
          %dma_wait3A_134 = arith.constant 0 : i32
          %dma_wait3A_135 = tpu.memref_slice %arg13[%dma_wait3A_133, %dma_wait3A_134] : memref<10240x128xf32, #tpu.memory_space<vmem_shared>> -> memref<10240x128xf32, #tpu.memory_space<vmem_shared>>
          tpu.wait_indirect_dma semaphore(%run_scoped3A : memref<!tpu.dma_semaphore, #tpu.memory_space<semaphore_mem>>) src(%arg10 : memref<128x128xf32, #tpu.memory_space<vmem>>) dst(%dma_wait3A_135 : memref<10240x128xf32, #tpu.memory_space<vmem_shared>>)
          tpu.yield
        }) : () -> ()
        %add3A_123 = arith.constant 384 : i32
        %add3A_124 = arith.addi %mul3A_104, %add3A_123 : i32
        %dma_start3A_125 = tpu.memref_slice %arg6[%add3A_124] : memref<13952xi32, #tpu.memory_space<vmem>> -> memref<128xi32, #tpu.memory_space<vmem>>
        %dma_start3A_126 = arith.constant 0 : i32
        %dma_start3A_127 = arith.constant 0 : i32
        %dma_start3A_128 = tpu.memref_slice %arg2[%dma_start3A_126, %dma_start3A_127] : memref<10000x128xf32, #tpu.memory_space<hbm>> -> memref<10000x128xf32, #tpu.memory_space<hbm>>
        tpu.enqueue_indirect_dma source(%dma_start3A_128 : memref<10000x128xf32, #tpu.memory_space<hbm>>) target(%arg10 : memref<128x128xf32, #tpu.memory_space<vmem>>) offsets(%dma_start3A_125 : memref<128xi32, #tpu.memory_space<vmem>>) semaphore(%arg12 : memref<!tpu.dma_semaphore, #tpu.memory_space<semaphore_mem>>)
        %scan3A_129 = arith.constant 0 : i32
        scf.yield %scan3A_129 : i32
      }
      %scan3A_63 = arith.constant 23 : i32
      %add3A_64 = arith.constant 6272 : i32
      %add3A_65 = arith.addi %add3A_47, %add3A_64 : i32
      %sub3A = arith.constant 384 : i32
      %sub3A_66 = arith.subi %add3A_65, %sub3A : i32
      "tpu.region"() ({
        %run_scoped3A = tpu.sem_alloc : memref<!tpu.dma_semaphore, #tpu.memory_space<semaphore_mem>>
        %dma_start3A_94 = tpu.memref_slice %arg4[%sub3A_66] : memref<323584xi32, #tpu.memory_space<hbm>> -> memref<128xi32, #tpu.memory_space<hbm>>
        %dma_start3A_95 = tpu.memref_slice %arg4[%sub3A_66] : memref<323584xi32, #tpu.memory_space<hbm>> -> memref<128xi32, #tpu.memory_space<hbm>>
        tpu.enqueue_dma source(%dma_start3A_95 : memref<128xi32, #tpu.memory_space<hbm>>) target(%arg7 : memref<128xi32, #tpu.memory_space<vmem>>) target_semaphore(%run_scoped3A : memref<!tpu.dma_semaphore, #tpu.memory_space<semaphore_mem>>)
        %dma_wait3A_96 = tpu.memref_slice %arg4[%sub3A_66] : memref<323584xi32, #tpu.memory_space<hbm>> -> memref<128xi32, #tpu.memory_space<hbm>>
        %dma_wait3A_97 = tpu.memref_slice %arg4[%sub3A_66] : memref<323584xi32, #tpu.memory_space<hbm>> -> memref<128xi32, #tpu.memory_space<hbm>>
        tpu.wait_dma2 semaphore(%run_scoped3A : memref<!tpu.dma_semaphore, #tpu.memory_space<semaphore_mem>>) src(%dma_wait3A_97 : memref<128xi32, #tpu.memory_space<hbm>>) dst(%arg7 : memref<128xi32, #tpu.memory_space<vmem>>)
        tpu.yield
      }) : () -> ()
      %dma_wait3A = arith.constant 5888 : i32
      %dma_wait3A_67 = tpu.memref_slice %arg6[%dma_wait3A] : memref<13952xi32, #tpu.memory_space<vmem>> -> memref<128xi32, #tpu.memory_space<vmem>>
      %dma_wait3A_68 = arith.constant 0 : i32
      %dma_wait3A_69 = arith.constant 0 : i32
      %dma_wait3A_70 = tpu.memref_slice %arg2[%dma_wait3A_68, %dma_wait3A_69] : memref<10000x128xf32, #tpu.memory_space<hbm>> -> memref<10000x128xf32, #tpu.memory_space<hbm>>
      tpu.wait_indirect_dma semaphore(%arg11 : memref<!tpu.dma_semaphore, #tpu.memory_space<semaphore_mem>>) src(%dma_wait3A_70 : memref<10000x128xf32, #tpu.memory_space<hbm>>) dst(%arg9 : memref<128x128xf32, #tpu.memory_space<vmem>>)
      "tpu.region"() ({
        %run_scoped3A = tpu.sem_alloc : memref<!tpu.dma_semaphore, #tpu.memory_space<semaphore_mem>>
        %dma_start3A_94 = arith.constant 0 : i32
        %dma_start3A_95 = arith.constant 0 : i32
        %dma_start3A_96 = tpu.memref_slice %arg13[%dma_start3A_94, %dma_start3A_95] : memref<10240x128xf32, #tpu.memory_space<vmem_shared>> -> memref<10240x128xf32, #tpu.memory_space<vmem_shared>>
        tpu.enqueue_indirect_dma source(%arg9 : memref<128x128xf32, #tpu.memory_space<vmem>>) target(%dma_start3A_96 : memref<10240x128xf32, #tpu.memory_space<vmem_shared>>) offsets(%arg7 : memref<128xi32, #tpu.memory_space<vmem>>) semaphore(%run_scoped3A : memref<!tpu.dma_semaphore, #tpu.memory_space<semaphore_mem>>) {add = true}
        %dma_wait3A_97 = arith.constant 0 : i32
        %dma_wait3A_98 = arith.constant 0 : i32
        %dma_wait3A_99 = tpu.memref_slice %arg13[%dma_wait3A_97, %dma_wait3A_98] : memref<10240x128xf32, #tpu.memory_space<vmem_shared>> -> memref<10240x128xf32, #tpu.memory_space<vmem_shared>>
        tpu.wait_indirect_dma semaphore(%run_scoped3A : memref<!tpu.dma_semaphore, #tpu.memory_space<semaphore_mem>>) src(%arg9 : memref<128x128xf32, #tpu.memory_space<vmem>>) dst(%dma_wait3A_99 : memref<10240x128xf32, #tpu.memory_space<vmem_shared>>)
        tpu.yield
      }) : () -> ()
      %add3A_71 = arith.constant 6272 : i32
      %add3A_72 = arith.addi %add3A_47, %add3A_71 : i32
      %sub3A_73 = arith.constant 256 : i32
      %sub3A_74 = arith.subi %add3A_72, %sub3A_73 : i32
      "tpu.region"() ({
        %run_scoped3A = tpu.sem_alloc : memref<!tpu.dma_semaphore, #tpu.memory_space<semaphore_mem>>
        %dma_start3A_94 = tpu.memref_slice %arg4[%sub3A_74] : memref<323584xi32, #tpu.memory_space<hbm>> -> memref<128xi32, #tpu.memory_space<hbm>>
        %dma_start3A_95 = tpu.memref_slice %arg4[%sub3A_74] : memref<323584xi32, #tpu.memory_space<hbm>> -> memref<128xi32, #tpu.memory_space<hbm>>
        tpu.enqueue_dma source(%dma_start3A_95 : memref<128xi32, #tpu.memory_space<hbm>>) target(%arg8 : memref<128xi32, #tpu.memory_space<vmem>>) target_semaphore(%run_scoped3A : memref<!tpu.dma_semaphore, #tpu.memory_space<semaphore_mem>>)
        %dma_wait3A_96 = tpu.memref_slice %arg4[%sub3A_74] : memref<323584xi32, #tpu.memory_space<hbm>> -> memref<128xi32, #tpu.memory_space<hbm>>
        %dma_wait3A_97 = tpu.memref_slice %arg4[%sub3A_74] : memref<323584xi32, #tpu.memory_space<hbm>> -> memref<128xi32, #tpu.memory_space<hbm>>
        tpu.wait_dma2 semaphore(%run_scoped3A : memref<!tpu.dma_semaphore, #tpu.memory_space<semaphore_mem>>) src(%dma_wait3A_97 : memref<128xi32, #tpu.memory_space<hbm>>) dst(%arg8 : memref<128xi32, #tpu.memory_space<vmem>>)
        tpu.yield
      }) : () -> ()
      %dma_wait3A_75 = arith.constant 6016 : i32
      %dma_wait3A_76 = tpu.memref_slice %arg6[%dma_wait3A_75] : memref<13952xi32, #tpu.memory_space<vmem>> -> memref<128xi32, #tpu.memory_space<vmem>>
      %dma_wait3A_77 = arith.constant 0 : i32
      %dma_wait3A_78 = arith.constant 0 : i32
      %dma_wait3A_79 = tpu.memref_slice %arg2[%dma_wait3A_77, %dma_wait3A_78] : memref<10000x128xf32, #tpu.memory_space<hbm>> -> memref<10000x128xf32, #tpu.memory_space<hbm>>
      tpu.wait_indirect_dma semaphore(%arg12 : memref<!tpu.dma_semaphore, #tpu.memory_space<semaphore_mem>>) src(%dma_wait3A_79 : memref<10000x128xf32, #tpu.memory_space<hbm>>) dst(%arg10 : memref<128x128xf32, #tpu.memory_space<vmem>>)
      "tpu.region"() ({
        %run_scoped3A = tpu.sem_alloc : memref<!tpu.dma_semaphore, #tpu.memory_space<semaphore_mem>>
        %dma_start3A_94 = arith.constant 0 : i32
        %dma_start3A_95 = arith.constant 0 : i32
        %dma_start3A_96 = tpu.memref_slice %arg13[%dma_start3A_94, %dma_start3A_95] : memref<10240x128xf32, #tpu.memory_space<vmem_shared>> -> memref<10240x128xf32, #tpu.memory_space<vmem_shared>>
        tpu.enqueue_indirect_dma source(%arg10 : memref<128x128xf32, #tpu.memory_space<vmem>>) target(%dma_start3A_96 : memref<10240x128xf32, #tpu.memory_space<vmem_shared>>) offsets(%arg8 : memref<128xi32, #tpu.memory_space<vmem>>) semaphore(%run_scoped3A : memref<!tpu.dma_semaphore, #tpu.memory_space<semaphore_mem>>) {add = true}
        %dma_wait3A_97 = arith.constant 0 : i32
        %dma_wait3A_98 = arith.constant 0 : i32
        %dma_wait3A_99 = tpu.memref_slice %arg13[%dma_wait3A_97, %dma_wait3A_98] : memref<10240x128xf32, #tpu.memory_space<vmem_shared>> -> memref<10240x128xf32, #tpu.memory_space<vmem_shared>>
        tpu.wait_indirect_dma semaphore(%run_scoped3A : memref<!tpu.dma_semaphore, #tpu.memory_space<semaphore_mem>>) src(%arg10 : memref<128x128xf32, #tpu.memory_space<vmem>>) dst(%dma_wait3A_99 : memref<10240x128xf32, #tpu.memory_space<vmem_shared>>)
        tpu.yield
      }) : () -> ()
      %dma_start3A_80 = arith.constant 6144 : i32
      %dma_start3A_81 = tpu.memref_slice %arg6[%dma_start3A_80] : memref<13952xi32, #tpu.memory_space<vmem>> -> memref<128xi32, #tpu.memory_space<vmem>>
      %dma_start3A_82 = arith.constant 0 : i32
      %dma_start3A_83 = arith.constant 0 : i32
      %dma_start3A_84 = tpu.memref_slice %arg2[%dma_start3A_82, %dma_start3A_83] : memref<10000x128xf32, #tpu.memory_space<hbm>> -> memref<10000x128xf32, #tpu.memory_space<hbm>>
      tpu.enqueue_indirect_dma source(%dma_start3A_84 : memref<10000x128xf32, #tpu.memory_space<hbm>>) target(%arg9 : memref<128x128xf32, #tpu.memory_space<vmem>>) offsets(%dma_start3A_81 : memref<128xi32, #tpu.memory_space<vmem>>) semaphore(%arg11 : memref<!tpu.dma_semaphore, #tpu.memory_space<semaphore_mem>>)
      %add3A_85 = arith.constant 6272 : i32
      %add3A_86 = arith.addi %add3A_47, %add3A_85 : i32
      %sub3A_87 = arith.constant 128 : i32
      %sub3A_88 = arith.subi %add3A_86, %sub3A_87 : i32
      "tpu.region"() ({
        %run_scoped3A = tpu.sem_alloc : memref<!tpu.dma_semaphore, #tpu.memory_space<semaphore_mem>>
        %dma_start3A_94 = tpu.memref_slice %arg4[%sub3A_88] : memref<323584xi32, #tpu.memory_space<hbm>> -> memref<128xi32, #tpu.memory_space<hbm>>
        %dma_start3A_95 = tpu.memref_slice %arg4[%sub3A_88] : memref<323584xi32, #tpu.memory_space<hbm>> -> memref<128xi32, #tpu.memory_space<hbm>>
        tpu.enqueue_dma source(%dma_start3A_95 : memref<128xi32, #tpu.memory_space<hbm>>) target(%arg7 : memref<128xi32, #tpu.memory_space<vmem>>) target_semaphore(%run_scoped3A : memref<!tpu.dma_semaphore, #tpu.memory_space<semaphore_mem>>)
        %dma_wait3A_96 = tpu.memref_slice %arg4[%sub3A_88] : memref<323584xi32, #tpu.memory_space<hbm>> -> memref<128xi32, #tpu.memory_space<hbm>>
        %dma_wait3A_97 = tpu.memref_slice %arg4[%sub3A_88] : memref<323584xi32, #tpu.memory_space<hbm>> -> memref<128xi32, #tpu.memory_space<hbm>>
        tpu.wait_dma2 semaphore(%run_scoped3A : memref<!tpu.dma_semaphore, #tpu.memory_space<semaphore_mem>>) src(%dma_wait3A_97 : memref<128xi32, #tpu.memory_space<hbm>>) dst(%arg7 : memref<128xi32, #tpu.memory_space<vmem>>)
        tpu.yield
      }) : () -> ()
      %dma_wait3A_89 = arith.constant 6144 : i32
      %dma_wait3A_90 = tpu.memref_slice %arg6[%dma_wait3A_89] : memref<13952xi32, #tpu.memory_space<vmem>> -> memref<128xi32, #tpu.memory_space<vmem>>
      %dma_wait3A_91 = arith.constant 0 : i32
      %dma_wait3A_92 = arith.constant 0 : i32
      %dma_wait3A_93 = tpu.memref_slice %arg2[%dma_wait3A_91, %dma_wait3A_92] : memref<10000x128xf32, #tpu.memory_space<hbm>> -> memref<10000x128xf32, #tpu.memory_space<hbm>>
      tpu.wait_indirect_dma semaphore(%arg11 : memref<!tpu.dma_semaphore, #tpu.memory_space<semaphore_mem>>) src(%dma_wait3A_93 : memref<10000x128xf32, #tpu.memory_space<hbm>>) dst(%arg9 : memref<128x128xf32, #tpu.memory_space<vmem>>)
      "tpu.region"() ({
        %run_scoped3A = tpu.sem_alloc : memref<!tpu.dma_semaphore, #tpu.memory_space<semaphore_mem>>
        %dma_start3A_94 = arith.constant 0 : i32
        %dma_start3A_95 = arith.constant 0 : i32
        %dma_start3A_96 = tpu.memref_slice %arg13[%dma_start3A_94, %dma_start3A_95] : memref<10240x128xf32, #tpu.memory_space<vmem_shared>> -> memref<10240x128xf32, #tpu.memory_space<vmem_shared>>
        tpu.enqueue_indirect_dma source(%arg9 : memref<128x128xf32, #tpu.memory_space<vmem>>) target(%dma_start3A_96 : memref<10240x128xf32, #tpu.memory_space<vmem_shared>>) offsets(%arg7 : memref<128xi32, #tpu.memory_space<vmem>>) semaphore(%run_scoped3A : memref<!tpu.dma_semaphore, #tpu.memory_space<semaphore_mem>>) {add = true}
        %dma_wait3A_97 = arith.constant 0 : i32
        %dma_wait3A_98 = arith.constant 0 : i32
        %dma_wait3A_99 = tpu.memref_slice %arg13[%dma_wait3A_97, %dma_wait3A_98] : memref<10240x128xf32, #tpu.memory_space<vmem_shared>> -> memref<10240x128xf32, #tpu.memory_space<vmem_shared>>
        tpu.wait_indirect_dma semaphore(%run_scoped3A : memref<!tpu.dma_semaphore, #tpu.memory_space<semaphore_mem>>) src(%arg9 : memref<128x128xf32, #tpu.memory_space<vmem>>) dst(%dma_wait3A_99 : memref<10240x128xf32, #tpu.memory_space<vmem_shared>>)
        tpu.yield
      }) : () -> ()
    } else {
    }
    %barrier3A_37 = arith.constant 0 : index
    tpu.barrier barrier_id(%barrier3A_37)
    %mul3A_38 = arith.constant 640 : i32
    %mul3A_39 = arith.muli %arg1, %mul3A_38 : i32
    %mul3A_40 = arith.constant 640 : i32
    %mul3A_41 = arith.muli %arg1, %mul3A_40 : i32
    "tpu.region"() ({
      %run_scoped3A = tpu.sem_alloc : memref<!tpu.dma_semaphore, #tpu.memory_space<semaphore_mem>>
      %dma_start3A = arith.constant 0 : i32
      %dma_start3A_42 = tpu.memref_slice %arg5[%arg0, %mul3A_41, %dma_start3A] : memref<2x10240x128xf32, #tpu.memory_space<hbm>> -> memref<1x640x128xf32, #tpu.memory_space<hbm>>
      %dma_start3A_43 = tpu.memref_squeeze %dma_start3A_42 : memref<1x640x128xf32, #tpu.memory_space<hbm>> -> memref<640x128xf32, #tpu.memory_space<hbm>>
      %dma_start3A_44 = arith.constant 0 : i32
      %dma_start3A_45 = tpu.memref_slice %arg13[%mul3A_39, %dma_start3A_44] : memref<10240x128xf32, #tpu.memory_space<vmem_shared>> -> memref<640x128xf32, #tpu.memory_space<vmem_shared>>
      tpu.enqueue_dma source(%dma_start3A_45 : memref<640x128xf32, #tpu.memory_space<vmem_shared>>) target(%dma_start3A_43 : memref<640x128xf32, #tpu.memory_space<hbm>>) target_semaphore(%run_scoped3A : memref<!tpu.dma_semaphore, #tpu.memory_space<semaphore_mem>>)
      %dma_wait3A = arith.constant 0 : i32
      %dma_wait3A_46 = tpu.memref_slice %arg5[%arg0, %mul3A_41, %dma_wait3A] : memref<2x10240x128xf32, #tpu.memory_space<hbm>> -> memref<1x640x128xf32, #tpu.memory_space<hbm>>
      %dma_wait3A_47 = tpu.memref_squeeze %dma_wait3A_46 : memref<1x640x128xf32, #tpu.memory_space<hbm>> -> memref<640x128xf32, #tpu.memory_space<hbm>>
      %dma_wait3A_48 = arith.constant 0 : i32
      %dma_wait3A_49 = tpu.memref_slice %arg13[%mul3A_39, %dma_wait3A_48] : memref<10240x128xf32, #tpu.memory_space<vmem_shared>> -> memref<640x128xf32, #tpu.memory_space<vmem_shared>>
      tpu.wait_dma2 semaphore(%run_scoped3A : memref<!tpu.dma_semaphore, #tpu.memory_space<semaphore_mem>>) src(%dma_wait3A_49 : memref<640x128xf32, #tpu.memory_space<vmem_shared>>) dst(%dma_wait3A_47 : memref<640x128xf32, #tpu.memory_space<hbm>>)
      tpu.yield
    }) : () -> ()
    return
  }
}

#map = affine_map<(d0, d1) -> (0, 0)>
#map1 = affine_map<(d0, d1) -> (0)>
#map2 = affine_map<(d0, d1) -> (0, 0, 0)>
module attributes {stable_mosaic.version = 14 : i64} {
  func.func @agg(%arg0: i32, %arg1: i32, %arg2: memref<10000x48xf32, #tpu.memory_space<hbm>>, %arg3: memref<323584xi32, #tpu.memory_space<hbm>>, %arg4: memref<323584xi32, #tpu.memory_space<hbm>>, %arg5: memref<2x10240x48xf32, #tpu.memory_space<hbm>>, %arg6: memref<13952xi32, #tpu.memory_space<vmem>>, %arg7: memref<128xi32, #tpu.memory_space<vmem>>, %arg8: memref<128xi32, #tpu.memory_space<vmem>>, %arg9: memref<128x48xf32, #tpu.memory_space<vmem>>, %arg10: memref<128x48xf32, #tpu.memory_space<vmem>>, %arg11: memref<!tpu.dma_semaphore, #tpu.memory_space<semaphore_mem>>, %arg12: memref<!tpu.dma_semaphore, #tpu.memory_space<semaphore_mem>>, %arg13: memref<10240x48xf32, #tpu.memory_space<vmem_shared>>) attributes {dimension_semantics = [#tpu.dimension_semantics<core_parallel>, #tpu.dimension_semantics<subcore_parallel>], iteration_bounds = array<i64: 2, 16>, scalar_prefetch = 0 : i64, scratch_operands = 8 : i64, tpu.core_type = #tpu.core_type<sc_vector_subcore>, window_params = [{transform_indices = #map}, {transform_indices = #map1}, {transform_indices = #map1}, {transform_indices = #map2}]} {
    %mul3A = arith.constant 16 : i32
    %mul3A_0 = arith.muli %arg0, %mul3A : i32
    %add3A = arith.addi %mul3A_0, %arg1 : i32
    %mul3A_1 = arith.constant 10112 : i32
    %mul3A_2 = arith.muli %add3A, %mul3A_1 : i32
    %broadcast_in_dim3A = arith.constant 0.000000e+00 : f32
    %broadcast_in_dim3A_3 = vector.broadcast %broadcast_in_dim3A : f32 to vector<16xf32>
    %scan3A = arith.constant 0 : i32
    %scan3A_4 = arith.constant 0 : i32
    %scan3A_5 = arith.constant 384 : i32
    %scan3A_6 = arith.addi %scan3A_4, %scan3A_5 : i32
    %scan3A_7 = arith.constant 1 : i32
    %scan3A_8 = scf.for %scan3A_42 = %scan3A_4 to %scan3A_6 step %scan3A_7 iter_args(%scan3A_43 = %scan3A) -> (i32)  : i32 {
      %jit3A = arith.constant 3 : i32
      %div3A = arith.divsi %scan3A_42, %jit3A : i32
      %sign3A = arith.constant 0 : i32
      %sign3A_44 = arith.cmpi sgt, %scan3A_42, %sign3A : i32
      %sign3A_45 = arith.extui %sign3A_44 : i1 to i32
      %sign3A_46 = arith.constant 0 : i32
      %sign3A_47 = arith.cmpi slt, %scan3A_42, %sign3A_46 : i32
      %sign3A_48 = arith.extui %sign3A_47 : i1 to i32
      %sign3A_49 = arith.subi %sign3A_45, %sign3A_48 : i32
      %sign3A_50 = arith.constant 0 : i32
      %sign3A_51 = arith.cmpi sgt, %jit3A, %sign3A_50 : i32
      %sign3A_52 = arith.extui %sign3A_51 : i1 to i32
      %sign3A_53 = arith.constant 0 : i32
      %sign3A_54 = arith.cmpi slt, %jit3A, %sign3A_53 : i32
      %sign3A_55 = arith.extui %sign3A_54 : i1 to i32
      %sign3A_56 = arith.subi %sign3A_52, %sign3A_55 : i32
      %ne3A = arith.cmpi ne, %sign3A_49, %sign3A_56 : i32
      %rem3A = arith.remsi %scan3A_42, %jit3A : i32
      %ne3A_57 = arith.constant 0 : i32
      %ne3A_58 = arith.cmpi ne, %rem3A, %ne3A_57 : i32
      %and3A = arith.andi %ne3A, %ne3A_58 : i1
      %sub3A = arith.constant 1 : i32
      %sub3A_59 = arith.subi %div3A, %sub3A : i32
      %select_n3A = arith.select %and3A, %sub3A_59, %div3A : i32
      %jit3A_60 = arith.constant 3 : i32
      %eq3A_61 = arith.constant 0 : i32
      %eq3A_62 = arith.cmpi eq, %jit3A_60, %eq3A_61 : i32
      %jit3A_63 = arith.constant 1 : i32
      %select_n3A_64 = arith.select %eq3A_62, %jit3A_63, %jit3A_60 : i32
      %rem3A_65 = arith.remsi %scan3A_42, %select_n3A_64 : i32
      %ne3A_66 = arith.constant 0 : i32
      %ne3A_67 = arith.cmpi ne, %rem3A_65, %ne3A_66 : i32
      %lt3A = arith.constant 0 : i32
      %lt3A_68 = arith.cmpi slt, %rem3A_65, %lt3A : i32
      %lt3A_69 = arith.constant 0 : i32
      %lt3A_70 = arith.cmpi slt, %select_n3A_64, %lt3A_69 : i32
      %ne3A_71 = arith.xori %lt3A_68, %lt3A_70 : i1
      %and3A_72 = arith.andi %ne3A_71, %ne3A_67 : i1
      %add3A_73 = arith.addi %rem3A_65, %select_n3A_64 : i32
      %select_n3A_74 = arith.select %and3A_72, %add3A_73, %rem3A_65 : i32
      %mul3A_75 = arith.constant 16 : i32
      %mul3A_76 = arith.muli %select_n3A_74, %mul3A_75 : i32
      %swap3A = arith.index_cast %select_n3A : i32 to index
      %swap3A_77 = arith.index_cast %mul3A_76 : i32 to index
      %swap3A_78 = tpu.vector_load %arg9[%swap3A, %swap3A_77] {strides = array<i32>} : memref<128x48xf32, #tpu.memory_space<vmem>>, vector<1x16xf32>,
      %swap3A_79 = vector.shape_cast %swap3A_78 : vector<1x16xf32> to vector<16xf32>
      %swap3A_80 = vector.shape_cast %broadcast_in_dim3A_3 : vector<16xf32> to vector<1x16xf32>
      tpu.vector_store %arg9[%swap3A, %swap3A_77], %swap3A_80 {strides = array<i32>} : memref<128x48xf32, #tpu.memory_space<vmem>>, vector<1x16xf32>,
      %scan3A_81 = arith.constant 0 : i32
      scf.yield %scan3A_81 : i32
    }
    %scan3A_9 = arith.constant 384 : i32
    %mul3A_10 = arith.constant 640 : i32
    %mul3A_11 = arith.muli %arg1, %mul3A_10 : i32
    %add3A_12 = arith.constant 0 : i32
    %add3A_13 = arith.addi %mul3A_11, %add3A_12 : i32
    "tpu.region"() ({
      %run_scoped3A = tpu.sem_alloc : memref<!tpu.dma_semaphore, #tpu.memory_space<semaphore_mem>>
      %dma_start3A = arith.constant 0 : i32
      %dma_start3A_42 = tpu.memref_slice %arg13[%add3A_13, %dma_start3A] : memref<10240x48xf32, #tpu.memory_space<vmem_shared>> -> memref<128x48xf32, #tpu.memory_space<vmem_shared>>
      %dma_start3A_43 = arith.constant 0 : i32
      %dma_start3A_44 = tpu.memref_slice %arg13[%add3A_13, %dma_start3A_43] : memref<10240x48xf32, #tpu.memory_space<vmem_shared>> -> memref<128x48xf32, #tpu.memory_space<vmem_shared>>
      tpu.enqueue_dma source(%arg9 : memref<128x48xf32, #tpu.memory_space<vmem>>) target(%dma_start3A_44 : memref<128x48xf32, #tpu.memory_space<vmem_shared>>) target_semaphore(%run_scoped3A : memref<!tpu.dma_semaphore, #tpu.memory_space<semaphore_mem>>)
      %dma_wait3A = arith.constant 0 : i32
      %dma_wait3A_45 = tpu.memref_slice %arg13[%add3A_13, %dma_wait3A] : memref<10240x48xf32, #tpu.memory_space<vmem_shared>> -> memref<128x48xf32, #tpu.memory_space<vmem_shared>>
      %dma_wait3A_46 = arith.constant 0 : i32
      %dma_wait3A_47 = tpu.memref_slice %arg13[%add3A_13, %dma_wait3A_46] : memref<10240x48xf32, #tpu.memory_space<vmem_shared>> -> memref<128x48xf32, #tpu.memory_space<vmem_shared>>
      tpu.wait_dma2 semaphore(%run_scoped3A : memref<!tpu.dma_semaphore, #tpu.memory_space<semaphore_mem>>) src(%arg9 : memref<128x48xf32, #tpu.memory_space<vmem>>) dst(%dma_wait3A_47 : memref<128x48xf32, #tpu.memory_space<vmem_shared>>)
      tpu.yield
    }) : () -> ()
    %mul3A_14 = arith.constant 640 : i32
    %mul3A_15 = arith.muli %arg1, %mul3A_14 : i32
    %add3A_16 = arith.constant 128 : i32
    %add3A_17 = arith.addi %mul3A_15, %add3A_16 : i32
    "tpu.region"() ({
      %run_scoped3A = tpu.sem_alloc : memref<!tpu.dma_semaphore, #tpu.memory_space<semaphore_mem>>
      %dma_start3A = arith.constant 0 : i32
      %dma_start3A_42 = tpu.memref_slice %arg13[%add3A_17, %dma_start3A] : memref<10240x48xf32, #tpu.memory_space<vmem_shared>> -> memref<128x48xf32, #tpu.memory_space<vmem_shared>>
      %dma_start3A_43 = arith.constant 0 : i32
      %dma_start3A_44 = tpu.memref_slice %arg13[%add3A_17, %dma_start3A_43] : memref<10240x48xf32, #tpu.memory_space<vmem_shared>> -> memref<128x48xf32, #tpu.memory_space<vmem_shared>>
      tpu.enqueue_dma source(%arg9 : memref<128x48xf32, #tpu.memory_space<vmem>>) target(%dma_start3A_44 : memref<128x48xf32, #tpu.memory_space<vmem_shared>>) target_semaphore(%run_scoped3A : memref<!tpu.dma_semaphore, #tpu.memory_space<semaphore_mem>>)
      %dma_wait3A = arith.constant 0 : i32
      %dma_wait3A_45 = tpu.memref_slice %arg13[%add3A_17, %dma_wait3A] : memref<10240x48xf32, #tpu.memory_space<vmem_shared>> -> memref<128x48xf32, #tpu.memory_space<vmem_shared>>
      %dma_wait3A_46 = arith.constant 0 : i32
      %dma_wait3A_47 = tpu.memref_slice %arg13[%add3A_17, %dma_wait3A_46] : memref<10240x48xf32, #tpu.memory_space<vmem_shared>> -> memref<128x48xf32, #tpu.memory_space<vmem_shared>>
      tpu.wait_dma2 semaphore(%run_scoped3A : memref<!tpu.dma_semaphore, #tpu.memory_space<semaphore_mem>>) src(%arg9 : memref<128x48xf32, #tpu.memory_space<vmem>>) dst(%dma_wait3A_47 : memref<128x48xf32, #tpu.memory_space<vmem_shared>>)
      tpu.yield
    }) : () -> ()
    %mul3A_18 = arith.constant 640 : i32
    %mul3A_19 = arith.muli %arg1, %mul3A_18 : i32
    %add3A_20 = arith.constant 256 : i32
    %add3A_21 = arith.addi %mul3A_19, %add3A_20 : i32
    "tpu.region"() ({
      %run_scoped3A = tpu.sem_alloc : memref<!tpu.dma_semaphore, #tpu.memory_space<semaphore_mem>>
      %dma_start3A = arith.constant 0 : i32
      %dma_start3A_42 = tpu.memref_slice %arg13[%add3A_21, %dma_start3A] : memref<10240x48xf32, #tpu.memory_space<vmem_shared>> -> memref<128x48xf32, #tpu.memory_space<vmem_shared>>
      %dma_start3A_43 = arith.constant 0 : i32
      %dma_start3A_44 = tpu.memref_slice %arg13[%add3A_21, %dma_start3A_43] : memref<10240x48xf32, #tpu.memory_space<vmem_shared>> -> memref<128x48xf32, #tpu.memory_space<vmem_shared>>
      tpu.enqueue_dma source(%arg9 : memref<128x48xf32, #tpu.memory_space<vmem>>) target(%dma_start3A_44 : memref<128x48xf32, #tpu.memory_space<vmem_shared>>) target_semaphore(%run_scoped3A : memref<!tpu.dma_semaphore, #tpu.memory_space<semaphore_mem>>)
      %dma_wait3A = arith.constant 0 : i32
      %dma_wait3A_45 = tpu.memref_slice %arg13[%add3A_21, %dma_wait3A] : memref<10240x48xf32, #tpu.memory_space<vmem_shared>> -> memref<128x48xf32, #tpu.memory_space<vmem_shared>>
      %dma_wait3A_46 = arith.constant 0 : i32
      %dma_wait3A_47 = tpu.memref_slice %arg13[%add3A_21, %dma_wait3A_46] : memref<10240x48xf32, #tpu.memory_space<vmem_shared>> -> memref<128x48xf32, #tpu.memory_space<vmem_shared>>
      tpu.wait_dma2 semaphore(%run_scoped3A : memref<!tpu.dma_semaphore, #tpu.memory_space<semaphore_mem>>) src(%arg9 : memref<128x48xf32, #tpu.memory_space<vmem>>) dst(%dma_wait3A_47 : memref<128x48xf32, #tpu.memory_space<vmem_shared>>)
      tpu.yield
    }) : () -> ()
    %mul3A_22 = arith.constant 640 : i32
    %mul3A_23 = arith.muli %arg1, %mul3A_22 : i32
    %add3A_24 = arith.constant 384 : i32
    %add3A_25 = arith.addi %mul3A_23, %add3A_24 : i32
    "tpu.region"() ({
      %run_scoped3A = tpu.sem_alloc : memref<!tpu.dma_semaphore, #tpu.memory_space<semaphore_mem>>
      %dma_start3A = arith.constant 0 : i32
      %dma_start3A_42 = tpu.memref_slice %arg13[%add3A_25, %dma_start3A] : memref<10240x48xf32, #tpu.memory_space<vmem_shared>> -> memref<128x48xf32, #tpu.memory_space<vmem_shared>>
      %dma_start3A_43 = arith.constant 0 : i32
      %dma_start3A_44 = tpu.memref_slice %arg13[%add3A_25, %dma_start3A_43] : memref<10240x48xf32, #tpu.memory_space<vmem_shared>> -> memref<128x48xf32, #tpu.memory_space<vmem_shared>>
      tpu.enqueue_dma source(%arg9 : memref<128x48xf32, #tpu.memory_space<vmem>>) target(%dma_start3A_44 : memref<128x48xf32, #tpu.memory_space<vmem_shared>>) target_semaphore(%run_scoped3A : memref<!tpu.dma_semaphore, #tpu.memory_space<semaphore_mem>>)
      %dma_wait3A = arith.constant 0 : i32
      %dma_wait3A_45 = tpu.memref_slice %arg13[%add3A_25, %dma_wait3A] : memref<10240x48xf32, #tpu.memory_space<vmem_shared>> -> memref<128x48xf32, #tpu.memory_space<vmem_shared>>
      %dma_wait3A_46 = arith.constant 0 : i32
      %dma_wait3A_47 = tpu.memref_slice %arg13[%add3A_25, %dma_wait3A_46] : memref<10240x48xf32, #tpu.memory_space<vmem_shared>> -> memref<128x48xf32, #tpu.memory_space<vmem_shared>>
      tpu.wait_dma2 semaphore(%run_scoped3A : memref<!tpu.dma_semaphore, #tpu.memory_space<semaphore_mem>>) src(%arg9 : memref<128x48xf32, #tpu.memory_space<vmem>>) dst(%dma_wait3A_47 : memref<128x48xf32, #tpu.memory_space<vmem_shared>>)
      tpu.yield
    }) : () -> ()
    %mul3A_26 = arith.constant 640 : i32
    %mul3A_27 = arith.muli %arg1, %mul3A_26 : i32
    %add3A_28 = arith.constant 512 : i32
    %add3A_29 = arith.addi %mul3A_27, %add3A_28 : i32
    "tpu.region"() ({
      %run_scoped3A = tpu.sem_alloc : memref<!tpu.dma_semaphore, #tpu.memory_space<semaphore_mem>>
      %dma_start3A = arith.constant 0 : i32
      %dma_start3A_42 = tpu.memref_slice %arg13[%add3A_29, %dma_start3A] : memref<10240x48xf32, #tpu.memory_space<vmem_shared>> -> memref<128x48xf32, #tpu.memory_space<vmem_shared>>
      %dma_start3A_43 = arith.constant 0 : i32
      %dma_start3A_44 = tpu.memref_slice %arg13[%add3A_29, %dma_start3A_43] : memref<10240x48xf32, #tpu.memory_space<vmem_shared>> -> memref<128x48xf32, #tpu.memory_space<vmem_shared>>
      tpu.enqueue_dma source(%arg9 : memref<128x48xf32, #tpu.memory_space<vmem>>) target(%dma_start3A_44 : memref<128x48xf32, #tpu.memory_space<vmem_shared>>) target_semaphore(%run_scoped3A : memref<!tpu.dma_semaphore, #tpu.memory_space<semaphore_mem>>)
      %dma_wait3A = arith.constant 0 : i32
      %dma_wait3A_45 = tpu.memref_slice %arg13[%add3A_29, %dma_wait3A] : memref<10240x48xf32, #tpu.memory_space<vmem_shared>> -> memref<128x48xf32, #tpu.memory_space<vmem_shared>>
      %dma_wait3A_46 = arith.constant 0 : i32
      %dma_wait3A_47 = tpu.memref_slice %arg13[%add3A_29, %dma_wait3A_46] : memref<10240x48xf32, #tpu.memory_space<vmem_shared>> -> memref<128x48xf32, #tpu.memory_space<vmem_shared>>
      tpu.wait_dma2 semaphore(%run_scoped3A : memref<!tpu.dma_semaphore, #tpu.memory_space<semaphore_mem>>) src(%arg9 : memref<128x48xf32, #tpu.memory_space<vmem>>) dst(%dma_wait3A_47 : memref<128x48xf32, #tpu.memory_space<vmem_shared>>)
      tpu.yield
    }) : () -> ()
    %barrier3A = arith.constant 0 : index
    tpu.barrier barrier_id(%barrier3A)
    %eq3A = arith.constant 0 : i32
    %eq3A_30 = arith.cmpi eq, %arg0, %eq3A : i32
    %convert_element_type3A = arith.extui %eq3A_30 : i1 to i32
    %cond3A = arith.constant 0 : i32
    %cond3A_31 = arith.cmpi ne, %convert_element_type3A, %cond3A : i32
    scf.if %cond3A_31 {
      %mul3A_42 = arith.constant 109 : i32
      %mul3A_43 = arith.muli %arg1, %mul3A_42 : i32
      %mul3A_44 = arith.constant 128 : i32
      %mul3A_45 = arith.muli %mul3A_43, %mul3A_44 : i32
      "tpu.region"() ({
        %run_scoped3A = tpu.sem_alloc : memref<!tpu.dma_semaphore, #tpu.memory_space<semaphore_mem>>
        %dma_start3A_92 = arith.constant 0 : i32
        %dma_start3A_93 = tpu.memref_slice %arg6[%dma_start3A_92] : memref<13952xi32, #tpu.memory_space<vmem>> -> memref<13952xi32, #tpu.memory_space<vmem>>
        %dma_start3A_94 = tpu.memref_slice %arg3[%mul3A_45] : memref<323584xi32, #tpu.memory_space<hbm>> -> memref<13952xi32, #tpu.memory_space<hbm>>
        %dma_start3A_95 = arith.constant 0 : i32
        %dma_start3A_96 = tpu.memref_slice %arg6[%dma_start3A_95] : memref<13952xi32, #tpu.memory_space<vmem>> -> memref<13952xi32, #tpu.memory_space<vmem>>
        %dma_start3A_97 = tpu.memref_slice %arg3[%mul3A_45] : memref<323584xi32, #tpu.memory_space<hbm>> -> memref<13952xi32, #tpu.memory_space<hbm>>
        tpu.enqueue_dma source(%dma_start3A_97 : memref<13952xi32, #tpu.memory_space<hbm>>) target(%dma_start3A_96 : memref<13952xi32, #tpu.memory_space<vmem>>) target_semaphore(%run_scoped3A : memref<!tpu.dma_semaphore, #tpu.memory_space<semaphore_mem>>)
        %dma_wait3A_98 = arith.constant 0 : i32
        %dma_wait3A_99 = tpu.memref_slice %arg6[%dma_wait3A_98] : memref<13952xi32, #tpu.memory_space<vmem>> -> memref<13952xi32, #tpu.memory_space<vmem>>
        %dma_wait3A_100 = tpu.memref_slice %arg3[%mul3A_45] : memref<323584xi32, #tpu.memory_space<hbm>> -> memref<13952xi32, #tpu.memory_space<hbm>>
        %dma_wait3A_101 = arith.constant 0 : i32
        %dma_wait3A_102 = tpu.memref_slice %arg6[%dma_wait3A_101] : memref<13952xi32, #tpu.memory_space<vmem>> -> memref<13952xi32, #tpu.memory_space<vmem>>
        %dma_wait3A_103 = tpu.memref_slice %arg3[%mul3A_45] : memref<323584xi32, #tpu.memory_space<hbm>> -> memref<13952xi32, #tpu.memory_space<hbm>>
        tpu.wait_dma2 semaphore(%run_scoped3A : memref<!tpu.dma_semaphore, #tpu.memory_space<semaphore_mem>>) src(%dma_wait3A_103 : memref<13952xi32, #tpu.memory_space<hbm>>) dst(%dma_wait3A_102 : memref<13952xi32, #tpu.memory_space<vmem>>)
        tpu.yield
      }) : () -> ()
      %dma_start3A = arith.constant 0 : i32
      %dma_start3A_46 = tpu.memref_slice %arg6[%dma_start3A] : memref<13952xi32, #tpu.memory_space<vmem>> -> memref<128xi32, #tpu.memory_space<vmem>>
      %dma_start3A_47 = arith.constant 0 : i32
      %dma_start3A_48 = arith.constant 0 : i32
      %dma_start3A_49 = tpu.memref_slice %arg2[%dma_start3A_47, %dma_start3A_48] : memref<10000x48xf32, #tpu.memory_space<hbm>> -> memref<10000x48xf32, #tpu.memory_space<hbm>>
      tpu.enqueue_indirect_dma source(%dma_start3A_49 : memref<10000x48xf32, #tpu.memory_space<hbm>>) target(%arg9 : memref<128x48xf32, #tpu.memory_space<vmem>>) offsets(%dma_start3A_46 : memref<128xi32, #tpu.memory_space<vmem>>) semaphore(%arg11 : memref<!tpu.dma_semaphore, #tpu.memory_space<semaphore_mem>>)
      %dma_start3A_50 = arith.constant 128 : i32
      %dma_start3A_51 = tpu.memref_slice %arg6[%dma_start3A_50] : memref<13952xi32, #tpu.memory_space<vmem>> -> memref<128xi32, #tpu.memory_space<vmem>>
      %dma_start3A_52 = arith.constant 0 : i32
      %dma_start3A_53 = arith.constant 0 : i32
      %dma_start3A_54 = tpu.memref_slice %arg2[%dma_start3A_52, %dma_start3A_53] : memref<10000x48xf32, #tpu.memory_space<hbm>> -> memref<10000x48xf32, #tpu.memory_space<hbm>>
      tpu.enqueue_indirect_dma source(%dma_start3A_54 : memref<10000x48xf32, #tpu.memory_space<hbm>>) target(%arg10 : memref<128x48xf32, #tpu.memory_space<vmem>>) offsets(%dma_start3A_51 : memref<128xi32, #tpu.memory_space<vmem>>) semaphore(%arg12 : memref<!tpu.dma_semaphore, #tpu.memory_space<semaphore_mem>>)
      %scan3A_55 = arith.constant 0 : i32
      %scan3A_56 = arith.constant 0 : i32
      %scan3A_57 = arith.constant 53 : i32
      %scan3A_58 = arith.addi %scan3A_56, %scan3A_57 : i32
      %scan3A_59 = arith.constant 1 : i32
      %scan3A_60 = scf.for %scan3A_92 = %scan3A_56 to %scan3A_58 step %scan3A_59 iter_args(%scan3A_93 = %scan3A_55) -> (i32)  : i32 {
        %mul3A_94 = arith.constant 2 : i32
        %mul3A_95 = arith.muli %mul3A_94, %scan3A_92 : i32
        %mul3A_96 = arith.constant 128 : i32
        %mul3A_97 = arith.muli %mul3A_95, %mul3A_96 : i32
        %add3A_98 = arith.addi %mul3A_45, %mul3A_97 : i32
        %mul3A_99 = arith.constant 2 : i32
        %mul3A_100 = arith.muli %mul3A_99, %scan3A_92 : i32
        %mul3A_101 = arith.constant 128 : i32
        %mul3A_102 = arith.muli %mul3A_100, %mul3A_101 : i32
        "tpu.region"() ({
          %run_scoped3A = tpu.sem_alloc : memref<!tpu.dma_semaphore, #tpu.memory_space<semaphore_mem>>
          %dma_start3A_128 = tpu.memref_slice %arg4[%add3A_98] : memref<323584xi32, #tpu.memory_space<hbm>> -> memref<128xi32, #tpu.memory_space<hbm>>
          %dma_start3A_129 = tpu.memref_slice %arg4[%add3A_98] : memref<323584xi32, #tpu.memory_space<hbm>> -> memref<128xi32, #tpu.memory_space<hbm>>
          tpu.enqueue_dma source(%dma_start3A_129 : memref<128xi32, #tpu.memory_space<hbm>>) target(%arg7 : memref<128xi32, #tpu.memory_space<vmem>>) target_semaphore(%run_scoped3A : memref<!tpu.dma_semaphore, #tpu.memory_space<semaphore_mem>>)
          %dma_wait3A_130 = tpu.memref_slice %arg4[%add3A_98] : memref<323584xi32, #tpu.memory_space<hbm>> -> memref<128xi32, #tpu.memory_space<hbm>>
          %dma_wait3A_131 = tpu.memref_slice %arg4[%add3A_98] : memref<323584xi32, #tpu.memory_space<hbm>> -> memref<128xi32, #tpu.memory_space<hbm>>
          tpu.wait_dma2 semaphore(%run_scoped3A : memref<!tpu.dma_semaphore, #tpu.memory_space<semaphore_mem>>) src(%dma_wait3A_131 : memref<128xi32, #tpu.memory_space<hbm>>) dst(%arg7 : memref<128xi32, #tpu.memory_space<vmem>>)
          tpu.yield
        }) : () -> ()
        %dma_wait3A_103 = tpu.memref_slice %arg6[%mul3A_102] : memref<13952xi32, #tpu.memory_space<vmem>> -> memref<128xi32, #tpu.memory_space<vmem>>
        %dma_wait3A_104 = arith.constant 0 : i32
        %dma_wait3A_105 = arith.constant 0 : i32
        %dma_wait3A_106 = tpu.memref_slice %arg2[%dma_wait3A_104, %dma_wait3A_105] : memref<10000x48xf32, #tpu.memory_space<hbm>> -> memref<10000x48xf32, #tpu.memory_space<hbm>>
        tpu.wait_indirect_dma semaphore(%arg11 : memref<!tpu.dma_semaphore, #tpu.memory_space<semaphore_mem>>) src(%dma_wait3A_106 : memref<10000x48xf32, #tpu.memory_space<hbm>>) dst(%arg9 : memref<128x48xf32, #tpu.memory_space<vmem>>)
        "tpu.region"() ({
          %run_scoped3A = tpu.sem_alloc : memref<!tpu.dma_semaphore, #tpu.memory_space<semaphore_mem>>
          %dma_start3A_128 = arith.constant 0 : i32
          %dma_start3A_129 = arith.constant 0 : i32
          %dma_start3A_130 = tpu.memref_slice %arg13[%dma_start3A_128, %dma_start3A_129] : memref<10240x48xf32, #tpu.memory_space<vmem_shared>> -> memref<10240x48xf32, #tpu.memory_space<vmem_shared>>
          tpu.enqueue_indirect_dma source(%arg9 : memref<128x48xf32, #tpu.memory_space<vmem>>) target(%dma_start3A_130 : memref<10240x48xf32, #tpu.memory_space<vmem_shared>>) offsets(%arg7 : memref<128xi32, #tpu.memory_space<vmem>>) semaphore(%run_scoped3A : memref<!tpu.dma_semaphore, #tpu.memory_space<semaphore_mem>>) {add = true}
          %dma_wait3A_131 = arith.constant 0 : i32
          %dma_wait3A_132 = arith.constant 0 : i32
          %dma_wait3A_133 = tpu.memref_slice %arg13[%dma_wait3A_131, %dma_wait3A_132] : memref<10240x48xf32, #tpu.memory_space<vmem_shared>> -> memref<10240x48xf32, #tpu.memory_space<vmem_shared>>
          tpu.wait_indirect_dma semaphore(%run_scoped3A : memref<!tpu.dma_semaphore, #tpu.memory_space<semaphore_mem>>) src(%arg9 : memref<128x48xf32, #tpu.memory_space<vmem>>) dst(%dma_wait3A_133 : memref<10240x48xf32, #tpu.memory_space<vmem_shared>>)
          tpu.yield
        }) : () -> ()
        %add3A_107 = arith.constant 256 : i32
        %add3A_108 = arith.addi %mul3A_102, %add3A_107 : i32
        %dma_start3A_109 = tpu.memref_slice %arg6[%add3A_108] : memref<13952xi32, #tpu.memory_space<vmem>> -> memref<128xi32, #tpu.memory_space<vmem>>
        %dma_start3A_110 = arith.constant 0 : i32
        %dma_start3A_111 = arith.constant 0 : i32
        %dma_start3A_112 = tpu.memref_slice %arg2[%dma_start3A_110, %dma_start3A_111] : memref<10000x48xf32, #tpu.memory_space<hbm>> -> memref<10000x48xf32, #tpu.memory_space<hbm>>
        tpu.enqueue_indirect_dma source(%dma_start3A_112 : memref<10000x48xf32, #tpu.memory_space<hbm>>) target(%arg9 : memref<128x48xf32, #tpu.memory_space<vmem>>) offsets(%dma_start3A_109 : memref<128xi32, #tpu.memory_space<vmem>>) semaphore(%arg11 : memref<!tpu.dma_semaphore, #tpu.memory_space<semaphore_mem>>)
        %add3A_113 = arith.constant 128 : i32
        %add3A_114 = arith.addi %add3A_98, %add3A_113 : i32
        "tpu.region"() ({
          %run_scoped3A = tpu.sem_alloc : memref<!tpu.dma_semaphore, #tpu.memory_space<semaphore_mem>>
          %dma_start3A_128 = tpu.memref_slice %arg4[%add3A_114] : memref<323584xi32, #tpu.memory_space<hbm>> -> memref<128xi32, #tpu.memory_space<hbm>>
          %dma_start3A_129 = tpu.memref_slice %arg4[%add3A_114] : memref<323584xi32, #tpu.memory_space<hbm>> -> memref<128xi32, #tpu.memory_space<hbm>>
          tpu.enqueue_dma source(%dma_start3A_129 : memref<128xi32, #tpu.memory_space<hbm>>) target(%arg8 : memref<128xi32, #tpu.memory_space<vmem>>) target_semaphore(%run_scoped3A : memref<!tpu.dma_semaphore, #tpu.memory_space<semaphore_mem>>)
          %dma_wait3A_130 = tpu.memref_slice %arg4[%add3A_114] : memref<323584xi32, #tpu.memory_space<hbm>> -> memref<128xi32, #tpu.memory_space<hbm>>
          %dma_wait3A_131 = tpu.memref_slice %arg4[%add3A_114] : memref<323584xi32, #tpu.memory_space<hbm>> -> memref<128xi32, #tpu.memory_space<hbm>>
          tpu.wait_dma2 semaphore(%run_scoped3A : memref<!tpu.dma_semaphore, #tpu.memory_space<semaphore_mem>>) src(%dma_wait3A_131 : memref<128xi32, #tpu.memory_space<hbm>>) dst(%arg8 : memref<128xi32, #tpu.memory_space<vmem>>)
          tpu.yield
        }) : () -> ()
        %add3A_115 = arith.constant 128 : i32
        %add3A_116 = arith.addi %mul3A_102, %add3A_115 : i32
        %dma_wait3A_117 = tpu.memref_slice %arg6[%add3A_116] : memref<13952xi32, #tpu.memory_space<vmem>> -> memref<128xi32, #tpu.memory_space<vmem>>
        %dma_wait3A_118 = arith.constant 0 : i32
        %dma_wait3A_119 = arith.constant 0 : i32
        %dma_wait3A_120 = tpu.memref_slice %arg2[%dma_wait3A_118, %dma_wait3A_119] : memref<10000x48xf32, #tpu.memory_space<hbm>> -> memref<10000x48xf32, #tpu.memory_space<hbm>>
        tpu.wait_indirect_dma semaphore(%arg12 : memref<!tpu.dma_semaphore, #tpu.memory_space<semaphore_mem>>) src(%dma_wait3A_120 : memref<10000x48xf32, #tpu.memory_space<hbm>>) dst(%arg10 : memref<128x48xf32, #tpu.memory_space<vmem>>)
        "tpu.region"() ({
          %run_scoped3A = tpu.sem_alloc : memref<!tpu.dma_semaphore, #tpu.memory_space<semaphore_mem>>
          %dma_start3A_128 = arith.constant 0 : i32
          %dma_start3A_129 = arith.constant 0 : i32
          %dma_start3A_130 = tpu.memref_slice %arg13[%dma_start3A_128, %dma_start3A_129] : memref<10240x48xf32, #tpu.memory_space<vmem_shared>> -> memref<10240x48xf32, #tpu.memory_space<vmem_shared>>
          tpu.enqueue_indirect_dma source(%arg10 : memref<128x48xf32, #tpu.memory_space<vmem>>) target(%dma_start3A_130 : memref<10240x48xf32, #tpu.memory_space<vmem_shared>>) offsets(%arg8 : memref<128xi32, #tpu.memory_space<vmem>>) semaphore(%run_scoped3A : memref<!tpu.dma_semaphore, #tpu.memory_space<semaphore_mem>>) {add = true}
          %dma_wait3A_131 = arith.constant 0 : i32
          %dma_wait3A_132 = arith.constant 0 : i32
          %dma_wait3A_133 = tpu.memref_slice %arg13[%dma_wait3A_131, %dma_wait3A_132] : memref<10240x48xf32, #tpu.memory_space<vmem_shared>> -> memref<10240x48xf32, #tpu.memory_space<vmem_shared>>
          tpu.wait_indirect_dma semaphore(%run_scoped3A : memref<!tpu.dma_semaphore, #tpu.memory_space<semaphore_mem>>) src(%arg10 : memref<128x48xf32, #tpu.memory_space<vmem>>) dst(%dma_wait3A_133 : memref<10240x48xf32, #tpu.memory_space<vmem_shared>>)
          tpu.yield
        }) : () -> ()
        %add3A_121 = arith.constant 384 : i32
        %add3A_122 = arith.addi %mul3A_102, %add3A_121 : i32
        %dma_start3A_123 = tpu.memref_slice %arg6[%add3A_122] : memref<13952xi32, #tpu.memory_space<vmem>> -> memref<128xi32, #tpu.memory_space<vmem>>
        %dma_start3A_124 = arith.constant 0 : i32
        %dma_start3A_125 = arith.constant 0 : i32
        %dma_start3A_126 = tpu.memref_slice %arg2[%dma_start3A_124, %dma_start3A_125] : memref<10000x48xf32, #tpu.memory_space<hbm>> -> memref<10000x48xf32, #tpu.memory_space<hbm>>
        tpu.enqueue_indirect_dma source(%dma_start3A_126 : memref<10000x48xf32, #tpu.memory_space<hbm>>) target(%arg10 : memref<128x48xf32, #tpu.memory_space<vmem>>) offsets(%dma_start3A_123 : memref<128xi32, #tpu.memory_space<vmem>>) semaphore(%arg12 : memref<!tpu.dma_semaphore, #tpu.memory_space<semaphore_mem>>)
        %scan3A_127 = arith.constant 0 : i32
        scf.yield %scan3A_127 : i32
      }
      %scan3A_61 = arith.constant 53 : i32
      %add3A_62 = arith.constant 13952 : i32
      %add3A_63 = arith.addi %mul3A_45, %add3A_62 : i32
      %sub3A = arith.constant 384 : i32
      %sub3A_64 = arith.subi %add3A_63, %sub3A : i32
      "tpu.region"() ({
        %run_scoped3A = tpu.sem_alloc : memref<!tpu.dma_semaphore, #tpu.memory_space<semaphore_mem>>
        %dma_start3A_92 = tpu.memref_slice %arg4[%sub3A_64] : memref<323584xi32, #tpu.memory_space<hbm>> -> memref<128xi32, #tpu.memory_space<hbm>>
        %dma_start3A_93 = tpu.memref_slice %arg4[%sub3A_64] : memref<323584xi32, #tpu.memory_space<hbm>> -> memref<128xi32, #tpu.memory_space<hbm>>
        tpu.enqueue_dma source(%dma_start3A_93 : memref<128xi32, #tpu.memory_space<hbm>>) target(%arg7 : memref<128xi32, #tpu.memory_space<vmem>>) target_semaphore(%run_scoped3A : memref<!tpu.dma_semaphore, #tpu.memory_space<semaphore_mem>>)
        %dma_wait3A_94 = tpu.memref_slice %arg4[%sub3A_64] : memref<323584xi32, #tpu.memory_space<hbm>> -> memref<128xi32, #tpu.memory_space<hbm>>
        %dma_wait3A_95 = tpu.memref_slice %arg4[%sub3A_64] : memref<323584xi32, #tpu.memory_space<hbm>> -> memref<128xi32, #tpu.memory_space<hbm>>
        tpu.wait_dma2 semaphore(%run_scoped3A : memref<!tpu.dma_semaphore, #tpu.memory_space<semaphore_mem>>) src(%dma_wait3A_95 : memref<128xi32, #tpu.memory_space<hbm>>) dst(%arg7 : memref<128xi32, #tpu.memory_space<vmem>>)
        tpu.yield
      }) : () -> ()
      %dma_wait3A = arith.constant 13568 : i32
      %dma_wait3A_65 = tpu.memref_slice %arg6[%dma_wait3A] : memref<13952xi32, #tpu.memory_space<vmem>> -> memref<128xi32, #tpu.memory_space<vmem>>
      %dma_wait3A_66 = arith.constant 0 : i32
      %dma_wait3A_67 = arith.constant 0 : i32
      %dma_wait3A_68 = tpu.memref_slice %arg2[%dma_wait3A_66, %dma_wait3A_67] : memref<10000x48xf32, #tpu.memory_space<hbm>> -> memref<10000x48xf32, #tpu.memory_space<hbm>>
      tpu.wait_indirect_dma semaphore(%arg11 : memref<!tpu.dma_semaphore, #tpu.memory_space<semaphore_mem>>) src(%dma_wait3A_68 : memref<10000x48xf32, #tpu.memory_space<hbm>>) dst(%arg9 : memref<128x48xf32, #tpu.memory_space<vmem>>)
      "tpu.region"() ({
        %run_scoped3A = tpu.sem_alloc : memref<!tpu.dma_semaphore, #tpu.memory_space<semaphore_mem>>
        %dma_start3A_92 = arith.constant 0 : i32
        %dma_start3A_93 = arith.constant 0 : i32
        %dma_start3A_94 = tpu.memref_slice %arg13[%dma_start3A_92, %dma_start3A_93] : memref<10240x48xf32, #tpu.memory_space<vmem_shared>> -> memref<10240x48xf32, #tpu.memory_space<vmem_shared>>
        tpu.enqueue_indirect_dma source(%arg9 : memref<128x48xf32, #tpu.memory_space<vmem>>) target(%dma_start3A_94 : memref<10240x48xf32, #tpu.memory_space<vmem_shared>>) offsets(%arg7 : memref<128xi32, #tpu.memory_space<vmem>>) semaphore(%run_scoped3A : memref<!tpu.dma_semaphore, #tpu.memory_space<semaphore_mem>>) {add = true}
        %dma_wait3A_95 = arith.constant 0 : i32
        %dma_wait3A_96 = arith.constant 0 : i32
        %dma_wait3A_97 = tpu.memref_slice %arg13[%dma_wait3A_95, %dma_wait3A_96] : memref<10240x48xf32, #tpu.memory_space<vmem_shared>> -> memref<10240x48xf32, #tpu.memory_space<vmem_shared>>
        tpu.wait_indirect_dma semaphore(%run_scoped3A : memref<!tpu.dma_semaphore, #tpu.memory_space<semaphore_mem>>) src(%arg9 : memref<128x48xf32, #tpu.memory_space<vmem>>) dst(%dma_wait3A_97 : memref<10240x48xf32, #tpu.memory_space<vmem_shared>>)
        tpu.yield
      }) : () -> ()
      %add3A_69 = arith.constant 13952 : i32
      %add3A_70 = arith.addi %mul3A_45, %add3A_69 : i32
      %sub3A_71 = arith.constant 256 : i32
      %sub3A_72 = arith.subi %add3A_70, %sub3A_71 : i32
      "tpu.region"() ({
        %run_scoped3A = tpu.sem_alloc : memref<!tpu.dma_semaphore, #tpu.memory_space<semaphore_mem>>
        %dma_start3A_92 = tpu.memref_slice %arg4[%sub3A_72] : memref<323584xi32, #tpu.memory_space<hbm>> -> memref<128xi32, #tpu.memory_space<hbm>>
        %dma_start3A_93 = tpu.memref_slice %arg4[%sub3A_72] : memref<323584xi32, #tpu.memory_space<hbm>> -> memref<128xi32, #tpu.memory_space<hbm>>
        tpu.enqueue_dma source(%dma_start3A_93 : memref<128xi32, #tpu.memory_space<hbm>>) target(%arg8 : memref<128xi32, #tpu.memory_space<vmem>>) target_semaphore(%run_scoped3A : memref<!tpu.dma_semaphore, #tpu.memory_space<semaphore_mem>>)
        %dma_wait3A_94 = tpu.memref_slice %arg4[%sub3A_72] : memref<323584xi32, #tpu.memory_space<hbm>> -> memref<128xi32, #tpu.memory_space<hbm>>
        %dma_wait3A_95 = tpu.memref_slice %arg4[%sub3A_72] : memref<323584xi32, #tpu.memory_space<hbm>> -> memref<128xi32, #tpu.memory_space<hbm>>
        tpu.wait_dma2 semaphore(%run_scoped3A : memref<!tpu.dma_semaphore, #tpu.memory_space<semaphore_mem>>) src(%dma_wait3A_95 : memref<128xi32, #tpu.memory_space<hbm>>) dst(%arg8 : memref<128xi32, #tpu.memory_space<vmem>>)
        tpu.yield
      }) : () -> ()
      %dma_wait3A_73 = arith.constant 13696 : i32
      %dma_wait3A_74 = tpu.memref_slice %arg6[%dma_wait3A_73] : memref<13952xi32, #tpu.memory_space<vmem>> -> memref<128xi32, #tpu.memory_space<vmem>>
      %dma_wait3A_75 = arith.constant 0 : i32
      %dma_wait3A_76 = arith.constant 0 : i32
      %dma_wait3A_77 = tpu.memref_slice %arg2[%dma_wait3A_75, %dma_wait3A_76] : memref<10000x48xf32, #tpu.memory_space<hbm>> -> memref<10000x48xf32, #tpu.memory_space<hbm>>
      tpu.wait_indirect_dma semaphore(%arg12 : memref<!tpu.dma_semaphore, #tpu.memory_space<semaphore_mem>>) src(%dma_wait3A_77 : memref<10000x48xf32, #tpu.memory_space<hbm>>) dst(%arg10 : memref<128x48xf32, #tpu.memory_space<vmem>>)
      "tpu.region"() ({
        %run_scoped3A = tpu.sem_alloc : memref<!tpu.dma_semaphore, #tpu.memory_space<semaphore_mem>>
        %dma_start3A_92 = arith.constant 0 : i32
        %dma_start3A_93 = arith.constant 0 : i32
        %dma_start3A_94 = tpu.memref_slice %arg13[%dma_start3A_92, %dma_start3A_93] : memref<10240x48xf32, #tpu.memory_space<vmem_shared>> -> memref<10240x48xf32, #tpu.memory_space<vmem_shared>>
        tpu.enqueue_indirect_dma source(%arg10 : memref<128x48xf32, #tpu.memory_space<vmem>>) target(%dma_start3A_94 : memref<10240x48xf32, #tpu.memory_space<vmem_shared>>) offsets(%arg8 : memref<128xi32, #tpu.memory_space<vmem>>) semaphore(%run_scoped3A : memref<!tpu.dma_semaphore, #tpu.memory_space<semaphore_mem>>) {add = true}
        %dma_wait3A_95 = arith.constant 0 : i32
        %dma_wait3A_96 = arith.constant 0 : i32
        %dma_wait3A_97 = tpu.memref_slice %arg13[%dma_wait3A_95, %dma_wait3A_96] : memref<10240x48xf32, #tpu.memory_space<vmem_shared>> -> memref<10240x48xf32, #tpu.memory_space<vmem_shared>>
        tpu.wait_indirect_dma semaphore(%run_scoped3A : memref<!tpu.dma_semaphore, #tpu.memory_space<semaphore_mem>>) src(%arg10 : memref<128x48xf32, #tpu.memory_space<vmem>>) dst(%dma_wait3A_97 : memref<10240x48xf32, #tpu.memory_space<vmem_shared>>)
        tpu.yield
      }) : () -> ()
      %dma_start3A_78 = arith.constant 13824 : i32
      %dma_start3A_79 = tpu.memref_slice %arg6[%dma_start3A_78] : memref<13952xi32, #tpu.memory_space<vmem>> -> memref<128xi32, #tpu.memory_space<vmem>>
      %dma_start3A_80 = arith.constant 0 : i32
      %dma_start3A_81 = arith.constant 0 : i32
      %dma_start3A_82 = tpu.memref_slice %arg2[%dma_start3A_80, %dma_start3A_81] : memref<10000x48xf32, #tpu.memory_space<hbm>> -> memref<10000x48xf32, #tpu.memory_space<hbm>>
      tpu.enqueue_indirect_dma source(%dma_start3A_82 : memref<10000x48xf32, #tpu.memory_space<hbm>>) target(%arg9 : memref<128x48xf32, #tpu.memory_space<vmem>>) offsets(%dma_start3A_79 : memref<128xi32, #tpu.memory_space<vmem>>) semaphore(%arg11 : memref<!tpu.dma_semaphore, #tpu.memory_space<semaphore_mem>>)
      %add3A_83 = arith.constant 13952 : i32
      %add3A_84 = arith.addi %mul3A_45, %add3A_83 : i32
      %sub3A_85 = arith.constant 128 : i32
      %sub3A_86 = arith.subi %add3A_84, %sub3A_85 : i32
      "tpu.region"() ({
        %run_scoped3A = tpu.sem_alloc : memref<!tpu.dma_semaphore, #tpu.memory_space<semaphore_mem>>
        %dma_start3A_92 = tpu.memref_slice %arg4[%sub3A_86] : memref<323584xi32, #tpu.memory_space<hbm>> -> memref<128xi32, #tpu.memory_space<hbm>>
        %dma_start3A_93 = tpu.memref_slice %arg4[%sub3A_86] : memref<323584xi32, #tpu.memory_space<hbm>> -> memref<128xi32, #tpu.memory_space<hbm>>
        tpu.enqueue_dma source(%dma_start3A_93 : memref<128xi32, #tpu.memory_space<hbm>>) target(%arg7 : memref<128xi32, #tpu.memory_space<vmem>>) target_semaphore(%run_scoped3A : memref<!tpu.dma_semaphore, #tpu.memory_space<semaphore_mem>>)
        %dma_wait3A_94 = tpu.memref_slice %arg4[%sub3A_86] : memref<323584xi32, #tpu.memory_space<hbm>> -> memref<128xi32, #tpu.memory_space<hbm>>
        %dma_wait3A_95 = tpu.memref_slice %arg4[%sub3A_86] : memref<323584xi32, #tpu.memory_space<hbm>> -> memref<128xi32, #tpu.memory_space<hbm>>
        tpu.wait_dma2 semaphore(%run_scoped3A : memref<!tpu.dma_semaphore, #tpu.memory_space<semaphore_mem>>) src(%dma_wait3A_95 : memref<128xi32, #tpu.memory_space<hbm>>) dst(%arg7 : memref<128xi32, #tpu.memory_space<vmem>>)
        tpu.yield
      }) : () -> ()
      %dma_wait3A_87 = arith.constant 13824 : i32
      %dma_wait3A_88 = tpu.memref_slice %arg6[%dma_wait3A_87] : memref<13952xi32, #tpu.memory_space<vmem>> -> memref<128xi32, #tpu.memory_space<vmem>>
      %dma_wait3A_89 = arith.constant 0 : i32
      %dma_wait3A_90 = arith.constant 0 : i32
      %dma_wait3A_91 = tpu.memref_slice %arg2[%dma_wait3A_89, %dma_wait3A_90] : memref<10000x48xf32, #tpu.memory_space<hbm>> -> memref<10000x48xf32, #tpu.memory_space<hbm>>
      tpu.wait_indirect_dma semaphore(%arg11 : memref<!tpu.dma_semaphore, #tpu.memory_space<semaphore_mem>>) src(%dma_wait3A_91 : memref<10000x48xf32, #tpu.memory_space<hbm>>) dst(%arg9 : memref<128x48xf32, #tpu.memory_space<vmem>>)
      "tpu.region"() ({
        %run_scoped3A = tpu.sem_alloc : memref<!tpu.dma_semaphore, #tpu.memory_space<semaphore_mem>>
        %dma_start3A_92 = arith.constant 0 : i32
        %dma_start3A_93 = arith.constant 0 : i32
        %dma_start3A_94 = tpu.memref_slice %arg13[%dma_start3A_92, %dma_start3A_93] : memref<10240x48xf32, #tpu.memory_space<vmem_shared>> -> memref<10240x48xf32, #tpu.memory_space<vmem_shared>>
        tpu.enqueue_indirect_dma source(%arg9 : memref<128x48xf32, #tpu.memory_space<vmem>>) target(%dma_start3A_94 : memref<10240x48xf32, #tpu.memory_space<vmem_shared>>) offsets(%arg7 : memref<128xi32, #tpu.memory_space<vmem>>) semaphore(%run_scoped3A : memref<!tpu.dma_semaphore, #tpu.memory_space<semaphore_mem>>) {add = true}
        %dma_wait3A_95 = arith.constant 0 : i32
        %dma_wait3A_96 = arith.constant 0 : i32
        %dma_wait3A_97 = tpu.memref_slice %arg13[%dma_wait3A_95, %dma_wait3A_96] : memref<10240x48xf32, #tpu.memory_space<vmem_shared>> -> memref<10240x48xf32, #tpu.memory_space<vmem_shared>>
        tpu.wait_indirect_dma semaphore(%run_scoped3A : memref<!tpu.dma_semaphore, #tpu.memory_space<semaphore_mem>>) src(%arg9 : memref<128x48xf32, #tpu.memory_space<vmem>>) dst(%dma_wait3A_97 : memref<10240x48xf32, #tpu.memory_space<vmem_shared>>)
        tpu.yield
      }) : () -> ()
    } else {
    }
    %eq3A_32 = arith.constant 1 : i32
    %eq3A_33 = arith.cmpi eq, %arg0, %eq3A_32 : i32
    %convert_element_type3A_34 = arith.extui %eq3A_33 : i1 to i32
    %cond3A_35 = arith.constant 0 : i32
    %cond3A_36 = arith.cmpi ne, %convert_element_type3A_34, %cond3A_35 : i32
    scf.if %cond3A_36 {
      %mul3A_42 = arith.constant 49 : i32
      %mul3A_43 = arith.muli %arg1, %mul3A_42 : i32
      %mul3A_44 = arith.constant 128 : i32
      %mul3A_45 = arith.muli %mul3A_43, %mul3A_44 : i32
      %add3A_46 = arith.constant 223232 : i32
      %add3A_47 = arith.addi %add3A_46, %mul3A_45 : i32
      "tpu.region"() ({
        %run_scoped3A = tpu.sem_alloc : memref<!tpu.dma_semaphore, #tpu.memory_space<semaphore_mem>>
        %dma_start3A_94 = arith.constant 0 : i32
        %dma_start3A_95 = tpu.memref_slice %arg6[%dma_start3A_94] : memref<13952xi32, #tpu.memory_space<vmem>> -> memref<6272xi32, #tpu.memory_space<vmem>>
        %dma_start3A_96 = tpu.memref_slice %arg3[%add3A_47] : memref<323584xi32, #tpu.memory_space<hbm>> -> memref<6272xi32, #tpu.memory_space<hbm>>
        %dma_start3A_97 = arith.constant 0 : i32
        %dma_start3A_98 = tpu.memref_slice %arg6[%dma_start3A_97] : memref<13952xi32, #tpu.memory_space<vmem>> -> memref<6272xi32, #tpu.memory_space<vmem>>
        %dma_start3A_99 = tpu.memref_slice %arg3[%add3A_47] : memref<323584xi32, #tpu.memory_space<hbm>> -> memref<6272xi32, #tpu.memory_space<hbm>>
        tpu.enqueue_dma source(%dma_start3A_99 : memref<6272xi32, #tpu.memory_space<hbm>>) target(%dma_start3A_98 : memref<6272xi32, #tpu.memory_space<vmem>>) target_semaphore(%run_scoped3A : memref<!tpu.dma_semaphore, #tpu.memory_space<semaphore_mem>>)
        %dma_wait3A_100 = arith.constant 0 : i32
        %dma_wait3A_101 = tpu.memref_slice %arg6[%dma_wait3A_100] : memref<13952xi32, #tpu.memory_space<vmem>> -> memref<6272xi32, #tpu.memory_space<vmem>>
        %dma_wait3A_102 = tpu.memref_slice %arg3[%add3A_47] : memref<323584xi32, #tpu.memory_space<hbm>> -> memref<6272xi32, #tpu.memory_space<hbm>>
        %dma_wait3A_103 = arith.constant 0 : i32
        %dma_wait3A_104 = tpu.memref_slice %arg6[%dma_wait3A_103] : memref<13952xi32, #tpu.memory_space<vmem>> -> memref<6272xi32, #tpu.memory_space<vmem>>
        %dma_wait3A_105 = tpu.memref_slice %arg3[%add3A_47] : memref<323584xi32, #tpu.memory_space<hbm>> -> memref<6272xi32, #tpu.memory_space<hbm>>
        tpu.wait_dma2 semaphore(%run_scoped3A : memref<!tpu.dma_semaphore, #tpu.memory_space<semaphore_mem>>) src(%dma_wait3A_105 : memref<6272xi32, #tpu.memory_space<hbm>>) dst(%dma_wait3A_104 : memref<6272xi32, #tpu.memory_space<vmem>>)
        tpu.yield
      }) : () -> ()
      %dma_start3A = arith.constant 0 : i32
      %dma_start3A_48 = tpu.memref_slice %arg6[%dma_start3A] : memref<13952xi32, #tpu.memory_space<vmem>> -> memref<128xi32, #tpu.memory_space<vmem>>
      %dma_start3A_49 = arith.constant 0 : i32
      %dma_start3A_50 = arith.constant 0 : i32
      %dma_start3A_51 = tpu.memref_slice %arg2[%dma_start3A_49, %dma_start3A_50] : memref<10000x48xf32, #tpu.memory_space<hbm>> -> memref<10000x48xf32, #tpu.memory_space<hbm>>
      tpu.enqueue_indirect_dma source(%dma_start3A_51 : memref<10000x48xf32, #tpu.memory_space<hbm>>) target(%arg9 : memref<128x48xf32, #tpu.memory_space<vmem>>) offsets(%dma_start3A_48 : memref<128xi32, #tpu.memory_space<vmem>>) semaphore(%arg11 : memref<!tpu.dma_semaphore, #tpu.memory_space<semaphore_mem>>)
      %dma_start3A_52 = arith.constant 128 : i32
      %dma_start3A_53 = tpu.memref_slice %arg6[%dma_start3A_52] : memref<13952xi32, #tpu.memory_space<vmem>> -> memref<128xi32, #tpu.memory_space<vmem>>
      %dma_start3A_54 = arith.constant 0 : i32
      %dma_start3A_55 = arith.constant 0 : i32
      %dma_start3A_56 = tpu.memref_slice %arg2[%dma_start3A_54, %dma_start3A_55] : memref<10000x48xf32, #tpu.memory_space<hbm>> -> memref<10000x48xf32, #tpu.memory_space<hbm>>
      tpu.enqueue_indirect_dma source(%dma_start3A_56 : memref<10000x48xf32, #tpu.memory_space<hbm>>) target(%arg10 : memref<128x48xf32, #tpu.memory_space<vmem>>) offsets(%dma_start3A_53 : memref<128xi32, #tpu.memory_space<vmem>>) semaphore(%arg12 : memref<!tpu.dma_semaphore, #tpu.memory_space<semaphore_mem>>)
      %scan3A_57 = arith.constant 0 : i32
      %scan3A_58 = arith.constant 0 : i32
      %scan3A_59 = arith.constant 23 : i32
      %scan3A_60 = arith.addi %scan3A_58, %scan3A_59 : i32
      %scan3A_61 = arith.constant 1 : i32
      %scan3A_62 = scf.for %scan3A_94 = %scan3A_58 to %scan3A_60 step %scan3A_61 iter_args(%scan3A_95 = %scan3A_57) -> (i32)  : i32 {
        %mul3A_96 = arith.constant 2 : i32
        %mul3A_97 = arith.muli %mul3A_96, %scan3A_94 : i32
        %mul3A_98 = arith.constant 128 : i32
        %mul3A_99 = arith.muli %mul3A_97, %mul3A_98 : i32
        %add3A_100 = arith.addi %add3A_47, %mul3A_99 : i32
        %mul3A_101 = arith.constant 2 : i32
        %mul3A_102 = arith.muli %mul3A_101, %scan3A_94 : i32
        %mul3A_103 = arith.constant 128 : i32
        %mul3A_104 = arith.muli %mul3A_102, %mul3A_103 : i32
        "tpu.region"() ({
          %run_scoped3A = tpu.sem_alloc : memref<!tpu.dma_semaphore, #tpu.memory_space<semaphore_mem>>
          %dma_start3A_130 = tpu.memref_slice %arg4[%add3A_100] : memref<323584xi32, #tpu.memory_space<hbm>> -> memref<128xi32, #tpu.memory_space<hbm>>
          %dma_start3A_131 = tpu.memref_slice %arg4[%add3A_100] : memref<323584xi32, #tpu.memory_space<hbm>> -> memref<128xi32, #tpu.memory_space<hbm>>
          tpu.enqueue_dma source(%dma_start3A_131 : memref<128xi32, #tpu.memory_space<hbm>>) target(%arg7 : memref<128xi32, #tpu.memory_space<vmem>>) target_semaphore(%run_scoped3A : memref<!tpu.dma_semaphore, #tpu.memory_space<semaphore_mem>>)
          %dma_wait3A_132 = tpu.memref_slice %arg4[%add3A_100] : memref<323584xi32, #tpu.memory_space<hbm>> -> memref<128xi32, #tpu.memory_space<hbm>>
          %dma_wait3A_133 = tpu.memref_slice %arg4[%add3A_100] : memref<323584xi32, #tpu.memory_space<hbm>> -> memref<128xi32, #tpu.memory_space<hbm>>
          tpu.wait_dma2 semaphore(%run_scoped3A : memref<!tpu.dma_semaphore, #tpu.memory_space<semaphore_mem>>) src(%dma_wait3A_133 : memref<128xi32, #tpu.memory_space<hbm>>) dst(%arg7 : memref<128xi32, #tpu.memory_space<vmem>>)
          tpu.yield
        }) : () -> ()
        %dma_wait3A_105 = tpu.memref_slice %arg6[%mul3A_104] : memref<13952xi32, #tpu.memory_space<vmem>> -> memref<128xi32, #tpu.memory_space<vmem>>
        %dma_wait3A_106 = arith.constant 0 : i32
        %dma_wait3A_107 = arith.constant 0 : i32
        %dma_wait3A_108 = tpu.memref_slice %arg2[%dma_wait3A_106, %dma_wait3A_107] : memref<10000x48xf32, #tpu.memory_space<hbm>> -> memref<10000x48xf32, #tpu.memory_space<hbm>>
        tpu.wait_indirect_dma semaphore(%arg11 : memref<!tpu.dma_semaphore, #tpu.memory_space<semaphore_mem>>) src(%dma_wait3A_108 : memref<10000x48xf32, #tpu.memory_space<hbm>>) dst(%arg9 : memref<128x48xf32, #tpu.memory_space<vmem>>)
        "tpu.region"() ({
          %run_scoped3A = tpu.sem_alloc : memref<!tpu.dma_semaphore, #tpu.memory_space<semaphore_mem>>
          %dma_start3A_130 = arith.constant 0 : i32
          %dma_start3A_131 = arith.constant 0 : i32
          %dma_start3A_132 = tpu.memref_slice %arg13[%dma_start3A_130, %dma_start3A_131] : memref<10240x48xf32, #tpu.memory_space<vmem_shared>> -> memref<10240x48xf32, #tpu.memory_space<vmem_shared>>
          tpu.enqueue_indirect_dma source(%arg9 : memref<128x48xf32, #tpu.memory_space<vmem>>) target(%dma_start3A_132 : memref<10240x48xf32, #tpu.memory_space<vmem_shared>>) offsets(%arg7 : memref<128xi32, #tpu.memory_space<vmem>>) semaphore(%run_scoped3A : memref<!tpu.dma_semaphore, #tpu.memory_space<semaphore_mem>>) {add = true}
          %dma_wait3A_133 = arith.constant 0 : i32
          %dma_wait3A_134 = arith.constant 0 : i32
          %dma_wait3A_135 = tpu.memref_slice %arg13[%dma_wait3A_133, %dma_wait3A_134] : memref<10240x48xf32, #tpu.memory_space<vmem_shared>> -> memref<10240x48xf32, #tpu.memory_space<vmem_shared>>
          tpu.wait_indirect_dma semaphore(%run_scoped3A : memref<!tpu.dma_semaphore, #tpu.memory_space<semaphore_mem>>) src(%arg9 : memref<128x48xf32, #tpu.memory_space<vmem>>) dst(%dma_wait3A_135 : memref<10240x48xf32, #tpu.memory_space<vmem_shared>>)
          tpu.yield
        }) : () -> ()
        %add3A_109 = arith.constant 256 : i32
        %add3A_110 = arith.addi %mul3A_104, %add3A_109 : i32
        %dma_start3A_111 = tpu.memref_slice %arg6[%add3A_110] : memref<13952xi32, #tpu.memory_space<vmem>> -> memref<128xi32, #tpu.memory_space<vmem>>
        %dma_start3A_112 = arith.constant 0 : i32
        %dma_start3A_113 = arith.constant 0 : i32
        %dma_start3A_114 = tpu.memref_slice %arg2[%dma_start3A_112, %dma_start3A_113] : memref<10000x48xf32, #tpu.memory_space<hbm>> -> memref<10000x48xf32, #tpu.memory_space<hbm>>
        tpu.enqueue_indirect_dma source(%dma_start3A_114 : memref<10000x48xf32, #tpu.memory_space<hbm>>) target(%arg9 : memref<128x48xf32, #tpu.memory_space<vmem>>) offsets(%dma_start3A_111 : memref<128xi32, #tpu.memory_space<vmem>>) semaphore(%arg11 : memref<!tpu.dma_semaphore, #tpu.memory_space<semaphore_mem>>)
        %add3A_115 = arith.constant 128 : i32
        %add3A_116 = arith.addi %add3A_100, %add3A_115 : i32
        "tpu.region"() ({
          %run_scoped3A = tpu.sem_alloc : memref<!tpu.dma_semaphore, #tpu.memory_space<semaphore_mem>>
          %dma_start3A_130 = tpu.memref_slice %arg4[%add3A_116] : memref<323584xi32, #tpu.memory_space<hbm>> -> memref<128xi32, #tpu.memory_space<hbm>>
          %dma_start3A_131 = tpu.memref_slice %arg4[%add3A_116] : memref<323584xi32, #tpu.memory_space<hbm>> -> memref<128xi32, #tpu.memory_space<hbm>>
          tpu.enqueue_dma source(%dma_start3A_131 : memref<128xi32, #tpu.memory_space<hbm>>) target(%arg8 : memref<128xi32, #tpu.memory_space<vmem>>) target_semaphore(%run_scoped3A : memref<!tpu.dma_semaphore, #tpu.memory_space<semaphore_mem>>)
          %dma_wait3A_132 = tpu.memref_slice %arg4[%add3A_116] : memref<323584xi32, #tpu.memory_space<hbm>> -> memref<128xi32, #tpu.memory_space<hbm>>
          %dma_wait3A_133 = tpu.memref_slice %arg4[%add3A_116] : memref<323584xi32, #tpu.memory_space<hbm>> -> memref<128xi32, #tpu.memory_space<hbm>>
          tpu.wait_dma2 semaphore(%run_scoped3A : memref<!tpu.dma_semaphore, #tpu.memory_space<semaphore_mem>>) src(%dma_wait3A_133 : memref<128xi32, #tpu.memory_space<hbm>>) dst(%arg8 : memref<128xi32, #tpu.memory_space<vmem>>)
          tpu.yield
        }) : () -> ()
        %add3A_117 = arith.constant 128 : i32
        %add3A_118 = arith.addi %mul3A_104, %add3A_117 : i32
        %dma_wait3A_119 = tpu.memref_slice %arg6[%add3A_118] : memref<13952xi32, #tpu.memory_space<vmem>> -> memref<128xi32, #tpu.memory_space<vmem>>
        %dma_wait3A_120 = arith.constant 0 : i32
        %dma_wait3A_121 = arith.constant 0 : i32
        %dma_wait3A_122 = tpu.memref_slice %arg2[%dma_wait3A_120, %dma_wait3A_121] : memref<10000x48xf32, #tpu.memory_space<hbm>> -> memref<10000x48xf32, #tpu.memory_space<hbm>>
        tpu.wait_indirect_dma semaphore(%arg12 : memref<!tpu.dma_semaphore, #tpu.memory_space<semaphore_mem>>) src(%dma_wait3A_122 : memref<10000x48xf32, #tpu.memory_space<hbm>>) dst(%arg10 : memref<128x48xf32, #tpu.memory_space<vmem>>)
        "tpu.region"() ({
          %run_scoped3A = tpu.sem_alloc : memref<!tpu.dma_semaphore, #tpu.memory_space<semaphore_mem>>
          %dma_start3A_130 = arith.constant 0 : i32
          %dma_start3A_131 = arith.constant 0 : i32
          %dma_start3A_132 = tpu.memref_slice %arg13[%dma_start3A_130, %dma_start3A_131] : memref<10240x48xf32, #tpu.memory_space<vmem_shared>> -> memref<10240x48xf32, #tpu.memory_space<vmem_shared>>
          tpu.enqueue_indirect_dma source(%arg10 : memref<128x48xf32, #tpu.memory_space<vmem>>) target(%dma_start3A_132 : memref<10240x48xf32, #tpu.memory_space<vmem_shared>>) offsets(%arg8 : memref<128xi32, #tpu.memory_space<vmem>>) semaphore(%run_scoped3A : memref<!tpu.dma_semaphore, #tpu.memory_space<semaphore_mem>>) {add = true}
          %dma_wait3A_133 = arith.constant 0 : i32
          %dma_wait3A_134 = arith.constant 0 : i32
          %dma_wait3A_135 = tpu.memref_slice %arg13[%dma_wait3A_133, %dma_wait3A_134] : memref<10240x48xf32, #tpu.memory_space<vmem_shared>> -> memref<10240x48xf32, #tpu.memory_space<vmem_shared>>
          tpu.wait_indirect_dma semaphore(%run_scoped3A : memref<!tpu.dma_semaphore, #tpu.memory_space<semaphore_mem>>) src(%arg10 : memref<128x48xf32, #tpu.memory_space<vmem>>) dst(%dma_wait3A_135 : memref<10240x48xf32, #tpu.memory_space<vmem_shared>>)
          tpu.yield
        }) : () -> ()
        %add3A_123 = arith.constant 384 : i32
        %add3A_124 = arith.addi %mul3A_104, %add3A_123 : i32
        %dma_start3A_125 = tpu.memref_slice %arg6[%add3A_124] : memref<13952xi32, #tpu.memory_space<vmem>> -> memref<128xi32, #tpu.memory_space<vmem>>
        %dma_start3A_126 = arith.constant 0 : i32
        %dma_start3A_127 = arith.constant 0 : i32
        %dma_start3A_128 = tpu.memref_slice %arg2[%dma_start3A_126, %dma_start3A_127] : memref<10000x48xf32, #tpu.memory_space<hbm>> -> memref<10000x48xf32, #tpu.memory_space<hbm>>
        tpu.enqueue_indirect_dma source(%dma_start3A_128 : memref<10000x48xf32, #tpu.memory_space<hbm>>) target(%arg10 : memref<128x48xf32, #tpu.memory_space<vmem>>) offsets(%dma_start3A_125 : memref<128xi32, #tpu.memory_space<vmem>>) semaphore(%arg12 : memref<!tpu.dma_semaphore, #tpu.memory_space<semaphore_mem>>)
        %scan3A_129 = arith.constant 0 : i32
        scf.yield %scan3A_129 : i32
      }
      %scan3A_63 = arith.constant 23 : i32
      %add3A_64 = arith.constant 6272 : i32
      %add3A_65 = arith.addi %add3A_47, %add3A_64 : i32
      %sub3A = arith.constant 384 : i32
      %sub3A_66 = arith.subi %add3A_65, %sub3A : i32
      "tpu.region"() ({
        %run_scoped3A = tpu.sem_alloc : memref<!tpu.dma_semaphore, #tpu.memory_space<semaphore_mem>>
        %dma_start3A_94 = tpu.memref_slice %arg4[%sub3A_66] : memref<323584xi32, #tpu.memory_space<hbm>> -> memref<128xi32, #tpu.memory_space<hbm>>
        %dma_start3A_95 = tpu.memref_slice %arg4[%sub3A_66] : memref<323584xi32, #tpu.memory_space<hbm>> -> memref<128xi32, #tpu.memory_space<hbm>>
        tpu.enqueue_dma source(%dma_start3A_95 : memref<128xi32, #tpu.memory_space<hbm>>) target(%arg7 : memref<128xi32, #tpu.memory_space<vmem>>) target_semaphore(%run_scoped3A : memref<!tpu.dma_semaphore, #tpu.memory_space<semaphore_mem>>)
        %dma_wait3A_96 = tpu.memref_slice %arg4[%sub3A_66] : memref<323584xi32, #tpu.memory_space<hbm>> -> memref<128xi32, #tpu.memory_space<hbm>>
        %dma_wait3A_97 = tpu.memref_slice %arg4[%sub3A_66] : memref<323584xi32, #tpu.memory_space<hbm>> -> memref<128xi32, #tpu.memory_space<hbm>>
        tpu.wait_dma2 semaphore(%run_scoped3A : memref<!tpu.dma_semaphore, #tpu.memory_space<semaphore_mem>>) src(%dma_wait3A_97 : memref<128xi32, #tpu.memory_space<hbm>>) dst(%arg7 : memref<128xi32, #tpu.memory_space<vmem>>)
        tpu.yield
      }) : () -> ()
      %dma_wait3A = arith.constant 5888 : i32
      %dma_wait3A_67 = tpu.memref_slice %arg6[%dma_wait3A] : memref<13952xi32, #tpu.memory_space<vmem>> -> memref<128xi32, #tpu.memory_space<vmem>>
      %dma_wait3A_68 = arith.constant 0 : i32
      %dma_wait3A_69 = arith.constant 0 : i32
      %dma_wait3A_70 = tpu.memref_slice %arg2[%dma_wait3A_68, %dma_wait3A_69] : memref<10000x48xf32, #tpu.memory_space<hbm>> -> memref<10000x48xf32, #tpu.memory_space<hbm>>
      tpu.wait_indirect_dma semaphore(%arg11 : memref<!tpu.dma_semaphore, #tpu.memory_space<semaphore_mem>>) src(%dma_wait3A_70 : memref<10000x48xf32, #tpu.memory_space<hbm>>) dst(%arg9 : memref<128x48xf32, #tpu.memory_space<vmem>>)
      "tpu.region"() ({
        %run_scoped3A = tpu.sem_alloc : memref<!tpu.dma_semaphore, #tpu.memory_space<semaphore_mem>>
        %dma_start3A_94 = arith.constant 0 : i32
        %dma_start3A_95 = arith.constant 0 : i32
        %dma_start3A_96 = tpu.memref_slice %arg13[%dma_start3A_94, %dma_start3A_95] : memref<10240x48xf32, #tpu.memory_space<vmem_shared>> -> memref<10240x48xf32, #tpu.memory_space<vmem_shared>>
        tpu.enqueue_indirect_dma source(%arg9 : memref<128x48xf32, #tpu.memory_space<vmem>>) target(%dma_start3A_96 : memref<10240x48xf32, #tpu.memory_space<vmem_shared>>) offsets(%arg7 : memref<128xi32, #tpu.memory_space<vmem>>) semaphore(%run_scoped3A : memref<!tpu.dma_semaphore, #tpu.memory_space<semaphore_mem>>) {add = true}
        %dma_wait3A_97 = arith.constant 0 : i32
        %dma_wait3A_98 = arith.constant 0 : i32
        %dma_wait3A_99 = tpu.memref_slice %arg13[%dma_wait3A_97, %dma_wait3A_98] : memref<10240x48xf32, #tpu.memory_space<vmem_shared>> -> memref<10240x48xf32, #tpu.memory_space<vmem_shared>>
        tpu.wait_indirect_dma semaphore(%run_scoped3A : memref<!tpu.dma_semaphore, #tpu.memory_space<semaphore_mem>>) src(%arg9 : memref<128x48xf32, #tpu.memory_space<vmem>>) dst(%dma_wait3A_99 : memref<10240x48xf32, #tpu.memory_space<vmem_shared>>)
        tpu.yield
      }) : () -> ()
      %add3A_71 = arith.constant 6272 : i32
      %add3A_72 = arith.addi %add3A_47, %add3A_71 : i32
      %sub3A_73 = arith.constant 256 : i32
      %sub3A_74 = arith.subi %add3A_72, %sub3A_73 : i32
      "tpu.region"() ({
        %run_scoped3A = tpu.sem_alloc : memref<!tpu.dma_semaphore, #tpu.memory_space<semaphore_mem>>
        %dma_start3A_94 = tpu.memref_slice %arg4[%sub3A_74] : memref<323584xi32, #tpu.memory_space<hbm>> -> memref<128xi32, #tpu.memory_space<hbm>>
        %dma_start3A_95 = tpu.memref_slice %arg4[%sub3A_74] : memref<323584xi32, #tpu.memory_space<hbm>> -> memref<128xi32, #tpu.memory_space<hbm>>
        tpu.enqueue_dma source(%dma_start3A_95 : memref<128xi32, #tpu.memory_space<hbm>>) target(%arg8 : memref<128xi32, #tpu.memory_space<vmem>>) target_semaphore(%run_scoped3A : memref<!tpu.dma_semaphore, #tpu.memory_space<semaphore_mem>>)
        %dma_wait3A_96 = tpu.memref_slice %arg4[%sub3A_74] : memref<323584xi32, #tpu.memory_space<hbm>> -> memref<128xi32, #tpu.memory_space<hbm>>
        %dma_wait3A_97 = tpu.memref_slice %arg4[%sub3A_74] : memref<323584xi32, #tpu.memory_space<hbm>> -> memref<128xi32, #tpu.memory_space<hbm>>
        tpu.wait_dma2 semaphore(%run_scoped3A : memref<!tpu.dma_semaphore, #tpu.memory_space<semaphore_mem>>) src(%dma_wait3A_97 : memref<128xi32, #tpu.memory_space<hbm>>) dst(%arg8 : memref<128xi32, #tpu.memory_space<vmem>>)
        tpu.yield
      }) : () -> ()
      %dma_wait3A_75 = arith.constant 6016 : i32
      %dma_wait3A_76 = tpu.memref_slice %arg6[%dma_wait3A_75] : memref<13952xi32, #tpu.memory_space<vmem>> -> memref<128xi32, #tpu.memory_space<vmem>>
      %dma_wait3A_77 = arith.constant 0 : i32
      %dma_wait3A_78 = arith.constant 0 : i32
      %dma_wait3A_79 = tpu.memref_slice %arg2[%dma_wait3A_77, %dma_wait3A_78] : memref<10000x48xf32, #tpu.memory_space<hbm>> -> memref<10000x48xf32, #tpu.memory_space<hbm>>
      tpu.wait_indirect_dma semaphore(%arg12 : memref<!tpu.dma_semaphore, #tpu.memory_space<semaphore_mem>>) src(%dma_wait3A_79 : memref<10000x48xf32, #tpu.memory_space<hbm>>) dst(%arg10 : memref<128x48xf32, #tpu.memory_space<vmem>>)
      "tpu.region"() ({
        %run_scoped3A = tpu.sem_alloc : memref<!tpu.dma_semaphore, #tpu.memory_space<semaphore_mem>>
        %dma_start3A_94 = arith.constant 0 : i32
        %dma_start3A_95 = arith.constant 0 : i32
        %dma_start3A_96 = tpu.memref_slice %arg13[%dma_start3A_94, %dma_start3A_95] : memref<10240x48xf32, #tpu.memory_space<vmem_shared>> -> memref<10240x48xf32, #tpu.memory_space<vmem_shared>>
        tpu.enqueue_indirect_dma source(%arg10 : memref<128x48xf32, #tpu.memory_space<vmem>>) target(%dma_start3A_96 : memref<10240x48xf32, #tpu.memory_space<vmem_shared>>) offsets(%arg8 : memref<128xi32, #tpu.memory_space<vmem>>) semaphore(%run_scoped3A : memref<!tpu.dma_semaphore, #tpu.memory_space<semaphore_mem>>) {add = true}
        %dma_wait3A_97 = arith.constant 0 : i32
        %dma_wait3A_98 = arith.constant 0 : i32
        %dma_wait3A_99 = tpu.memref_slice %arg13[%dma_wait3A_97, %dma_wait3A_98] : memref<10240x48xf32, #tpu.memory_space<vmem_shared>> -> memref<10240x48xf32, #tpu.memory_space<vmem_shared>>
        tpu.wait_indirect_dma semaphore(%run_scoped3A : memref<!tpu.dma_semaphore, #tpu.memory_space<semaphore_mem>>) src(%arg10 : memref<128x48xf32, #tpu.memory_space<vmem>>) dst(%dma_wait3A_99 : memref<10240x48xf32, #tpu.memory_space<vmem_shared>>)
        tpu.yield
      }) : () -> ()
      %dma_start3A_80 = arith.constant 6144 : i32
      %dma_start3A_81 = tpu.memref_slice %arg6[%dma_start3A_80] : memref<13952xi32, #tpu.memory_space<vmem>> -> memref<128xi32, #tpu.memory_space<vmem>>
      %dma_start3A_82 = arith.constant 0 : i32
      %dma_start3A_83 = arith.constant 0 : i32
      %dma_start3A_84 = tpu.memref_slice %arg2[%dma_start3A_82, %dma_start3A_83] : memref<10000x48xf32, #tpu.memory_space<hbm>> -> memref<10000x48xf32, #tpu.memory_space<hbm>>
      tpu.enqueue_indirect_dma source(%dma_start3A_84 : memref<10000x48xf32, #tpu.memory_space<hbm>>) target(%arg9 : memref<128x48xf32, #tpu.memory_space<vmem>>) offsets(%dma_start3A_81 : memref<128xi32, #tpu.memory_space<vmem>>) semaphore(%arg11 : memref<!tpu.dma_semaphore, #tpu.memory_space<semaphore_mem>>)
      %add3A_85 = arith.constant 6272 : i32
      %add3A_86 = arith.addi %add3A_47, %add3A_85 : i32
      %sub3A_87 = arith.constant 128 : i32
      %sub3A_88 = arith.subi %add3A_86, %sub3A_87 : i32
      "tpu.region"() ({
        %run_scoped3A = tpu.sem_alloc : memref<!tpu.dma_semaphore, #tpu.memory_space<semaphore_mem>>
        %dma_start3A_94 = tpu.memref_slice %arg4[%sub3A_88] : memref<323584xi32, #tpu.memory_space<hbm>> -> memref<128xi32, #tpu.memory_space<hbm>>
        %dma_start3A_95 = tpu.memref_slice %arg4[%sub3A_88] : memref<323584xi32, #tpu.memory_space<hbm>> -> memref<128xi32, #tpu.memory_space<hbm>>
        tpu.enqueue_dma source(%dma_start3A_95 : memref<128xi32, #tpu.memory_space<hbm>>) target(%arg7 : memref<128xi32, #tpu.memory_space<vmem>>) target_semaphore(%run_scoped3A : memref<!tpu.dma_semaphore, #tpu.memory_space<semaphore_mem>>)
        %dma_wait3A_96 = tpu.memref_slice %arg4[%sub3A_88] : memref<323584xi32, #tpu.memory_space<hbm>> -> memref<128xi32, #tpu.memory_space<hbm>>
        %dma_wait3A_97 = tpu.memref_slice %arg4[%sub3A_88] : memref<323584xi32, #tpu.memory_space<hbm>> -> memref<128xi32, #tpu.memory_space<hbm>>
        tpu.wait_dma2 semaphore(%run_scoped3A : memref<!tpu.dma_semaphore, #tpu.memory_space<semaphore_mem>>) src(%dma_wait3A_97 : memref<128xi32, #tpu.memory_space<hbm>>) dst(%arg7 : memref<128xi32, #tpu.memory_space<vmem>>)
        tpu.yield
      }) : () -> ()
      %dma_wait3A_89 = arith.constant 6144 : i32
      %dma_wait3A_90 = tpu.memref_slice %arg6[%dma_wait3A_89] : memref<13952xi32, #tpu.memory_space<vmem>> -> memref<128xi32, #tpu.memory_space<vmem>>
      %dma_wait3A_91 = arith.constant 0 : i32
      %dma_wait3A_92 = arith.constant 0 : i32
      %dma_wait3A_93 = tpu.memref_slice %arg2[%dma_wait3A_91, %dma_wait3A_92] : memref<10000x48xf32, #tpu.memory_space<hbm>> -> memref<10000x48xf32, #tpu.memory_space<hbm>>
      tpu.wait_indirect_dma semaphore(%arg11 : memref<!tpu.dma_semaphore, #tpu.memory_space<semaphore_mem>>) src(%dma_wait3A_93 : memref<10000x48xf32, #tpu.memory_space<hbm>>) dst(%arg9 : memref<128x48xf32, #tpu.memory_space<vmem>>)
      "tpu.region"() ({
        %run_scoped3A = tpu.sem_alloc : memref<!tpu.dma_semaphore, #tpu.memory_space<semaphore_mem>>
        %dma_start3A_94 = arith.constant 0 : i32
        %dma_start3A_95 = arith.constant 0 : i32
        %dma_start3A_96 = tpu.memref_slice %arg13[%dma_start3A_94, %dma_start3A_95] : memref<10240x48xf32, #tpu.memory_space<vmem_shared>> -> memref<10240x48xf32, #tpu.memory_space<vmem_shared>>
        tpu.enqueue_indirect_dma source(%arg9 : memref<128x48xf32, #tpu.memory_space<vmem>>) target(%dma_start3A_96 : memref<10240x48xf32, #tpu.memory_space<vmem_shared>>) offsets(%arg7 : memref<128xi32, #tpu.memory_space<vmem>>) semaphore(%run_scoped3A : memref<!tpu.dma_semaphore, #tpu.memory_space<semaphore_mem>>) {add = true}
        %dma_wait3A_97 = arith.constant 0 : i32
        %dma_wait3A_98 = arith.constant 0 : i32
        %dma_wait3A_99 = tpu.memref_slice %arg13[%dma_wait3A_97, %dma_wait3A_98] : memref<10240x48xf32, #tpu.memory_space<vmem_shared>> -> memref<10240x48xf32, #tpu.memory_space<vmem_shared>>
        tpu.wait_indirect_dma semaphore(%run_scoped3A : memref<!tpu.dma_semaphore, #tpu.memory_space<semaphore_mem>>) src(%arg9 : memref<128x48xf32, #tpu.memory_space<vmem>>) dst(%dma_wait3A_99 : memref<10240x48xf32, #tpu.memory_space<vmem_shared>>)
        tpu.yield
      }) : () -> ()
    } else {
    }
    %barrier3A_37 = arith.constant 0 : index
    tpu.barrier barrier_id(%barrier3A_37)
    %mul3A_38 = arith.constant 640 : i32
    %mul3A_39 = arith.muli %arg1, %mul3A_38 : i32
    %mul3A_40 = arith.constant 640 : i32
    %mul3A_41 = arith.muli %arg1, %mul3A_40 : i32
    "tpu.region"() ({
      %run_scoped3A = tpu.sem_alloc : memref<!tpu.dma_semaphore, #tpu.memory_space<semaphore_mem>>
      %dma_start3A = arith.constant 0 : i32
      %dma_start3A_42 = tpu.memref_slice %arg5[%arg0, %mul3A_41, %dma_start3A] : memref<2x10240x48xf32, #tpu.memory_space<hbm>> -> memref<1x640x48xf32, #tpu.memory_space<hbm>>
      %dma_start3A_43 = tpu.memref_squeeze %dma_start3A_42 : memref<1x640x48xf32, #tpu.memory_space<hbm>> -> memref<640x48xf32, #tpu.memory_space<hbm>>
      %dma_start3A_44 = arith.constant 0 : i32
      %dma_start3A_45 = tpu.memref_slice %arg13[%mul3A_39, %dma_start3A_44] : memref<10240x48xf32, #tpu.memory_space<vmem_shared>> -> memref<640x48xf32, #tpu.memory_space<vmem_shared>>
      tpu.enqueue_dma source(%dma_start3A_45 : memref<640x48xf32, #tpu.memory_space<vmem_shared>>) target(%dma_start3A_43 : memref<640x48xf32, #tpu.memory_space<hbm>>) target_semaphore(%run_scoped3A : memref<!tpu.dma_semaphore, #tpu.memory_space<semaphore_mem>>)
      %dma_wait3A = arith.constant 0 : i32
      %dma_wait3A_46 = tpu.memref_slice %arg5[%arg0, %mul3A_41, %dma_wait3A] : memref<2x10240x48xf32, #tpu.memory_space<hbm>> -> memref<1x640x48xf32, #tpu.memory_space<hbm>>
      %dma_wait3A_47 = tpu.memref_squeeze %dma_wait3A_46 : memref<1x640x48xf32, #tpu.memory_space<hbm>> -> memref<640x48xf32, #tpu.memory_space<hbm>>
      %dma_wait3A_48 = arith.constant 0 : i32
      %dma_wait3A_49 = tpu.memref_slice %arg13[%mul3A_39, %dma_wait3A_48] : memref<10240x48xf32, #tpu.memory_space<vmem_shared>> -> memref<640x48xf32, #tpu.memory_space<vmem_shared>>
      tpu.wait_dma2 semaphore(%run_scoped3A : memref<!tpu.dma_semaphore, #tpu.memory_space<semaphore_mem>>) src(%dma_wait3A_49 : memref<640x48xf32, #tpu.memory_space<vmem_shared>>) dst(%dma_wait3A_47 : memref<640x48xf32, #tpu.memory_space<hbm>>)
      tpu.yield
    }) : () -> ()
    return
  }
}

#map = affine_map<(d0, d1) -> (0, 0)>
#map1 = affine_map<(d0, d1) -> (0)>
#map2 = affine_map<(d0, d1) -> (0, 0, 0)>
module attributes {stable_mosaic.version = 14 : i64} {
  func.func @agg(%arg0: i32, %arg1: i32, %arg2: memref<10000x64xf32, #tpu.memory_space<hbm>>, %arg3: memref<323584xi32, #tpu.memory_space<hbm>>, %arg4: memref<323584xi32, #tpu.memory_space<hbm>>, %arg5: memref<2x10240x64xf32, #tpu.memory_space<hbm>>, %arg6: memref<13952xi32, #tpu.memory_space<vmem>>, %arg7: memref<128xi32, #tpu.memory_space<vmem>>, %arg8: memref<128xi32, #tpu.memory_space<vmem>>, %arg9: memref<128x64xf32, #tpu.memory_space<vmem>>, %arg10: memref<128x64xf32, #tpu.memory_space<vmem>>, %arg11: memref<!tpu.dma_semaphore, #tpu.memory_space<semaphore_mem>>, %arg12: memref<!tpu.dma_semaphore, #tpu.memory_space<semaphore_mem>>, %arg13: memref<10240x64xf32, #tpu.memory_space<vmem_shared>>) attributes {dimension_semantics = [#tpu.dimension_semantics<core_parallel>, #tpu.dimension_semantics<subcore_parallel>], iteration_bounds = array<i64: 2, 16>, scalar_prefetch = 0 : i64, scratch_operands = 8 : i64, tpu.core_type = #tpu.core_type<sc_vector_subcore>, window_params = [{transform_indices = #map}, {transform_indices = #map1}, {transform_indices = #map1}, {transform_indices = #map2}]} {
    %mul3A = arith.constant 16 : i32
    %mul3A_0 = arith.muli %arg0, %mul3A : i32
    %add3A = arith.addi %mul3A_0, %arg1 : i32
    %mul3A_1 = arith.constant 10112 : i32
    %mul3A_2 = arith.muli %add3A, %mul3A_1 : i32
    %broadcast_in_dim3A = arith.constant 0.000000e+00 : f32
    %broadcast_in_dim3A_3 = vector.broadcast %broadcast_in_dim3A : f32 to vector<16xf32>
    %scan3A = arith.constant 0 : i32
    %scan3A_4 = arith.constant 0 : i32
    %scan3A_5 = arith.constant 512 : i32
    %scan3A_6 = arith.addi %scan3A_4, %scan3A_5 : i32
    %scan3A_7 = arith.constant 1 : i32
    %scan3A_8 = scf.for %scan3A_42 = %scan3A_4 to %scan3A_6 step %scan3A_7 iter_args(%scan3A_43 = %scan3A) -> (i32)  : i32 {
      %jit3A = arith.constant 4 : i32
      %div3A = arith.divsi %scan3A_42, %jit3A : i32
      %sign3A = arith.constant 0 : i32
      %sign3A_44 = arith.cmpi sgt, %scan3A_42, %sign3A : i32
      %sign3A_45 = arith.extui %sign3A_44 : i1 to i32
      %sign3A_46 = arith.constant 0 : i32
      %sign3A_47 = arith.cmpi slt, %scan3A_42, %sign3A_46 : i32
      %sign3A_48 = arith.extui %sign3A_47 : i1 to i32
      %sign3A_49 = arith.subi %sign3A_45, %sign3A_48 : i32
      %sign3A_50 = arith.constant 0 : i32
      %sign3A_51 = arith.cmpi sgt, %jit3A, %sign3A_50 : i32
      %sign3A_52 = arith.extui %sign3A_51 : i1 to i32
      %sign3A_53 = arith.constant 0 : i32
      %sign3A_54 = arith.cmpi slt, %jit3A, %sign3A_53 : i32
      %sign3A_55 = arith.extui %sign3A_54 : i1 to i32
      %sign3A_56 = arith.subi %sign3A_52, %sign3A_55 : i32
      %ne3A = arith.cmpi ne, %sign3A_49, %sign3A_56 : i32
      %rem3A = arith.remsi %scan3A_42, %jit3A : i32
      %ne3A_57 = arith.constant 0 : i32
      %ne3A_58 = arith.cmpi ne, %rem3A, %ne3A_57 : i32
      %and3A = arith.andi %ne3A, %ne3A_58 : i1
      %sub3A = arith.constant 1 : i32
      %sub3A_59 = arith.subi %div3A, %sub3A : i32
      %select_n3A = arith.select %and3A, %sub3A_59, %div3A : i32
      %jit3A_60 = arith.constant 4 : i32
      %eq3A_61 = arith.constant 0 : i32
      %eq3A_62 = arith.cmpi eq, %jit3A_60, %eq3A_61 : i32
      %jit3A_63 = arith.constant 1 : i32
      %select_n3A_64 = arith.select %eq3A_62, %jit3A_63, %jit3A_60 : i32
      %rem3A_65 = arith.remsi %scan3A_42, %select_n3A_64 : i32
      %ne3A_66 = arith.constant 0 : i32
      %ne3A_67 = arith.cmpi ne, %rem3A_65, %ne3A_66 : i32
      %lt3A = arith.constant 0 : i32
      %lt3A_68 = arith.cmpi slt, %rem3A_65, %lt3A : i32
      %lt3A_69 = arith.constant 0 : i32
      %lt3A_70 = arith.cmpi slt, %select_n3A_64, %lt3A_69 : i32
      %ne3A_71 = arith.xori %lt3A_68, %lt3A_70 : i1
      %and3A_72 = arith.andi %ne3A_71, %ne3A_67 : i1
      %add3A_73 = arith.addi %rem3A_65, %select_n3A_64 : i32
      %select_n3A_74 = arith.select %and3A_72, %add3A_73, %rem3A_65 : i32
      %mul3A_75 = arith.constant 16 : i32
      %mul3A_76 = arith.muli %select_n3A_74, %mul3A_75 : i32
      %swap3A = arith.index_cast %select_n3A : i32 to index
      %swap3A_77 = arith.index_cast %mul3A_76 : i32 to index
      %swap3A_78 = tpu.vector_load %arg9[%swap3A, %swap3A_77] {strides = array<i32>} : memref<128x64xf32, #tpu.memory_space<vmem>>, vector<1x16xf32>,
      %swap3A_79 = vector.shape_cast %swap3A_78 : vector<1x16xf32> to vector<16xf32>
      %swap3A_80 = vector.shape_cast %broadcast_in_dim3A_3 : vector<16xf32> to vector<1x16xf32>
      tpu.vector_store %arg9[%swap3A, %swap3A_77], %swap3A_80 {strides = array<i32>} : memref<128x64xf32, #tpu.memory_space<vmem>>, vector<1x16xf32>,
      %scan3A_81 = arith.constant 0 : i32
      scf.yield %scan3A_81 : i32
    }
    %scan3A_9 = arith.constant 512 : i32
    %mul3A_10 = arith.constant 640 : i32
    %mul3A_11 = arith.muli %arg1, %mul3A_10 : i32
    %add3A_12 = arith.constant 0 : i32
    %add3A_13 = arith.addi %mul3A_11, %add3A_12 : i32
    "tpu.region"() ({
      %run_scoped3A = tpu.sem_alloc : memref<!tpu.dma_semaphore, #tpu.memory_space<semaphore_mem>>
      %dma_start3A = arith.constant 0 : i32
      %dma_start3A_42 = tpu.memref_slice %arg13[%add3A_13, %dma_start3A] : memref<10240x64xf32, #tpu.memory_space<vmem_shared>> -> memref<128x64xf32, #tpu.memory_space<vmem_shared>>
      %dma_start3A_43 = arith.constant 0 : i32
      %dma_start3A_44 = tpu.memref_slice %arg13[%add3A_13, %dma_start3A_43] : memref<10240x64xf32, #tpu.memory_space<vmem_shared>> -> memref<128x64xf32, #tpu.memory_space<vmem_shared>>
      tpu.enqueue_dma source(%arg9 : memref<128x64xf32, #tpu.memory_space<vmem>>) target(%dma_start3A_44 : memref<128x64xf32, #tpu.memory_space<vmem_shared>>) target_semaphore(%run_scoped3A : memref<!tpu.dma_semaphore, #tpu.memory_space<semaphore_mem>>)
      %dma_wait3A = arith.constant 0 : i32
      %dma_wait3A_45 = tpu.memref_slice %arg13[%add3A_13, %dma_wait3A] : memref<10240x64xf32, #tpu.memory_space<vmem_shared>> -> memref<128x64xf32, #tpu.memory_space<vmem_shared>>
      %dma_wait3A_46 = arith.constant 0 : i32
      %dma_wait3A_47 = tpu.memref_slice %arg13[%add3A_13, %dma_wait3A_46] : memref<10240x64xf32, #tpu.memory_space<vmem_shared>> -> memref<128x64xf32, #tpu.memory_space<vmem_shared>>
      tpu.wait_dma2 semaphore(%run_scoped3A : memref<!tpu.dma_semaphore, #tpu.memory_space<semaphore_mem>>) src(%arg9 : memref<128x64xf32, #tpu.memory_space<vmem>>) dst(%dma_wait3A_47 : memref<128x64xf32, #tpu.memory_space<vmem_shared>>)
      tpu.yield
    }) : () -> ()
    %mul3A_14 = arith.constant 640 : i32
    %mul3A_15 = arith.muli %arg1, %mul3A_14 : i32
    %add3A_16 = arith.constant 128 : i32
    %add3A_17 = arith.addi %mul3A_15, %add3A_16 : i32
    "tpu.region"() ({
      %run_scoped3A = tpu.sem_alloc : memref<!tpu.dma_semaphore, #tpu.memory_space<semaphore_mem>>
      %dma_start3A = arith.constant 0 : i32
      %dma_start3A_42 = tpu.memref_slice %arg13[%add3A_17, %dma_start3A] : memref<10240x64xf32, #tpu.memory_space<vmem_shared>> -> memref<128x64xf32, #tpu.memory_space<vmem_shared>>
      %dma_start3A_43 = arith.constant 0 : i32
      %dma_start3A_44 = tpu.memref_slice %arg13[%add3A_17, %dma_start3A_43] : memref<10240x64xf32, #tpu.memory_space<vmem_shared>> -> memref<128x64xf32, #tpu.memory_space<vmem_shared>>
      tpu.enqueue_dma source(%arg9 : memref<128x64xf32, #tpu.memory_space<vmem>>) target(%dma_start3A_44 : memref<128x64xf32, #tpu.memory_space<vmem_shared>>) target_semaphore(%run_scoped3A : memref<!tpu.dma_semaphore, #tpu.memory_space<semaphore_mem>>)
      %dma_wait3A = arith.constant 0 : i32
      %dma_wait3A_45 = tpu.memref_slice %arg13[%add3A_17, %dma_wait3A] : memref<10240x64xf32, #tpu.memory_space<vmem_shared>> -> memref<128x64xf32, #tpu.memory_space<vmem_shared>>
      %dma_wait3A_46 = arith.constant 0 : i32
      %dma_wait3A_47 = tpu.memref_slice %arg13[%add3A_17, %dma_wait3A_46] : memref<10240x64xf32, #tpu.memory_space<vmem_shared>> -> memref<128x64xf32, #tpu.memory_space<vmem_shared>>
      tpu.wait_dma2 semaphore(%run_scoped3A : memref<!tpu.dma_semaphore, #tpu.memory_space<semaphore_mem>>) src(%arg9 : memref<128x64xf32, #tpu.memory_space<vmem>>) dst(%dma_wait3A_47 : memref<128x64xf32, #tpu.memory_space<vmem_shared>>)
      tpu.yield
    }) : () -> ()
    %mul3A_18 = arith.constant 640 : i32
    %mul3A_19 = arith.muli %arg1, %mul3A_18 : i32
    %add3A_20 = arith.constant 256 : i32
    %add3A_21 = arith.addi %mul3A_19, %add3A_20 : i32
    "tpu.region"() ({
      %run_scoped3A = tpu.sem_alloc : memref<!tpu.dma_semaphore, #tpu.memory_space<semaphore_mem>>
      %dma_start3A = arith.constant 0 : i32
      %dma_start3A_42 = tpu.memref_slice %arg13[%add3A_21, %dma_start3A] : memref<10240x64xf32, #tpu.memory_space<vmem_shared>> -> memref<128x64xf32, #tpu.memory_space<vmem_shared>>
      %dma_start3A_43 = arith.constant 0 : i32
      %dma_start3A_44 = tpu.memref_slice %arg13[%add3A_21, %dma_start3A_43] : memref<10240x64xf32, #tpu.memory_space<vmem_shared>> -> memref<128x64xf32, #tpu.memory_space<vmem_shared>>
      tpu.enqueue_dma source(%arg9 : memref<128x64xf32, #tpu.memory_space<vmem>>) target(%dma_start3A_44 : memref<128x64xf32, #tpu.memory_space<vmem_shared>>) target_semaphore(%run_scoped3A : memref<!tpu.dma_semaphore, #tpu.memory_space<semaphore_mem>>)
      %dma_wait3A = arith.constant 0 : i32
      %dma_wait3A_45 = tpu.memref_slice %arg13[%add3A_21, %dma_wait3A] : memref<10240x64xf32, #tpu.memory_space<vmem_shared>> -> memref<128x64xf32, #tpu.memory_space<vmem_shared>>
      %dma_wait3A_46 = arith.constant 0 : i32
      %dma_wait3A_47 = tpu.memref_slice %arg13[%add3A_21, %dma_wait3A_46] : memref<10240x64xf32, #tpu.memory_space<vmem_shared>> -> memref<128x64xf32, #tpu.memory_space<vmem_shared>>
      tpu.wait_dma2 semaphore(%run_scoped3A : memref<!tpu.dma_semaphore, #tpu.memory_space<semaphore_mem>>) src(%arg9 : memref<128x64xf32, #tpu.memory_space<vmem>>) dst(%dma_wait3A_47 : memref<128x64xf32, #tpu.memory_space<vmem_shared>>)
      tpu.yield
    }) : () -> ()
    %mul3A_22 = arith.constant 640 : i32
    %mul3A_23 = arith.muli %arg1, %mul3A_22 : i32
    %add3A_24 = arith.constant 384 : i32
    %add3A_25 = arith.addi %mul3A_23, %add3A_24 : i32
    "tpu.region"() ({
      %run_scoped3A = tpu.sem_alloc : memref<!tpu.dma_semaphore, #tpu.memory_space<semaphore_mem>>
      %dma_start3A = arith.constant 0 : i32
      %dma_start3A_42 = tpu.memref_slice %arg13[%add3A_25, %dma_start3A] : memref<10240x64xf32, #tpu.memory_space<vmem_shared>> -> memref<128x64xf32, #tpu.memory_space<vmem_shared>>
      %dma_start3A_43 = arith.constant 0 : i32
      %dma_start3A_44 = tpu.memref_slice %arg13[%add3A_25, %dma_start3A_43] : memref<10240x64xf32, #tpu.memory_space<vmem_shared>> -> memref<128x64xf32, #tpu.memory_space<vmem_shared>>
      tpu.enqueue_dma source(%arg9 : memref<128x64xf32, #tpu.memory_space<vmem>>) target(%dma_start3A_44 : memref<128x64xf32, #tpu.memory_space<vmem_shared>>) target_semaphore(%run_scoped3A : memref<!tpu.dma_semaphore, #tpu.memory_space<semaphore_mem>>)
      %dma_wait3A = arith.constant 0 : i32
      %dma_wait3A_45 = tpu.memref_slice %arg13[%add3A_25, %dma_wait3A] : memref<10240x64xf32, #tpu.memory_space<vmem_shared>> -> memref<128x64xf32, #tpu.memory_space<vmem_shared>>
      %dma_wait3A_46 = arith.constant 0 : i32
      %dma_wait3A_47 = tpu.memref_slice %arg13[%add3A_25, %dma_wait3A_46] : memref<10240x64xf32, #tpu.memory_space<vmem_shared>> -> memref<128x64xf32, #tpu.memory_space<vmem_shared>>
      tpu.wait_dma2 semaphore(%run_scoped3A : memref<!tpu.dma_semaphore, #tpu.memory_space<semaphore_mem>>) src(%arg9 : memref<128x64xf32, #tpu.memory_space<vmem>>) dst(%dma_wait3A_47 : memref<128x64xf32, #tpu.memory_space<vmem_shared>>)
      tpu.yield
    }) : () -> ()
    %mul3A_26 = arith.constant 640 : i32
    %mul3A_27 = arith.muli %arg1, %mul3A_26 : i32
    %add3A_28 = arith.constant 512 : i32
    %add3A_29 = arith.addi %mul3A_27, %add3A_28 : i32
    "tpu.region"() ({
      %run_scoped3A = tpu.sem_alloc : memref<!tpu.dma_semaphore, #tpu.memory_space<semaphore_mem>>
      %dma_start3A = arith.constant 0 : i32
      %dma_start3A_42 = tpu.memref_slice %arg13[%add3A_29, %dma_start3A] : memref<10240x64xf32, #tpu.memory_space<vmem_shared>> -> memref<128x64xf32, #tpu.memory_space<vmem_shared>>
      %dma_start3A_43 = arith.constant 0 : i32
      %dma_start3A_44 = tpu.memref_slice %arg13[%add3A_29, %dma_start3A_43] : memref<10240x64xf32, #tpu.memory_space<vmem_shared>> -> memref<128x64xf32, #tpu.memory_space<vmem_shared>>
      tpu.enqueue_dma source(%arg9 : memref<128x64xf32, #tpu.memory_space<vmem>>) target(%dma_start3A_44 : memref<128x64xf32, #tpu.memory_space<vmem_shared>>) target_semaphore(%run_scoped3A : memref<!tpu.dma_semaphore, #tpu.memory_space<semaphore_mem>>)
      %dma_wait3A = arith.constant 0 : i32
      %dma_wait3A_45 = tpu.memref_slice %arg13[%add3A_29, %dma_wait3A] : memref<10240x64xf32, #tpu.memory_space<vmem_shared>> -> memref<128x64xf32, #tpu.memory_space<vmem_shared>>
      %dma_wait3A_46 = arith.constant 0 : i32
      %dma_wait3A_47 = tpu.memref_slice %arg13[%add3A_29, %dma_wait3A_46] : memref<10240x64xf32, #tpu.memory_space<vmem_shared>> -> memref<128x64xf32, #tpu.memory_space<vmem_shared>>
      tpu.wait_dma2 semaphore(%run_scoped3A : memref<!tpu.dma_semaphore, #tpu.memory_space<semaphore_mem>>) src(%arg9 : memref<128x64xf32, #tpu.memory_space<vmem>>) dst(%dma_wait3A_47 : memref<128x64xf32, #tpu.memory_space<vmem_shared>>)
      tpu.yield
    }) : () -> ()
    %barrier3A = arith.constant 0 : index
    tpu.barrier barrier_id(%barrier3A)
    %eq3A = arith.constant 0 : i32
    %eq3A_30 = arith.cmpi eq, %arg0, %eq3A : i32
    %convert_element_type3A = arith.extui %eq3A_30 : i1 to i32
    %cond3A = arith.constant 0 : i32
    %cond3A_31 = arith.cmpi ne, %convert_element_type3A, %cond3A : i32
    scf.if %cond3A_31 {
      %mul3A_42 = arith.constant 109 : i32
      %mul3A_43 = arith.muli %arg1, %mul3A_42 : i32
      %mul3A_44 = arith.constant 128 : i32
      %mul3A_45 = arith.muli %mul3A_43, %mul3A_44 : i32
      "tpu.region"() ({
        %run_scoped3A = tpu.sem_alloc : memref<!tpu.dma_semaphore, #tpu.memory_space<semaphore_mem>>
        %dma_start3A_92 = arith.constant 0 : i32
        %dma_start3A_93 = tpu.memref_slice %arg6[%dma_start3A_92] : memref<13952xi32, #tpu.memory_space<vmem>> -> memref<13952xi32, #tpu.memory_space<vmem>>
        %dma_start3A_94 = tpu.memref_slice %arg3[%mul3A_45] : memref<323584xi32, #tpu.memory_space<hbm>> -> memref<13952xi32, #tpu.memory_space<hbm>>
        %dma_start3A_95 = arith.constant 0 : i32
        %dma_start3A_96 = tpu.memref_slice %arg6[%dma_start3A_95] : memref<13952xi32, #tpu.memory_space<vmem>> -> memref<13952xi32, #tpu.memory_space<vmem>>
        %dma_start3A_97 = tpu.memref_slice %arg3[%mul3A_45] : memref<323584xi32, #tpu.memory_space<hbm>> -> memref<13952xi32, #tpu.memory_space<hbm>>
        tpu.enqueue_dma source(%dma_start3A_97 : memref<13952xi32, #tpu.memory_space<hbm>>) target(%dma_start3A_96 : memref<13952xi32, #tpu.memory_space<vmem>>) target_semaphore(%run_scoped3A : memref<!tpu.dma_semaphore, #tpu.memory_space<semaphore_mem>>)
        %dma_wait3A_98 = arith.constant 0 : i32
        %dma_wait3A_99 = tpu.memref_slice %arg6[%dma_wait3A_98] : memref<13952xi32, #tpu.memory_space<vmem>> -> memref<13952xi32, #tpu.memory_space<vmem>>
        %dma_wait3A_100 = tpu.memref_slice %arg3[%mul3A_45] : memref<323584xi32, #tpu.memory_space<hbm>> -> memref<13952xi32, #tpu.memory_space<hbm>>
        %dma_wait3A_101 = arith.constant 0 : i32
        %dma_wait3A_102 = tpu.memref_slice %arg6[%dma_wait3A_101] : memref<13952xi32, #tpu.memory_space<vmem>> -> memref<13952xi32, #tpu.memory_space<vmem>>
        %dma_wait3A_103 = tpu.memref_slice %arg3[%mul3A_45] : memref<323584xi32, #tpu.memory_space<hbm>> -> memref<13952xi32, #tpu.memory_space<hbm>>
        tpu.wait_dma2 semaphore(%run_scoped3A : memref<!tpu.dma_semaphore, #tpu.memory_space<semaphore_mem>>) src(%dma_wait3A_103 : memref<13952xi32, #tpu.memory_space<hbm>>) dst(%dma_wait3A_102 : memref<13952xi32, #tpu.memory_space<vmem>>)
        tpu.yield
      }) : () -> ()
      %dma_start3A = arith.constant 0 : i32
      %dma_start3A_46 = tpu.memref_slice %arg6[%dma_start3A] : memref<13952xi32, #tpu.memory_space<vmem>> -> memref<128xi32, #tpu.memory_space<vmem>>
      %dma_start3A_47 = arith.constant 0 : i32
      %dma_start3A_48 = arith.constant 0 : i32
      %dma_start3A_49 = tpu.memref_slice %arg2[%dma_start3A_47, %dma_start3A_48] : memref<10000x64xf32, #tpu.memory_space<hbm>> -> memref<10000x64xf32, #tpu.memory_space<hbm>>
      tpu.enqueue_indirect_dma source(%dma_start3A_49 : memref<10000x64xf32, #tpu.memory_space<hbm>>) target(%arg9 : memref<128x64xf32, #tpu.memory_space<vmem>>) offsets(%dma_start3A_46 : memref<128xi32, #tpu.memory_space<vmem>>) semaphore(%arg11 : memref<!tpu.dma_semaphore, #tpu.memory_space<semaphore_mem>>)
      %dma_start3A_50 = arith.constant 128 : i32
      %dma_start3A_51 = tpu.memref_slice %arg6[%dma_start3A_50] : memref<13952xi32, #tpu.memory_space<vmem>> -> memref<128xi32, #tpu.memory_space<vmem>>
      %dma_start3A_52 = arith.constant 0 : i32
      %dma_start3A_53 = arith.constant 0 : i32
      %dma_start3A_54 = tpu.memref_slice %arg2[%dma_start3A_52, %dma_start3A_53] : memref<10000x64xf32, #tpu.memory_space<hbm>> -> memref<10000x64xf32, #tpu.memory_space<hbm>>
      tpu.enqueue_indirect_dma source(%dma_start3A_54 : memref<10000x64xf32, #tpu.memory_space<hbm>>) target(%arg10 : memref<128x64xf32, #tpu.memory_space<vmem>>) offsets(%dma_start3A_51 : memref<128xi32, #tpu.memory_space<vmem>>) semaphore(%arg12 : memref<!tpu.dma_semaphore, #tpu.memory_space<semaphore_mem>>)
      %scan3A_55 = arith.constant 0 : i32
      %scan3A_56 = arith.constant 0 : i32
      %scan3A_57 = arith.constant 53 : i32
      %scan3A_58 = arith.addi %scan3A_56, %scan3A_57 : i32
      %scan3A_59 = arith.constant 1 : i32
      %scan3A_60 = scf.for %scan3A_92 = %scan3A_56 to %scan3A_58 step %scan3A_59 iter_args(%scan3A_93 = %scan3A_55) -> (i32)  : i32 {
        %mul3A_94 = arith.constant 2 : i32
        %mul3A_95 = arith.muli %mul3A_94, %scan3A_92 : i32
        %mul3A_96 = arith.constant 128 : i32
        %mul3A_97 = arith.muli %mul3A_95, %mul3A_96 : i32
        %add3A_98 = arith.addi %mul3A_45, %mul3A_97 : i32
        %mul3A_99 = arith.constant 2 : i32
        %mul3A_100 = arith.muli %mul3A_99, %scan3A_92 : i32
        %mul3A_101 = arith.constant 128 : i32
        %mul3A_102 = arith.muli %mul3A_100, %mul3A_101 : i32
        "tpu.region"() ({
          %run_scoped3A = tpu.sem_alloc : memref<!tpu.dma_semaphore, #tpu.memory_space<semaphore_mem>>
          %dma_start3A_128 = tpu.memref_slice %arg4[%add3A_98] : memref<323584xi32, #tpu.memory_space<hbm>> -> memref<128xi32, #tpu.memory_space<hbm>>
          %dma_start3A_129 = tpu.memref_slice %arg4[%add3A_98] : memref<323584xi32, #tpu.memory_space<hbm>> -> memref<128xi32, #tpu.memory_space<hbm>>
          tpu.enqueue_dma source(%dma_start3A_129 : memref<128xi32, #tpu.memory_space<hbm>>) target(%arg7 : memref<128xi32, #tpu.memory_space<vmem>>) target_semaphore(%run_scoped3A : memref<!tpu.dma_semaphore, #tpu.memory_space<semaphore_mem>>)
          %dma_wait3A_130 = tpu.memref_slice %arg4[%add3A_98] : memref<323584xi32, #tpu.memory_space<hbm>> -> memref<128xi32, #tpu.memory_space<hbm>>
          %dma_wait3A_131 = tpu.memref_slice %arg4[%add3A_98] : memref<323584xi32, #tpu.memory_space<hbm>> -> memref<128xi32, #tpu.memory_space<hbm>>
          tpu.wait_dma2 semaphore(%run_scoped3A : memref<!tpu.dma_semaphore, #tpu.memory_space<semaphore_mem>>) src(%dma_wait3A_131 : memref<128xi32, #tpu.memory_space<hbm>>) dst(%arg7 : memref<128xi32, #tpu.memory_space<vmem>>)
          tpu.yield
        }) : () -> ()
        %dma_wait3A_103 = tpu.memref_slice %arg6[%mul3A_102] : memref<13952xi32, #tpu.memory_space<vmem>> -> memref<128xi32, #tpu.memory_space<vmem>>
        %dma_wait3A_104 = arith.constant 0 : i32
        %dma_wait3A_105 = arith.constant 0 : i32
        %dma_wait3A_106 = tpu.memref_slice %arg2[%dma_wait3A_104, %dma_wait3A_105] : memref<10000x64xf32, #tpu.memory_space<hbm>> -> memref<10000x64xf32, #tpu.memory_space<hbm>>
        tpu.wait_indirect_dma semaphore(%arg11 : memref<!tpu.dma_semaphore, #tpu.memory_space<semaphore_mem>>) src(%dma_wait3A_106 : memref<10000x64xf32, #tpu.memory_space<hbm>>) dst(%arg9 : memref<128x64xf32, #tpu.memory_space<vmem>>)
        "tpu.region"() ({
          %run_scoped3A = tpu.sem_alloc : memref<!tpu.dma_semaphore, #tpu.memory_space<semaphore_mem>>
          %dma_start3A_128 = arith.constant 0 : i32
          %dma_start3A_129 = arith.constant 0 : i32
          %dma_start3A_130 = tpu.memref_slice %arg13[%dma_start3A_128, %dma_start3A_129] : memref<10240x64xf32, #tpu.memory_space<vmem_shared>> -> memref<10240x64xf32, #tpu.memory_space<vmem_shared>>
          tpu.enqueue_indirect_dma source(%arg9 : memref<128x64xf32, #tpu.memory_space<vmem>>) target(%dma_start3A_130 : memref<10240x64xf32, #tpu.memory_space<vmem_shared>>) offsets(%arg7 : memref<128xi32, #tpu.memory_space<vmem>>) semaphore(%run_scoped3A : memref<!tpu.dma_semaphore, #tpu.memory_space<semaphore_mem>>) {add = true}
          %dma_wait3A_131 = arith.constant 0 : i32
          %dma_wait3A_132 = arith.constant 0 : i32
          %dma_wait3A_133 = tpu.memref_slice %arg13[%dma_wait3A_131, %dma_wait3A_132] : memref<10240x64xf32, #tpu.memory_space<vmem_shared>> -> memref<10240x64xf32, #tpu.memory_space<vmem_shared>>
          tpu.wait_indirect_dma semaphore(%run_scoped3A : memref<!tpu.dma_semaphore, #tpu.memory_space<semaphore_mem>>) src(%arg9 : memref<128x64xf32, #tpu.memory_space<vmem>>) dst(%dma_wait3A_133 : memref<10240x64xf32, #tpu.memory_space<vmem_shared>>)
          tpu.yield
        }) : () -> ()
        %add3A_107 = arith.constant 256 : i32
        %add3A_108 = arith.addi %mul3A_102, %add3A_107 : i32
        %dma_start3A_109 = tpu.memref_slice %arg6[%add3A_108] : memref<13952xi32, #tpu.memory_space<vmem>> -> memref<128xi32, #tpu.memory_space<vmem>>
        %dma_start3A_110 = arith.constant 0 : i32
        %dma_start3A_111 = arith.constant 0 : i32
        %dma_start3A_112 = tpu.memref_slice %arg2[%dma_start3A_110, %dma_start3A_111] : memref<10000x64xf32, #tpu.memory_space<hbm>> -> memref<10000x64xf32, #tpu.memory_space<hbm>>
        tpu.enqueue_indirect_dma source(%dma_start3A_112 : memref<10000x64xf32, #tpu.memory_space<hbm>>) target(%arg9 : memref<128x64xf32, #tpu.memory_space<vmem>>) offsets(%dma_start3A_109 : memref<128xi32, #tpu.memory_space<vmem>>) semaphore(%arg11 : memref<!tpu.dma_semaphore, #tpu.memory_space<semaphore_mem>>)
        %add3A_113 = arith.constant 128 : i32
        %add3A_114 = arith.addi %add3A_98, %add3A_113 : i32
        "tpu.region"() ({
          %run_scoped3A = tpu.sem_alloc : memref<!tpu.dma_semaphore, #tpu.memory_space<semaphore_mem>>
          %dma_start3A_128 = tpu.memref_slice %arg4[%add3A_114] : memref<323584xi32, #tpu.memory_space<hbm>> -> memref<128xi32, #tpu.memory_space<hbm>>
          %dma_start3A_129 = tpu.memref_slice %arg4[%add3A_114] : memref<323584xi32, #tpu.memory_space<hbm>> -> memref<128xi32, #tpu.memory_space<hbm>>
          tpu.enqueue_dma source(%dma_start3A_129 : memref<128xi32, #tpu.memory_space<hbm>>) target(%arg8 : memref<128xi32, #tpu.memory_space<vmem>>) target_semaphore(%run_scoped3A : memref<!tpu.dma_semaphore, #tpu.memory_space<semaphore_mem>>)
          %dma_wait3A_130 = tpu.memref_slice %arg4[%add3A_114] : memref<323584xi32, #tpu.memory_space<hbm>> -> memref<128xi32, #tpu.memory_space<hbm>>
          %dma_wait3A_131 = tpu.memref_slice %arg4[%add3A_114] : memref<323584xi32, #tpu.memory_space<hbm>> -> memref<128xi32, #tpu.memory_space<hbm>>
          tpu.wait_dma2 semaphore(%run_scoped3A : memref<!tpu.dma_semaphore, #tpu.memory_space<semaphore_mem>>) src(%dma_wait3A_131 : memref<128xi32, #tpu.memory_space<hbm>>) dst(%arg8 : memref<128xi32, #tpu.memory_space<vmem>>)
          tpu.yield
        }) : () -> ()
        %add3A_115 = arith.constant 128 : i32
        %add3A_116 = arith.addi %mul3A_102, %add3A_115 : i32
        %dma_wait3A_117 = tpu.memref_slice %arg6[%add3A_116] : memref<13952xi32, #tpu.memory_space<vmem>> -> memref<128xi32, #tpu.memory_space<vmem>>
        %dma_wait3A_118 = arith.constant 0 : i32
        %dma_wait3A_119 = arith.constant 0 : i32
        %dma_wait3A_120 = tpu.memref_slice %arg2[%dma_wait3A_118, %dma_wait3A_119] : memref<10000x64xf32, #tpu.memory_space<hbm>> -> memref<10000x64xf32, #tpu.memory_space<hbm>>
        tpu.wait_indirect_dma semaphore(%arg12 : memref<!tpu.dma_semaphore, #tpu.memory_space<semaphore_mem>>) src(%dma_wait3A_120 : memref<10000x64xf32, #tpu.memory_space<hbm>>) dst(%arg10 : memref<128x64xf32, #tpu.memory_space<vmem>>)
        "tpu.region"() ({
          %run_scoped3A = tpu.sem_alloc : memref<!tpu.dma_semaphore, #tpu.memory_space<semaphore_mem>>
          %dma_start3A_128 = arith.constant 0 : i32
          %dma_start3A_129 = arith.constant 0 : i32
          %dma_start3A_130 = tpu.memref_slice %arg13[%dma_start3A_128, %dma_start3A_129] : memref<10240x64xf32, #tpu.memory_space<vmem_shared>> -> memref<10240x64xf32, #tpu.memory_space<vmem_shared>>
          tpu.enqueue_indirect_dma source(%arg10 : memref<128x64xf32, #tpu.memory_space<vmem>>) target(%dma_start3A_130 : memref<10240x64xf32, #tpu.memory_space<vmem_shared>>) offsets(%arg8 : memref<128xi32, #tpu.memory_space<vmem>>) semaphore(%run_scoped3A : memref<!tpu.dma_semaphore, #tpu.memory_space<semaphore_mem>>) {add = true}
          %dma_wait3A_131 = arith.constant 0 : i32
          %dma_wait3A_132 = arith.constant 0 : i32
          %dma_wait3A_133 = tpu.memref_slice %arg13[%dma_wait3A_131, %dma_wait3A_132] : memref<10240x64xf32, #tpu.memory_space<vmem_shared>> -> memref<10240x64xf32, #tpu.memory_space<vmem_shared>>
          tpu.wait_indirect_dma semaphore(%run_scoped3A : memref<!tpu.dma_semaphore, #tpu.memory_space<semaphore_mem>>) src(%arg10 : memref<128x64xf32, #tpu.memory_space<vmem>>) dst(%dma_wait3A_133 : memref<10240x64xf32, #tpu.memory_space<vmem_shared>>)
          tpu.yield
        }) : () -> ()
        %add3A_121 = arith.constant 384 : i32
        %add3A_122 = arith.addi %mul3A_102, %add3A_121 : i32
        %dma_start3A_123 = tpu.memref_slice %arg6[%add3A_122] : memref<13952xi32, #tpu.memory_space<vmem>> -> memref<128xi32, #tpu.memory_space<vmem>>
        %dma_start3A_124 = arith.constant 0 : i32
        %dma_start3A_125 = arith.constant 0 : i32
        %dma_start3A_126 = tpu.memref_slice %arg2[%dma_start3A_124, %dma_start3A_125] : memref<10000x64xf32, #tpu.memory_space<hbm>> -> memref<10000x64xf32, #tpu.memory_space<hbm>>
        tpu.enqueue_indirect_dma source(%dma_start3A_126 : memref<10000x64xf32, #tpu.memory_space<hbm>>) target(%arg10 : memref<128x64xf32, #tpu.memory_space<vmem>>) offsets(%dma_start3A_123 : memref<128xi32, #tpu.memory_space<vmem>>) semaphore(%arg12 : memref<!tpu.dma_semaphore, #tpu.memory_space<semaphore_mem>>)
        %scan3A_127 = arith.constant 0 : i32
        scf.yield %scan3A_127 : i32
      }
      %scan3A_61 = arith.constant 53 : i32
      %add3A_62 = arith.constant 13952 : i32
      %add3A_63 = arith.addi %mul3A_45, %add3A_62 : i32
      %sub3A = arith.constant 384 : i32
      %sub3A_64 = arith.subi %add3A_63, %sub3A : i32
      "tpu.region"() ({
        %run_scoped3A = tpu.sem_alloc : memref<!tpu.dma_semaphore, #tpu.memory_space<semaphore_mem>>
        %dma_start3A_92 = tpu.memref_slice %arg4[%sub3A_64] : memref<323584xi32, #tpu.memory_space<hbm>> -> memref<128xi32, #tpu.memory_space<hbm>>
        %dma_start3A_93 = tpu.memref_slice %arg4[%sub3A_64] : memref<323584xi32, #tpu.memory_space<hbm>> -> memref<128xi32, #tpu.memory_space<hbm>>
        tpu.enqueue_dma source(%dma_start3A_93 : memref<128xi32, #tpu.memory_space<hbm>>) target(%arg7 : memref<128xi32, #tpu.memory_space<vmem>>) target_semaphore(%run_scoped3A : memref<!tpu.dma_semaphore, #tpu.memory_space<semaphore_mem>>)
        %dma_wait3A_94 = tpu.memref_slice %arg4[%sub3A_64] : memref<323584xi32, #tpu.memory_space<hbm>> -> memref<128xi32, #tpu.memory_space<hbm>>
        %dma_wait3A_95 = tpu.memref_slice %arg4[%sub3A_64] : memref<323584xi32, #tpu.memory_space<hbm>> -> memref<128xi32, #tpu.memory_space<hbm>>
        tpu.wait_dma2 semaphore(%run_scoped3A : memref<!tpu.dma_semaphore, #tpu.memory_space<semaphore_mem>>) src(%dma_wait3A_95 : memref<128xi32, #tpu.memory_space<hbm>>) dst(%arg7 : memref<128xi32, #tpu.memory_space<vmem>>)
        tpu.yield
      }) : () -> ()
      %dma_wait3A = arith.constant 13568 : i32
      %dma_wait3A_65 = tpu.memref_slice %arg6[%dma_wait3A] : memref<13952xi32, #tpu.memory_space<vmem>> -> memref<128xi32, #tpu.memory_space<vmem>>
      %dma_wait3A_66 = arith.constant 0 : i32
      %dma_wait3A_67 = arith.constant 0 : i32
      %dma_wait3A_68 = tpu.memref_slice %arg2[%dma_wait3A_66, %dma_wait3A_67] : memref<10000x64xf32, #tpu.memory_space<hbm>> -> memref<10000x64xf32, #tpu.memory_space<hbm>>
      tpu.wait_indirect_dma semaphore(%arg11 : memref<!tpu.dma_semaphore, #tpu.memory_space<semaphore_mem>>) src(%dma_wait3A_68 : memref<10000x64xf32, #tpu.memory_space<hbm>>) dst(%arg9 : memref<128x64xf32, #tpu.memory_space<vmem>>)
      "tpu.region"() ({
        %run_scoped3A = tpu.sem_alloc : memref<!tpu.dma_semaphore, #tpu.memory_space<semaphore_mem>>
        %dma_start3A_92 = arith.constant 0 : i32
        %dma_start3A_93 = arith.constant 0 : i32
        %dma_start3A_94 = tpu.memref_slice %arg13[%dma_start3A_92, %dma_start3A_93] : memref<10240x64xf32, #tpu.memory_space<vmem_shared>> -> memref<10240x64xf32, #tpu.memory_space<vmem_shared>>
        tpu.enqueue_indirect_dma source(%arg9 : memref<128x64xf32, #tpu.memory_space<vmem>>) target(%dma_start3A_94 : memref<10240x64xf32, #tpu.memory_space<vmem_shared>>) offsets(%arg7 : memref<128xi32, #tpu.memory_space<vmem>>) semaphore(%run_scoped3A : memref<!tpu.dma_semaphore, #tpu.memory_space<semaphore_mem>>) {add = true}
        %dma_wait3A_95 = arith.constant 0 : i32
        %dma_wait3A_96 = arith.constant 0 : i32
        %dma_wait3A_97 = tpu.memref_slice %arg13[%dma_wait3A_95, %dma_wait3A_96] : memref<10240x64xf32, #tpu.memory_space<vmem_shared>> -> memref<10240x64xf32, #tpu.memory_space<vmem_shared>>
        tpu.wait_indirect_dma semaphore(%run_scoped3A : memref<!tpu.dma_semaphore, #tpu.memory_space<semaphore_mem>>) src(%arg9 : memref<128x64xf32, #tpu.memory_space<vmem>>) dst(%dma_wait3A_97 : memref<10240x64xf32, #tpu.memory_space<vmem_shared>>)
        tpu.yield
      }) : () -> ()
      %add3A_69 = arith.constant 13952 : i32
      %add3A_70 = arith.addi %mul3A_45, %add3A_69 : i32
      %sub3A_71 = arith.constant 256 : i32
      %sub3A_72 = arith.subi %add3A_70, %sub3A_71 : i32
      "tpu.region"() ({
        %run_scoped3A = tpu.sem_alloc : memref<!tpu.dma_semaphore, #tpu.memory_space<semaphore_mem>>
        %dma_start3A_92 = tpu.memref_slice %arg4[%sub3A_72] : memref<323584xi32, #tpu.memory_space<hbm>> -> memref<128xi32, #tpu.memory_space<hbm>>
        %dma_start3A_93 = tpu.memref_slice %arg4[%sub3A_72] : memref<323584xi32, #tpu.memory_space<hbm>> -> memref<128xi32, #tpu.memory_space<hbm>>
        tpu.enqueue_dma source(%dma_start3A_93 : memref<128xi32, #tpu.memory_space<hbm>>) target(%arg8 : memref<128xi32, #tpu.memory_space<vmem>>) target_semaphore(%run_scoped3A : memref<!tpu.dma_semaphore, #tpu.memory_space<semaphore_mem>>)
        %dma_wait3A_94 = tpu.memref_slice %arg4[%sub3A_72] : memref<323584xi32, #tpu.memory_space<hbm>> -> memref<128xi32, #tpu.memory_space<hbm>>
        %dma_wait3A_95 = tpu.memref_slice %arg4[%sub3A_72] : memref<323584xi32, #tpu.memory_space<hbm>> -> memref<128xi32, #tpu.memory_space<hbm>>
        tpu.wait_dma2 semaphore(%run_scoped3A : memref<!tpu.dma_semaphore, #tpu.memory_space<semaphore_mem>>) src(%dma_wait3A_95 : memref<128xi32, #tpu.memory_space<hbm>>) dst(%arg8 : memref<128xi32, #tpu.memory_space<vmem>>)
        tpu.yield
      }) : () -> ()
      %dma_wait3A_73 = arith.constant 13696 : i32
      %dma_wait3A_74 = tpu.memref_slice %arg6[%dma_wait3A_73] : memref<13952xi32, #tpu.memory_space<vmem>> -> memref<128xi32, #tpu.memory_space<vmem>>
      %dma_wait3A_75 = arith.constant 0 : i32
      %dma_wait3A_76 = arith.constant 0 : i32
      %dma_wait3A_77 = tpu.memref_slice %arg2[%dma_wait3A_75, %dma_wait3A_76] : memref<10000x64xf32, #tpu.memory_space<hbm>> -> memref<10000x64xf32, #tpu.memory_space<hbm>>
      tpu.wait_indirect_dma semaphore(%arg12 : memref<!tpu.dma_semaphore, #tpu.memory_space<semaphore_mem>>) src(%dma_wait3A_77 : memref<10000x64xf32, #tpu.memory_space<hbm>>) dst(%arg10 : memref<128x64xf32, #tpu.memory_space<vmem>>)
      "tpu.region"() ({
        %run_scoped3A = tpu.sem_alloc : memref<!tpu.dma_semaphore, #tpu.memory_space<semaphore_mem>>
        %dma_start3A_92 = arith.constant 0 : i32
        %dma_start3A_93 = arith.constant 0 : i32
        %dma_start3A_94 = tpu.memref_slice %arg13[%dma_start3A_92, %dma_start3A_93] : memref<10240x64xf32, #tpu.memory_space<vmem_shared>> -> memref<10240x64xf32, #tpu.memory_space<vmem_shared>>
        tpu.enqueue_indirect_dma source(%arg10 : memref<128x64xf32, #tpu.memory_space<vmem>>) target(%dma_start3A_94 : memref<10240x64xf32, #tpu.memory_space<vmem_shared>>) offsets(%arg8 : memref<128xi32, #tpu.memory_space<vmem>>) semaphore(%run_scoped3A : memref<!tpu.dma_semaphore, #tpu.memory_space<semaphore_mem>>) {add = true}
        %dma_wait3A_95 = arith.constant 0 : i32
        %dma_wait3A_96 = arith.constant 0 : i32
        %dma_wait3A_97 = tpu.memref_slice %arg13[%dma_wait3A_95, %dma_wait3A_96] : memref<10240x64xf32, #tpu.memory_space<vmem_shared>> -> memref<10240x64xf32, #tpu.memory_space<vmem_shared>>
        tpu.wait_indirect_dma semaphore(%run_scoped3A : memref<!tpu.dma_semaphore, #tpu.memory_space<semaphore_mem>>) src(%arg10 : memref<128x64xf32, #tpu.memory_space<vmem>>) dst(%dma_wait3A_97 : memref<10240x64xf32, #tpu.memory_space<vmem_shared>>)
        tpu.yield
      }) : () -> ()
      %dma_start3A_78 = arith.constant 13824 : i32
      %dma_start3A_79 = tpu.memref_slice %arg6[%dma_start3A_78] : memref<13952xi32, #tpu.memory_space<vmem>> -> memref<128xi32, #tpu.memory_space<vmem>>
      %dma_start3A_80 = arith.constant 0 : i32
      %dma_start3A_81 = arith.constant 0 : i32
      %dma_start3A_82 = tpu.memref_slice %arg2[%dma_start3A_80, %dma_start3A_81] : memref<10000x64xf32, #tpu.memory_space<hbm>> -> memref<10000x64xf32, #tpu.memory_space<hbm>>
      tpu.enqueue_indirect_dma source(%dma_start3A_82 : memref<10000x64xf32, #tpu.memory_space<hbm>>) target(%arg9 : memref<128x64xf32, #tpu.memory_space<vmem>>) offsets(%dma_start3A_79 : memref<128xi32, #tpu.memory_space<vmem>>) semaphore(%arg11 : memref<!tpu.dma_semaphore, #tpu.memory_space<semaphore_mem>>)
      %add3A_83 = arith.constant 13952 : i32
      %add3A_84 = arith.addi %mul3A_45, %add3A_83 : i32
      %sub3A_85 = arith.constant 128 : i32
      %sub3A_86 = arith.subi %add3A_84, %sub3A_85 : i32
      "tpu.region"() ({
        %run_scoped3A = tpu.sem_alloc : memref<!tpu.dma_semaphore, #tpu.memory_space<semaphore_mem>>
        %dma_start3A_92 = tpu.memref_slice %arg4[%sub3A_86] : memref<323584xi32, #tpu.memory_space<hbm>> -> memref<128xi32, #tpu.memory_space<hbm>>
        %dma_start3A_93 = tpu.memref_slice %arg4[%sub3A_86] : memref<323584xi32, #tpu.memory_space<hbm>> -> memref<128xi32, #tpu.memory_space<hbm>>
        tpu.enqueue_dma source(%dma_start3A_93 : memref<128xi32, #tpu.memory_space<hbm>>) target(%arg7 : memref<128xi32, #tpu.memory_space<vmem>>) target_semaphore(%run_scoped3A : memref<!tpu.dma_semaphore, #tpu.memory_space<semaphore_mem>>)
        %dma_wait3A_94 = tpu.memref_slice %arg4[%sub3A_86] : memref<323584xi32, #tpu.memory_space<hbm>> -> memref<128xi32, #tpu.memory_space<hbm>>
        %dma_wait3A_95 = tpu.memref_slice %arg4[%sub3A_86] : memref<323584xi32, #tpu.memory_space<hbm>> -> memref<128xi32, #tpu.memory_space<hbm>>
        tpu.wait_dma2 semaphore(%run_scoped3A : memref<!tpu.dma_semaphore, #tpu.memory_space<semaphore_mem>>) src(%dma_wait3A_95 : memref<128xi32, #tpu.memory_space<hbm>>) dst(%arg7 : memref<128xi32, #tpu.memory_space<vmem>>)
        tpu.yield
      }) : () -> ()
      %dma_wait3A_87 = arith.constant 13824 : i32
      %dma_wait3A_88 = tpu.memref_slice %arg6[%dma_wait3A_87] : memref<13952xi32, #tpu.memory_space<vmem>> -> memref<128xi32, #tpu.memory_space<vmem>>
      %dma_wait3A_89 = arith.constant 0 : i32
      %dma_wait3A_90 = arith.constant 0 : i32
      %dma_wait3A_91 = tpu.memref_slice %arg2[%dma_wait3A_89, %dma_wait3A_90] : memref<10000x64xf32, #tpu.memory_space<hbm>> -> memref<10000x64xf32, #tpu.memory_space<hbm>>
      tpu.wait_indirect_dma semaphore(%arg11 : memref<!tpu.dma_semaphore, #tpu.memory_space<semaphore_mem>>) src(%dma_wait3A_91 : memref<10000x64xf32, #tpu.memory_space<hbm>>) dst(%arg9 : memref<128x64xf32, #tpu.memory_space<vmem>>)
      "tpu.region"() ({
        %run_scoped3A = tpu.sem_alloc : memref<!tpu.dma_semaphore, #tpu.memory_space<semaphore_mem>>
        %dma_start3A_92 = arith.constant 0 : i32
        %dma_start3A_93 = arith.constant 0 : i32
        %dma_start3A_94 = tpu.memref_slice %arg13[%dma_start3A_92, %dma_start3A_93] : memref<10240x64xf32, #tpu.memory_space<vmem_shared>> -> memref<10240x64xf32, #tpu.memory_space<vmem_shared>>
        tpu.enqueue_indirect_dma source(%arg9 : memref<128x64xf32, #tpu.memory_space<vmem>>) target(%dma_start3A_94 : memref<10240x64xf32, #tpu.memory_space<vmem_shared>>) offsets(%arg7 : memref<128xi32, #tpu.memory_space<vmem>>) semaphore(%run_scoped3A : memref<!tpu.dma_semaphore, #tpu.memory_space<semaphore_mem>>) {add = true}
        %dma_wait3A_95 = arith.constant 0 : i32
        %dma_wait3A_96 = arith.constant 0 : i32
        %dma_wait3A_97 = tpu.memref_slice %arg13[%dma_wait3A_95, %dma_wait3A_96] : memref<10240x64xf32, #tpu.memory_space<vmem_shared>> -> memref<10240x64xf32, #tpu.memory_space<vmem_shared>>
        tpu.wait_indirect_dma semaphore(%run_scoped3A : memref<!tpu.dma_semaphore, #tpu.memory_space<semaphore_mem>>) src(%arg9 : memref<128x64xf32, #tpu.memory_space<vmem>>) dst(%dma_wait3A_97 : memref<10240x64xf32, #tpu.memory_space<vmem_shared>>)
        tpu.yield
      }) : () -> ()
    } else {
    }
    %eq3A_32 = arith.constant 1 : i32
    %eq3A_33 = arith.cmpi eq, %arg0, %eq3A_32 : i32
    %convert_element_type3A_34 = arith.extui %eq3A_33 : i1 to i32
    %cond3A_35 = arith.constant 0 : i32
    %cond3A_36 = arith.cmpi ne, %convert_element_type3A_34, %cond3A_35 : i32
    scf.if %cond3A_36 {
      %mul3A_42 = arith.constant 49 : i32
      %mul3A_43 = arith.muli %arg1, %mul3A_42 : i32
      %mul3A_44 = arith.constant 128 : i32
      %mul3A_45 = arith.muli %mul3A_43, %mul3A_44 : i32
      %add3A_46 = arith.constant 223232 : i32
      %add3A_47 = arith.addi %add3A_46, %mul3A_45 : i32
      "tpu.region"() ({
        %run_scoped3A = tpu.sem_alloc : memref<!tpu.dma_semaphore, #tpu.memory_space<semaphore_mem>>
        %dma_start3A_94 = arith.constant 0 : i32
        %dma_start3A_95 = tpu.memref_slice %arg6[%dma_start3A_94] : memref<13952xi32, #tpu.memory_space<vmem>> -> memref<6272xi32, #tpu.memory_space<vmem>>
        %dma_start3A_96 = tpu.memref_slice %arg3[%add3A_47] : memref<323584xi32, #tpu.memory_space<hbm>> -> memref<6272xi32, #tpu.memory_space<hbm>>
        %dma_start3A_97 = arith.constant 0 : i32
        %dma_start3A_98 = tpu.memref_slice %arg6[%dma_start3A_97] : memref<13952xi32, #tpu.memory_space<vmem>> -> memref<6272xi32, #tpu.memory_space<vmem>>
        %dma_start3A_99 = tpu.memref_slice %arg3[%add3A_47] : memref<323584xi32, #tpu.memory_space<hbm>> -> memref<6272xi32, #tpu.memory_space<hbm>>
        tpu.enqueue_dma source(%dma_start3A_99 : memref<6272xi32, #tpu.memory_space<hbm>>) target(%dma_start3A_98 : memref<6272xi32, #tpu.memory_space<vmem>>) target_semaphore(%run_scoped3A : memref<!tpu.dma_semaphore, #tpu.memory_space<semaphore_mem>>)
        %dma_wait3A_100 = arith.constant 0 : i32
        %dma_wait3A_101 = tpu.memref_slice %arg6[%dma_wait3A_100] : memref<13952xi32, #tpu.memory_space<vmem>> -> memref<6272xi32, #tpu.memory_space<vmem>>
        %dma_wait3A_102 = tpu.memref_slice %arg3[%add3A_47] : memref<323584xi32, #tpu.memory_space<hbm>> -> memref<6272xi32, #tpu.memory_space<hbm>>
        %dma_wait3A_103 = arith.constant 0 : i32
        %dma_wait3A_104 = tpu.memref_slice %arg6[%dma_wait3A_103] : memref<13952xi32, #tpu.memory_space<vmem>> -> memref<6272xi32, #tpu.memory_space<vmem>>
        %dma_wait3A_105 = tpu.memref_slice %arg3[%add3A_47] : memref<323584xi32, #tpu.memory_space<hbm>> -> memref<6272xi32, #tpu.memory_space<hbm>>
        tpu.wait_dma2 semaphore(%run_scoped3A : memref<!tpu.dma_semaphore, #tpu.memory_space<semaphore_mem>>) src(%dma_wait3A_105 : memref<6272xi32, #tpu.memory_space<hbm>>) dst(%dma_wait3A_104 : memref<6272xi32, #tpu.memory_space<vmem>>)
        tpu.yield
      }) : () -> ()
      %dma_start3A = arith.constant 0 : i32
      %dma_start3A_48 = tpu.memref_slice %arg6[%dma_start3A] : memref<13952xi32, #tpu.memory_space<vmem>> -> memref<128xi32, #tpu.memory_space<vmem>>
      %dma_start3A_49 = arith.constant 0 : i32
      %dma_start3A_50 = arith.constant 0 : i32
      %dma_start3A_51 = tpu.memref_slice %arg2[%dma_start3A_49, %dma_start3A_50] : memref<10000x64xf32, #tpu.memory_space<hbm>> -> memref<10000x64xf32, #tpu.memory_space<hbm>>
      tpu.enqueue_indirect_dma source(%dma_start3A_51 : memref<10000x64xf32, #tpu.memory_space<hbm>>) target(%arg9 : memref<128x64xf32, #tpu.memory_space<vmem>>) offsets(%dma_start3A_48 : memref<128xi32, #tpu.memory_space<vmem>>) semaphore(%arg11 : memref<!tpu.dma_semaphore, #tpu.memory_space<semaphore_mem>>)
      %dma_start3A_52 = arith.constant 128 : i32
      %dma_start3A_53 = tpu.memref_slice %arg6[%dma_start3A_52] : memref<13952xi32, #tpu.memory_space<vmem>> -> memref<128xi32, #tpu.memory_space<vmem>>
      %dma_start3A_54 = arith.constant 0 : i32
      %dma_start3A_55 = arith.constant 0 : i32
      %dma_start3A_56 = tpu.memref_slice %arg2[%dma_start3A_54, %dma_start3A_55] : memref<10000x64xf32, #tpu.memory_space<hbm>> -> memref<10000x64xf32, #tpu.memory_space<hbm>>
      tpu.enqueue_indirect_dma source(%dma_start3A_56 : memref<10000x64xf32, #tpu.memory_space<hbm>>) target(%arg10 : memref<128x64xf32, #tpu.memory_space<vmem>>) offsets(%dma_start3A_53 : memref<128xi32, #tpu.memory_space<vmem>>) semaphore(%arg12 : memref<!tpu.dma_semaphore, #tpu.memory_space<semaphore_mem>>)
      %scan3A_57 = arith.constant 0 : i32
      %scan3A_58 = arith.constant 0 : i32
      %scan3A_59 = arith.constant 23 : i32
      %scan3A_60 = arith.addi %scan3A_58, %scan3A_59 : i32
      %scan3A_61 = arith.constant 1 : i32
      %scan3A_62 = scf.for %scan3A_94 = %scan3A_58 to %scan3A_60 step %scan3A_61 iter_args(%scan3A_95 = %scan3A_57) -> (i32)  : i32 {
        %mul3A_96 = arith.constant 2 : i32
        %mul3A_97 = arith.muli %mul3A_96, %scan3A_94 : i32
        %mul3A_98 = arith.constant 128 : i32
        %mul3A_99 = arith.muli %mul3A_97, %mul3A_98 : i32
        %add3A_100 = arith.addi %add3A_47, %mul3A_99 : i32
        %mul3A_101 = arith.constant 2 : i32
        %mul3A_102 = arith.muli %mul3A_101, %scan3A_94 : i32
        %mul3A_103 = arith.constant 128 : i32
        %mul3A_104 = arith.muli %mul3A_102, %mul3A_103 : i32
        "tpu.region"() ({
          %run_scoped3A = tpu.sem_alloc : memref<!tpu.dma_semaphore, #tpu.memory_space<semaphore_mem>>
          %dma_start3A_130 = tpu.memref_slice %arg4[%add3A_100] : memref<323584xi32, #tpu.memory_space<hbm>> -> memref<128xi32, #tpu.memory_space<hbm>>
          %dma_start3A_131 = tpu.memref_slice %arg4[%add3A_100] : memref<323584xi32, #tpu.memory_space<hbm>> -> memref<128xi32, #tpu.memory_space<hbm>>
          tpu.enqueue_dma source(%dma_start3A_131 : memref<128xi32, #tpu.memory_space<hbm>>) target(%arg7 : memref<128xi32, #tpu.memory_space<vmem>>) target_semaphore(%run_scoped3A : memref<!tpu.dma_semaphore, #tpu.memory_space<semaphore_mem>>)
          %dma_wait3A_132 = tpu.memref_slice %arg4[%add3A_100] : memref<323584xi32, #tpu.memory_space<hbm>> -> memref<128xi32, #tpu.memory_space<hbm>>
          %dma_wait3A_133 = tpu.memref_slice %arg4[%add3A_100] : memref<323584xi32, #tpu.memory_space<hbm>> -> memref<128xi32, #tpu.memory_space<hbm>>
          tpu.wait_dma2 semaphore(%run_scoped3A : memref<!tpu.dma_semaphore, #tpu.memory_space<semaphore_mem>>) src(%dma_wait3A_133 : memref<128xi32, #tpu.memory_space<hbm>>) dst(%arg7 : memref<128xi32, #tpu.memory_space<vmem>>)
          tpu.yield
        }) : () -> ()
        %dma_wait3A_105 = tpu.memref_slice %arg6[%mul3A_104] : memref<13952xi32, #tpu.memory_space<vmem>> -> memref<128xi32, #tpu.memory_space<vmem>>
        %dma_wait3A_106 = arith.constant 0 : i32
        %dma_wait3A_107 = arith.constant 0 : i32
        %dma_wait3A_108 = tpu.memref_slice %arg2[%dma_wait3A_106, %dma_wait3A_107] : memref<10000x64xf32, #tpu.memory_space<hbm>> -> memref<10000x64xf32, #tpu.memory_space<hbm>>
        tpu.wait_indirect_dma semaphore(%arg11 : memref<!tpu.dma_semaphore, #tpu.memory_space<semaphore_mem>>) src(%dma_wait3A_108 : memref<10000x64xf32, #tpu.memory_space<hbm>>) dst(%arg9 : memref<128x64xf32, #tpu.memory_space<vmem>>)
        "tpu.region"() ({
          %run_scoped3A = tpu.sem_alloc : memref<!tpu.dma_semaphore, #tpu.memory_space<semaphore_mem>>
          %dma_start3A_130 = arith.constant 0 : i32
          %dma_start3A_131 = arith.constant 0 : i32
          %dma_start3A_132 = tpu.memref_slice %arg13[%dma_start3A_130, %dma_start3A_131] : memref<10240x64xf32, #tpu.memory_space<vmem_shared>> -> memref<10240x64xf32, #tpu.memory_space<vmem_shared>>
          tpu.enqueue_indirect_dma source(%arg9 : memref<128x64xf32, #tpu.memory_space<vmem>>) target(%dma_start3A_132 : memref<10240x64xf32, #tpu.memory_space<vmem_shared>>) offsets(%arg7 : memref<128xi32, #tpu.memory_space<vmem>>) semaphore(%run_scoped3A : memref<!tpu.dma_semaphore, #tpu.memory_space<semaphore_mem>>) {add = true}
          %dma_wait3A_133 = arith.constant 0 : i32
          %dma_wait3A_134 = arith.constant 0 : i32
          %dma_wait3A_135 = tpu.memref_slice %arg13[%dma_wait3A_133, %dma_wait3A_134] : memref<10240x64xf32, #tpu.memory_space<vmem_shared>> -> memref<10240x64xf32, #tpu.memory_space<vmem_shared>>
          tpu.wait_indirect_dma semaphore(%run_scoped3A : memref<!tpu.dma_semaphore, #tpu.memory_space<semaphore_mem>>) src(%arg9 : memref<128x64xf32, #tpu.memory_space<vmem>>) dst(%dma_wait3A_135 : memref<10240x64xf32, #tpu.memory_space<vmem_shared>>)
          tpu.yield
        }) : () -> ()
        %add3A_109 = arith.constant 256 : i32
        %add3A_110 = arith.addi %mul3A_104, %add3A_109 : i32
        %dma_start3A_111 = tpu.memref_slice %arg6[%add3A_110] : memref<13952xi32, #tpu.memory_space<vmem>> -> memref<128xi32, #tpu.memory_space<vmem>>
        %dma_start3A_112 = arith.constant 0 : i32
        %dma_start3A_113 = arith.constant 0 : i32
        %dma_start3A_114 = tpu.memref_slice %arg2[%dma_start3A_112, %dma_start3A_113] : memref<10000x64xf32, #tpu.memory_space<hbm>> -> memref<10000x64xf32, #tpu.memory_space<hbm>>
        tpu.enqueue_indirect_dma source(%dma_start3A_114 : memref<10000x64xf32, #tpu.memory_space<hbm>>) target(%arg9 : memref<128x64xf32, #tpu.memory_space<vmem>>) offsets(%dma_start3A_111 : memref<128xi32, #tpu.memory_space<vmem>>) semaphore(%arg11 : memref<!tpu.dma_semaphore, #tpu.memory_space<semaphore_mem>>)
        %add3A_115 = arith.constant 128 : i32
        %add3A_116 = arith.addi %add3A_100, %add3A_115 : i32
        "tpu.region"() ({
          %run_scoped3A = tpu.sem_alloc : memref<!tpu.dma_semaphore, #tpu.memory_space<semaphore_mem>>
          %dma_start3A_130 = tpu.memref_slice %arg4[%add3A_116] : memref<323584xi32, #tpu.memory_space<hbm>> -> memref<128xi32, #tpu.memory_space<hbm>>
          %dma_start3A_131 = tpu.memref_slice %arg4[%add3A_116] : memref<323584xi32, #tpu.memory_space<hbm>> -> memref<128xi32, #tpu.memory_space<hbm>>
          tpu.enqueue_dma source(%dma_start3A_131 : memref<128xi32, #tpu.memory_space<hbm>>) target(%arg8 : memref<128xi32, #tpu.memory_space<vmem>>) target_semaphore(%run_scoped3A : memref<!tpu.dma_semaphore, #tpu.memory_space<semaphore_mem>>)
          %dma_wait3A_132 = tpu.memref_slice %arg4[%add3A_116] : memref<323584xi32, #tpu.memory_space<hbm>> -> memref<128xi32, #tpu.memory_space<hbm>>
          %dma_wait3A_133 = tpu.memref_slice %arg4[%add3A_116] : memref<323584xi32, #tpu.memory_space<hbm>> -> memref<128xi32, #tpu.memory_space<hbm>>
          tpu.wait_dma2 semaphore(%run_scoped3A : memref<!tpu.dma_semaphore, #tpu.memory_space<semaphore_mem>>) src(%dma_wait3A_133 : memref<128xi32, #tpu.memory_space<hbm>>) dst(%arg8 : memref<128xi32, #tpu.memory_space<vmem>>)
          tpu.yield
        }) : () -> ()
        %add3A_117 = arith.constant 128 : i32
        %add3A_118 = arith.addi %mul3A_104, %add3A_117 : i32
        %dma_wait3A_119 = tpu.memref_slice %arg6[%add3A_118] : memref<13952xi32, #tpu.memory_space<vmem>> -> memref<128xi32, #tpu.memory_space<vmem>>
        %dma_wait3A_120 = arith.constant 0 : i32
        %dma_wait3A_121 = arith.constant 0 : i32
        %dma_wait3A_122 = tpu.memref_slice %arg2[%dma_wait3A_120, %dma_wait3A_121] : memref<10000x64xf32, #tpu.memory_space<hbm>> -> memref<10000x64xf32, #tpu.memory_space<hbm>>
        tpu.wait_indirect_dma semaphore(%arg12 : memref<!tpu.dma_semaphore, #tpu.memory_space<semaphore_mem>>) src(%dma_wait3A_122 : memref<10000x64xf32, #tpu.memory_space<hbm>>) dst(%arg10 : memref<128x64xf32, #tpu.memory_space<vmem>>)
        "tpu.region"() ({
          %run_scoped3A = tpu.sem_alloc : memref<!tpu.dma_semaphore, #tpu.memory_space<semaphore_mem>>
          %dma_start3A_130 = arith.constant 0 : i32
          %dma_start3A_131 = arith.constant 0 : i32
          %dma_start3A_132 = tpu.memref_slice %arg13[%dma_start3A_130, %dma_start3A_131] : memref<10240x64xf32, #tpu.memory_space<vmem_shared>> -> memref<10240x64xf32, #tpu.memory_space<vmem_shared>>
          tpu.enqueue_indirect_dma source(%arg10 : memref<128x64xf32, #tpu.memory_space<vmem>>) target(%dma_start3A_132 : memref<10240x64xf32, #tpu.memory_space<vmem_shared>>) offsets(%arg8 : memref<128xi32, #tpu.memory_space<vmem>>) semaphore(%run_scoped3A : memref<!tpu.dma_semaphore, #tpu.memory_space<semaphore_mem>>) {add = true}
          %dma_wait3A_133 = arith.constant 0 : i32
          %dma_wait3A_134 = arith.constant 0 : i32
          %dma_wait3A_135 = tpu.memref_slice %arg13[%dma_wait3A_133, %dma_wait3A_134] : memref<10240x64xf32, #tpu.memory_space<vmem_shared>> -> memref<10240x64xf32, #tpu.memory_space<vmem_shared>>
          tpu.wait_indirect_dma semaphore(%run_scoped3A : memref<!tpu.dma_semaphore, #tpu.memory_space<semaphore_mem>>) src(%arg10 : memref<128x64xf32, #tpu.memory_space<vmem>>) dst(%dma_wait3A_135 : memref<10240x64xf32, #tpu.memory_space<vmem_shared>>)
          tpu.yield
        }) : () -> ()
        %add3A_123 = arith.constant 384 : i32
        %add3A_124 = arith.addi %mul3A_104, %add3A_123 : i32
        %dma_start3A_125 = tpu.memref_slice %arg6[%add3A_124] : memref<13952xi32, #tpu.memory_space<vmem>> -> memref<128xi32, #tpu.memory_space<vmem>>
        %dma_start3A_126 = arith.constant 0 : i32
        %dma_start3A_127 = arith.constant 0 : i32
        %dma_start3A_128 = tpu.memref_slice %arg2[%dma_start3A_126, %dma_start3A_127] : memref<10000x64xf32, #tpu.memory_space<hbm>> -> memref<10000x64xf32, #tpu.memory_space<hbm>>
        tpu.enqueue_indirect_dma source(%dma_start3A_128 : memref<10000x64xf32, #tpu.memory_space<hbm>>) target(%arg10 : memref<128x64xf32, #tpu.memory_space<vmem>>) offsets(%dma_start3A_125 : memref<128xi32, #tpu.memory_space<vmem>>) semaphore(%arg12 : memref<!tpu.dma_semaphore, #tpu.memory_space<semaphore_mem>>)
        %scan3A_129 = arith.constant 0 : i32
        scf.yield %scan3A_129 : i32
      }
      %scan3A_63 = arith.constant 23 : i32
      %add3A_64 = arith.constant 6272 : i32
      %add3A_65 = arith.addi %add3A_47, %add3A_64 : i32
      %sub3A = arith.constant 384 : i32
      %sub3A_66 = arith.subi %add3A_65, %sub3A : i32
      "tpu.region"() ({
        %run_scoped3A = tpu.sem_alloc : memref<!tpu.dma_semaphore, #tpu.memory_space<semaphore_mem>>
        %dma_start3A_94 = tpu.memref_slice %arg4[%sub3A_66] : memref<323584xi32, #tpu.memory_space<hbm>> -> memref<128xi32, #tpu.memory_space<hbm>>
        %dma_start3A_95 = tpu.memref_slice %arg4[%sub3A_66] : memref<323584xi32, #tpu.memory_space<hbm>> -> memref<128xi32, #tpu.memory_space<hbm>>
        tpu.enqueue_dma source(%dma_start3A_95 : memref<128xi32, #tpu.memory_space<hbm>>) target(%arg7 : memref<128xi32, #tpu.memory_space<vmem>>) target_semaphore(%run_scoped3A : memref<!tpu.dma_semaphore, #tpu.memory_space<semaphore_mem>>)
        %dma_wait3A_96 = tpu.memref_slice %arg4[%sub3A_66] : memref<323584xi32, #tpu.memory_space<hbm>> -> memref<128xi32, #tpu.memory_space<hbm>>
        %dma_wait3A_97 = tpu.memref_slice %arg4[%sub3A_66] : memref<323584xi32, #tpu.memory_space<hbm>> -> memref<128xi32, #tpu.memory_space<hbm>>
        tpu.wait_dma2 semaphore(%run_scoped3A : memref<!tpu.dma_semaphore, #tpu.memory_space<semaphore_mem>>) src(%dma_wait3A_97 : memref<128xi32, #tpu.memory_space<hbm>>) dst(%arg7 : memref<128xi32, #tpu.memory_space<vmem>>)
        tpu.yield
      }) : () -> ()
      %dma_wait3A = arith.constant 5888 : i32
      %dma_wait3A_67 = tpu.memref_slice %arg6[%dma_wait3A] : memref<13952xi32, #tpu.memory_space<vmem>> -> memref<128xi32, #tpu.memory_space<vmem>>
      %dma_wait3A_68 = arith.constant 0 : i32
      %dma_wait3A_69 = arith.constant 0 : i32
      %dma_wait3A_70 = tpu.memref_slice %arg2[%dma_wait3A_68, %dma_wait3A_69] : memref<10000x64xf32, #tpu.memory_space<hbm>> -> memref<10000x64xf32, #tpu.memory_space<hbm>>
      tpu.wait_indirect_dma semaphore(%arg11 : memref<!tpu.dma_semaphore, #tpu.memory_space<semaphore_mem>>) src(%dma_wait3A_70 : memref<10000x64xf32, #tpu.memory_space<hbm>>) dst(%arg9 : memref<128x64xf32, #tpu.memory_space<vmem>>)
      "tpu.region"() ({
        %run_scoped3A = tpu.sem_alloc : memref<!tpu.dma_semaphore, #tpu.memory_space<semaphore_mem>>
        %dma_start3A_94 = arith.constant 0 : i32
        %dma_start3A_95 = arith.constant 0 : i32
        %dma_start3A_96 = tpu.memref_slice %arg13[%dma_start3A_94, %dma_start3A_95] : memref<10240x64xf32, #tpu.memory_space<vmem_shared>> -> memref<10240x64xf32, #tpu.memory_space<vmem_shared>>
        tpu.enqueue_indirect_dma source(%arg9 : memref<128x64xf32, #tpu.memory_space<vmem>>) target(%dma_start3A_96 : memref<10240x64xf32, #tpu.memory_space<vmem_shared>>) offsets(%arg7 : memref<128xi32, #tpu.memory_space<vmem>>) semaphore(%run_scoped3A : memref<!tpu.dma_semaphore, #tpu.memory_space<semaphore_mem>>) {add = true}
        %dma_wait3A_97 = arith.constant 0 : i32
        %dma_wait3A_98 = arith.constant 0 : i32
        %dma_wait3A_99 = tpu.memref_slice %arg13[%dma_wait3A_97, %dma_wait3A_98] : memref<10240x64xf32, #tpu.memory_space<vmem_shared>> -> memref<10240x64xf32, #tpu.memory_space<vmem_shared>>
        tpu.wait_indirect_dma semaphore(%run_scoped3A : memref<!tpu.dma_semaphore, #tpu.memory_space<semaphore_mem>>) src(%arg9 : memref<128x64xf32, #tpu.memory_space<vmem>>) dst(%dma_wait3A_99 : memref<10240x64xf32, #tpu.memory_space<vmem_shared>>)
        tpu.yield
      }) : () -> ()
      %add3A_71 = arith.constant 6272 : i32
      %add3A_72 = arith.addi %add3A_47, %add3A_71 : i32
      %sub3A_73 = arith.constant 256 : i32
      %sub3A_74 = arith.subi %add3A_72, %sub3A_73 : i32
      "tpu.region"() ({
        %run_scoped3A = tpu.sem_alloc : memref<!tpu.dma_semaphore, #tpu.memory_space<semaphore_mem>>
        %dma_start3A_94 = tpu.memref_slice %arg4[%sub3A_74] : memref<323584xi32, #tpu.memory_space<hbm>> -> memref<128xi32, #tpu.memory_space<hbm>>
        %dma_start3A_95 = tpu.memref_slice %arg4[%sub3A_74] : memref<323584xi32, #tpu.memory_space<hbm>> -> memref<128xi32, #tpu.memory_space<hbm>>
        tpu.enqueue_dma source(%dma_start3A_95 : memref<128xi32, #tpu.memory_space<hbm>>) target(%arg8 : memref<128xi32, #tpu.memory_space<vmem>>) target_semaphore(%run_scoped3A : memref<!tpu.dma_semaphore, #tpu.memory_space<semaphore_mem>>)
        %dma_wait3A_96 = tpu.memref_slice %arg4[%sub3A_74] : memref<323584xi32, #tpu.memory_space<hbm>> -> memref<128xi32, #tpu.memory_space<hbm>>
        %dma_wait3A_97 = tpu.memref_slice %arg4[%sub3A_74] : memref<323584xi32, #tpu.memory_space<hbm>> -> memref<128xi32, #tpu.memory_space<hbm>>
        tpu.wait_dma2 semaphore(%run_scoped3A : memref<!tpu.dma_semaphore, #tpu.memory_space<semaphore_mem>>) src(%dma_wait3A_97 : memref<128xi32, #tpu.memory_space<hbm>>) dst(%arg8 : memref<128xi32, #tpu.memory_space<vmem>>)
        tpu.yield
      }) : () -> ()
      %dma_wait3A_75 = arith.constant 6016 : i32
      %dma_wait3A_76 = tpu.memref_slice %arg6[%dma_wait3A_75] : memref<13952xi32, #tpu.memory_space<vmem>> -> memref<128xi32, #tpu.memory_space<vmem>>
      %dma_wait3A_77 = arith.constant 0 : i32
      %dma_wait3A_78 = arith.constant 0 : i32
      %dma_wait3A_79 = tpu.memref_slice %arg2[%dma_wait3A_77, %dma_wait3A_78] : memref<10000x64xf32, #tpu.memory_space<hbm>> -> memref<10000x64xf32, #tpu.memory_space<hbm>>
      tpu.wait_indirect_dma semaphore(%arg12 : memref<!tpu.dma_semaphore, #tpu.memory_space<semaphore_mem>>) src(%dma_wait3A_79 : memref<10000x64xf32, #tpu.memory_space<hbm>>) dst(%arg10 : memref<128x64xf32, #tpu.memory_space<vmem>>)
      "tpu.region"() ({
        %run_scoped3A = tpu.sem_alloc : memref<!tpu.dma_semaphore, #tpu.memory_space<semaphore_mem>>
        %dma_start3A_94 = arith.constant 0 : i32
        %dma_start3A_95 = arith.constant 0 : i32
        %dma_start3A_96 = tpu.memref_slice %arg13[%dma_start3A_94, %dma_start3A_95] : memref<10240x64xf32, #tpu.memory_space<vmem_shared>> -> memref<10240x64xf32, #tpu.memory_space<vmem_shared>>
        tpu.enqueue_indirect_dma source(%arg10 : memref<128x64xf32, #tpu.memory_space<vmem>>) target(%dma_start3A_96 : memref<10240x64xf32, #tpu.memory_space<vmem_shared>>) offsets(%arg8 : memref<128xi32, #tpu.memory_space<vmem>>) semaphore(%run_scoped3A : memref<!tpu.dma_semaphore, #tpu.memory_space<semaphore_mem>>) {add = true}
        %dma_wait3A_97 = arith.constant 0 : i32
        %dma_wait3A_98 = arith.constant 0 : i32
        %dma_wait3A_99 = tpu.memref_slice %arg13[%dma_wait3A_97, %dma_wait3A_98] : memref<10240x64xf32, #tpu.memory_space<vmem_shared>> -> memref<10240x64xf32, #tpu.memory_space<vmem_shared>>
        tpu.wait_indirect_dma semaphore(%run_scoped3A : memref<!tpu.dma_semaphore, #tpu.memory_space<semaphore_mem>>) src(%arg10 : memref<128x64xf32, #tpu.memory_space<vmem>>) dst(%dma_wait3A_99 : memref<10240x64xf32, #tpu.memory_space<vmem_shared>>)
        tpu.yield
      }) : () -> ()
      %dma_start3A_80 = arith.constant 6144 : i32
      %dma_start3A_81 = tpu.memref_slice %arg6[%dma_start3A_80] : memref<13952xi32, #tpu.memory_space<vmem>> -> memref<128xi32, #tpu.memory_space<vmem>>
      %dma_start3A_82 = arith.constant 0 : i32
      %dma_start3A_83 = arith.constant 0 : i32
      %dma_start3A_84 = tpu.memref_slice %arg2[%dma_start3A_82, %dma_start3A_83] : memref<10000x64xf32, #tpu.memory_space<hbm>> -> memref<10000x64xf32, #tpu.memory_space<hbm>>
      tpu.enqueue_indirect_dma source(%dma_start3A_84 : memref<10000x64xf32, #tpu.memory_space<hbm>>) target(%arg9 : memref<128x64xf32, #tpu.memory_space<vmem>>) offsets(%dma_start3A_81 : memref<128xi32, #tpu.memory_space<vmem>>) semaphore(%arg11 : memref<!tpu.dma_semaphore, #tpu.memory_space<semaphore_mem>>)
      %add3A_85 = arith.constant 6272 : i32
      %add3A_86 = arith.addi %add3A_47, %add3A_85 : i32
      %sub3A_87 = arith.constant 128 : i32
      %sub3A_88 = arith.subi %add3A_86, %sub3A_87 : i32
      "tpu.region"() ({
        %run_scoped3A = tpu.sem_alloc : memref<!tpu.dma_semaphore, #tpu.memory_space<semaphore_mem>>
        %dma_start3A_94 = tpu.memref_slice %arg4[%sub3A_88] : memref<323584xi32, #tpu.memory_space<hbm>> -> memref<128xi32, #tpu.memory_space<hbm>>
        %dma_start3A_95 = tpu.memref_slice %arg4[%sub3A_88] : memref<323584xi32, #tpu.memory_space<hbm>> -> memref<128xi32, #tpu.memory_space<hbm>>
        tpu.enqueue_dma source(%dma_start3A_95 : memref<128xi32, #tpu.memory_space<hbm>>) target(%arg7 : memref<128xi32, #tpu.memory_space<vmem>>) target_semaphore(%run_scoped3A : memref<!tpu.dma_semaphore, #tpu.memory_space<semaphore_mem>>)
        %dma_wait3A_96 = tpu.memref_slice %arg4[%sub3A_88] : memref<323584xi32, #tpu.memory_space<hbm>> -> memref<128xi32, #tpu.memory_space<hbm>>
        %dma_wait3A_97 = tpu.memref_slice %arg4[%sub3A_88] : memref<323584xi32, #tpu.memory_space<hbm>> -> memref<128xi32, #tpu.memory_space<hbm>>
        tpu.wait_dma2 semaphore(%run_scoped3A : memref<!tpu.dma_semaphore, #tpu.memory_space<semaphore_mem>>) src(%dma_wait3A_97 : memref<128xi32, #tpu.memory_space<hbm>>) dst(%arg7 : memref<128xi32, #tpu.memory_space<vmem>>)
        tpu.yield
      }) : () -> ()
      %dma_wait3A_89 = arith.constant 6144 : i32
      %dma_wait3A_90 = tpu.memref_slice %arg6[%dma_wait3A_89] : memref<13952xi32, #tpu.memory_space<vmem>> -> memref<128xi32, #tpu.memory_space<vmem>>
      %dma_wait3A_91 = arith.constant 0 : i32
      %dma_wait3A_92 = arith.constant 0 : i32
      %dma_wait3A_93 = tpu.memref_slice %arg2[%dma_wait3A_91, %dma_wait3A_92] : memref<10000x64xf32, #tpu.memory_space<hbm>> -> memref<10000x64xf32, #tpu.memory_space<hbm>>
      tpu.wait_indirect_dma semaphore(%arg11 : memref<!tpu.dma_semaphore, #tpu.memory_space<semaphore_mem>>) src(%dma_wait3A_93 : memref<10000x64xf32, #tpu.memory_space<hbm>>) dst(%arg9 : memref<128x64xf32, #tpu.memory_space<vmem>>)
      "tpu.region"() ({
        %run_scoped3A = tpu.sem_alloc : memref<!tpu.dma_semaphore, #tpu.memory_space<semaphore_mem>>
        %dma_start3A_94 = arith.constant 0 : i32
        %dma_start3A_95 = arith.constant 0 : i32
        %dma_start3A_96 = tpu.memref_slice %arg13[%dma_start3A_94, %dma_start3A_95] : memref<10240x64xf32, #tpu.memory_space<vmem_shared>> -> memref<10240x64xf32, #tpu.memory_space<vmem_shared>>
        tpu.enqueue_indirect_dma source(%arg9 : memref<128x64xf32, #tpu.memory_space<vmem>>) target(%dma_start3A_96 : memref<10240x64xf32, #tpu.memory_space<vmem_shared>>) offsets(%arg7 : memref<128xi32, #tpu.memory_space<vmem>>) semaphore(%run_scoped3A : memref<!tpu.dma_semaphore, #tpu.memory_space<semaphore_mem>>) {add = true}
        %dma_wait3A_97 = arith.constant 0 : i32
        %dma_wait3A_98 = arith.constant 0 : i32
        %dma_wait3A_99 = tpu.memref_slice %arg13[%dma_wait3A_97, %dma_wait3A_98] : memref<10240x64xf32, #tpu.memory_space<vmem_shared>> -> memref<10240x64xf32, #tpu.memory_space<vmem_shared>>
        tpu.wait_indirect_dma semaphore(%run_scoped3A : memref<!tpu.dma_semaphore, #tpu.memory_space<semaphore_mem>>) src(%arg9 : memref<128x64xf32, #tpu.memory_space<vmem>>) dst(%dma_wait3A_99 : memref<10240x64xf32, #tpu.memory_space<vmem_shared>>)
        tpu.yield
      }) : () -> ()
    } else {
    }
    %barrier3A_37 = arith.constant 0 : index
    tpu.barrier barrier_id(%barrier3A_37)
    %mul3A_38 = arith.constant 640 : i32
    %mul3A_39 = arith.muli %arg1, %mul3A_38 : i32
    %mul3A_40 = arith.constant 640 : i32
    %mul3A_41 = arith.muli %arg1, %mul3A_40 : i32
    "tpu.region"() ({
      %run_scoped3A = tpu.sem_alloc : memref<!tpu.dma_semaphore, #tpu.memory_space<semaphore_mem>>
      %dma_start3A = arith.constant 0 : i32
      %dma_start3A_42 = tpu.memref_slice %arg5[%arg0, %mul3A_41, %dma_start3A] : memref<2x10240x64xf32, #tpu.memory_space<hbm>> -> memref<1x640x64xf32, #tpu.memory_space<hbm>>
      %dma_start3A_43 = tpu.memref_squeeze %dma_start3A_42 : memref<1x640x64xf32, #tpu.memory_space<hbm>> -> memref<640x64xf32, #tpu.memory_space<hbm>>
      %dma_start3A_44 = arith.constant 0 : i32
      %dma_start3A_45 = tpu.memref_slice %arg13[%mul3A_39, %dma_start3A_44] : memref<10240x64xf32, #tpu.memory_space<vmem_shared>> -> memref<640x64xf32, #tpu.memory_space<vmem_shared>>
      tpu.enqueue_dma source(%dma_start3A_45 : memref<640x64xf32, #tpu.memory_space<vmem_shared>>) target(%dma_start3A_43 : memref<640x64xf32, #tpu.memory_space<hbm>>) target_semaphore(%run_scoped3A : memref<!tpu.dma_semaphore, #tpu.memory_space<semaphore_mem>>)
      %dma_wait3A = arith.constant 0 : i32
      %dma_wait3A_46 = tpu.memref_slice %arg5[%arg0, %mul3A_41, %dma_wait3A] : memref<2x10240x64xf32, #tpu.memory_space<hbm>> -> memref<1x640x64xf32, #tpu.memory_space<hbm>>
      %dma_wait3A_47 = tpu.memref_squeeze %dma_wait3A_46 : memref<1x640x64xf32, #tpu.memory_space<hbm>> -> memref<640x64xf32, #tpu.memory_space<hbm>>
      %dma_wait3A_48 = arith.constant 0 : i32
      %dma_wait3A_49 = tpu.memref_slice %arg13[%mul3A_39, %dma_wait3A_48] : memref<10240x64xf32, #tpu.memory_space<vmem_shared>> -> memref<640x64xf32, #tpu.memory_space<vmem_shared>>
      tpu.wait_dma2 semaphore(%run_scoped3A : memref<!tpu.dma_semaphore, #tpu.memory_space<semaphore_mem>>) src(%dma_wait3A_49 : memref<640x64xf32, #tpu.memory_space<vmem_shared>>) dst(%dma_wait3A_47 : memref<640x64xf32, #tpu.memory_space<hbm>>)
      tpu.yield
    }) : () -> ()
    return
  }
}

module attributes {stable_mosaic.version = 14 : i64} {
  func.func @_tc_mid_body(%arg0: memref<2x10240x128xf32, #tpu.memory_space<vmem>>, %arg1: memref<10000x128xf32, #tpu.memory_space<vmem>>, %arg2: memref<10000x1xf32, #tpu.memory_space<vmem>>, %arg3: memref<1x128xf32, #tpu.memory_space<vmem>>, %arg4: memref<128x64xf32, #tpu.memory_space<vmem>>, %arg5: memref<10000x64xf32, #tpu.memory_space<vmem>>) attributes {dimension_semantics = [], scalar_prefetch = 0 : i64, scratch_operands = 0 : i64, tpu.core_type = #tpu.core_type<tc>} {
    %get3A = arith.constant 0 : index
    %get3A_0 = arith.constant 0 : index
    %get3A_1 = arith.constant 0 : index
    %get3A_2 = vector.load %arg0[%get3A, %get3A_0, %get3A_1] : memref<2x10240x128xf32, #tpu.memory_space<vmem>>, vector<1x10000x128xf32>
    %get3A_3 = vector.shape_cast %get3A_2 : vector<1x10000x128xf32> to vector<10000x128xf32>
    %get3A_4 = arith.constant 1 : index
    %get3A_5 = arith.constant 0 : index
    %get3A_6 = arith.constant 0 : index
    %get3A_7 = vector.load %arg0[%get3A_4, %get3A_5, %get3A_6] : memref<2x10240x128xf32, #tpu.memory_space<vmem>>, vector<1x10000x128xf32>
    %get3A_8 = vector.shape_cast %get3A_7 : vector<1x10000x128xf32> to vector<10000x128xf32>
    %add3A = arith.addf %get3A_3, %get3A_8 : vector<10000x128xf32>
    %get3A_9 = arith.constant 0 : index
    %get3A_10 = arith.constant 0 : index
    %get3A_11 = vector.load %arg1[%get3A_9, %get3A_10] : memref<10000x128xf32, #tpu.memory_space<vmem>>, vector<10000x128xf32>
    %add3A_12 = arith.addf %add3A, %get3A_11 : vector<10000x128xf32>
    %get3A_13 = arith.constant 0 : index
    %get3A_14 = arith.constant 0 : index
    %get3A_15 = vector.load %arg2[%get3A_13, %get3A_14] : memref<10000x1xf32, #tpu.memory_space<vmem>>, vector<10000x1xf32>
    %mul3A = vector.broadcast %get3A_15 : vector<10000x1xf32> to vector<10000x128xf32>
    %mul3A_16 = arith.mulf %mul3A, %add3A_12 : vector<10000x128xf32>
    %get3A_17 = arith.constant 0 : index
    %get3A_18 = arith.constant 0 : index
    %get3A_19 = vector.load %arg3[%get3A_17, %get3A_18] : memref<1x128xf32, #tpu.memory_space<vmem>>, vector<1x128xf32>
    %add3A_20 = vector.broadcast %get3A_19 : vector<1x128xf32> to vector<10000x128xf32>
    %add3A_21 = arith.addf %mul3A_16, %add3A_20 : vector<10000x128xf32>
    %max3A = arith.constant 0.000000e+00 : f32
    %max3A_22 = vector.broadcast %max3A : f32 to vector<10000x128xf32>
    %max3A_23 = arith.maximumf %add3A_21, %max3A_22 : vector<10000x128xf32>
    %get3A_24 = arith.constant 0 : index
    %get3A_25 = arith.constant 0 : index
    %get3A_26 = vector.load %arg4[%get3A_24, %get3A_25] : memref<128x64xf32, #tpu.memory_space<vmem>>, vector<128x64xf32>
    %dot_general3A = arith.constant dense<0.000000e+00> : vector<10000x64xf32>
    %dot_general3A_27 = tpu.matmul %max3A_23, %get3A_26, %dot_general3A {dimension_numbers = #tpu.dot_dimension_numbers<[1], [0], [0], [1], [0, 0, 1, 1], [], []>, transpose_lhs_hint = false} : vector<10000x128xf32>, vector<128x64xf32>, vector<10000x64xf32> -> vector<10000x64xf32>
    %mul3A_28 = vector.broadcast %get3A_15 : vector<10000x1xf32> to vector<10000x64xf32>
    %mul3A_29 = arith.mulf %mul3A_28, %dot_general3A_27 : vector<10000x64xf32>
    %swap3A = arith.constant 0 : index
    %swap3A_30 = arith.constant 0 : index
    %swap3A_31 = vector.load %arg5[%swap3A, %swap3A_30] : memref<10000x64xf32, #tpu.memory_space<vmem>>, vector<10000x64xf32>
    tpu.vector_store %arg5[%swap3A, %swap3A_30], %mul3A_29 {strides = array<i32>} : memref<10000x64xf32, #tpu.memory_space<vmem>>, vector<10000x64xf32>,
    return
  }
}

module attributes {stable_mosaic.version = 14 : i64} {
  func.func @_tc_first_body(%arg0: memref<2x10000x1xf32, #tpu.memory_space<vmem>>, %arg1: memref<10000x128xf32, #tpu.memory_space<vmem>>, %arg2: memref<128x128xf32, #tpu.memory_space<vmem>>, %arg3: memref<10000x1xf32, #tpu.memory_space<vmem>>, %arg4: memref<10000x128xf32, #tpu.memory_space<vmem>>) attributes {dimension_semantics = [], scalar_prefetch = 0 : i64, scratch_operands = 0 : i64, tpu.core_type = #tpu.core_type<tc>} {
    %get3A = arith.constant 0 : index
    %get3A_0 = arith.constant 0 : index
    %get3A_1 = arith.constant 0 : index
    %get3A_2 = vector.load %arg0[%get3A, %get3A_0, %get3A_1] : memref<2x10000x1xf32, #tpu.memory_space<vmem>>, vector<1x10000x1xf32>
    %get3A_3 = vector.shape_cast %get3A_2 : vector<1x10000x1xf32> to vector<10000x1xf32>
    %get3A_4 = arith.constant 1 : index
    %get3A_5 = arith.constant 0 : index
    %get3A_6 = arith.constant 0 : index
    %get3A_7 = vector.load %arg0[%get3A_4, %get3A_5, %get3A_6] : memref<2x10000x1xf32, #tpu.memory_space<vmem>>, vector<1x10000x1xf32>
    %get3A_8 = vector.shape_cast %get3A_7 : vector<1x10000x1xf32> to vector<10000x1xf32>
    %add3A = arith.addf %get3A_3, %get3A_8 : vector<10000x1xf32>
    %add3A_9 = arith.constant 1.000000e+00 : f32
    %add3A_10 = vector.broadcast %add3A_9 : f32 to vector<10000x1xf32>
    %add3A_11 = arith.addf %add3A, %add3A_10 : vector<10000x1xf32>
    %rsqrt3A = math.rsqrt %add3A_11 : vector<10000x1xf32>
    %swap3A = arith.constant 0 : index
    %swap3A_12 = arith.constant 0 : index
    %swap3A_13 = vector.load %arg3[%swap3A, %swap3A_12] : memref<10000x1xf32, #tpu.memory_space<vmem>>, vector<10000x1xf32>
    tpu.vector_store %arg3[%swap3A, %swap3A_12], %rsqrt3A {strides = array<i32>} : memref<10000x1xf32, #tpu.memory_space<vmem>>, vector<10000x1xf32>,
    %get3A_14 = arith.constant 0 : index
    %get3A_15 = arith.constant 0 : index
    %get3A_16 = vector.load %arg1[%get3A_14, %get3A_15] : memref<10000x128xf32, #tpu.memory_space<vmem>>, vector<10000x128xf32>
    %get3A_17 = arith.constant 0 : index
    %get3A_18 = arith.constant 0 : index
    %get3A_19 = vector.load %arg2[%get3A_17, %get3A_18] : memref<128x128xf32, #tpu.memory_space<vmem>>, vector<128x128xf32>
    %dot_general3A = arith.constant dense<0.000000e+00> : vector<10000x128xf32>
    %dot_general3A_20 = tpu.matmul %get3A_16, %get3A_19, %dot_general3A {dimension_numbers = #tpu.dot_dimension_numbers<[1], [0], [0], [1], [0, 0, 1, 1], [], []>, transpose_lhs_hint = false} : vector<10000x128xf32>, vector<128x128xf32>, vector<10000x128xf32> -> vector<10000x128xf32>
    %mul3A = vector.broadcast %rsqrt3A : vector<10000x1xf32> to vector<10000x128xf32>
    %mul3A_21 = arith.mulf %mul3A, %dot_general3A_20 : vector<10000x128xf32>
    %swap3A_22 = arith.constant 0 : index
    %swap3A_23 = arith.constant 0 : index
    %swap3A_24 = vector.load %arg4[%swap3A_22, %swap3A_23] : memref<10000x128xf32, #tpu.memory_space<vmem>>, vector<10000x128xf32>
    tpu.vector_store %arg4[%swap3A_22, %swap3A_23], %mul3A_21 {strides = array<i32>} : memref<10000x128xf32, #tpu.memory_space<vmem>>, vector<10000x128xf32>,
    return
  }
}

module attributes {stable_mosaic.version = 14 : i64} {
  func.func @_tc_mid_body(%arg0: memref<2x10240x64xf32, #tpu.memory_space<vmem>>, %arg1: memref<10000x64xf32, #tpu.memory_space<vmem>>, %arg2: memref<10000x1xf32, #tpu.memory_space<vmem>>, %arg3: memref<1x64xf32, #tpu.memory_space<vmem>>, %arg4: memref<64x48xf32, #tpu.memory_space<vmem>>, %arg5: memref<10000x48xf32, #tpu.memory_space<vmem>>) attributes {dimension_semantics = [], scalar_prefetch = 0 : i64, scratch_operands = 0 : i64, tpu.core_type = #tpu.core_type<tc>} {
    %get3A = arith.constant 0 : index
    %get3A_0 = arith.constant 0 : index
    %get3A_1 = arith.constant 0 : index
    %get3A_2 = vector.load %arg0[%get3A, %get3A_0, %get3A_1] : memref<2x10240x64xf32, #tpu.memory_space<vmem>>, vector<1x10000x64xf32>
    %get3A_3 = vector.shape_cast %get3A_2 : vector<1x10000x64xf32> to vector<10000x64xf32>
    %get3A_4 = arith.constant 1 : index
    %get3A_5 = arith.constant 0 : index
    %get3A_6 = arith.constant 0 : index
    %get3A_7 = vector.load %arg0[%get3A_4, %get3A_5, %get3A_6] : memref<2x10240x64xf32, #tpu.memory_space<vmem>>, vector<1x10000x64xf32>
    %get3A_8 = vector.shape_cast %get3A_7 : vector<1x10000x64xf32> to vector<10000x64xf32>
    %add3A = arith.addf %get3A_3, %get3A_8 : vector<10000x64xf32>
    %get3A_9 = arith.constant 0 : index
    %get3A_10 = arith.constant 0 : index
    %get3A_11 = vector.load %arg1[%get3A_9, %get3A_10] : memref<10000x64xf32, #tpu.memory_space<vmem>>, vector<10000x64xf32>
    %add3A_12 = arith.addf %add3A, %get3A_11 : vector<10000x64xf32>
    %get3A_13 = arith.constant 0 : index
    %get3A_14 = arith.constant 0 : index
    %get3A_15 = vector.load %arg2[%get3A_13, %get3A_14] : memref<10000x1xf32, #tpu.memory_space<vmem>>, vector<10000x1xf32>
    %mul3A = vector.broadcast %get3A_15 : vector<10000x1xf32> to vector<10000x64xf32>
    %mul3A_16 = arith.mulf %mul3A, %add3A_12 : vector<10000x64xf32>
    %get3A_17 = arith.constant 0 : index
    %get3A_18 = arith.constant 0 : index
    %get3A_19 = vector.load %arg3[%get3A_17, %get3A_18] : memref<1x64xf32, #tpu.memory_space<vmem>>, vector<1x64xf32>
    %add3A_20 = vector.broadcast %get3A_19 : vector<1x64xf32> to vector<10000x64xf32>
    %add3A_21 = arith.addf %mul3A_16, %add3A_20 : vector<10000x64xf32>
    %max3A = arith.constant 0.000000e+00 : f32
    %max3A_22 = vector.broadcast %max3A : f32 to vector<10000x64xf32>
    %max3A_23 = arith.maximumf %add3A_21, %max3A_22 : vector<10000x64xf32>
    %get3A_24 = arith.constant 0 : index
    %get3A_25 = arith.constant 0 : index
    %get3A_26 = vector.load %arg4[%get3A_24, %get3A_25] : memref<64x48xf32, #tpu.memory_space<vmem>>, vector<64x48xf32>
    %dot_general3A = arith.constant dense<0.000000e+00> : vector<10000x48xf32>
    %dot_general3A_27 = tpu.matmul %max3A_23, %get3A_26, %dot_general3A {dimension_numbers = #tpu.dot_dimension_numbers<[1], [0], [0], [1], [0, 0, 1, 1], [], []>, transpose_lhs_hint = false} : vector<10000x64xf32>, vector<64x48xf32>, vector<10000x48xf32> -> vector<10000x48xf32>
    %mul3A_28 = vector.broadcast %get3A_15 : vector<10000x1xf32> to vector<10000x48xf32>
    %mul3A_29 = arith.mulf %mul3A_28, %dot_general3A_27 : vector<10000x48xf32>
    %swap3A = arith.constant 0 : index
    %swap3A_30 = arith.constant 0 : index
    %swap3A_31 = vector.load %arg5[%swap3A, %swap3A_30] : memref<10000x48xf32, #tpu.memory_space<vmem>>, vector<10000x48xf32>
    tpu.vector_store %arg5[%swap3A, %swap3A_30], %mul3A_29 {strides = array<i32>} : memref<10000x48xf32, #tpu.memory_space<vmem>>, vector<10000x48xf32>,
    return
  }
}

module attributes {stable_mosaic.version = 14 : i64} {
  func.func @_tc_out_body(%arg0: memref<2x10240x48xf32, #tpu.memory_space<vmem>>, %arg1: memref<10000x48xf32, #tpu.memory_space<vmem>>, %arg2: memref<10000x1xf32, #tpu.memory_space<vmem>>, %arg3: memref<1x48xf32, #tpu.memory_space<vmem>>, %arg4: memref<10000x48xf32, #tpu.memory_space<vmem>>) attributes {dimension_semantics = [], scalar_prefetch = 0 : i64, scratch_operands = 0 : i64, tpu.core_type = #tpu.core_type<tc>} {
    %get3A = arith.constant 0 : index
    %get3A_0 = arith.constant 0 : index
    %get3A_1 = arith.constant 0 : index
    %get3A_2 = vector.load %arg0[%get3A, %get3A_0, %get3A_1] : memref<2x10240x48xf32, #tpu.memory_space<vmem>>, vector<1x10000x48xf32>
    %get3A_3 = vector.shape_cast %get3A_2 : vector<1x10000x48xf32> to vector<10000x48xf32>
    %get3A_4 = arith.constant 1 : index
    %get3A_5 = arith.constant 0 : index
    %get3A_6 = arith.constant 0 : index
    %get3A_7 = vector.load %arg0[%get3A_4, %get3A_5, %get3A_6] : memref<2x10240x48xf32, #tpu.memory_space<vmem>>, vector<1x10000x48xf32>
    %get3A_8 = vector.shape_cast %get3A_7 : vector<1x10000x48xf32> to vector<10000x48xf32>
    %add3A = arith.addf %get3A_3, %get3A_8 : vector<10000x48xf32>
    %get3A_9 = arith.constant 0 : index
    %get3A_10 = arith.constant 0 : index
    %get3A_11 = vector.load %arg1[%get3A_9, %get3A_10] : memref<10000x48xf32, #tpu.memory_space<vmem>>, vector<10000x48xf32>
    %add3A_12 = arith.addf %add3A, %get3A_11 : vector<10000x48xf32>
    %get3A_13 = arith.constant 0 : index
    %get3A_14 = arith.constant 0 : index
    %get3A_15 = vector.load %arg2[%get3A_13, %get3A_14] : memref<10000x1xf32, #tpu.memory_space<vmem>>, vector<10000x1xf32>
    %mul3A = vector.broadcast %get3A_15 : vector<10000x1xf32> to vector<10000x48xf32>
    %mul3A_16 = arith.mulf %mul3A, %add3A_12 : vector<10000x48xf32>
    %get3A_17 = arith.constant 0 : index
    %get3A_18 = arith.constant 0 : index
    %get3A_19 = vector.load %arg3[%get3A_17, %get3A_18] : memref<1x48xf32, #tpu.memory_space<vmem>>, vector<1x48xf32>
    %add3A_20 = vector.broadcast %get3A_19 : vector<1x48xf32> to vector<10000x48xf32>
    %add3A_21 = arith.addf %mul3A_16, %add3A_20 : vector<10000x48xf32>
    %swap3A = arith.constant 0 : index
    %swap3A_22 = arith.constant 0 : index
    %swap3A_23 = vector.load %arg4[%swap3A, %swap3A_22] : memref<10000x48xf32, #tpu.memory_space<vmem>>, vector<10000x48xf32>
    tpu.vector_store %arg4[%swap3A, %swap3A_22], %add3A_21 {strides = array<i32>} : memref<10000x48xf32, #tpu.memory_space<vmem>>, vector<10000x48xf32>,
    return
  }
}

</mosaic_0001>

<sc_bundles>
// kernel: kernel.10.cloned.1.call-start
scs
__scs_entry_jumppad:
0x0: {  	(pc) =	sbr.rel $0x88, $3  }
0x1: {  	(tag) =	ssettag $0x0;
	lr =	simm.s32 $0x1  }
0x2: {  	[smem:$0x3F99] =	sst lr;
	_ =	strace $0xD0000000  }
0x3: {  	_ = 	snop  }
0x4: {  	_ = 	snop  }
0x5: {  	_ = 	snop  }
0x6: {  	_ = 	snop  }
0x7: {  	_ = 	snop  }
__scs_overlays_trampoline_lowered:
0x8: {  	[smem:$0x3FA8] =	sst s0  }
0x9: {  	[smem:$0x3FA9] =	sst s1  }
0xa: {  	[smem:$0x3FAA] =	sst s2  }
0xb: {  	[smem:$0x3FAB] =	sst s3  }
0xc: {  	[smem:$0x3FAC] =	sst s4  }
0xd: {  	[smem:$0x3FAD] =	sst s5  }
0xe: {  	[smem:$0x3FAE] =	sst s6  }
0xf: {  	[smem:$0x3FAF] =	sst s7  }
0x10: {  	[smem:$0x3FB0] =	sst s8  }
0x11: {  	[smem:$0x3FB1] =	sst s9;
	s0 =	simm.s32 @!p0 $0x0  }
0x12: {  	s1 =	sld [smem:$0x3F97];
	s0 =	simm.s32 @p0 $0x1  }
0x13: {  	[smem:$0x3FB2] =	sst s0;
	s0 =	simm.s32 @!p1 $0x0  }
0x14: {  	s2 =	sld [smem:$0x3F96];
	s0 =	simm.s32 @p1 $0x1  }
0x15: {  	[smem:$0x3FB3] =	sst s0;
	s0 =	simm.s32 @!p2 $0x0  }
0x16: {  	s3 =	sld [smem:$0x3FDB];
	s0 =	simm.s32 @p2 $0x1  }
0x17: {  	s4 =	simm.s32 $0x1BF5;
	[smem:$0x3FB5] =	sst s0  }
0x18: {  	s0 =	sld [smem:$0x3F98];
	_ =	swait.ge [sflag:s4], $0x0  }
0x19: {  	s7 =	sld [smem:$0x3F99]  }
0x1a: {  	s8 =	sadd.s32 $0xFFFFE003, lr  }
0x1b: {  	s9 =	sadd.s32 $0xFFFFFEF7, lr;
	s5 =	simm.s32 $0xFFFFFFFF;
	p2 =	slt.u32 s8, $0xFFFFF086  }
0x1c: {  	p1 =	slt.u32 s9, $0xF7A;
	s5 =	simm.s32 @!p2 $0x0  }
0x1d: {  	s5 =	simm.s32 @p1 $0x1;
	p0 =	seq.s32 s7, s2  }
0x1e: {  	s7 =	smul.u32 @!p0 $0xF7A, s2;
	p2 =	seq.s32 @!p0 s5, $0x0  }
0x1f: {  	s9 =	smul.u32 $0xF7A, s1;
	s8 =	simm.s32 @!p0 $0x1BF5;
	p2 =	por !p2, p0  }
0x20: {  	[sflag:s8] =	ssyncset.s32 @!p0 $0xFFFFF086;
	s6 =	sadd.s32 @!p0 s3, s7;
	s7 =	simm.s32 @!p0 $0x108  }
0x21: {  	s3 =	sadd.s32 s3, s9;
	s6 =	sadd.s32 @!p0 $0x88, s6;
	s7 =	simm.s32 @p2 $0x1082  }
0x22: {  	[simem:s7], [sflag:s8] =	dma.local @!p0 [hbm:s6], $0xF7A  }
0x23: {  	s9 =	sor.u32 $0xD0000000, s2;
	s6 =	simm.s32 $0x108;
	_ =	swait.ge @!p0 [sflag:s8], $0x0  }
0x24: {  	s3 =	sadd.s32 $0x88, s3;
	s6 =	simm.s32 @!p1 $0x1082;
	[sflag:s4] =	ssyncset.s32 $0xFFFFF086  }
0x25: {  	[simem:s6], [sflag:s4] =	dma.local [hbm:s3], $0xF7A  }
0x26: {  	[smem:$0x3F99] =	sst s1;
	(tag) =	ssettag s2;
	_ =	strace s9  }
0x27: {  	s1 =	sld [smem:$0x3FA9]  }
0x28: {  	s2 =	sld [smem:$0x3FAA]  }
0x29: {  	s4 =	sld [smem:$0x3FAC]  }
0x2a: {  	p0 =	seq.s32 s5, $0x0;
	s5 =	sld [smem:$0x3FAD]  }
0x2b: {  	s6 =	sld [smem:$0x3FAE]  }
0x2c: {  	s7 =	sld [smem:$0x3FAF]  }
0x2d: {  	s3 =	simm.s32 $0x108;
	s8 =	sld [smem:$0x3FB0]  }
0x2e: {  	s3 =	simm.s32 @!p0 $0x1082;
	s9 =	sld [smem:$0x3FB1]  }
0x2f: {  	lr =	sadd.s32 s0, s3;
	s0 =	sld [smem:$0x3FA8]  }
0x30: {  	s3 =	sld [smem:$0x3FAB]  }
0x31: {  	[smem:$0x3FB4] =	sst s10  }
0x32: {  	s10 =	sld [smem:$0x3FB2];
	_ =	sdelay $0x3  }
0x33: {  	p0 =	seq.s32 s10, $0x1;
	s10 =	sld [smem:$0x3FB4];
	_ =	sdelay $0x3  }
0x34: {  	[smem:$0x3FB4] =	sst s10  }
0x35: {  	s10 =	sld [smem:$0x3FB3];
	_ =	sdelay $0x3  }
0x36: {  	p1 =	seq.s32 s10, $0x1;
	s10 =	sld [smem:$0x3FB4];
	_ =	sdelay $0x3  }
0x37: {  	[smem:$0x3FB4] =	sst s10  }
0x38: {  	s10 =	sld [smem:$0x3FB5]  }
0x39: {  	_ = 	snop;
	(pc) =	sbr.ind lr, $3  }
0x3a: {  	_ = 	snop  }
0x3b: {  	_ = 	snop  }
0x3c: {  	p2 =	seq.s32 s10, $0x1;
	s10 =	sld [smem:$0x3FB4]  }
0x3d: {  	_ =	shalt  }
0x3e: {  	_ =	shalt  }
0x3f: {  	_ =	shalt  }
0x40: {  	_ =	shalt  }
0x41: {  	_ =	shalt  }
0x42: {  	_ =	shalt  }
0x43: {  	_ =	shalt  }
0x44: {  	_ =	shalt  }
0x45: {  	_ =	shalt  }
0x46: {  	_ =	shalt  }
0x47: {  	_ =	shalt  }
0x48: {  	_ =	shalt  }
0x49: {  	_ =	shalt  }
0x4a: {  	_ =	shalt  }
0x4b: {  	_ =	shalt  }
0x4c: {  	_ =	shalt  }
0x4d: {  	_ =	shalt  }
0x4e: {  	_ =	shalt  }
0x4f: {  	_ =	shalt  }
0x50: {  	_ =	shalt  }
0x51: {  	_ =	shalt  }
0x52: {  	_ =	shalt  }
0x53: {  	_ =	shalt  }
0x54: {  	_ =	shalt  }
0x55: {  	_ =	shalt  }
0x56: {  	_ =	shalt  }
0x57: {  	_ =	shalt  }
0x58: {  	_ =	shalt  }
0x59: {  	_ =	shalt  }
0x5a: {  	_ =	shalt  }
0x5b: {  	_ =	shalt  }
0x5c: {  	_ =	shalt  }
0x5d: {  	_ =	shalt  }
0x5e: {  	_ =	shalt  }
0x5f: {  	_ =	shalt  }
0x60: {  	_ =	shalt  }
0x61: {  	_ =	shalt  }
0x62: {  	_ =	shalt  }
0x63: {  	_ =	shalt  }
0x64: {  	_ =	shalt  }
0x65: {  	_ =	shalt  }
0x66: {  	_ =	shalt  }
0x67: {  	_ =	shalt  }
0x68: {  	_ =	shalt  }
0x69: {  	_ =	shalt  }
0x6a: {  	_ =	shalt  }
0x6b: {  	_ =	shalt  }
0x6c: {  	_ =	shalt  }
0x6d: {  	_ =	shalt  }
0x6e: {  	_ =	shalt  }
0x6f: {  	_ =	shalt  }
0x70: {  	_ =	shalt  }
0x71: {  	_ =	shalt  }
0x72: {  	_ =	shalt  }
0x73: {  	_ =	shalt  }
0x74: {  	_ =	shalt  }
0x75: {  	_ =	shalt  }
0x76: {  	_ =	shalt  }
0x77: {  	_ =	shalt  }
0x78: {  	_ =	shalt  }
0x79: {  	_ =	shalt  }
0x7a: {  	_ =	shalt  }
0x7b: {  	_ =	shalt  }
0x7c: {  	_ =	shalt  }
0x7d: {  	_ =	shalt  }
0x7e: {  	_ =	shalt  }
0x7f: {  	_ =	shalt  }
0x80: {  	_ =	shalt  }
0x81: {  	_ =	shalt  }
0x82: {  	_ =	shalt  }
0x83: {  	_ =	shalt  }
0x84: {  	_ =	shalt  }
0x85: {  	_ =	shalt  }
0x86: {  	_ =	shalt  }
0x87: {  	_ =	shalt  }
.Lfunc_end0:
.L_simem_size_0:
called_computation_lowered:
.L_overlay_start_0:
0x88: {  	s2 =	sld [smem:$0x3FD9]  }
0x89: {  	s3 =	sld [smem:$0x3FFE];
	_ =	sdelay $0x1  }
0x8a: {  	s1 =	srdreg.scid  }
0x8b: {  	s0 =	sand.u32 $0x1, s1  }
0x8c: {  	s17 =	sshll.u32 s0, $0xA;
	s2 =	sadd.s32 s3, s2  }
0x8d: {  	s2 =	sadd.s32 s2, s17  }
0x8e: {  	[smem:$0x3FC0] =	sst s2  }
0x8f: {  	_ = 	snop  }
0x90: {  	s2 =	sld [smem:$0x3FD0];
	(tm) =	ssettm $0x1  }
0x91: {  	s18 =	sld [smem:$0x3FFB];
	_ =	sdelay $0x3  }
0x92: {  	_ =	strace s18  }
0x93: {  	s3 =	sld [smem:$0x3FFC];
	_ =	sdelay $0x3  }
0x94: {  	_ =	strace s3  }
0x95: {  	s3 =	sld [smem:$0x3FFD];
	_ =	sdelay $0x3  }
0x96: {  	_ =	strace s3  }
0x97: {  	_ =	strace $0x8FFFFFFF  }
0x98: {  	s19 =	sld [smem:$0x3FDB];
	_ =	sdelay $0x1  }
0x99: {  	s4 =	simm.s32 $_scs_section_size  }
0x9a: {  	s5 =	simm.s32 $_size__tile_overlayer_lowered;
	s6 =	simm.s32 $_tile_overlayer_lowered  }
0x9b: {  	s22 =	simm.s32 $0x1BFF;
	s21 =	sshll.u32 s6, $0x1;
	s3 =	sadd.s32 s4, s19  }
0x9c: {  	s7 =	simm.s32 $0x0;
	s20 =	sshll.u32 s5, $0x1;
	s5 =	sadd.s32 s21, s3  }
0x9d: {  	[timem:s7], [sflag:s22] =	dma.local [hbm:s5], s20  }
0x9e: {  	_ =	swait.ge [sflag:s22], s20  }
0x9f: {  	s4 =	ssub.s32 $0x0, s20;
	[sflag:s22] =	ssyncset.done $0x0  }
0xa0: {  	[sflag:s22] =	ssyncadd.s32 s4;
	_ =	sdelay $0x1  }
0xa1: {  	s23 =	simm.s32 $0x1B8B  }
0xa2: {  	_ =	swait.ge [sflag:s23], $0x1  }
0xa3: {  	[sflag:s23] =	ssyncset.done $0x0  }
0xa4: {  	s25 =	simm.s32 $0x1B8E;
	s24 =	sld [smem:$0x3FFE];
	[sflag:s23] =	ssyncadd.s32 $0xFFFFFFFF  }
0xa5: {  	s26 =	simm.s32 $execute0_lowered;
	[smem:$0x3FD2] =	sst s25  }
0xa6: {  	s5 =	sshll.u32 s26, $0x1;
	_ =	strace $0x80000046;
	[dreg:$0x1] =	wrdreg $0xFFFFFFFF  }
0xa7: {  	s28 =	simm.s32 $_size_execute0_lowered;
	s3 =	sadd.s32 s3, s5;
	[dreg:$0x0] =	wrdreg $0x0  }
0xa8: {  	s5 =	sshll.u32 s28, $0x1;
	[dreg:$0x2] =	wrdreg s3  }
0xa9: {  	[dreg:$0x3] =	wrdreg s5  }
0xaa: {  	[dreg:$0x4] =	wrdreg $0xC0  }
0xab: {  	_ =	task [dreg:s7], $0x5FFFF  }
0xac: {  	[dreg:$0x1] =	wrdreg $0xFFFFFFFF  }
0xad: {  	[dreg:$0x0] =	wrdreg $0x60  }
0xae: {  	[dreg:$0x2] =	wrdreg s24  }
0xaf: {  	[dreg:$0x3] =	wrdreg s2  }
0xb0: {  	[dreg:$0x4] =	wrdreg $0x37800  }
0xb1: {  	[dreg:$0x5] =	wrdreg $0x9  }
0xb2: {  	_ =	task.clear_ibuf [dreg:s7], $0x6FFFF;
	_ =	strace $0x90000046  }
0xb3: {  	s29 =	simm.s32 $0x9;
	_ =	strace $0x80000048  }
0xb4: {  	_ =	swait.ge [sflag:s29], $0x1  }
0xb5: {  	[sflag:s29] =	ssyncadd.s32 $0xFFFFFFFF  }
0xb6: {  	_ =	strace $0x90000048  }
0xb7: {  	_ =	sfence  }
0xb8: {  	s30 =	sld [smem:$0x0];
	_ =	sdelay $0x2  }
0xb9: {  	s31 =	sshll.u32 s1, $0xD;
	s1 =	sshrl.u32 s1, $0x2  }
0xba: {  	s3 =	sand.u32 $0x4000, s31;
	s1 =	sadd.s32 s1, s30  }
0xbb: {  	s0 =	sor.u32 s3, s0;
	s1 =	sshll.u32 s1, $0x11  }
0xbc: {  	s0 =	sor.u32 s1, s0  }
0xbd: {  	s0 =	sadd.s32 $0x8F2B, s0  }
0xbe: {  	[sflag:s0] =	ssyncadd.remote.s32 $0x1  }
0xbf: {  	_ =	sfence.sel $0xFFFF  }
0xc0: {  	[dreg:$0x0] =	wrdreg $0xFFFFFFFF;
	(pc) =	sbr.abs _section_cstart, $3  }
0xc1: {  	[dreg:$0x1] =	wrdreg $0xFFFFFFFF  }
0xc2: {  	_ =	task.clear_ibuf [dreg:s7], $0x2FFFF;
	_ =	strace $0x9FFFFFFF  }
0xc3: {  	(tm) =	ssettm $0x7FFFFFFF  }
tec
execute0_lowered:
.L_overlay_start_1:
0x0: {  	(tag) =	ssettag $0x1  }
0x1: {  	s4 =	rddreg [dreg:$0x0]  }
0x2: {  	s0 =	srdreg.scid;
	s10 =	rddreg [dreg:$0x1]  }
0x3: {  	s2 =	rddreg [dreg:$0x2];
	s1 =	stileid.u32;
	s3 =	simm.s32 $0x0  }
0x4: {  	s14 =	simm.s32 $0x80;
	s5 =	sand.u32 $0x1, s0;
	s0 =	rddreg [dreg:$0x3]  }
0x5: {  	s15 =	simm.s32 $0x2780;
	[smem:$0x7FF] =	sst s3;
	s8 =	smul.u32 $0xA000, s1  }
0x6: {  	s9 =	smul.u32 $0x2800, s1;
	s16 =	sshll.u32 s1, $0x6;
	s6 =	sshll.u32 s5, $0x4  }
0x7: {  	_ =	strace $0x80000047;
	s7 =	ssub.s32 $0x2, s5;
	s30 =	smul.u32 $0x28000, s5  }
0x8: {  	s16 =	sor.u32 $0x1C01, s16;
	s6 =	sor.u32 s1, s6;
	s28 =	sshrl.u32 s7, $0x1  }
0x9: {  	s29 =	sshrl.u32 s8, $0x2;
	s5 =	sadd.s32 s9, s2;
	s6 =	smul.u32 $0x4F0, s6  }
0xa: {  	s11 =	ssub.s32 s7, s28;
	s12 =	sadd.s32 s29, s2;
	s13 =	sadd.s32 s9, s30  }
0xb: {  	s17 =	sshrl.u32 s5, $0x3;
	s7 =	sadd.s32 $0x1000, s12;
	s8 =	sadd.s32 $0x1800, s12  }
0xc: {  	s9 =	sadd.s32 $0x2000, s12;
	s31 =	sshrl.u32 s13, $0x3;
	s11 =	smax.u32 s11, $0x1  }
0xd: {  	s13 =	simm.s32 $0x2F80;
	s4 =	sadd.s32 s6, s4;
	s6 =	sadd.s32 $0x800, s12  }
0xe: {  	v0 =	vimm.f32 $1.000000000e+00;
	v1 =	vimm.f32 $0.0e+00;
	s10 =	sadd.s32 s10, s31;
	s12 =	simm.s32 $0x1;
	s4 =	sadd.s32 $0x2800, s4  }
.LBB2_1:
0xf: {  	s18 =	simm.s32 $0x40;
	s19 =	simm.s32 $0x0  }
.LBB2_2:
0x10: {  	p0 =	sne.s32 s18, $0x1FC0;
	[tilespmem:s19+$0x2780] =	vst v0;
	s20 =	smov.u32 s18;
	s18 =	sadd.s32 $0x40, s18  }
.Ltmp0:
0x11: {  	[tilespmem:s19+$0x2F80] =	vst v1;
	(pc) =	sbr.rel @p0 .LBB2_2-.Ltmp0, $2  }
0x12: {  	_ =	sdelay $0x2  }
0x13: {  	s19 =	sshra.s32 s20, $0x2  }
0x14: {  	[tilespmem:s19+$0x2780] =	vst v0  }
0x15: {  	[tilespmem:s19+$0x2F80] =	vst v1;
	s18 =	simm.s32 $0x0  }
0x16: {  	[tilespmem:s18], [sflag:$0x1] =	stream.linear.gather [hbm4b:s4+s18], $0x2780, $0x38;
	[tilespmem:$0x5F80] =	vst v63  }
0x17: {  	_ =	swait.ge [sflag:s12], $0x2780  }
0x18: {  	[sflag:s12] =	ssyncset.done $0x0  }
0x19: {  	[sflag:s12] =	ssyncadd.s32 $0xFFFFD880  }
0x1a: {  	[spmem:s5] =	stream.linear.scatter [tilespmem:s13], [sflag:$0x1], $0x800, $0x38;
	[tilespmem:$0x5F80] =	vst v63  }
0x1b: {  	_ =	swait.ge [sflag:s12], $0x800  }
0x1c: {  	[sflag:s12] =	ssyncset.done $0x0  }
0x1d: {  	[sflag:s12] =	ssyncadd.s32 $0xFFFFF800  }
0x1e: {  	[spmem:s6] =	stream.linear.scatter [tilespmem:s13], [sflag:$0x1], $0x800, $0x38;
	[tilespmem:$0x5F80] =	vst v63  }
0x1f: {  	_ =	swait.ge [sflag:s12], $0x800  }
0x20: {  	[sflag:s12] =	ssyncset.done $0x0  }
0x21: {  	[sflag:s12] =	ssyncadd.s32 $0xFFFFF800  }
0x22: {  	[spmem:s7] =	stream.linear.scatter [tilespmem:s13], [sflag:$0x1], $0x800, $0x38;
	[tilespmem:$0x5F80] =	vst v63  }
0x23: {  	_ =	swait.ge [sflag:s12], $0x800  }
0x24: {  	[sflag:s12] =	ssyncset.done $0x0  }
0x25: {  	[sflag:s12] =	ssyncadd.s32 $0xFFFFF800  }
0x26: {  	[spmem:s8] =	stream.linear.scatter [tilespmem:s13], [sflag:$0x1], $0x800, $0x38;
	[tilespmem:$0x5F80] =	vst v63  }
0x27: {  	_ =	swait.ge [sflag:s12], $0x800  }
0x28: {  	[sflag:s12] =	ssyncset.done $0x0  }
0x29: {  	[sflag:s12] =	ssyncadd.s32 $0xFFFFF800  }
0x2a: {  	[spmem:s9] =	stream.linear.scatter [tilespmem:s13], [sflag:$0x1], $0x800, $0x38;
	[tilespmem:$0x5F80] =	vst v63  }
0x2b: {  	_ =	swait.ge [sflag:s12], $0x800  }
0x2c: {  	[sflag:s12] =	ssyncset.done $0x0  }
0x2d: {  	[sflag:s12] =	ssyncadd.s32 $0xFFFFF800  }
0x2e: {  	s31 =	simm.s32 $0x0;
	[bflag:$0x0] =	sbarrier.arrive $0xFFFF  }
0x2f: {  	[spmem:s2] =	stream.indirect.scatter.add.f32 [tilespmem:s15], [sflag:$0x1], $0x10, s31, s14, $0xb8;
	[tilespmem:$0x5F80] =	vst v63  }
0x30: {  	_ =	swait.ge [sflag:s12], $0x800  }
0x31: {  	s18 =	simm.s32 $0x200;
	[sflag:s12] =	ssyncset.done $0x0  }
.LBB2_4:
0x32: {  	s19 =	sshra.s32 s18, $0x2;
	[sflag:s12] =	ssyncadd.s32 $0xFFFFF800;
	p0 =	sne.s32 s18, $0x9C00  }
0x33: {  	[spmem:s2] =	stream.indirect.scatter.add.f32 [tilespmem:s15], [sflag:$0x1], $0x10, s19, s14, $0xb8;
	[tilespmem:$0x5F80] =	vst v63  }
.Ltmp1:
0x34: {  	_ = 	snop;
	(pc) =	sbr.rel @p0 .LBB2_4-.Ltmp1, $4  }
0x35: {  	_ = 	snop  }
0x36: {  	s18 =	sadd.s32 $0x200, s18  }
0x37: {  	_ =	swait.ge [sflag:s12], $0x800  }
0x38: {  	[sflag:s12] =	ssyncset.done $0x0  }
0x39: {  	s3 =	sadd.s32 $0x1, s3  }
0x3a: {  	[sflag:s12] =	ssyncadd.s32 $0xFFFFF800;
	p0 =	sne.s32 s3, s11  }
.Ltmp2:
0x3b: {  	[bflag:$0x0] =	sbarrier.arrive $0xFFFF;
	(pc) =	sbr.rel @p0 .LBB2_1-.Ltmp2, $4  }
0x3c: {  	[hbm:s10], [sflag:s16] =	dma.local [spmem:s17], $0x500  }
0x3d: {  	_ =	swait.ge [sflag:s12], $0x500  }
0x3e: {  	[sflag:s12] =	ssyncset.done $0x0  }
0x3f: {  	[sflag:s12] =	ssyncadd.s32 $0xFFFFFB00  }
0x40: {  	_ =	sfence.sel $0x180000  }
0x41: {  	[bflag:$0x0] =	sbarrier.arrive $0xFFFF  }
0x42: {  	p0 =	sne.s32 s1, $0x0;
	_ =	strace $0x90000047  }
0x43: {  	s0 =	sadd.s32 @!p0 $0x100000, s0;
	[bflag:$0x2] =	sbarrier.arrive $0xFFFF  }
0x44: {  	[sflag:s0] =	ssyncadd.tile.s32 @!p0 $0x1;
	_ =	shalt  }
.Lfunc_end2:
_tile_overlayer_lowered:
.L_overlay_start_2:
0x45: {  	(tag) =	ssettag $0x2  }
0x46: {  	s0 =	rddreg [dreg:$0x0];
	s2 =	stileid.u32  }
0x47: {  	s1 =	rddreg [dreg:$0x1];
	p0 =	sne.s32 s2, $0x0  }
0x48: {  	s3 =	rddreg [dreg:$0x2];
	[bflag:$0x3] =	sbarrier.arrive $0xFFFF;
	s2 =	simm.s32 @!p0 $0x1C01  }
0x49: {  	[timem:s3], [sflag:s2] =	dma.local @!p0 [hbm:s0], s1  }
0x4a: {  	s0 =	simm.s32 @!p0 $0x1  }
0x4b: {  	_ =	swait.ge @!p0 [sflag:s0], s1  }
0x4c: {  	s1 =	ssub.s32 @!p0 $0x0, s1;
	[sflag:s0] =	ssyncset.done @!p0 $0x0  }
0x4d: {  	[sflag:s0] =	ssyncadd.s32 @!p0 s1  }
0x4e: {  	[bflag:$0x3] =	sbarrier.arrive $0xFFFF  }
0x4f: {  	_ =	shalt  }

// kernel: kernel.13.cloned.1.call-start
scs
__scs_entry_jumppad:
0x0: {  	(pc) =	sbr.rel $0x88, $3  }
0x1: {  	(tag) =	ssettag $0x0;
	lr =	simm.s32 $0x1  }
0x2: {  	[smem:$0x3F99] =	sst lr;
	_ =	strace $0xD0000000  }
0x3: {  	_ = 	snop  }
0x4: {  	_ = 	snop  }
0x5: {  	_ = 	snop  }
0x6: {  	_ = 	snop  }
0x7: {  	_ = 	snop  }
__scs_overlays_trampoline_lowered:
0x8: {  	[smem:$0x3FA8] =	sst s0  }
0x9: {  	[smem:$0x3FA9] =	sst s1  }
0xa: {  	[smem:$0x3FAA] =	sst s2  }
0xb: {  	[smem:$0x3FAB] =	sst s3  }
0xc: {  	[smem:$0x3FAC] =	sst s4  }
0xd: {  	[smem:$0x3FAD] =	sst s5  }
0xe: {  	[smem:$0x3FAE] =	sst s6  }
0xf: {  	[smem:$0x3FAF] =	sst s7  }
0x10: {  	[smem:$0x3FB0] =	sst s8  }
0x11: {  	[smem:$0x3FB1] =	sst s9;
	s0 =	simm.s32 @!p0 $0x0  }
0x12: {  	s1 =	sld [smem:$0x3F97];
	s0 =	simm.s32 @p0 $0x1  }
0x13: {  	[smem:$0x3FB2] =	sst s0;
	s0 =	simm.s32 @!p1 $0x0  }
0x14: {  	s2 =	sld [smem:$0x3F96];
	s0 =	simm.s32 @p1 $0x1  }
0x15: {  	[smem:$0x3FB3] =	sst s0;
	s0 =	simm.s32 @!p2 $0x0  }
0x16: {  	s3 =	sld [smem:$0x3FDB];
	s0 =	simm.s32 @p2 $0x1  }
0x17: {  	s4 =	simm.s32 $0x1BF5;
	[smem:$0x3FB5] =	sst s0  }
0x18: {  	s0 =	sld [smem:$0x3F98];
	_ =	swait.ge [sflag:s4], $0x0  }
0x19: {  	s7 =	sld [smem:$0x3F99]  }
0x1a: {  	s8 =	sadd.s32 $0xFFFFE003, lr  }
0x1b: {  	s9 =	sadd.s32 $0xFFFFFEF7, lr;
	s5 =	simm.s32 $0xFFFFFFFF;
	p2 =	slt.u32 s8, $0xFFFFF086  }
0x1c: {  	p1 =	slt.u32 s9, $0xF7A;
	s5 =	simm.s32 @!p2 $0x0  }
0x1d: {  	s5 =	simm.s32 @p1 $0x1;
	p0 =	seq.s32 s7, s2  }
0x1e: {  	s7 =	smul.u32 @!p0 $0xF7A, s2;
	p2 =	seq.s32 @!p0 s5, $0x0  }
0x1f: {  	s9 =	smul.u32 $0xF7A, s1;
	s8 =	simm.s32 @!p0 $0x1BF5;
	p2 =	por !p2, p0  }
0x20: {  	[sflag:s8] =	ssyncset.s32 @!p0 $0xFFFFF086;
	s6 =	sadd.s32 @!p0 s3, s7;
	s7 =	simm.s32 @!p0 $0x108  }
0x21: {  	s3 =	sadd.s32 s3, s9;
	s6 =	sadd.s32 @!p0 $0x88, s6;
	s7 =	simm.s32 @p2 $0x1082  }
0x22: {  	[simem:s7], [sflag:s8] =	dma.local @!p0 [hbm:s6], $0xF7A  }
0x23: {  	s9 =	sor.u32 $0xD0000000, s2;
	s6 =	simm.s32 $0x108;
	_ =	swait.ge @!p0 [sflag:s8], $0x0  }
0x24: {  	s3 =	sadd.s32 $0x88, s3;
	s6 =	simm.s32 @!p1 $0x1082;
	[sflag:s4] =	ssyncset.s32 $0xFFFFF086  }
0x25: {  	[simem:s6], [sflag:s4] =	dma.local [hbm:s3], $0xF7A  }
0x26: {  	[smem:$0x3F99] =	sst s1;
	(tag) =	ssettag s2;
	_ =	strace s9  }
0x27: {  	s1 =	sld [smem:$0x3FA9]  }
0x28: {  	s2 =	sld [smem:$0x3FAA]  }
0x29: {  	s4 =	sld [smem:$0x3FAC]  }
0x2a: {  	p0 =	seq.s32 s5, $0x0;
	s5 =	sld [smem:$0x3FAD]  }
0x2b: {  	s6 =	sld [smem:$0x3FAE]  }
0x2c: {  	s7 =	sld [smem:$0x3FAF]  }
0x2d: {  	s3 =	simm.s32 $0x108;
	s8 =	sld [smem:$0x3FB0]  }
0x2e: {  	s3 =	simm.s32 @!p0 $0x1082;
	s9 =	sld [smem:$0x3FB1]  }
0x2f: {  	lr =	sadd.s32 s0, s3;
	s0 =	sld [smem:$0x3FA8]  }
0x30: {  	s3 =	sld [smem:$0x3FAB]  }
0x31: {  	[smem:$0x3FB4] =	sst s10  }
0x32: {  	s10 =	sld [smem:$0x3FB2];
	_ =	sdelay $0x3  }
0x33: {  	p0 =	seq.s32 s10, $0x1;
	s10 =	sld [smem:$0x3FB4];
	_ =	sdelay $0x3  }
0x34: {  	[smem:$0x3FB4] =	sst s10  }
0x35: {  	s10 =	sld [smem:$0x3FB3];
	_ =	sdelay $0x3  }
0x36: {  	p1 =	seq.s32 s10, $0x1;
	s10 =	sld [smem:$0x3FB4];
	_ =	sdelay $0x3  }
0x37: {  	[smem:$0x3FB4] =	sst s10  }
0x38: {  	s10 =	sld [smem:$0x3FB5]  }
0x39: {  	_ = 	snop;
	(pc) =	sbr.ind lr, $3  }
0x3a: {  	_ = 	snop  }
0x3b: {  	_ = 	snop  }
0x3c: {  	p2 =	seq.s32 s10, $0x1;
	s10 =	sld [smem:$0x3FB4]  }
0x3d: {  	_ =	shalt  }
0x3e: {  	_ =	shalt  }
0x3f: {  	_ =	shalt  }
0x40: {  	_ =	shalt  }
0x41: {  	_ =	shalt  }
0x42: {  	_ =	shalt  }
0x43: {  	_ =	shalt  }
0x44: {  	_ =	shalt  }
0x45: {  	_ =	shalt  }
0x46: {  	_ =	shalt  }
0x47: {  	_ =	shalt  }
0x48: {  	_ =	shalt  }
0x49: {  	_ =	shalt  }
0x4a: {  	_ =	shalt  }
0x4b: {  	_ =	shalt  }
0x4c: {  	_ =	shalt  }
0x4d: {  	_ =	shalt  }
0x4e: {  	_ =	shalt  }
0x4f: {  	_ =	shalt  }
0x50: {  	_ =	shalt  }
0x51: {  	_ =	shalt  }
0x52: {  	_ =	shalt  }
0x53: {  	_ =	shalt  }
0x54: {  	_ =	shalt  }
0x55: {  	_ =	shalt  }
0x56: {  	_ =	shalt  }
0x57: {  	_ =	shalt  }
0x58: {  	_ =	shalt  }
0x59: {  	_ =	shalt  }
0x5a: {  	_ =	shalt  }
0x5b: {  	_ =	shalt  }
0x5c: {  	_ =	shalt  }
0x5d: {  	_ =	shalt  }
0x5e: {  	_ =	shalt  }
0x5f: {  	_ =	shalt  }
0x60: {  	_ =	shalt  }
0x61: {  	_ =	shalt  }
0x62: {  	_ =	shalt  }
0x63: {  	_ =	shalt  }
0x64: {  	_ =	shalt  }
0x65: {  	_ =	shalt  }
0x66: {  	_ =	shalt  }
0x67: {  	_ =	shalt  }
0x68: {  	_ =	shalt  }
0x69: {  	_ =	shalt  }
0x6a: {  	_ =	shalt  }
0x6b: {  	_ =	shalt  }
0x6c: {  	_ =	shalt  }
0x6d: {  	_ =	shalt  }
0x6e: {  	_ =	shalt  }
0x6f: {  	_ =	shalt  }
0x70: {  	_ =	shalt  }
0x71: {  	_ =	shalt  }
0x72: {  	_ =	shalt  }
0x73: {  	_ =	shalt  }
0x74: {  	_ =	shalt  }
0x75: {  	_ =	shalt  }
0x76: {  	_ =	shalt  }
0x77: {  	_ =	shalt  }
0x78: {  	_ =	shalt  }
0x79: {  	_ =	shalt  }
0x7a: {  	_ =	shalt  }
0x7b: {  	_ =	shalt  }
0x7c: {  	_ =	shalt  }
0x7d: {  	_ =	shalt  }
0x7e: {  	_ =	shalt  }
0x7f: {  	_ =	shalt  }
0x80: {  	_ =	shalt  }
0x81: {  	_ =	shalt  }
0x82: {  	_ =	shalt  }
0x83: {  	_ =	shalt  }
0x84: {  	_ =	shalt  }
0x85: {  	_ =	shalt  }
0x86: {  	_ =	shalt  }
0x87: {  	_ =	shalt  }
.Lfunc_end0:
.L_simem_size_0:
called_computation.1_lowered:
.L_overlay_start_0:
0x88: {  	s2 =	sld [smem:$0x3FD9]  }
0x89: {  	s3 =	sld [smem:$0x3FFE];
	_ =	sdelay $0x1  }
0x8a: {  	s1 =	srdreg.scid  }
0x8b: {  	s0 =	sand.u32 $0x1, s1  }
0x8c: {  	s16 =	sshll.u32 s0, $0xA;
	s2 =	sadd.s32 s3, s2  }
0x8d: {  	s2 =	sadd.s32 s2, s16  }
0x8e: {  	[smem:$0x3FC0] =	sst s2  }
0x8f: {  	_ = 	snop  }
0x90: {  	(tm) =	ssettm $0x1  }
0x91: {  	s17 =	sld [smem:$0x3FFB];
	_ =	sdelay $0x3  }
0x92: {  	_ =	strace s17  }
0x93: {  	s2 =	sld [smem:$0x3FFC];
	_ =	sdelay $0x3  }
0x94: {  	_ =	strace s2  }
0x95: {  	s2 =	sld [smem:$0x3FFD];
	_ =	sdelay $0x3  }
0x96: {  	_ =	strace s2  }
0x97: {  	_ =	strace $0x8FFFFFFF  }
0x98: {  	s18 =	sld [smem:$0x3FDB];
	_ =	sdelay $0x1  }
0x99: {  	s19 =	simm.s32 $_scs_section_size  }
0x9a: {  	s4 =	simm.s32 $_size__tile_overlayer_lowered;
	s5 =	simm.s32 $_tile_overlayer_lowered  }
0x9b: {  	s22 =	simm.s32 $0x1BFF;
	s21 =	sshll.u32 s5, $0x1;
	s2 =	sadd.s32 s19, s18  }
0x9c: {  	s6 =	simm.s32 $0x0;
	s20 =	sshll.u32 s4, $0x1;
	s4 =	sadd.s32 s21, s2  }
0x9d: {  	[timem:s6], [sflag:s22] =	dma.local [hbm:s4], s20  }
0x9e: {  	_ =	swait.ge [sflag:s22], s20  }
0x9f: {  	s3 =	ssub.s32 $0x0, s20;
	[sflag:s22] =	ssyncset.done $0x0  }
0xa0: {  	[sflag:s22] =	ssyncadd.s32 s3;
	_ =	sdelay $0x1  }
0xa1: {  	s23 =	simm.s32 $0x1B8B  }
0xa2: {  	_ =	swait.ge [sflag:s23], $0x1  }
0xa3: {  	[sflag:s23] =	ssyncset.done $0x0  }
0xa4: {  	s25 =	simm.s32 $0x1B8E;
	s24 =	sld [smem:$0x3FFE];
	[sflag:s23] =	ssyncadd.s32 $0xFFFFFFFF  }
0xa5: {  	s26 =	simm.s32 $execute0_lowered;
	[smem:$0x3FD2] =	sst s25  }
0xa6: {  	s4 =	sshll.u32 s26, $0x1;
	_ =	strace $0x80000049;
	[dreg:$0x1] =	wrdreg $0xFFFFFFFF  }
0xa7: {  	s28 =	simm.s32 $_size_execute0_lowered;
	s2 =	sadd.s32 s2, s4;
	[dreg:$0x0] =	wrdreg $0x0  }
0xa8: {  	s4 =	sshll.u32 s28, $0x1;
	[dreg:$0x2] =	wrdreg s2  }
0xa9: {  	[dreg:$0x3] =	wrdreg s4  }
0xaa: {  	[dreg:$0x4] =	wrdreg $0xC0  }
0xab: {  	_ =	task [dreg:s6], $0x5FFFF  }
0xac: {  	[dreg:$0x1] =	wrdreg $0xFFFFFFFF  }
0xad: {  	[dreg:$0x0] =	wrdreg $0x60  }
0xae: {  	[dreg:$0x2] =	wrdreg s24  }
0xaf: {  	[dreg:$0x3] =	wrdreg $0xB7800  }
0xb0: {  	[dreg:$0x4] =	wrdreg $0x9  }
0xb1: {  	_ =	task.clear_ibuf [dreg:s6], $0x5FFFF;
	_ =	strace $0x90000049  }
0xb2: {  	s29 =	simm.s32 $0x9;
	_ =	strace $0x8000004B  }
0xb3: {  	_ =	swait.ge [sflag:s29], $0x1  }
0xb4: {  	[sflag:s29] =	ssyncadd.s32 $0xFFFFFFFF  }
0xb5: {  	_ =	strace $0x9000004B  }
0xb6: {  	_ =	sfence  }
0xb7: {  	s30 =	sld [smem:$0x0];
	_ =	sdelay $0x2  }
0xb8: {  	s31 =	sshll.u32 s1, $0xD;
	s1 =	sshrl.u32 s1, $0x2  }
0xb9: {  	s3 =	sand.u32 $0x4000, s31;
	s1 =	sadd.s32 s1, s30  }
0xba: {  	s0 =	sor.u32 s3, s0;
	s1 =	sshll.u32 s1, $0x11  }
0xbb: {  	s0 =	sor.u32 s1, s0  }
0xbc: {  	s0 =	sadd.s32 $0x8F2B, s0  }
0xbd: {  	[sflag:s0] =	ssyncadd.remote.s32 $0x1  }
0xbe: {  	_ =	sfence.sel $0xFFFF  }
0xbf: {  	[dreg:$0x0] =	wrdreg $0xFFFFFFFF;
	(pc) =	sbr.abs _section_cstart, $3  }
0xc0: {  	[dreg:$0x1] =	wrdreg $0xFFFFFFFF  }
0xc1: {  	_ =	task.clear_ibuf [dreg:s6], $0x2FFFF;
	_ =	strace $0x9FFFFFFF  }
0xc2: {  	(tm) =	ssettm $0x7FFFFFFF  }
0xc3: {  	_ =	shalt  }
tec
execute0_lowered:
.L_overlay_start_1:
0x0: {  	(tag) =	ssettag $0x1  }
0x1: {  	s0 =	rddreg [dreg:$0x0];
	s1 =	stileid.u32  }
0x2: {  	s2 =	rddreg [dreg:$0x1];
	s6 =	smul.u32 $0x14000, s1  }
0x3: {  	s4 =	srdreg.scid;
	s9 =	smul.u32 $0x50000, s1  }
0x4: {  	s3 =	simm.s32 $0x0;
	s28 =	simm.s32 $0x3680;
	s13 =	smul.u32 $0x3680, s1  }
0x5: {  	s29 =	simm.s32 $0x1;
	s30 =	simm.s32 $0x3700;
	s16 =	smul.u32 $0x1880, s1  }
0x6: {  	s31 =	simm.s32 $0x2;
	s11 =	sand.u32 $0x1, s4;
	s24 =	smul.u32 $0x310, s1  }
0x7: {  	[smem:$0x7FF] =	sst s3;
	s4 =	sadd.s32 $0x16400, s0;
	s25 =	smul.u32 $0x6D0, s1  }
0x8: {  	s12 =	sadd.s32 $0xC600, s0;
	s5 =	smul.u32 $0x140000, s11;
	s8 =	ssub.s32 $0x2, s11  }
0x9: {  	_ =	strace $0x8000004A;
	p0 =	seq.s32 s11, $0x1;
	s10 =	sshrl.u32 s8, $0x1  }
0xa: {  	s17 =	sshrl.u32 s9, $0x2;
	s14 =	sshrl.u32 s13, $0x3;
	s20 =	sshrl.u32 s16, $0x3  }
0xb: {  	s21 =	sadd.s32 $0x3500, s13;
	s22 =	sadd.s32 $0x3580, s13;
	s23 =	sadd.s32 $0x3600, s13  }
0xc: {  	s13 =	sadd.s32 $0x37F00, s16;
	s7 =	sadd.s32 s6, s5;
	s5 =	sadd.s32 $0x2800, s0  }
0xd: {  	s15 =	ssub.s32 s8, s10;
	s6 =	sadd.s32 s6, s2;
	[dreg:$0x4] =	wrdreg s21  }
0xe: {  	s18 =	sadd.s32 s17, s2;
	s19 =	sadd.s32 s12, s14;
	[dreg:$0x5] =	wrdreg s22  }
0xf: {  	s11 =	sadd.s32 s12, s20;
	[dreg:$0x6] =	wrdreg s23;
	s17 =	sadd.s32 $0x37F80, s16  }
0x10: {  	s23 =	simm.s32 $0x3780;
	s7 =	sshrl.u32 s7, $0x3;
	s8 =	sadd.s32 $0x8000, s18  }
0x11: {  	s9 =	sadd.s32 $0xC000, s18;
	s10 =	sadd.s32 $0x10000, s18;
	[dreg:$0x3] =	wrdreg s19  }
.Ltmp0:
0x12: {  	s11 =	sadd.s32 $0x6D00, s11;
	s26 =	sadd.s32 s24, s5;
	(pc) =	sbr.rel .LBB2_1-.Ltmp0, $4  }
0x13: {  	s20 =	smax.u32 s15, $0x1;
	s21 =	sadd.s32 s25, s5;
	s24 =	simm.s32 $0x3  }
0x14: {  	s25 =	simm.s32 $0x80;
	s0 =	sadd.s32 s7, s0;
	s7 =	sadd.s32 $0x4000, s18  }
0x15: {  	[dreg:$0x7] =	wrdreg s11;
	s18 =	sadd.s32 $0x38000, s16;
	s22 =	sadd.s32 $0x6D00, s26  }
0x16: {  	v0 =	vimm.f32 $0.0e+00;
	s26 =	simm.s32 $0x7780;
	s19 =	sadd.s32 $0x3D600, s0;
	s0 =	simm.s32 $0x0  }
.LBB2_6:
0x17: {  	[tilespmem:s26], [sflag:$0x2] =	stream.indirect.gather [hbm4b:s4+s25], $0x80, s15, s25, $0xb8;
	[tilespmem:$0x1F780] =	vst v63  }
0x18: {  	s16 =	rddreg [dreg:$0x4]  }
0x19: {  	s15 =	rddreg [dreg:$0x5]  }
0x1a: {  	s11 =	simm.s32 $0x3600;
	s12 =	rddreg [dreg:$0x6]  }
.LBB2_10:
0x1b: {  	s14 =	sshrl.u32 s16, $0x3  }
0x1c: {  	s14 =	sadd.s32 s5, s14  }
0x1d: {  	[tilespmem:s28], [sflag:$0x3] =	stream.linear.gather [hbm4b:s14+s3], $0x80, $0x38;
	[tilespmem:$0x1F780] =	vst v63  }
0x1e: {  	_ =	swait.ge [sflag:s24], $0x80  }
0x1f: {  	[sflag:s24] =	ssyncset.done $0x0  }
0x20: {  	[sflag:s24] =	ssyncadd.s32 $0xFFFFFF80  }
0x21: {  	_ =	swait.ge [sflag:s29], $0x4000  }
0x22: {  	[sflag:s29] =	ssyncset.done $0x0  }
0x23: {  	[sflag:s29] =	ssyncadd.s32 $0xFFFFC000  }
0x24: {  	[spmem:s2] =	stream.indirect.scatter.add.f32 [tilespmem:s23], [sflag:$0x3], $0x80, s28, s25, $0xb8;
	[tilespmem:$0x1F780] =	vst v63  }
0x25: {  	_ =	swait.ge [sflag:s24], $0x4000  }
0x26: {  	s16 =	sshrl.u32 s15, $0x3;
	[sflag:s24] =	ssyncset.done $0x0  }
0x27: {  	s14 =	sadd.s32 s5, s16;
	[sflag:s24] =	ssyncadd.s32 $0xFFFFC000  }
0x28: {  	[tilespmem:s30], [sflag:$0x3] =	stream.linear.gather [hbm4b:s14+s3], $0x80, $0x38;
	[tilespmem:$0x1F780] =	vst v63  }
0x29: {  	_ =	swait.ge [sflag:s24], $0x80  }
0x2a: {  	[sflag:s24] =	ssyncset.done $0x0  }
0x2b: {  	[sflag:s24] =	ssyncadd.s32 $0xFFFFFF80  }
0x2c: {  	_ =	swait.ge [sflag:s31], $0x4000  }
0x2d: {  	[sflag:s31] =	ssyncset.done $0x0  }
0x2e: {  	[sflag:s31] =	ssyncadd.s32 $0xFFFFC000  }
0x2f: {  	[spmem:s2] =	stream.indirect.scatter.add.f32 [tilespmem:s26], [sflag:$0x3], $0x80, s30, s25, $0xb8;
	[tilespmem:$0x1F780] =	vst v63  }
0x30: {  	_ =	swait.ge [sflag:s24], $0x4000  }
0x31: {  	[sflag:s24] =	ssyncset.done $0x0  }
0x32: {  	s12 =	sshrl.u32 s12, $0x3;
	[sflag:s24] =	ssyncadd.s32 $0xFFFFC000  }
0x33: {  	[tilespmem:s23], [sflag:$0x1] =	stream.indirect.gather [hbm4b:s4+s25], $0x80, s11, s25, $0xb8;
	[tilespmem:$0x1F780] =	vst v63  }
0x34: {  	s14 =	sadd.s32 s5, s12  }
0x35: {  	[tilespmem:s28], [sflag:$0x3] =	stream.linear.gather [hbm4b:s14+s3], $0x80, $0x38;
	[tilespmem:$0x1F780] =	vst v63  }
0x36: {  	_ =	swait.ge [sflag:s24], $0x80  }
0x37: {  	[sflag:s24] =	ssyncset.done $0x0  }
0x38: {  	[sflag:s24] =	ssyncadd.s32 $0xFFFFFF80  }
0x39: {  	_ =	swait.ge [sflag:s29], $0x4000  }
0x3a: {  	[sflag:s29] =	ssyncset.done $0x0  }
0x3b: {  	[sflag:s29] =	ssyncadd.s32 $0xFFFFC000  }
0x3c: {  	[spmem:s2] =	stream.indirect.scatter.add.f32 [tilespmem:s23], [sflag:$0x3], $0x80, s28, s25, $0xb8;
	[tilespmem:$0x1F780] =	vst v63  }
0x3d: {  	_ =	swait.ge [sflag:s24], $0x4000  }
0x3e: {  	s15 =	sshll.u32 s1, $0x6;
	s0 =	sadd.s32 $0x1, s0;
	[sflag:s24] =	ssyncset.done $0x0  }
0x3f: {  	p1 =	sne.s32 s0, s20;
	s16 =	sshrl.u32 s6, $0x3;
	[sflag:s24] =	ssyncadd.s32 $0xFFFFC000  }
.Ltmp1:
0x40: {  	s11 =	sor.u32 $0x1C03, s15;
	[bflag:$0x0] =	sbarrier.arrive $0xFFFF;
	(pc) =	sbr.rel @!p1 .LBB2_11-.Ltmp1, $4  }
0x41: {  	[hbm:s19], [sflag:s11] =	dma.local [spmem:s16], $0x2800  }
0x42: {  	_ =	swait.ge [sflag:s24], $0x2800  }
0x43: {  	[sflag:s24] =	ssyncset.done $0x0  }
0x44: {  	[sflag:s24] =	ssyncadd.s32 $0xFFFFD800  }
.LBB2_1:
0x45: {  	s11 =	sand.u32 $0xFE00, s3  }
0x46: {  	s12 =	sand.u32 $0x70, s3;
	s15 =	sshrl.u32 s11, $0x2  }
0x47: {  	s11 =	simm.s32 $0x40;
	s15 =	sor.u32 s12, s15;
	s12 =	simm.s32 $0x0  }
.LBB2_2:
0x48: {  	p1 =	sne.s32 s11, $0xFFC0  }
0x49: {  	[tilespmem:s15+$0x3780] =	vst v0;
	s12 =	sadd.s32 $0x10, s12;
	s15 =	smov.u32 s11;
	s11 =	sadd.s32 $0x40, s11  }
.Ltmp2:
0x4a: {  	(pc) =	sbr.rel @p1 .LBB2_2-.Ltmp2, $4  }
0x4b: {  	_ = 	snop  }
0x4c: {  	s15 =	sand.u32 $0xFE00, s15  }
0x4d: {  	s16 =	sand.u32 $0x70, s12;
	s15 =	sshrl.u32 s15, $0x2  }
0x4e: {  	s15 =	sor.u32 s16, s15  }
0x4f: {  	[tilespmem:s15+$0x3780] =	vst v0  }
0x50: {  	[spmem:s6] =	stream.linear.scatter [tilespmem:s23], [sflag:$0x3], $0x4000, $0x38;
	[tilespmem:$0x1F780] =	vst v63  }
0x51: {  	_ =	swait.ge [sflag:s24], $0x4000  }
0x52: {  	[sflag:s24] =	ssyncset.done $0x0  }
0x53: {  	[sflag:s24] =	ssyncadd.s32 $0xFFFFC000  }
0x54: {  	[spmem:s7] =	stream.linear.scatter [tilespmem:s23], [sflag:$0x3], $0x4000, $0x38;
	[tilespmem:$0x1F780] =	vst v63  }
0x55: {  	_ =	swait.ge [sflag:s24], $0x4000  }
0x56: {  	[sflag:s24] =	ssyncset.done $0x0  }
0x57: {  	[sflag:s24] =	ssyncadd.s32 $0xFFFFC000  }
0x58: {  	[spmem:s8] =	stream.linear.scatter [tilespmem:s23], [sflag:$0x3], $0x4000, $0x38;
	[tilespmem:$0x1F780] =	vst v63  }
0x59: {  	_ =	swait.ge [sflag:s24], $0x4000  }
0x5a: {  	[sflag:s24] =	ssyncset.done $0x0  }
0x5b: {  	[sflag:s24] =	ssyncadd.s32 $0xFFFFC000  }
0x5c: {  	[spmem:s9] =	stream.linear.scatter [tilespmem:s23], [sflag:$0x3], $0x4000, $0x38;
	[tilespmem:$0x1F780] =	vst v63  }
0x5d: {  	_ =	swait.ge [sflag:s24], $0x4000  }
0x5e: {  	[sflag:s24] =	ssyncset.done $0x0  }
0x5f: {  	[sflag:s24] =	ssyncadd.s32 $0xFFFFC000  }
0x60: {  	[spmem:s10] =	stream.linear.scatter [tilespmem:s23], [sflag:$0x3], $0x4000, $0x38;
	[tilespmem:$0x1F780] =	vst v63  }
.Ltmp3:
0x61: {  	_ =	swait.ge [sflag:s24], $0x4000;
	(pc) =	sbr.rel @!p0 .LBB2_4-.Ltmp3, $3  }
0x62: {  	[sflag:s24] =	ssyncset.done $0x0  }
0x63: {  	[sflag:s24] =	ssyncadd.s32 $0xFFFFC000  }
0x64: {  	[bflag:$0x0] =	sbarrier.arrive $0xFFFF;
	_ =	sdelay $0x1  }
0x65: {  	s11 =	rddreg [dreg:$0x7]  }
0x66: {  	[tilespmem:s3], [sflag:$0x3] =	stream.linear.gather [hbm4b:s11+s3], $0x1880, $0x38;
	[tilespmem:$0x1F780] =	vst v63  }
0x67: {  	_ =	swait.ge [sflag:s24], $0x1880  }
0x68: {  	[sflag:s24] =	ssyncset.done $0x0  }
0x69: {  	[sflag:s24] =	ssyncadd.s32 $0xFFFFE780  }
0x6a: {  	[tilespmem:s23], [sflag:$0x1] =	stream.indirect.gather [hbm4b:s4+s25], $0x80, s3, s25, $0xb8;
	[tilespmem:$0x1F780] =	vst v63  }
0x6b: {  	_ = 	snop  }
0x6c: {  	[tilespmem:s26], [sflag:$0x2] =	stream.indirect.gather [hbm4b:s4+s25], $0x80, s25, s25, $0xb8;
	[tilespmem:$0x1F780] =	vst v63  }
0x6d: {  	_ = 	snop  }
0x6e: {  	[tilespmem:s28], [sflag:$0x3] =	stream.linear.gather [hbm4b:s22+s3], $0x80, $0x38;
	[tilespmem:$0x1F780] =	vst v63  }
0x6f: {  	_ =	swait.ge [sflag:s24], $0x80  }
0x70: {  	[sflag:s24] =	ssyncset.done $0x0  }
0x71: {  	[sflag:s24] =	ssyncadd.s32 $0xFFFFFF80  }
0x72: {  	_ =	swait.ge [sflag:s29], $0x4000  }
0x73: {  	[sflag:s29] =	ssyncset.done $0x0  }
0x74: {  	[sflag:s29] =	ssyncadd.s32 $0xFFFFC000  }
0x75: {  	[spmem:s2] =	stream.indirect.scatter.add.f32 [tilespmem:s23], [sflag:$0x3], $0x80, s28, s25, $0xb8;
	[tilespmem:$0x1F780] =	vst v63  }
0x76: {  	_ =	swait.ge [sflag:s24], $0x4000  }
0x77: {  	[sflag:s24] =	ssyncset.done $0x0  }
0x78: {  	s15 =	simm.s32 $0x100;
	[sflag:s24] =	ssyncadd.s32 $0xFFFFC000  }
0x79: {  	[tilespmem:s23], [sflag:$0x1] =	stream.indirect.gather [hbm4b:s4+s25], $0x80, s15, s25, $0xb8;
	[tilespmem:$0x1F780] =	vst v63  }
0x7a: {  	s16 =	sadd.s32 $0x10, s22  }
0x7b: {  	[tilespmem:s30], [sflag:$0x3] =	stream.linear.gather [hbm4b:s16+s3], $0x80, $0x38;
	[tilespmem:$0x1F780] =	vst v63  }
0x7c: {  	_ =	swait.ge [sflag:s24], $0x80  }
0x7d: {  	[sflag:s24] =	ssyncset.done $0x0  }
0x7e: {  	[sflag:s24] =	ssyncadd.s32 $0xFFFFFF80  }
0x7f: {  	_ =	swait.ge [sflag:s31], $0x4000  }
0x80: {  	[sflag:s31] =	ssyncset.done $0x0  }
0x81: {  	[sflag:s31] =	ssyncadd.s32 $0xFFFFC000  }
0x82: {  	[spmem:s2] =	stream.indirect.scatter.add.f32 [tilespmem:s26], [sflag:$0x3], $0x80, s30, s25, $0xb8;
	[tilespmem:$0x1F780] =	vst v63  }
0x83: {  	_ =	swait.ge [sflag:s24], $0x4000  }
0x84: {  	s12 =	sadd.s32 $0x20, s22;
	[sflag:s24] =	ssyncset.done $0x0  }
0x85: {  	s11 =	simm.s32 $0xFFFFA800;
	s15 =	simm.s32 $0x180;
	[sflag:s24] =	ssyncadd.s32 $0xFFFFC000  }
.LBB2_8:
0x86: {  	[tilespmem:s26], [sflag:$0x2] =	stream.indirect.gather [hbm4b:s4+s25], $0x80, s15, s25, $0xb8;
	[tilespmem:$0x1F780] =	vst v63  }
0x87: {  	p1 =	sne.s32 s11, $0xFFFFFC00;
	s14 =	smov.u32 s11;
	s11 =	sadd.s32 $0x400, s11  }
0x88: {  	[tilespmem:s28], [sflag:$0x3] =	stream.linear.gather [hbm4b:s12+s3], $0x80, $0x38;
	[tilespmem:$0x1F780] =	vst v63  }
0x89: {  	_ =	swait.ge [sflag:s24], $0x80  }
0x8a: {  	[sflag:s24] =	ssyncset.done $0x0  }
0x8b: {  	[sflag:s24] =	ssyncadd.s32 $0xFFFFFF80  }
0x8c: {  	_ =	swait.ge [sflag:s29], $0x4000  }
0x8d: {  	[sflag:s29] =	ssyncset.done $0x0  }
0x8e: {  	[sflag:s29] =	ssyncadd.s32 $0xFFFFC000  }
0x8f: {  	[spmem:s2] =	stream.indirect.scatter.add.f32 [tilespmem:s23], [sflag:$0x3], $0x80, s28, s25, $0xb8;
	[tilespmem:$0x1F780] =	vst v63  }
0x90: {  	_ =	swait.ge [sflag:s24], $0x4000  }
0x91: {  	s14 =	sshra.s32 s14, $0x2;
	[sflag:s24] =	ssyncset.done $0x0  }
0x92: {  	s15 =	sadd.s32 $0x1800, s14;
	[sflag:s24] =	ssyncadd.s32 $0xFFFFC000  }
0x93: {  	[tilespmem:s23], [sflag:$0x1] =	stream.indirect.gather [hbm4b:s4+s25], $0x80, s15, s25, $0xb8;
	[tilespmem:$0x1F780] =	vst v63  }
0x94: {  	s15 =	sadd.s32 $0x10, s12  }
0x95: {  	[tilespmem:s30], [sflag:$0x3] =	stream.linear.gather [hbm4b:s15+s3], $0x80, $0x38;
	[tilespmem:$0x1F780] =	vst v63  }
0x96: {  	_ =	swait.ge [sflag:s24], $0x80  }
0x97: {  	[sflag:s24] =	ssyncset.done $0x0  }
0x98: {  	[sflag:s24] =	ssyncadd.s32 $0xFFFFFF80  }
0x99: {  	_ =	swait.ge [sflag:s31], $0x4000  }
0x9a: {  	[sflag:s31] =	ssyncset.done $0x0  }
.Ltmp4:
0x9b: {  	[sflag:s31] =	ssyncadd.s32 $0xFFFFC000;
	(pc) =	sbr.rel @p1 .LBB2_8-.Ltmp4, $4  }
0x9c: {  	[spmem:s2] =	stream.indirect.scatter.add.f32 [tilespmem:s26], [sflag:$0x3], $0x80, s30, s25, $0xb8;
	[tilespmem:$0x1F780] =	vst v63  }
0x9d: {  	_ =	swait.ge [sflag:s24], $0x4000  }
0x9e: {  	[sflag:s24] =	ssyncset.done $0x0  }
0x9f: {  	s12 =	sadd.s32 $0x20, s12;
	s15 =	sadd.s32 $0x1880, s14;
	[sflag:s24] =	ssyncadd.s32 $0xFFFFC000  }
.Ltmp5:
0xa0: {  	(pc) =	sbr.rel .LBB2_10-.Ltmp5, $4  }
0xa1: {  	_ = 	snop  }
0xa2: {  	[tilespmem:s26], [sflag:$0x2] =	stream.indirect.gather [hbm4b:s4+s25], $0x80, s15, s25, $0xb8;
	[tilespmem:$0x1F780] =	vst v63  }
0xa3: {  	s11 =	simm.s32 $0x1800  }
0xa4: {  	s16 =	smov.u32 s13;
	s15 =	smov.u32 s17;
	s12 =	smov.u32 s18  }
.LBB2_4:
0xa5: {  	s11 =	simm.s32 $0x0;
	s12 =	rddreg [dreg:$0x3]  }
0xa6: {  	[tilespmem:s11], [sflag:$0x3] =	stream.linear.gather [hbm4b:s12+s11], $0x3680, $0x38;
	[tilespmem:$0x1F780] =	vst v63  }
0xa7: {  	_ =	swait.ge [sflag:s24], $0x3680  }
0xa8: {  	[sflag:s24] =	ssyncset.done $0x0  }
0xa9: {  	[sflag:s24] =	ssyncadd.s32 $0xFFFFC980  }
0xaa: {  	[tilespmem:s23], [sflag:$0x1] =	stream.indirect.gather [hbm4b:s4+s25], $0x80, s11, s25, $0xb8;
	[tilespmem:$0x1F780] =	vst v63  }
0xab: {  	_ = 	snop  }
0xac: {  	[tilespmem:s26], [sflag:$0x2] =	stream.indirect.gather [hbm4b:s4+s25], $0x80, s25, s25, $0xb8;
	[tilespmem:$0x1F780] =	vst v63  }
0xad: {  	s15 =	sadd.s32 $0x0, s21  }
0xae: {  	[tilespmem:s28], [sflag:$0x3] =	stream.linear.gather [hbm4b:s15+s3], $0x80, $0x38;
	[tilespmem:$0x1F780] =	vst v63  }
0xaf: {  	_ =	swait.ge [sflag:s24], $0x80  }
0xb0: {  	[sflag:s24] =	ssyncset.done $0x0  }
0xb1: {  	[sflag:s24] =	ssyncadd.s32 $0xFFFFFF80  }
0xb2: {  	_ =	swait.ge [sflag:s29], $0x4000  }
0xb3: {  	[sflag:s29] =	ssyncset.done $0x0  }
0xb4: {  	[sflag:s29] =	ssyncadd.s32 $0xFFFFC000  }
0xb5: {  	[spmem:s2] =	stream.indirect.scatter.add.f32 [tilespmem:s23], [sflag:$0x3], $0x80, s28, s25, $0xb8;
	[tilespmem:$0x1F780] =	vst v63  }
0xb6: {  	_ =	swait.ge [sflag:s24], $0x4000  }
0xb7: {  	[sflag:s24] =	ssyncset.done $0x0  }
0xb8: {  	s16 =	simm.s32 $0x100;
	[sflag:s24] =	ssyncadd.s32 $0xFFFFC000  }
0xb9: {  	[tilespmem:s23], [sflag:$0x1] =	stream.indirect.gather [hbm4b:s4+s25], $0x80, s16, s25, $0xb8;
	[tilespmem:$0x1F780] =	vst v63  }
0xba: {  	s11 =	sadd.s32 $0x10, s15  }
0xbb: {  	[tilespmem:s30], [sflag:$0x3] =	stream.linear.gather [hbm4b:s11+s3], $0x80, $0x38;
	[tilespmem:$0x1F780] =	vst v63  }
0xbc: {  	_ =	swait.ge [sflag:s24], $0x80  }
0xbd: {  	[sflag:s24] =	ssyncset.done $0x0  }
0xbe: {  	[sflag:s24] =	ssyncadd.s32 $0xFFFFFF80  }
0xbf: {  	_ =	swait.ge [sflag:s31], $0x4000  }
0xc0: {  	p1 =	por $0x0, $0x0;
	[sflag:s31] =	ssyncset.done $0x0  }
.Ltmp6:
0xc1: {  	[sflag:s31] =	ssyncadd.s32 $0xFFFFC000;
	(pc) =	sbr.rel @p1 .LBB2_6-.Ltmp6, $4  }
0xc2: {  	[spmem:s2] =	stream.indirect.scatter.add.f32 [tilespmem:s26], [sflag:$0x3], $0x80, s30, s25, $0xb8;
	[tilespmem:$0x1F780] =	vst v63  }
0xc3: {  	_ =	swait.ge [sflag:s24], $0x4000  }
0xc4: {  	s12 =	simm.s32 $0x280;
	[sflag:s24] =	ssyncset.done $0x0  }
0xc5: {  	s15 =	simm.s32 $0x180;
	s11 =	simm.s32 $0x20;
	[sflag:s24] =	ssyncadd.s32 $0xFFFFC000  }
.LBB2_5:
0xc6: {  	[tilespmem:s26], [sflag:$0x2] =	stream.indirect.gather [hbm4b:s4+s25], $0x80, s15, s25, $0xb8;
	[tilespmem:$0x1F780] =	vst v63  }
0xc7: {  	s16 =	sadd.s32 s11, s21;
	p1 =	seq.s32 s11, $0x680;
	s11 =	sadd.s32 $0x20, s11  }
0xc8: {  	[tilespmem:s28], [sflag:$0x3] =	stream.linear.gather [hbm4b:s16+s3], $0x80, $0x38;
	[tilespmem:$0x1F780] =	vst v63  }
0xc9: {  	s15 =	smov.u32 s12;
	_ =	swait.ge [sflag:s24], $0x80  }
0xca: {  	[sflag:s24] =	ssyncset.done $0x0  }
0xcb: {  	[sflag:s24] =	ssyncadd.s32 $0xFFFFFF80  }
0xcc: {  	_ =	swait.ge [sflag:s29], $0x4000  }
0xcd: {  	[sflag:s29] =	ssyncset.done $0x0  }
0xce: {  	[sflag:s29] =	ssyncadd.s32 $0xFFFFC000  }
0xcf: {  	[spmem:s2] =	stream.indirect.scatter.add.f32 [tilespmem:s23], [sflag:$0x3], $0x80, s28, s25, $0xb8;
	[tilespmem:$0x1F780] =	vst v63  }
0xd0: {  	_ =	swait.ge [sflag:s24], $0x4000  }
0xd1: {  	[sflag:s24] =	ssyncset.done $0x0  }
0xd2: {  	s14 =	sadd.s32 $0xFFFFFF80, s12;
	[sflag:s24] =	ssyncadd.s32 $0xFFFFC000  }
0xd3: {  	[tilespmem:s23], [sflag:$0x1] =	stream.indirect.gather [hbm4b:s4+s25], $0x80, s14, s25, $0xb8;
	[tilespmem:$0x1F780] =	vst v63  }
0xd4: {  	s14 =	sadd.s32 $0x10, s16  }
0xd5: {  	[tilespmem:s30], [sflag:$0x3] =	stream.linear.gather [hbm4b:s14+s3], $0x80, $0x38;
	[tilespmem:$0x1F780] =	vst v63  }
0xd6: {  	_ =	swait.ge [sflag:s24], $0x80  }
0xd7: {  	[sflag:s24] =	ssyncset.done $0x0  }
0xd8: {  	[sflag:s24] =	ssyncadd.s32 $0xFFFFFF80  }
0xd9: {  	_ =	swait.ge [sflag:s31], $0x4000  }
0xda: {  	[sflag:s31] =	ssyncset.done $0x0  }
.Ltmp7:
0xdb: {  	[sflag:s31] =	ssyncadd.s32 $0xFFFFC000;
	(pc) =	sbr.rel @!p1 .LBB2_5-.Ltmp7, $4  }
0xdc: {  	[spmem:s2] =	stream.indirect.scatter.add.f32 [tilespmem:s26], [sflag:$0x3], $0x80, s30, s25, $0xb8;
	[tilespmem:$0x1F780] =	vst v63  }
0xdd: {  	_ =	swait.ge [sflag:s24], $0x4000  }
0xde: {  	[sflag:s24] =	ssyncset.done $0x0  }
0xdf: {  	s12 =	sadd.s32 $0x100, s12;
	[sflag:s24] =	ssyncadd.s32 $0xFFFFC000  }
.Ltmp8:
0xe0: {  	_ = 	snop;
	(pc) =	sbr.rel .LBB2_6-.Ltmp8, $1  }
0xe1: {  	_ =	sdelay $0x3  }
.LBB2_11:
0xe2: {  	_ =	sfence.sel $0x180000  }
0xe3: {  	[bflag:$0x0] =	sbarrier.arrive $0xFFFF  }
0xe4: {  	_ =	strace $0x9000004A  }
0xe5: {  	[bflag:$0x2] =	sbarrier.arrive $0xFFFF  }
0xe6: {  	p0 =	sne.s32 s1, $0x0;
	s0 =	rddreg [dreg:$0x2]  }
0xe7: {  	s0 =	sadd.s32 @!p0 $0x100000, s0  }
0xe8: {  	[sflag:s0] =	ssyncadd.tile.s32 @!p0 $0x1;
	_ =	shalt  }
.Lfunc_end2:
_tile_overlayer_lowered:
.L_overlay_start_2:
0xe9: {  	(tag) =	ssettag $0x2  }
0xea: {  	s0 =	rddreg [dreg:$0x0];
	s2 =	stileid.u32  }
0xeb: {  	s1 =	rddreg [dreg:$0x1];
	p0 =	sne.s32 s2, $0x0  }
0xec: {  	s3 =	rddreg [dreg:$0x2];
	[bflag:$0x3] =	sbarrier.arrive $0xFFFF;
	s2 =	simm.s32 @!p0 $0x1C03  }
0xed: {  	[timem:s3], [sflag:s2] =	dma.local @!p0 [hbm:s0], s1  }
0xee: {  	s0 =	simm.s32 @!p0 $0x3  }
0xef: {  	_ =	swait.ge @!p0 [sflag:s0], s1  }
0xf0: {  	s1 =	ssub.s32 @!p0 $0x0, s1;
	[sflag:s0] =	ssyncset.done @!p0 $0x0  }
0xf1: {  	[sflag:s0] =	ssyncadd.s32 @!p0 s1  }
0xf2: {  	[bflag:$0x3] =	sbarrier.arrive $0xFFFF  }
0xf3: {  	_ =	shalt  }

// kernel: kernel.16.cloned.1.call-start
scs
__scs_entry_jumppad:
0x0: {  	(pc) =	sbr.rel $0x88, $3  }
0x1: {  	(tag) =	ssettag $0x0;
	lr =	simm.s32 $0x1  }
0x2: {  	[smem:$0x3F99] =	sst lr;
	_ =	strace $0xD0000000  }
0x3: {  	_ = 	snop  }
0x4: {  	_ = 	snop  }
0x5: {  	_ = 	snop  }
0x6: {  	_ = 	snop  }
0x7: {  	_ = 	snop  }
__scs_overlays_trampoline_lowered:
0x8: {  	[smem:$0x3FA8] =	sst s0  }
0x9: {  	[smem:$0x3FA9] =	sst s1  }
0xa: {  	[smem:$0x3FAA] =	sst s2  }
0xb: {  	[smem:$0x3FAB] =	sst s3  }
0xc: {  	[smem:$0x3FAC] =	sst s4  }
0xd: {  	[smem:$0x3FAD] =	sst s5  }
0xe: {  	[smem:$0x3FAE] =	sst s6  }
0xf: {  	[smem:$0x3FAF] =	sst s7  }
0x10: {  	[smem:$0x3FB0] =	sst s8  }
0x11: {  	[smem:$0x3FB1] =	sst s9;
	s0 =	simm.s32 @!p0 $0x0  }
0x12: {  	s1 =	sld [smem:$0x3F97];
	s0 =	simm.s32 @p0 $0x1  }
0x13: {  	[smem:$0x3FB2] =	sst s0;
	s0 =	simm.s32 @!p1 $0x0  }
0x14: {  	s2 =	sld [smem:$0x3F96];
	s0 =	simm.s32 @p1 $0x1  }
0x15: {  	[smem:$0x3FB3] =	sst s0;
	s0 =	simm.s32 @!p2 $0x0  }
0x16: {  	s3 =	sld [smem:$0x3FDB];
	s0 =	simm.s32 @p2 $0x1  }
0x17: {  	s4 =	simm.s32 $0x1BF5;
	[smem:$0x3FB5] =	sst s0  }
0x18: {  	s0 =	sld [smem:$0x3F98];
	_ =	swait.ge [sflag:s4], $0x0  }
0x19: {  	s7 =	sld [smem:$0x3F99]  }
0x1a: {  	s8 =	sadd.s32 $0xFFFFE003, lr  }
0x1b: {  	s9 =	sadd.s32 $0xFFFFFEF7, lr;
	s5 =	simm.s32 $0xFFFFFFFF;
	p2 =	slt.u32 s8, $0xFFFFF086  }
0x1c: {  	p1 =	slt.u32 s9, $0xF7A;
	s5 =	simm.s32 @!p2 $0x0  }
0x1d: {  	s5 =	simm.s32 @p1 $0x1;
	p0 =	seq.s32 s7, s2  }
0x1e: {  	s7 =	smul.u32 @!p0 $0xF7A, s2;
	p2 =	seq.s32 @!p0 s5, $0x0  }
0x1f: {  	s9 =	smul.u32 $0xF7A, s1;
	s8 =	simm.s32 @!p0 $0x1BF5;
	p2 =	por !p2, p0  }
0x20: {  	[sflag:s8] =	ssyncset.s32 @!p0 $0xFFFFF086;
	s6 =	sadd.s32 @!p0 s3, s7;
	s7 =	simm.s32 @!p0 $0x108  }
0x21: {  	s3 =	sadd.s32 s3, s9;
	s6 =	sadd.s32 @!p0 $0x88, s6;
	s7 =	simm.s32 @p2 $0x1082  }
0x22: {  	[simem:s7], [sflag:s8] =	dma.local @!p0 [hbm:s6], $0xF7A  }
0x23: {  	s9 =	sor.u32 $0xD0000000, s2;
	s6 =	simm.s32 $0x108;
	_ =	swait.ge @!p0 [sflag:s8], $0x0  }
0x24: {  	s3 =	sadd.s32 $0x88, s3;
	s6 =	simm.s32 @!p1 $0x1082;
	[sflag:s4] =	ssyncset.s32 $0xFFFFF086  }
0x25: {  	[simem:s6], [sflag:s4] =	dma.local [hbm:s3], $0xF7A  }
0x26: {  	[smem:$0x3F99] =	sst s1;
	(tag) =	ssettag s2;
	_ =	strace s9  }
0x27: {  	s1 =	sld [smem:$0x3FA9]  }
0x28: {  	s2 =	sld [smem:$0x3FAA]  }
0x29: {  	s4 =	sld [smem:$0x3FAC]  }
0x2a: {  	p0 =	seq.s32 s5, $0x0;
	s5 =	sld [smem:$0x3FAD]  }
0x2b: {  	s6 =	sld [smem:$0x3FAE]  }
0x2c: {  	s7 =	sld [smem:$0x3FAF]  }
0x2d: {  	s3 =	simm.s32 $0x108;
	s8 =	sld [smem:$0x3FB0]  }
0x2e: {  	s3 =	simm.s32 @!p0 $0x1082;
	s9 =	sld [smem:$0x3FB1]  }
0x2f: {  	lr =	sadd.s32 s0, s3;
	s0 =	sld [smem:$0x3FA8]  }
0x30: {  	s3 =	sld [smem:$0x3FAB]  }
0x31: {  	[smem:$0x3FB4] =	sst s10  }
0x32: {  	s10 =	sld [smem:$0x3FB2];
	_ =	sdelay $0x3  }
0x33: {  	p0 =	seq.s32 s10, $0x1;
	s10 =	sld [smem:$0x3FB4];
	_ =	sdelay $0x3  }
0x34: {  	[smem:$0x3FB4] =	sst s10  }
0x35: {  	s10 =	sld [smem:$0x3FB3];
	_ =	sdelay $0x3  }
0x36: {  	p1 =	seq.s32 s10, $0x1;
	s10 =	sld [smem:$0x3FB4];
	_ =	sdelay $0x3  }
0x37: {  	[smem:$0x3FB4] =	sst s10  }
0x38: {  	s10 =	sld [smem:$0x3FB5]  }
0x39: {  	_ = 	snop;
	(pc) =	sbr.ind lr, $3  }
0x3a: {  	_ = 	snop  }
0x3b: {  	_ = 	snop  }
0x3c: {  	p2 =	seq.s32 s10, $0x1;
	s10 =	sld [smem:$0x3FB4]  }
0x3d: {  	_ =	shalt  }
0x3e: {  	_ =	shalt  }
0x3f: {  	_ =	shalt  }
0x40: {  	_ =	shalt  }
0x41: {  	_ =	shalt  }
0x42: {  	_ =	shalt  }
0x43: {  	_ =	shalt  }
0x44: {  	_ =	shalt  }
0x45: {  	_ =	shalt  }
0x46: {  	_ =	shalt  }
0x47: {  	_ =	shalt  }
0x48: {  	_ =	shalt  }
0x49: {  	_ =	shalt  }
0x4a: {  	_ =	shalt  }
0x4b: {  	_ =	shalt  }
0x4c: {  	_ =	shalt  }
0x4d: {  	_ =	shalt  }
0x4e: {  	_ =	shalt  }
0x4f: {  	_ =	shalt  }
0x50: {  	_ =	shalt  }
0x51: {  	_ =	shalt  }
0x52: {  	_ =	shalt  }
0x53: {  	_ =	shalt  }
0x54: {  	_ =	shalt  }
0x55: {  	_ =	shalt  }
0x56: {  	_ =	shalt  }
0x57: {  	_ =	shalt  }
0x58: {  	_ =	shalt  }
0x59: {  	_ =	shalt  }
0x5a: {  	_ =	shalt  }
0x5b: {  	_ =	shalt  }
0x5c: {  	_ =	shalt  }
0x5d: {  	_ =	shalt  }
0x5e: {  	_ =	shalt  }
0x5f: {  	_ =	shalt  }
0x60: {  	_ =	shalt  }
0x61: {  	_ =	shalt  }
0x62: {  	_ =	shalt  }
0x63: {  	_ =	shalt  }
0x64: {  	_ =	shalt  }
0x65: {  	_ =	shalt  }
0x66: {  	_ =	shalt  }
0x67: {  	_ =	shalt  }
0x68: {  	_ =	shalt  }
0x69: {  	_ =	shalt  }
0x6a: {  	_ =	shalt  }
0x6b: {  	_ =	shalt  }
0x6c: {  	_ =	shalt  }
0x6d: {  	_ =	shalt  }
0x6e: {  	_ =	shalt  }
0x6f: {  	_ =	shalt  }
0x70: {  	_ =	shalt  }
0x71: {  	_ =	shalt  }
0x72: {  	_ =	shalt  }
0x73: {  	_ =	shalt  }
0x74: {  	_ =	shalt  }
0x75: {  	_ =	shalt  }
0x76: {  	_ =	shalt  }
0x77: {  	_ =	shalt  }
0x78: {  	_ =	shalt  }
0x79: {  	_ =	shalt  }
0x7a: {  	_ =	shalt  }
0x7b: {  	_ =	shalt  }
0x7c: {  	_ =	shalt  }
0x7d: {  	_ =	shalt  }
0x7e: {  	_ =	shalt  }
0x7f: {  	_ =	shalt  }
0x80: {  	_ =	shalt  }
0x81: {  	_ =	shalt  }
0x82: {  	_ =	shalt  }
0x83: {  	_ =	shalt  }
0x84: {  	_ =	shalt  }
0x85: {  	_ =	shalt  }
0x86: {  	_ =	shalt  }
0x87: {  	_ =	shalt  }
.Lfunc_end0:
.L_simem_size_0:
called_computation.2_lowered:
.L_overlay_start_0:
0x88: {  	s2 =	sld [smem:$0x3FD9]  }
0x89: {  	s3 =	sld [smem:$0x3FFE];
	_ =	sdelay $0x1  }
0x8a: {  	s1 =	srdreg.scid  }
0x8b: {  	s0 =	sand.u32 $0x1, s1  }
0x8c: {  	s16 =	sshll.u32 s0, $0xA;
	s2 =	sadd.s32 s3, s2  }
0x8d: {  	s2 =	sadd.s32 s2, s16  }
0x8e: {  	[smem:$0x3FC0] =	sst s2  }
0x8f: {  	_ = 	snop  }
0x90: {  	(tm) =	ssettm $0x1  }
0x91: {  	s17 =	sld [smem:$0x3FFB];
	_ =	sdelay $0x3  }
0x92: {  	_ =	strace s17  }
0x93: {  	s2 =	sld [smem:$0x3FFC];
	_ =	sdelay $0x3  }
0x94: {  	_ =	strace s2  }
0x95: {  	s2 =	sld [smem:$0x3FFD];
	_ =	sdelay $0x3  }
0x96: {  	_ =	strace s2  }
0x97: {  	_ =	strace $0x8FFFFFFF  }
0x98: {  	s18 =	sld [smem:$0x3FDB];
	_ =	sdelay $0x1  }
0x99: {  	s19 =	simm.s32 $_scs_section_size  }
0x9a: {  	s4 =	simm.s32 $_size__tile_overlayer_lowered;
	s5 =	simm.s32 $_tile_overlayer_lowered  }
0x9b: {  	s22 =	simm.s32 $0x1BFF;
	s21 =	sshll.u32 s5, $0x1;
	s2 =	sadd.s32 s19, s18  }
0x9c: {  	s6 =	simm.s32 $0x0;
	s20 =	sshll.u32 s4, $0x1;
	s4 =	sadd.s32 s21, s2  }
0x9d: {  	[timem:s6], [sflag:s22] =	dma.local [hbm:s4], s20  }
0x9e: {  	_ =	swait.ge [sflag:s22], s20  }
0x9f: {  	s3 =	ssub.s32 $0x0, s20;
	[sflag:s22] =	ssyncset.done $0x0  }
0xa0: {  	[sflag:s22] =	ssyncadd.s32 s3;
	_ =	sdelay $0x1  }
0xa1: {  	s23 =	simm.s32 $0x1B8B  }
0xa2: {  	_ =	swait.ge [sflag:s23], $0x1  }
0xa3: {  	[sflag:s23] =	ssyncset.done $0x0  }
0xa4: {  	s25 =	simm.s32 $0x1B8E;
	s24 =	sld [smem:$0x3FFE];
	[sflag:s23] =	ssyncadd.s32 $0xFFFFFFFF  }
0xa5: {  	s26 =	simm.s32 $execute0_lowered;
	[smem:$0x3FD2] =	sst s25  }
0xa6: {  	s4 =	sshll.u32 s26, $0x1;
	_ =	strace $0x8000004C;
	[dreg:$0x1] =	wrdreg $0xFFFFFFFF  }
0xa7: {  	s28 =	simm.s32 $_size_execute0_lowered;
	s2 =	sadd.s32 s2, s4;
	[dreg:$0x0] =	wrdreg $0x0  }
0xa8: {  	s4 =	sshll.u32 s28, $0x1;
	[dreg:$0x2] =	wrdreg s2  }
0xa9: {  	[dreg:$0x3] =	wrdreg s4  }
0xaa: {  	[dreg:$0x4] =	wrdreg $0xC0  }
0xab: {  	_ =	task [dreg:s6], $0x5FFFF  }
0xac: {  	[dreg:$0x1] =	wrdreg $0xFFFFFFFF  }
0xad: {  	[dreg:$0x0] =	wrdreg $0x60  }
0xae: {  	[dreg:$0x2] =	wrdreg s24  }
0xaf: {  	[dreg:$0x3] =	wrdreg $0x77800  }
0xb0: {  	[dreg:$0x4] =	wrdreg $0x9  }
0xb1: {  	_ =	task.clear_ibuf [dreg:s6], $0x5FFFF;
	_ =	strace $0x9000004C  }
0xb2: {  	s29 =	simm.s32 $0x9;
	_ =	strace $0x8000004E  }
0xb3: {  	_ =	swait.ge [sflag:s29], $0x1  }
0xb4: {  	[sflag:s29] =	ssyncadd.s32 $0xFFFFFFFF  }
0xb5: {  	_ =	strace $0x9000004E  }
0xb6: {  	_ =	sfence  }
0xb7: {  	s30 =	sld [smem:$0x0];
	_ =	sdelay $0x2  }
0xb8: {  	s31 =	sshll.u32 s1, $0xD;
	s1 =	sshrl.u32 s1, $0x2  }
0xb9: {  	s3 =	sand.u32 $0x4000, s31;
	s1 =	sadd.s32 s1, s30  }
0xba: {  	s0 =	sor.u32 s3, s0;
	s1 =	sshll.u32 s1, $0x11  }
0xbb: {  	s0 =	sor.u32 s1, s0  }
0xbc: {  	s0 =	sadd.s32 $0x8F2B, s0  }
0xbd: {  	[sflag:s0] =	ssyncadd.remote.s32 $0x1  }
0xbe: {  	_ =	sfence.sel $0xFFFF  }
0xbf: {  	[dreg:$0x0] =	wrdreg $0xFFFFFFFF;
	(pc) =	sbr.abs _section_cstart, $3  }
0xc0: {  	[dreg:$0x1] =	wrdreg $0xFFFFFFFF  }
0xc1: {  	_ =	task.clear_ibuf [dreg:s6], $0x2FFFF;
	_ =	strace $0x9FFFFFFF  }
0xc2: {  	(tm) =	ssettm $0x7FFFFFFF  }
0xc3: {  	_ =	shalt  }
tec
execute0_lowered:
.L_overlay_start_1:
0x0: {  	(tag) =	ssettag $0x1  }
0x1: {  	s0 =	rddreg [dreg:$0x0];
	s1 =	stileid.u32  }
0x2: {  	s2 =	rddreg [dreg:$0x1];
	s6 =	smul.u32 $0xA000, s1  }
0x3: {  	s4 =	srdreg.scid;
	s9 =	smul.u32 $0x28000, s1  }
0x4: {  	s3 =	simm.s32 $0x0;
	s28 =	simm.s32 $0x3680;
	s13 =	smul.u32 $0x3680, s1  }
0x5: {  	s29 =	simm.s32 $0x1;
	s30 =	simm.s32 $0x3700;
	s16 =	smul.u32 $0x1880, s1  }
0x6: {  	s31 =	simm.s32 $0x2;
	s11 =	sand.u32 $0x1, s4;
	s24 =	smul.u32 $0x310, s1  }
0x7: {  	[smem:$0x7FF] =	sst s3;
	s4 =	sadd.s32 $0x16400, s0;
	s25 =	smul.u32 $0x6D0, s1  }
0x8: {  	s12 =	sadd.s32 $0xC600, s0;
	s5 =	smul.u32 $0xA0000, s11;
	s8 =	ssub.s32 $0x2, s11  }
0x9: {  	_ =	strace $0x8000004D;
	p0 =	seq.s32 s11, $0x1;
	s10 =	sshrl.u32 s8, $0x1  }
0xa: {  	s17 =	sshrl.u32 s9, $0x2;
	s14 =	sshrl.u32 s13, $0x3;
	s20 =	sshrl.u32 s16, $0x3  }
0xb: {  	s21 =	sadd.s32 $0x3500, s13;
	s22 =	sadd.s32 $0x3580, s13;
	s23 =	sadd.s32 $0x3600, s13  }
0xc: {  	s13 =	sadd.s32 $0x37F00, s16;
	s7 =	sadd.s32 s6, s5;
	s5 =	sadd.s32 $0x2800, s0  }
0xd: {  	s15 =	ssub.s32 s8, s10;
	s6 =	sadd.s32 s6, s2;
	[dreg:$0x4] =	wrdreg s21  }
0xe: {  	s18 =	sadd.s32 s17, s2;
	s19 =	sadd.s32 s12, s14;
	[dreg:$0x5] =	wrdreg s22  }
0xf: {  	s11 =	sadd.s32 s12, s20;
	[dreg:$0x6] =	wrdreg s23;
	s17 =	sadd.s32 $0x37F80, s16  }
0x10: {  	s23 =	simm.s32 $0x3780;
	s7 =	sshrl.u32 s7, $0x3;
	s8 =	sadd.s32 $0x4000, s18  }
0x11: {  	s9 =	sadd.s32 $0x6000, s18;
	s10 =	sadd.s32 $0x8000, s18;
	[dreg:$0x3] =	wrdreg s19  }
.Ltmp0:
0x12: {  	s11 =	sadd.s32 $0x6D00, s11;
	s26 =	sadd.s32 s24, s5;
	(pc) =	sbr.rel .LBB2_1-.Ltmp0, $4  }
0x13: {  	s20 =	smax.u32 s15, $0x1;
	s21 =	sadd.s32 s25, s5;
	s24 =	simm.s32 $0x3  }
0x14: {  	s25 =	simm.s32 $0x80;
	s0 =	sadd.s32 s7, s0;
	s7 =	sadd.s32 $0x2000, s18  }
0x15: {  	[dreg:$0x7] =	wrdreg s11;
	s18 =	sadd.s32 $0x38000, s16;
	s22 =	sadd.s32 $0x6D00, s26  }
0x16: {  	v0 =	vimm.f32 $0.0e+00;
	s26 =	simm.s32 $0x5780;
	s19 =	sadd.s32 $0x29E00, s0;
	s0 =	simm.s32 $0x0  }
.LBB2_6:
0x17: {  	[tilespmem:s26], [sflag:$0x2] =	stream.indirect.gather [hbm4b:s4+s25], $0x40, s15, s25, $0xb8;
	[tilespmem:$0x11780] =	vst v63  }
0x18: {  	s16 =	rddreg [dreg:$0x4]  }
0x19: {  	s15 =	rddreg [dreg:$0x5]  }
0x1a: {  	s11 =	simm.s32 $0x3600;
	s12 =	rddreg [dreg:$0x6]  }
.LBB2_10:
0x1b: {  	s14 =	sshrl.u32 s16, $0x3  }
0x1c: {  	s14 =	sadd.s32 s5, s14  }
0x1d: {  	[tilespmem:s28], [sflag:$0x3] =	stream.linear.gather [hbm4b:s14+s3], $0x80, $0x38;
	[tilespmem:$0x11780] =	vst v63  }
0x1e: {  	_ =	swait.ge [sflag:s24], $0x80  }
0x1f: {  	[sflag:s24] =	ssyncset.done $0x0  }
0x20: {  	[sflag:s24] =	ssyncadd.s32 $0xFFFFFF80  }
0x21: {  	_ =	swait.ge [sflag:s29], $0x2000  }
0x22: {  	[sflag:s29] =	ssyncset.done $0x0  }
0x23: {  	[sflag:s29] =	ssyncadd.s32 $0xFFFFE000  }
0x24: {  	[spmem:s2] =	stream.indirect.scatter.add.f32 [tilespmem:s23], [sflag:$0x3], $0x40, s28, s25, $0xb8;
	[tilespmem:$0x11780] =	vst v63  }
0x25: {  	_ =	swait.ge [sflag:s24], $0x2000  }
0x26: {  	s16 =	sshrl.u32 s15, $0x3;
	[sflag:s24] =	ssyncset.done $0x0  }
0x27: {  	s14 =	sadd.s32 s5, s16;
	[sflag:s24] =	ssyncadd.s32 $0xFFFFE000  }
0x28: {  	[tilespmem:s30], [sflag:$0x3] =	stream.linear.gather [hbm4b:s14+s3], $0x80, $0x38;
	[tilespmem:$0x11780] =	vst v63  }
0x29: {  	_ =	swait.ge [sflag:s24], $0x80  }
0x2a: {  	[sflag:s24] =	ssyncset.done $0x0  }
0x2b: {  	[sflag:s24] =	ssyncadd.s32 $0xFFFFFF80  }
0x2c: {  	_ =	swait.ge [sflag:s31], $0x2000  }
0x2d: {  	[sflag:s31] =	ssyncset.done $0x0  }
0x2e: {  	[sflag:s31] =	ssyncadd.s32 $0xFFFFE000  }
0x2f: {  	[spmem:s2] =	stream.indirect.scatter.add.f32 [tilespmem:s26], [sflag:$0x3], $0x40, s30, s25, $0xb8;
	[tilespmem:$0x11780] =	vst v63  }
0x30: {  	_ =	swait.ge [sflag:s24], $0x2000  }
0x31: {  	[sflag:s24] =	ssyncset.done $0x0  }
0x32: {  	s12 =	sshrl.u32 s12, $0x3;
	[sflag:s24] =	ssyncadd.s32 $0xFFFFE000  }
0x33: {  	[tilespmem:s23], [sflag:$0x1] =	stream.indirect.gather [hbm4b:s4+s25], $0x40, s11, s25, $0xb8;
	[tilespmem:$0x11780] =	vst v63  }
0x34: {  	s14 =	sadd.s32 s5, s12  }
0x35: {  	[tilespmem:s28], [sflag:$0x3] =	stream.linear.gather [hbm4b:s14+s3], $0x80, $0x38;
	[tilespmem:$0x11780] =	vst v63  }
0x36: {  	_ =	swait.ge [sflag:s24], $0x80  }
0x37: {  	[sflag:s24] =	ssyncset.done $0x0  }
0x38: {  	[sflag:s24] =	ssyncadd.s32 $0xFFFFFF80  }
0x39: {  	_ =	swait.ge [sflag:s29], $0x2000  }
0x3a: {  	[sflag:s29] =	ssyncset.done $0x0  }
0x3b: {  	[sflag:s29] =	ssyncadd.s32 $0xFFFFE000  }
0x3c: {  	[spmem:s2] =	stream.indirect.scatter.add.f32 [tilespmem:s23], [sflag:$0x3], $0x40, s28, s25, $0xb8;
	[tilespmem:$0x11780] =	vst v63  }
0x3d: {  	_ =	swait.ge [sflag:s24], $0x2000  }
0x3e: {  	s15 =	sshll.u32 s1, $0x6;
	s0 =	sadd.s32 $0x1, s0;
	[sflag:s24] =	ssyncset.done $0x0  }
0x3f: {  	p1 =	sne.s32 s0, s20;
	s16 =	sshrl.u32 s6, $0x3;
	[sflag:s24] =	ssyncadd.s32 $0xFFFFE000  }
.Ltmp1:
0x40: {  	s11 =	sor.u32 $0x1C03, s15;
	[bflag:$0x0] =	sbarrier.arrive $0xFFFF;
	(pc) =	sbr.rel @!p1 .LBB2_11-.Ltmp1, $4  }
0x41: {  	[hbm:s19], [sflag:s11] =	dma.local [spmem:s16], $0x1400  }
0x42: {  	_ =	swait.ge [sflag:s24], $0x1400  }
0x43: {  	[sflag:s24] =	ssyncset.done $0x0  }
0x44: {  	[sflag:s24] =	ssyncadd.s32 $0xFFFFEC00  }
.LBB2_1:
0x45: {  	s11 =	sand.u32 $0x7F00, s3  }
0x46: {  	s12 =	sand.u32 $0x30, s3;
	s15 =	sshrl.u32 s11, $0x2  }
0x47: {  	s11 =	simm.s32 $0x40;
	s15 =	sor.u32 s12, s15;
	s12 =	simm.s32 $0x0  }
.LBB2_2:
0x48: {  	p1 =	sne.s32 s11, $0x7FC0  }
0x49: {  	[tilespmem:s15+$0x3780] =	vst v0;
	s12 =	sadd.s32 $0x10, s12;
	s15 =	smov.u32 s11;
	s11 =	sadd.s32 $0x40, s11  }
.Ltmp2:
0x4a: {  	(pc) =	sbr.rel @p1 .LBB2_2-.Ltmp2, $4  }
0x4b: {  	_ = 	snop  }
0x4c: {  	s15 =	sand.u32 $0x7F00, s15  }
0x4d: {  	s16 =	sand.u32 $0x30, s12;
	s15 =	sshrl.u32 s15, $0x2  }
0x4e: {  	s15 =	sor.u32 s16, s15  }
0x4f: {  	[tilespmem:s15+$0x3780] =	vst v0  }
0x50: {  	[spmem:s6] =	stream.linear.scatter [tilespmem:s23], [sflag:$0x3], $0x2000, $0x38;
	[tilespmem:$0x11780] =	vst v63  }
0x51: {  	_ =	swait.ge [sflag:s24], $0x2000  }
0x52: {  	[sflag:s24] =	ssyncset.done $0x0  }
0x53: {  	[sflag:s24] =	ssyncadd.s32 $0xFFFFE000  }
0x54: {  	[spmem:s7] =	stream.linear.scatter [tilespmem:s23], [sflag:$0x3], $0x2000, $0x38;
	[tilespmem:$0x11780] =	vst v63  }
0x55: {  	_ =	swait.ge [sflag:s24], $0x2000  }
0x56: {  	[sflag:s24] =	ssyncset.done $0x0  }
0x57: {  	[sflag:s24] =	ssyncadd.s32 $0xFFFFE000  }
0x58: {  	[spmem:s8] =	stream.linear.scatter [tilespmem:s23], [sflag:$0x3], $0x2000, $0x38;
	[tilespmem:$0x11780] =	vst v63  }
0x59: {  	_ =	swait.ge [sflag:s24], $0x2000  }
0x5a: {  	[sflag:s24] =	ssyncset.done $0x0  }
0x5b: {  	[sflag:s24] =	ssyncadd.s32 $0xFFFFE000  }
0x5c: {  	[spmem:s9] =	stream.linear.scatter [tilespmem:s23], [sflag:$0x3], $0x2000, $0x38;
	[tilespmem:$0x11780] =	vst v63  }
0x5d: {  	_ =	swait.ge [sflag:s24], $0x2000  }
0x5e: {  	[sflag:s24] =	ssyncset.done $0x0  }
0x5f: {  	[sflag:s24] =	ssyncadd.s32 $0xFFFFE000  }
0x60: {  	[spmem:s10] =	stream.linear.scatter [tilespmem:s23], [sflag:$0x3], $0x2000, $0x38;
	[tilespmem:$0x11780] =	vst v63  }
.Ltmp3:
0x61: {  	_ =	swait.ge [sflag:s24], $0x2000;
	(pc) =	sbr.rel @!p0 .LBB2_4-.Ltmp3, $3  }
0x62: {  	[sflag:s24] =	ssyncset.done $0x0  }
0x63: {  	[sflag:s24] =	ssyncadd.s32 $0xFFFFE000  }
0x64: {  	[bflag:$0x0] =	sbarrier.arrive $0xFFFF;
	_ =	sdelay $0x1  }
0x65: {  	s11 =	rddreg [dreg:$0x7]  }
0x66: {  	[tilespmem:s3], [sflag:$0x3] =	stream.linear.gather [hbm4b:s11+s3], $0x1880, $0x38;
	[tilespmem:$0x11780] =	vst v63  }
0x67: {  	_ =	swait.ge [sflag:s24], $0x1880  }
0x68: {  	[sflag:s24] =	ssyncset.done $0x0  }
0x69: {  	[sflag:s24] =	ssyncadd.s32 $0xFFFFE780  }
0x6a: {  	[tilespmem:s23], [sflag:$0x1] =	stream.indirect.gather [hbm4b:s4+s25], $0x40, s3, s25, $0xb8;
	[tilespmem:$0x11780] =	vst v63  }
0x6b: {  	_ = 	snop  }
0x6c: {  	[tilespmem:s26], [sflag:$0x2] =	stream.indirect.gather [hbm4b:s4+s25], $0x40, s25, s25, $0xb8;
	[tilespmem:$0x11780] =	vst v63  }
0x6d: {  	_ = 	snop  }
0x6e: {  	[tilespmem:s28], [sflag:$0x3] =	stream.linear.gather [hbm4b:s22+s3], $0x80, $0x38;
	[tilespmem:$0x11780] =	vst v63  }
0x6f: {  	_ =	swait.ge [sflag:s24], $0x80  }
0x70: {  	[sflag:s24] =	ssyncset.done $0x0  }
0x71: {  	[sflag:s24] =	ssyncadd.s32 $0xFFFFFF80  }
0x72: {  	_ =	swait.ge [sflag:s29], $0x2000  }
0x73: {  	[sflag:s29] =	ssyncset.done $0x0  }
0x74: {  	[sflag:s29] =	ssyncadd.s32 $0xFFFFE000  }
0x75: {  	[spmem:s2] =	stream.indirect.scatter.add.f32 [tilespmem:s23], [sflag:$0x3], $0x40, s28, s25, $0xb8;
	[tilespmem:$0x11780] =	vst v63  }
0x76: {  	_ =	swait.ge [sflag:s24], $0x2000  }
0x77: {  	[sflag:s24] =	ssyncset.done $0x0  }
0x78: {  	s15 =	simm.s32 $0x100;
	[sflag:s24] =	ssyncadd.s32 $0xFFFFE000  }
0x79: {  	[tilespmem:s23], [sflag:$0x1] =	stream.indirect.gather [hbm4b:s4+s25], $0x40, s15, s25, $0xb8;
	[tilespmem:$0x11780] =	vst v63  }
0x7a: {  	s16 =	sadd.s32 $0x10, s22  }
0x7b: {  	[tilespmem:s30], [sflag:$0x3] =	stream.linear.gather [hbm4b:s16+s3], $0x80, $0x38;
	[tilespmem:$0x11780] =	vst v63  }
0x7c: {  	_ =	swait.ge [sflag:s24], $0x80  }
0x7d: {  	[sflag:s24] =	ssyncset.done $0x0  }
0x7e: {  	[sflag:s24] =	ssyncadd.s32 $0xFFFFFF80  }
0x7f: {  	_ =	swait.ge [sflag:s31], $0x2000  }
0x80: {  	[sflag:s31] =	ssyncset.done $0x0  }
0x81: {  	[sflag:s31] =	ssyncadd.s32 $0xFFFFE000  }
0x82: {  	[spmem:s2] =	stream.indirect.scatter.add.f32 [tilespmem:s26], [sflag:$0x3], $0x40, s30, s25, $0xb8;
	[tilespmem:$0x11780] =	vst v63  }
0x83: {  	_ =	swait.ge [sflag:s24], $0x2000  }
0x84: {  	s12 =	sadd.s32 $0x20, s22;
	[sflag:s24] =	ssyncset.done $0x0  }
0x85: {  	s11 =	simm.s32 $0xFFFFA800;
	s15 =	simm.s32 $0x180;
	[sflag:s24] =	ssyncadd.s32 $0xFFFFE000  }
.LBB2_8:
0x86: {  	[tilespmem:s26], [sflag:$0x2] =	stream.indirect.gather [hbm4b:s4+s25], $0x40, s15, s25, $0xb8;
	[tilespmem:$0x11780] =	vst v63  }
0x87: {  	p1 =	sne.s32 s11, $0xFFFFFC00;
	s14 =	smov.u32 s11;
	s11 =	sadd.s32 $0x400, s11  }
0x88: {  	[tilespmem:s28], [sflag:$0x3] =	stream.linear.gather [hbm4b:s12+s3], $0x80, $0x38;
	[tilespmem:$0x11780] =	vst v63  }
0x89: {  	_ =	swait.ge [sflag:s24], $0x80  }
0x8a: {  	[sflag:s24] =	ssyncset.done $0x0  }
0x8b: {  	[sflag:s24] =	ssyncadd.s32 $0xFFFFFF80  }
0x8c: {  	_ =	swait.ge [sflag:s29], $0x2000  }
0x8d: {  	[sflag:s29] =	ssyncset.done $0x0  }
0x8e: {  	[sflag:s29] =	ssyncadd.s32 $0xFFFFE000  }
0x8f: {  	[spmem:s2] =	stream.indirect.scatter.add.f32 [tilespmem:s23], [sflag:$0x3], $0x40, s28, s25, $0xb8;
	[tilespmem:$0x11780] =	vst v63  }
0x90: {  	_ =	swait.ge [sflag:s24], $0x2000  }
0x91: {  	s14 =	sshra.s32 s14, $0x2;
	[sflag:s24] =	ssyncset.done $0x0  }
0x92: {  	s15 =	sadd.s32 $0x1800, s14;
	[sflag:s24] =	ssyncadd.s32 $0xFFFFE000  }
0x93: {  	[tilespmem:s23], [sflag:$0x1] =	stream.indirect.gather [hbm4b:s4+s25], $0x40, s15, s25, $0xb8;
	[tilespmem:$0x11780] =	vst v63  }
0x94: {  	s15 =	sadd.s32 $0x10, s12  }
0x95: {  	[tilespmem:s30], [sflag:$0x3] =	stream.linear.gather [hbm4b:s15+s3], $0x80, $0x38;
	[tilespmem:$0x11780] =	vst v63  }
0x96: {  	_ =	swait.ge [sflag:s24], $0x80  }
0x97: {  	[sflag:s24] =	ssyncset.done $0x0  }
0x98: {  	[sflag:s24] =	ssyncadd.s32 $0xFFFFFF80  }
0x99: {  	_ =	swait.ge [sflag:s31], $0x2000  }
0x9a: {  	[sflag:s31] =	ssyncset.done $0x0  }
.Ltmp4:
0x9b: {  	[sflag:s31] =	ssyncadd.s32 $0xFFFFE000;
	(pc) =	sbr.rel @p1 .LBB2_8-.Ltmp4, $4  }
0x9c: {  	[spmem:s2] =	stream.indirect.scatter.add.f32 [tilespmem:s26], [sflag:$0x3], $0x40, s30, s25, $0xb8;
	[tilespmem:$0x11780] =	vst v63  }
0x9d: {  	_ =	swait.ge [sflag:s24], $0x2000  }
0x9e: {  	[sflag:s24] =	ssyncset.done $0x0  }
0x9f: {  	s12 =	sadd.s32 $0x20, s12;
	s15 =	sadd.s32 $0x1880, s14;
	[sflag:s24] =	ssyncadd.s32 $0xFFFFE000  }
.Ltmp5:
0xa0: {  	(pc) =	sbr.rel .LBB2_10-.Ltmp5, $4  }
0xa1: {  	_ = 	snop  }
0xa2: {  	[tilespmem:s26], [sflag:$0x2] =	stream.indirect.gather [hbm4b:s4+s25], $0x40, s15, s25, $0xb8;
	[tilespmem:$0x11780] =	vst v63  }
0xa3: {  	s11 =	simm.s32 $0x1800  }
0xa4: {  	s16 =	smov.u32 s13;
	s15 =	smov.u32 s17;
	s12 =	smov.u32 s18  }
.LBB2_4:
0xa5: {  	s11 =	simm.s32 $0x0;
	s12 =	rddreg [dreg:$0x3]  }
0xa6: {  	[tilespmem:s11], [sflag:$0x3] =	stream.linear.gather [hbm4b:s12+s11], $0x3680, $0x38;
	[tilespmem:$0x11780] =	vst v63  }
0xa7: {  	_ =	swait.ge [sflag:s24], $0x3680  }
0xa8: {  	[sflag:s24] =	ssyncset.done $0x0  }
0xa9: {  	[sflag:s24] =	ssyncadd.s32 $0xFFFFC980  }
0xaa: {  	[tilespmem:s23], [sflag:$0x1] =	stream.indirect.gather [hbm4b:s4+s25], $0x40, s11, s25, $0xb8;
	[tilespmem:$0x11780] =	vst v63  }
0xab: {  	_ = 	snop  }
0xac: {  	[tilespmem:s26], [sflag:$0x2] =	stream.indirect.gather [hbm4b:s4+s25], $0x40, s25, s25, $0xb8;
	[tilespmem:$0x11780] =	vst v63  }
0xad: {  	s15 =	sadd.s32 $0x0, s21  }
0xae: {  	[tilespmem:s28], [sflag:$0x3] =	stream.linear.gather [hbm4b:s15+s3], $0x80, $0x38;
	[tilespmem:$0x11780] =	vst v63  }
0xaf: {  	_ =	swait.ge [sflag:s24], $0x80  }
0xb0: {  	[sflag:s24] =	ssyncset.done $0x0  }
0xb1: {  	[sflag:s24] =	ssyncadd.s32 $0xFFFFFF80  }
0xb2: {  	_ =	swait.ge [sflag:s29], $0x2000  }
0xb3: {  	[sflag:s29] =	ssyncset.done $0x0  }
0xb4: {  	[sflag:s29] =	ssyncadd.s32 $0xFFFFE000  }
0xb5: {  	[spmem:s2] =	stream.indirect.scatter.add.f32 [tilespmem:s23], [sflag:$0x3], $0x40, s28, s25, $0xb8;
	[tilespmem:$0x11780] =	vst v63  }
0xb6: {  	_ =	swait.ge [sflag:s24], $0x2000  }
0xb7: {  	[sflag:s24] =	ssyncset.done $0x0  }
0xb8: {  	s16 =	simm.s32 $0x100;
	[sflag:s24] =	ssyncadd.s32 $0xFFFFE000  }
0xb9: {  	[tilespmem:s23], [sflag:$0x1] =	stream.indirect.gather [hbm4b:s4+s25], $0x40, s16, s25, $0xb8;
	[tilespmem:$0x11780] =	vst v63  }
0xba: {  	s11 =	sadd.s32 $0x10, s15  }
0xbb: {  	[tilespmem:s30], [sflag:$0x3] =	stream.linear.gather [hbm4b:s11+s3], $0x80, $0x38;
	[tilespmem:$0x11780] =	vst v63  }
0xbc: {  	_ =	swait.ge [sflag:s24], $0x80  }
0xbd: {  	[sflag:s24] =	ssyncset.done $0x0  }
0xbe: {  	[sflag:s24] =	ssyncadd.s32 $0xFFFFFF80  }
0xbf: {  	_ =	swait.ge [sflag:s31], $0x2000  }
0xc0: {  	p1 =	por $0x0, $0x0;
	[sflag:s31] =	ssyncset.done $0x0  }
.Ltmp6:
0xc1: {  	[sflag:s31] =	ssyncadd.s32 $0xFFFFE000;
	(pc) =	sbr.rel @p1 .LBB2_6-.Ltmp6, $4  }
0xc2: {  	[spmem:s2] =	stream.indirect.scatter.add.f32 [tilespmem:s26], [sflag:$0x3], $0x40, s30, s25, $0xb8;
	[tilespmem:$0x11780] =	vst v63  }
0xc3: {  	_ =	swait.ge [sflag:s24], $0x2000  }
0xc4: {  	s12 =	simm.s32 $0x280;
	[sflag:s24] =	ssyncset.done $0x0  }
0xc5: {  	s15 =	simm.s32 $0x180;
	s11 =	simm.s32 $0x20;
	[sflag:s24] =	ssyncadd.s32 $0xFFFFE000  }
.LBB2_5:
0xc6: {  	[tilespmem:s26], [sflag:$0x2] =	stream.indirect.gather [hbm4b:s4+s25], $0x40, s15, s25, $0xb8;
	[tilespmem:$0x11780] =	vst v63  }
0xc7: {  	s16 =	sadd.s32 s11, s21;
	p1 =	seq.s32 s11, $0x680;
	s11 =	sadd.s32 $0x20, s11  }
0xc8: {  	[tilespmem:s28], [sflag:$0x3] =	stream.linear.gather [hbm4b:s16+s3], $0x80, $0x38;
	[tilespmem:$0x11780] =	vst v63  }
0xc9: {  	s15 =	smov.u32 s12;
	_ =	swait.ge [sflag:s24], $0x80  }
0xca: {  	[sflag:s24] =	ssyncset.done $0x0  }
0xcb: {  	[sflag:s24] =	ssyncadd.s32 $0xFFFFFF80  }
0xcc: {  	_ =	swait.ge [sflag:s29], $0x2000  }
0xcd: {  	[sflag:s29] =	ssyncset.done $0x0  }
0xce: {  	[sflag:s29] =	ssyncadd.s32 $0xFFFFE000  }
0xcf: {  	[spmem:s2] =	stream.indirect.scatter.add.f32 [tilespmem:s23], [sflag:$0x3], $0x40, s28, s25, $0xb8;
	[tilespmem:$0x11780] =	vst v63  }
0xd0: {  	_ =	swait.ge [sflag:s24], $0x2000  }
0xd1: {  	[sflag:s24] =	ssyncset.done $0x0  }
0xd2: {  	s14 =	sadd.s32 $0xFFFFFF80, s12;
	[sflag:s24] =	ssyncadd.s32 $0xFFFFE000  }
0xd3: {  	[tilespmem:s23], [sflag:$0x1] =	stream.indirect.gather [hbm4b:s4+s25], $0x40, s14, s25, $0xb8;
	[tilespmem:$0x11780] =	vst v63  }
0xd4: {  	s14 =	sadd.s32 $0x10, s16  }
0xd5: {  	[tilespmem:s30], [sflag:$0x3] =	stream.linear.gather [hbm4b:s14+s3], $0x80, $0x38;
	[tilespmem:$0x11780] =	vst v63  }
0xd6: {  	_ =	swait.ge [sflag:s24], $0x80  }
0xd7: {  	[sflag:s24] =	ssyncset.done $0x0  }
0xd8: {  	[sflag:s24] =	ssyncadd.s32 $0xFFFFFF80  }
0xd9: {  	_ =	swait.ge [sflag:s31], $0x2000  }
0xda: {  	[sflag:s31] =	ssyncset.done $0x0  }
.Ltmp7:
0xdb: {  	[sflag:s31] =	ssyncadd.s32 $0xFFFFE000;
	(pc) =	sbr.rel @!p1 .LBB2_5-.Ltmp7, $4  }
0xdc: {  	[spmem:s2] =	stream.indirect.scatter.add.f32 [tilespmem:s26], [sflag:$0x3], $0x40, s30, s25, $0xb8;
	[tilespmem:$0x11780] =	vst v63  }
0xdd: {  	_ =	swait.ge [sflag:s24], $0x2000  }
0xde: {  	[sflag:s24] =	ssyncset.done $0x0  }
0xdf: {  	s12 =	sadd.s32 $0x100, s12;
	[sflag:s24] =	ssyncadd.s32 $0xFFFFE000  }
.Ltmp8:
0xe0: {  	_ = 	snop;
	(pc) =	sbr.rel .LBB2_6-.Ltmp8, $1  }
0xe1: {  	_ =	sdelay $0x3  }
.LBB2_11:
0xe2: {  	_ =	sfence.sel $0x180000  }
0xe3: {  	[bflag:$0x0] =	sbarrier.arrive $0xFFFF  }
0xe4: {  	_ =	strace $0x9000004D  }
0xe5: {  	[bflag:$0x2] =	sbarrier.arrive $0xFFFF  }
0xe6: {  	p0 =	sne.s32 s1, $0x0;
	s0 =	rddreg [dreg:$0x2]  }
0xe7: {  	s0 =	sadd.s32 @!p0 $0x100000, s0  }
0xe8: {  	[sflag:s0] =	ssyncadd.tile.s32 @!p0 $0x1;
	_ =	shalt  }
.Lfunc_end2:
_tile_overlayer_lowered:
.L_overlay_start_2:
0xe9: {  	(tag) =	ssettag $0x2  }
0xea: {  	s0 =	rddreg [dreg:$0x0];
	s2 =	stileid.u32  }
0xeb: {  	s1 =	rddreg [dreg:$0x1];
	p0 =	sne.s32 s2, $0x0  }
0xec: {  	s3 =	rddreg [dreg:$0x2];
	[bflag:$0x3] =	sbarrier.arrive $0xFFFF;
	s2 =	simm.s32 @!p0 $0x1C03  }
0xed: {  	[timem:s3], [sflag:s2] =	dma.local @!p0 [hbm:s0], s1  }
0xee: {  	s0 =	simm.s32 @!p0 $0x3  }
0xef: {  	_ =	swait.ge @!p0 [sflag:s0], s1  }
0xf0: {  	s1 =	ssub.s32 @!p0 $0x0, s1;
	[sflag:s0] =	ssyncset.done @!p0 $0x0  }
0xf1: {  	[sflag:s0] =	ssyncadd.s32 @!p0 s1  }
0xf2: {  	[bflag:$0x3] =	sbarrier.arrive $0xFFFF  }
0xf3: {  	_ =	shalt  }

// kernel: kernel.19.cloned.1.call-start
scs
__scs_entry_jumppad:
0x0: {  	(pc) =	sbr.rel $0x88, $3  }
0x1: {  	(tag) =	ssettag $0x0;
	lr =	simm.s32 $0x1  }
0x2: {  	[smem:$0x3F99] =	sst lr;
	_ =	strace $0xD0000000  }
0x3: {  	_ = 	snop  }
0x4: {  	_ = 	snop  }
0x5: {  	_ = 	snop  }
0x6: {  	_ = 	snop  }
0x7: {  	_ = 	snop  }
__scs_overlays_trampoline_lowered:
0x8: {  	[smem:$0x3FA8] =	sst s0  }
0x9: {  	[smem:$0x3FA9] =	sst s1  }
0xa: {  	[smem:$0x3FAA] =	sst s2  }
0xb: {  	[smem:$0x3FAB] =	sst s3  }
0xc: {  	[smem:$0x3FAC] =	sst s4  }
0xd: {  	[smem:$0x3FAD] =	sst s5  }
0xe: {  	[smem:$0x3FAE] =	sst s6  }
0xf: {  	[smem:$0x3FAF] =	sst s7  }
0x10: {  	[smem:$0x3FB0] =	sst s8  }
0x11: {  	[smem:$0x3FB1] =	sst s9;
	s0 =	simm.s32 @!p0 $0x0  }
0x12: {  	s1 =	sld [smem:$0x3F97];
	s0 =	simm.s32 @p0 $0x1  }
0x13: {  	[smem:$0x3FB2] =	sst s0;
	s0 =	simm.s32 @!p1 $0x0  }
0x14: {  	s2 =	sld [smem:$0x3F96];
	s0 =	simm.s32 @p1 $0x1  }
0x15: {  	[smem:$0x3FB3] =	sst s0;
	s0 =	simm.s32 @!p2 $0x0  }
0x16: {  	s3 =	sld [smem:$0x3FDB];
	s0 =	simm.s32 @p2 $0x1  }
0x17: {  	s4 =	simm.s32 $0x1BF5;
	[smem:$0x3FB5] =	sst s0  }
0x18: {  	s0 =	sld [smem:$0x3F98];
	_ =	swait.ge [sflag:s4], $0x0  }
0x19: {  	s7 =	sld [smem:$0x3F99]  }
0x1a: {  	s8 =	sadd.s32 $0xFFFFE003, lr  }
0x1b: {  	s9 =	sadd.s32 $0xFFFFFEF7, lr;
	s5 =	simm.s32 $0xFFFFFFFF;
	p2 =	slt.u32 s8, $0xFFFFF086  }
0x1c: {  	p1 =	slt.u32 s9, $0xF7A;
	s5 =	simm.s32 @!p2 $0x0  }
0x1d: {  	s5 =	simm.s32 @p1 $0x1;
	p0 =	seq.s32 s7, s2  }
0x1e: {  	s7 =	smul.u32 @!p0 $0xF7A, s2;
	p2 =	seq.s32 @!p0 s5, $0x0  }
0x1f: {  	s9 =	smul.u32 $0xF7A, s1;
	s8 =	simm.s32 @!p0 $0x1BF5;
	p2 =	por !p2, p0  }
0x20: {  	[sflag:s8] =	ssyncset.s32 @!p0 $0xFFFFF086;
	s6 =	sadd.s32 @!p0 s3, s7;
	s7 =	simm.s32 @!p0 $0x108  }
0x21: {  	s3 =	sadd.s32 s3, s9;
	s6 =	sadd.s32 @!p0 $0x88, s6;
	s7 =	simm.s32 @p2 $0x1082  }
0x22: {  	[simem:s7], [sflag:s8] =	dma.local @!p0 [hbm:s6], $0xF7A  }
0x23: {  	s9 =	sor.u32 $0xD0000000, s2;
	s6 =	simm.s32 $0x108;
	_ =	swait.ge @!p0 [sflag:s8], $0x0  }
0x24: {  	s3 =	sadd.s32 $0x88, s3;
	s6 =	simm.s32 @!p1 $0x1082;
	[sflag:s4] =	ssyncset.s32 $0xFFFFF086  }
0x25: {  	[simem:s6], [sflag:s4] =	dma.local [hbm:s3], $0xF7A  }
0x26: {  	[smem:$0x3F99] =	sst s1;
	(tag) =	ssettag s2;
	_ =	strace s9  }
0x27: {  	s1 =	sld [smem:$0x3FA9]  }
0x28: {  	s2 =	sld [smem:$0x3FAA]  }
0x29: {  	s4 =	sld [smem:$0x3FAC]  }
0x2a: {  	p0 =	seq.s32 s5, $0x0;
	s5 =	sld [smem:$0x3FAD]  }
0x2b: {  	s6 =	sld [smem:$0x3FAE]  }
0x2c: {  	s7 =	sld [smem:$0x3FAF]  }
0x2d: {  	s3 =	simm.s32 $0x108;
	s8 =	sld [smem:$0x3FB0]  }
0x2e: {  	s3 =	simm.s32 @!p0 $0x1082;
	s9 =	sld [smem:$0x3FB1]  }
0x2f: {  	lr =	sadd.s32 s0, s3;
	s0 =	sld [smem:$0x3FA8]  }
0x30: {  	s3 =	sld [smem:$0x3FAB]  }
0x31: {  	[smem:$0x3FB4] =	sst s10  }
0x32: {  	s10 =	sld [smem:$0x3FB2];
	_ =	sdelay $0x3  }
0x33: {  	p0 =	seq.s32 s10, $0x1;
	s10 =	sld [smem:$0x3FB4];
	_ =	sdelay $0x3  }
0x34: {  	[smem:$0x3FB4] =	sst s10  }
0x35: {  	s10 =	sld [smem:$0x3FB3];
	_ =	sdelay $0x3  }
0x36: {  	p1 =	seq.s32 s10, $0x1;
	s10 =	sld [smem:$0x3FB4];
	_ =	sdelay $0x3  }
0x37: {  	[smem:$0x3FB4] =	sst s10  }
0x38: {  	s10 =	sld [smem:$0x3FB5]  }
0x39: {  	_ = 	snop;
	(pc) =	sbr.ind lr, $3  }
0x3a: {  	_ = 	snop  }
0x3b: {  	_ = 	snop  }
0x3c: {  	p2 =	seq.s32 s10, $0x1;
	s10 =	sld [smem:$0x3FB4]  }
0x3d: {  	_ =	shalt  }
0x3e: {  	_ =	shalt  }
0x3f: {  	_ =	shalt  }
0x40: {  	_ =	shalt  }
0x41: {  	_ =	shalt  }
0x42: {  	_ =	shalt  }
0x43: {  	_ =	shalt  }
0x44: {  	_ =	shalt  }
0x45: {  	_ =	shalt  }
0x46: {  	_ =	shalt  }
0x47: {  	_ =	shalt  }
0x48: {  	_ =	shalt  }
0x49: {  	_ =	shalt  }
0x4a: {  	_ =	shalt  }
0x4b: {  	_ =	shalt  }
0x4c: {  	_ =	shalt  }
0x4d: {  	_ =	shalt  }
0x4e: {  	_ =	shalt  }
0x4f: {  	_ =	shalt  }
0x50: {  	_ =	shalt  }
0x51: {  	_ =	shalt  }
0x52: {  	_ =	shalt  }
0x53: {  	_ =	shalt  }
0x54: {  	_ =	shalt  }
0x55: {  	_ =	shalt  }
0x56: {  	_ =	shalt  }
0x57: {  	_ =	shalt  }
0x58: {  	_ =	shalt  }
0x59: {  	_ =	shalt  }
0x5a: {  	_ =	shalt  }
0x5b: {  	_ =	shalt  }
0x5c: {  	_ =	shalt  }
0x5d: {  	_ =	shalt  }
0x5e: {  	_ =	shalt  }
0x5f: {  	_ =	shalt  }
0x60: {  	_ =	shalt  }
0x61: {  	_ =	shalt  }
0x62: {  	_ =	shalt  }
0x63: {  	_ =	shalt  }
0x64: {  	_ =	shalt  }
0x65: {  	_ =	shalt  }
0x66: {  	_ =	shalt  }
0x67: {  	_ =	shalt  }
0x68: {  	_ =	shalt  }
0x69: {  	_ =	shalt  }
0x6a: {  	_ =	shalt  }
0x6b: {  	_ =	shalt  }
0x6c: {  	_ =	shalt  }
0x6d: {  	_ =	shalt  }
0x6e: {  	_ =	shalt  }
0x6f: {  	_ =	shalt  }
0x70: {  	_ =	shalt  }
0x71: {  	_ =	shalt  }
0x72: {  	_ =	shalt  }
0x73: {  	_ =	shalt  }
0x74: {  	_ =	shalt  }
0x75: {  	_ =	shalt  }
0x76: {  	_ =	shalt  }
0x77: {  	_ =	shalt  }
0x78: {  	_ =	shalt  }
0x79: {  	_ =	shalt  }
0x7a: {  	_ =	shalt  }
0x7b: {  	_ =	shalt  }
0x7c: {  	_ =	shalt  }
0x7d: {  	_ =	shalt  }
0x7e: {  	_ =	shalt  }
0x7f: {  	_ =	shalt  }
0x80: {  	_ =	shalt  }
0x81: {  	_ =	shalt  }
0x82: {  	_ =	shalt  }
0x83: {  	_ =	shalt  }
0x84: {  	_ =	shalt  }
0x85: {  	_ =	shalt  }
0x86: {  	_ =	shalt  }
0x87: {  	_ =	shalt  }
.Lfunc_end0:
.L_simem_size_0:
called_computation.3_lowered:
.L_overlay_start_0:
0x88: {  	s2 =	sld [smem:$0x3FD9]  }
0x89: {  	s3 =	sld [smem:$0x3FFE];
	_ =	sdelay $0x1  }
0x8a: {  	s1 =	srdreg.scid  }
0x8b: {  	s0 =	sand.u32 $0x1, s1  }
0x8c: {  	s16 =	sshll.u32 s0, $0xA;
	s2 =	sadd.s32 s3, s2  }
0x8d: {  	s2 =	sadd.s32 s2, s16  }
0x8e: {  	[smem:$0x3FC0] =	sst s2  }
0x8f: {  	_ = 	snop  }
0x90: {  	(tm) =	ssettm $0x1  }
0x91: {  	s17 =	sld [smem:$0x3FFB];
	_ =	sdelay $0x3  }
0x92: {  	_ =	strace s17  }
0x93: {  	s2 =	sld [smem:$0x3FFC];
	_ =	sdelay $0x3  }
0x94: {  	_ =	strace s2  }
0x95: {  	s2 =	sld [smem:$0x3FFD];
	_ =	sdelay $0x3  }
0x96: {  	_ =	strace s2  }
0x97: {  	_ =	strace $0x8FFFFFFF  }
0x98: {  	s18 =	sld [smem:$0x3FDB];
	_ =	sdelay $0x1  }
0x99: {  	s19 =	simm.s32 $_scs_section_size  }
0x9a: {  	s4 =	simm.s32 $_size__tile_overlayer_lowered;
	s5 =	simm.s32 $_tile_overlayer_lowered  }
0x9b: {  	s22 =	simm.s32 $0x1BFF;
	s21 =	sshll.u32 s5, $0x1;
	s2 =	sadd.s32 s19, s18  }
0x9c: {  	s6 =	simm.s32 $0x0;
	s20 =	sshll.u32 s4, $0x1;
	s4 =	sadd.s32 s21, s2  }
0x9d: {  	[timem:s6], [sflag:s22] =	dma.local [hbm:s4], s20  }
0x9e: {  	_ =	swait.ge [sflag:s22], s20  }
0x9f: {  	s3 =	ssub.s32 $0x0, s20;
	[sflag:s22] =	ssyncset.done $0x0  }
0xa0: {  	[sflag:s22] =	ssyncadd.s32 s3;
	_ =	sdelay $0x1  }
0xa1: {  	s23 =	simm.s32 $0x1B8B  }
0xa2: {  	_ =	swait.ge [sflag:s23], $0x1  }
0xa3: {  	[sflag:s23] =	ssyncset.done $0x0  }
0xa4: {  	s25 =	simm.s32 $0x1B8E;
	s24 =	sld [smem:$0x3FFE];
	[sflag:s23] =	ssyncadd.s32 $0xFFFFFFFF  }
0xa5: {  	s26 =	simm.s32 $execute0_lowered;
	[smem:$0x3FD2] =	sst s25  }
0xa6: {  	s4 =	sshll.u32 s26, $0x1;
	_ =	strace $0x8000004F;
	[dreg:$0x1] =	wrdreg $0xFFFFFFFF  }
0xa7: {  	s28 =	simm.s32 $_size_execute0_lowered;
	s2 =	sadd.s32 s2, s4;
	[dreg:$0x0] =	wrdreg $0x0  }
0xa8: {  	s4 =	sshll.u32 s28, $0x1;
	[dreg:$0x2] =	wrdreg s2  }
0xa9: {  	[dreg:$0x3] =	wrdreg s4  }
0xaa: {  	[dreg:$0x4] =	wrdreg $0xC0  }
0xab: {  	_ =	task [dreg:s6], $0x5FFFF  }
0xac: {  	[dreg:$0x1] =	wrdreg $0xFFFFFFFF  }
0xad: {  	[dreg:$0x0] =	wrdreg $0x60  }
0xae: {  	[dreg:$0x2] =	wrdreg s24  }
0xaf: {  	[dreg:$0x3] =	wrdreg $0x67800  }
0xb0: {  	[dreg:$0x4] =	wrdreg $0x9  }
0xb1: {  	_ =	task.clear_ibuf [dreg:s6], $0x5FFFF;
	_ =	strace $0x9000004F  }
0xb2: {  	s29 =	simm.s32 $0x9;
	_ =	strace $0x80000051  }
0xb3: {  	_ =	swait.ge [sflag:s29], $0x1  }
0xb4: {  	[sflag:s29] =	ssyncadd.s32 $0xFFFFFFFF  }
0xb5: {  	_ =	strace $0x90000051  }
0xb6: {  	_ =	sfence  }
0xb7: {  	s30 =	sld [smem:$0x0];
	_ =	sdelay $0x2  }
0xb8: {  	s31 =	sshll.u32 s1, $0xD;
	s1 =	sshrl.u32 s1, $0x2  }
0xb9: {  	s3 =	sand.u32 $0x4000, s31;
	s1 =	sadd.s32 s1, s30  }
0xba: {  	s0 =	sor.u32 s3, s0;
	s1 =	sshll.u32 s1, $0x11  }
0xbb: {  	s0 =	sor.u32 s1, s0  }
0xbc: {  	s0 =	sadd.s32 $0x8F2B, s0  }
0xbd: {  	[sflag:s0] =	ssyncadd.remote.s32 $0x1  }
0xbe: {  	_ =	sfence.sel $0xFFFF  }
0xbf: {  	[dreg:$0x0] =	wrdreg $0xFFFFFFFF;
	(pc) =	sbr.abs _section_cstart, $3  }
0xc0: {  	[dreg:$0x1] =	wrdreg $0xFFFFFFFF  }
0xc1: {  	_ =	task.clear_ibuf [dreg:s6], $0x2FFFF;
	_ =	strace $0x9FFFFFFF  }
0xc2: {  	(tm) =	ssettm $0x7FFFFFFF  }
0xc3: {  	_ =	shalt  }
tec
execute0_lowered:
.L_overlay_start_1:
0x0: {  	(tag) =	ssettag $0x1  }
0x1: {  	s0 =	rddreg [dreg:$0x0]  }
0x2: {  	s2 =	rddreg [dreg:$0x1];
	s1 =	stileid.u32  }
0x3: {  	s4 =	srdreg.scid;
	s6 =	smul.u32 $0x7800, s1  }
0x4: {  	s3 =	simm.s32 $0x0;
	s28 =	simm.s32 $0x3680;
	s9 =	smul.u32 $0x1E000, s1  }
0x5: {  	s29 =	simm.s32 $0x1;
	s30 =	simm.s32 $0x3700;
	s14 =	smul.u32 $0x3680, s1  }
0x6: {  	s31 =	simm.s32 $0x2;
	s11 =	sand.u32 $0x1, s4;
	s22 =	smul.u32 $0x310, s1  }
0x7: {  	[smem:$0x7FF] =	sst s3;
	s4 =	sadd.s32 $0x16400, s0;
	s25 =	smul.u32 $0x6D0, s1  }
0x8: {  	s12 =	sadd.s32 $0xC600, s0;
	s5 =	smul.u32 $0x78000, s11;
	s8 =	ssub.s32 $0x2, s11  }
0x9: {  	_ =	strace $0x80000050;
	p0 =	seq.s32 s11, $0x1;
	s10 =	sshrl.u32 s8, $0x1  }
0xa: {  	s15 =	sshrl.u32 s9, $0x2;
	s19 =	sadd.s32 $0x3500, s14;
	s20 =	sadd.s32 $0x3580, s14  }
0xb: {  	s21 =	sadd.s32 $0x3600, s14;
	s7 =	sadd.s32 s6, s5;
	s5 =	sadd.s32 $0x2800, s0  }
0xc: {  	s13 =	ssub.s32 s8, s10;
	s6 =	sadd.s32 s6, s2;
	[dreg:$0x4] =	wrdreg s19  }
0xd: {  	s16 =	sadd.s32 s15, s2;
	s15 =	smul.u32 $0x1880, s1;
	[dreg:$0x5] =	wrdreg s20  }
0xe: {  	[dreg:$0x6] =	wrdreg s21;
	s7 =	sshrl.u32 s7, $0x3;
	s8 =	sadd.s32 $0x3000, s16  }
0xf: {  	s9 =	sadd.s32 $0x4800, s16;
	s10 =	sadd.s32 $0x6000, s16;
	s26 =	sadd.s32 s22, s5  }
0x10: {  	s20 =	smax.u32 s13, $0x1;
	s21 =	sadd.s32 s25, s5;
	s25 =	simm.s32 $0x80  }
0x11: {  	s0 =	sadd.s32 s7, s0;
	s7 =	sadd.s32 $0x1800, s16;
	s16 =	sshrl.u32 s14, $0x3  }
0x12: {  	s18 =	sshrl.u32 s15, $0x3;
	s23 =	sadd.s32 $0x37F00, s15;
	s24 =	sadd.s32 $0x37F80, s15  }
.Ltmp0:
0x13: {  	s22 =	sadd.s32 $0x6D00, s26;
	s26 =	simm.s32 $0x4F80;
	(pc) =	sbr.rel .LBB2_1-.Ltmp0, $4  }
0x14: {  	s17 =	sadd.s32 s12, s16;
	s11 =	sadd.s32 s12, s18;
	[dreg:$0x8] =	wrdreg s23  }
0x15: {  	[dreg:$0x9] =	wrdreg s24;
	s18 =	sadd.s32 $0x38000, s15;
	s19 =	sadd.s32 $0x25000, s0  }
0x16: {  	s23 =	simm.s32 $0x3780;
	[dreg:$0x3] =	wrdreg s17;
	s11 =	sadd.s32 $0x6D00, s11  }
0x17: {  	v0 =	vimm.f32 $0.0e+00;
	s24 =	simm.s32 $0x3;
	s0 =	simm.s32 $0x0;
	[dreg:$0x7] =	wrdreg s11  }
.LBB2_6:
0x18: {  	[tilespmem:s26], [sflag:$0x2] =	stream.indirect.gather [hbm4b:s4+s25], $0x30, s15, s25, $0xb8;
	[tilespmem:$0xDF80] =	vst v63  }
0x19: {  	s13 =	rddreg [dreg:$0x4]  }
0x1a: {  	s15 =	rddreg [dreg:$0x5]  }
0x1b: {  	s11 =	simm.s32 $0x3600;
	s12 =	rddreg [dreg:$0x6]  }
.LBB2_10:
0x1c: {  	s13 =	sshrl.u32 s13, $0x3  }
0x1d: {  	s13 =	sadd.s32 s5, s13  }
0x1e: {  	[tilespmem:s28], [sflag:$0x3] =	stream.linear.gather [hbm4b:s13+s3], $0x80, $0x38;
	[tilespmem:$0xDF80] =	vst v63  }
0x1f: {  	_ =	swait.ge [sflag:s24], $0x80  }
0x20: {  	[sflag:s24] =	ssyncset.done $0x0  }
0x21: {  	[sflag:s24] =	ssyncadd.s32 $0xFFFFFF80  }
0x22: {  	_ =	swait.ge [sflag:s29], $0x1800  }
0x23: {  	[sflag:s29] =	ssyncset.done $0x0  }
0x24: {  	[sflag:s29] =	ssyncadd.s32 $0xFFFFE800  }
0x25: {  	[spmem:s2] =	stream.indirect.scatter.add.f32 [tilespmem:s23], [sflag:$0x3], $0x30, s28, s25, $0xb8;
	[tilespmem:$0xDF80] =	vst v63  }
0x26: {  	_ =	swait.ge [sflag:s24], $0x1800  }
0x27: {  	s14 =	sshrl.u32 s15, $0x3;
	[sflag:s24] =	ssyncset.done $0x0  }
0x28: {  	s13 =	sadd.s32 s5, s14;
	[sflag:s24] =	ssyncadd.s32 $0xFFFFE800  }
0x29: {  	[tilespmem:s30], [sflag:$0x3] =	stream.linear.gather [hbm4b:s13+s3], $0x80, $0x38;
	[tilespmem:$0xDF80] =	vst v63  }
0x2a: {  	_ =	swait.ge [sflag:s24], $0x80  }
0x2b: {  	[sflag:s24] =	ssyncset.done $0x0  }
0x2c: {  	[sflag:s24] =	ssyncadd.s32 $0xFFFFFF80  }
0x2d: {  	_ =	swait.ge [sflag:s31], $0x1800  }
0x2e: {  	[sflag:s31] =	ssyncset.done $0x0  }
0x2f: {  	[sflag:s31] =	ssyncadd.s32 $0xFFFFE800  }
0x30: {  	[spmem:s2] =	stream.indirect.scatter.add.f32 [tilespmem:s26], [sflag:$0x3], $0x30, s30, s25, $0xb8;
	[tilespmem:$0xDF80] =	vst v63  }
0x31: {  	_ =	swait.ge [sflag:s24], $0x1800  }
0x32: {  	[sflag:s24] =	ssyncset.done $0x0  }
0x33: {  	s12 =	sshrl.u32 s12, $0x3;
	[sflag:s24] =	ssyncadd.s32 $0xFFFFE800  }
0x34: {  	[tilespmem:s23], [sflag:$0x1] =	stream.indirect.gather [hbm4b:s4+s25], $0x30, s11, s25, $0xb8;
	[tilespmem:$0xDF80] =	vst v63  }
0x35: {  	s15 =	sadd.s32 s5, s12  }
0x36: {  	[tilespmem:s28], [sflag:$0x3] =	stream.linear.gather [hbm4b:s15+s3], $0x80, $0x38;
	[tilespmem:$0xDF80] =	vst v63  }
0x37: {  	_ =	swait.ge [sflag:s24], $0x80  }
0x38: {  	[sflag:s24] =	ssyncset.done $0x0  }
0x39: {  	[sflag:s24] =	ssyncadd.s32 $0xFFFFFF80  }
0x3a: {  	_ =	swait.ge [sflag:s29], $0x1800  }
0x3b: {  	[sflag:s29] =	ssyncset.done $0x0  }
0x3c: {  	[sflag:s29] =	ssyncadd.s32 $0xFFFFE800  }
0x3d: {  	[spmem:s2] =	stream.indirect.scatter.add.f32 [tilespmem:s23], [sflag:$0x3], $0x30, s28, s25, $0xb8;
	[tilespmem:$0xDF80] =	vst v63  }
0x3e: {  	_ =	swait.ge [sflag:s24], $0x1800  }
0x3f: {  	s16 =	sshll.u32 s1, $0x6;
	s0 =	sadd.s32 $0x1, s0;
	[sflag:s24] =	ssyncset.done $0x0  }
0x40: {  	s17 =	sshrl.u32 s6, $0x3;
	p1 =	sne.s32 s0, s20;
	[sflag:s24] =	ssyncadd.s32 $0xFFFFE800  }
.Ltmp1:
0x41: {  	s11 =	sor.u32 $0x1C03, s16;
	[bflag:$0x0] =	sbarrier.arrive $0xFFFF;
	(pc) =	sbr.rel @!p1 .LBB2_11-.Ltmp1, $4  }
0x42: {  	[hbm:s19], [sflag:s11] =	dma.local [spmem:s17], $0xF00  }
0x43: {  	_ =	swait.ge [sflag:s24], $0xF00  }
0x44: {  	[sflag:s24] =	ssyncset.done $0x0  }
0x45: {  	[sflag:s24] =	ssyncadd.s32 $0xFFFFF100  }
.LBB2_1:
0x46: {  	s11 =	smul.u32 $0xAAAB, s3;
	_ =	sdelay $0x1  }
0x47: {  	s12 =	sshrl.u32 s11, $0x11  }
0x48: {  	s15 =	simm.s32 $0x0;
	s11 =	simm.s32 $0x1;
	s13 =	smul.u32 $0x3, s12  }
.LBB2_2:
0x49: {  	s14 =	smul.u32 $0xAAAB, s11  }
0x4a: {  	s16 =	smov.u32 s11;
	s12 =	smul.u32 $0xC0, s12;
	p1 =	sne.s32 s11, $0x17F  }
.Ltmp2:
0x4b: {  	s13 =	ssub.s32 s15, s13;
	(pc) =	sbr.rel @p1 .LBB2_2-.Ltmp2, $4  }
0x4c: {  	s11 =	sadd.s32 $0x1, s11;
	s13 =	sand.u32 $0xFFFF, s13  }
0x4d: {  	s15 =	smov.u32 s16;
	s17 =	sshrl.u32 s12, $0x2;
	s13 =	sshll.u32 s13, $0x4  }
0x4e: {  	s12 =	sshrl.u32 s14, $0x11;
	s14 =	sadd.s32 s13, s17  }
0x4f: {  	s13 =	smul.u32 $0x3, s12;
	[tilespmem:s14+$0x3780] =	vst v0  }
0x50: {  	_ = 	snop  }
0x51: {  	s12 =	smul.u32 $0xC0, s12;
	s11 =	ssub.s32 s15, s13  }
0x52: {  	s11 =	sand.u32 $0xFFFF, s11  }
0x53: {  	s12 =	sshrl.u32 s12, $0x2;
	s11 =	sshll.u32 s11, $0x4  }
0x54: {  	s11 =	sadd.s32 s11, s12  }
0x55: {  	[tilespmem:s11+$0x3780] =	vst v0  }
0x56: {  	[spmem:s6] =	stream.linear.scatter [tilespmem:s23], [sflag:$0x3], $0x1800, $0x38;
	[tilespmem:$0xDF80] =	vst v63  }
0x57: {  	_ =	swait.ge [sflag:s24], $0x1800  }
0x58: {  	[sflag:s24] =	ssyncset.done $0x0  }
0x59: {  	[sflag:s24] =	ssyncadd.s32 $0xFFFFE800  }
0x5a: {  	[spmem:s7] =	stream.linear.scatter [tilespmem:s23], [sflag:$0x3], $0x1800, $0x38;
	[tilespmem:$0xDF80] =	vst v63  }
0x5b: {  	_ =	swait.ge [sflag:s24], $0x1800  }
0x5c: {  	[sflag:s24] =	ssyncset.done $0x0  }
0x5d: {  	[sflag:s24] =	ssyncadd.s32 $0xFFFFE800  }
0x5e: {  	[spmem:s8] =	stream.linear.scatter [tilespmem:s23], [sflag:$0x3], $0x1800, $0x38;
	[tilespmem:$0xDF80] =	vst v63  }
0x5f: {  	_ =	swait.ge [sflag:s24], $0x1800  }
0x60: {  	[sflag:s24] =	ssyncset.done $0x0  }
0x61: {  	[sflag:s24] =	ssyncadd.s32 $0xFFFFE800  }
0x62: {  	[spmem:s9] =	stream.linear.scatter [tilespmem:s23], [sflag:$0x3], $0x1800, $0x38;
	[tilespmem:$0xDF80] =	vst v63  }
0x63: {  	_ =	swait.ge [sflag:s24], $0x1800  }
0x64: {  	[sflag:s24] =	ssyncset.done $0x0  }
0x65: {  	[sflag:s24] =	ssyncadd.s32 $0xFFFFE800  }
0x66: {  	[spmem:s10] =	stream.linear.scatter [tilespmem:s23], [sflag:$0x3], $0x1800, $0x38;
	[tilespmem:$0xDF80] =	vst v63  }
.Ltmp3:
0x67: {  	_ =	swait.ge [sflag:s24], $0x1800;
	(pc) =	sbr.rel @!p0 .LBB2_4-.Ltmp3, $3  }
0x68: {  	[sflag:s24] =	ssyncset.done $0x0  }
0x69: {  	[sflag:s24] =	ssyncadd.s32 $0xFFFFE800  }
0x6a: {  	[bflag:$0x0] =	sbarrier.arrive $0xFFFF;
	_ =	sdelay $0x1  }
0x6b: {  	s11 =	rddreg [dreg:$0x7]  }
0x6c: {  	[tilespmem:s3], [sflag:$0x3] =	stream.linear.gather [hbm4b:s11+s3], $0x1880, $0x38;
	[tilespmem:$0xDF80] =	vst v63  }
0x6d: {  	_ =	swait.ge [sflag:s24], $0x1880  }
0x6e: {  	[sflag:s24] =	ssyncset.done $0x0  }
0x6f: {  	[sflag:s24] =	ssyncadd.s32 $0xFFFFE780  }
0x70: {  	[tilespmem:s23], [sflag:$0x1] =	stream.indirect.gather [hbm4b:s4+s25], $0x30, s3, s25, $0xb8;
	[tilespmem:$0xDF80] =	vst v63  }
0x71: {  	_ = 	snop  }
0x72: {  	[tilespmem:s26], [sflag:$0x2] =	stream.indirect.gather [hbm4b:s4+s25], $0x30, s25, s25, $0xb8;
	[tilespmem:$0xDF80] =	vst v63  }
0x73: {  	_ = 	snop  }
0x74: {  	[tilespmem:s28], [sflag:$0x3] =	stream.linear.gather [hbm4b:s22+s3], $0x80, $0x38;
	[tilespmem:$0xDF80] =	vst v63  }
0x75: {  	_ =	swait.ge [sflag:s24], $0x80  }
0x76: {  	[sflag:s24] =	ssyncset.done $0x0  }
0x77: {  	[sflag:s24] =	ssyncadd.s32 $0xFFFFFF80  }
0x78: {  	_ =	swait.ge [sflag:s29], $0x1800  }
0x79: {  	[sflag:s29] =	ssyncset.done $0x0  }
0x7a: {  	[sflag:s29] =	ssyncadd.s32 $0xFFFFE800  }
0x7b: {  	[spmem:s2] =	stream.indirect.scatter.add.f32 [tilespmem:s23], [sflag:$0x3], $0x30, s28, s25, $0xb8;
	[tilespmem:$0xDF80] =	vst v63  }
0x7c: {  	_ =	swait.ge [sflag:s24], $0x1800  }
0x7d: {  	[sflag:s24] =	ssyncset.done $0x0  }
0x7e: {  	s16 =	simm.s32 $0x100;
	[sflag:s24] =	ssyncadd.s32 $0xFFFFE800  }
0x7f: {  	[tilespmem:s23], [sflag:$0x1] =	stream.indirect.gather [hbm4b:s4+s25], $0x30, s16, s25, $0xb8;
	[tilespmem:$0xDF80] =	vst v63  }
0x80: {  	s17 =	sadd.s32 $0x10, s22  }
0x81: {  	[tilespmem:s30], [sflag:$0x3] =	stream.linear.gather [hbm4b:s17+s3], $0x80, $0x38;
	[tilespmem:$0xDF80] =	vst v63  }
0x82: {  	_ =	swait.ge [sflag:s24], $0x80  }
0x83: {  	[sflag:s24] =	ssyncset.done $0x0  }
0x84: {  	[sflag:s24] =	ssyncadd.s32 $0xFFFFFF80  }
0x85: {  	_ =	swait.ge [sflag:s31], $0x1800  }
0x86: {  	[sflag:s31] =	ssyncset.done $0x0  }
0x87: {  	[sflag:s31] =	ssyncadd.s32 $0xFFFFE800  }
0x88: {  	[spmem:s2] =	stream.indirect.scatter.add.f32 [tilespmem:s26], [sflag:$0x3], $0x30, s30, s25, $0xb8;
	[tilespmem:$0xDF80] =	vst v63  }
0x89: {  	_ =	swait.ge [sflag:s24], $0x1800  }
0x8a: {  	s13 =	simm.s32 $0x180;
	[sflag:s24] =	ssyncset.done $0x0  }
0x8b: {  	s12 =	sadd.s32 $0x20, s22;
	s11 =	simm.s32 $0xFFFFA800;
	[sflag:s24] =	ssyncadd.s32 $0xFFFFE800  }
.LBB2_8:
0x8c: {  	[tilespmem:s26], [sflag:$0x2] =	stream.indirect.gather [hbm4b:s4+s25], $0x30, s13, s25, $0xb8;
	[tilespmem:$0xDF80] =	vst v63  }
0x8d: {  	p1 =	sne.s32 s11, $0xFFFFFC00;
	s13 =	smov.u32 s11;
	s11 =	sadd.s32 $0x400, s11  }
0x8e: {  	[tilespmem:s28], [sflag:$0x3] =	stream.linear.gather [hbm4b:s12+s3], $0x80, $0x38;
	[tilespmem:$0xDF80] =	vst v63  }
0x8f: {  	_ =	swait.ge [sflag:s24], $0x80  }
0x90: {  	[sflag:s24] =	ssyncset.done $0x0  }
0x91: {  	[sflag:s24] =	ssyncadd.s32 $0xFFFFFF80  }
0x92: {  	_ =	swait.ge [sflag:s29], $0x1800  }
0x93: {  	[sflag:s29] =	ssyncset.done $0x0  }
0x94: {  	[sflag:s29] =	ssyncadd.s32 $0xFFFFE800  }
0x95: {  	[spmem:s2] =	stream.indirect.scatter.add.f32 [tilespmem:s23], [sflag:$0x3], $0x30, s28, s25, $0xb8;
	[tilespmem:$0xDF80] =	vst v63  }
0x96: {  	_ =	swait.ge [sflag:s24], $0x1800  }
0x97: {  	s13 =	sshra.s32 s13, $0x2;
	[sflag:s24] =	ssyncset.done $0x0  }
0x98: {  	s14 =	sadd.s32 $0x1800, s13;
	[sflag:s24] =	ssyncadd.s32 $0xFFFFE800  }
0x99: {  	[tilespmem:s23], [sflag:$0x1] =	stream.indirect.gather [hbm4b:s4+s25], $0x30, s14, s25, $0xb8;
	[tilespmem:$0xDF80] =	vst v63  }
0x9a: {  	s14 =	sadd.s32 $0x10, s12  }
0x9b: {  	[tilespmem:s30], [sflag:$0x3] =	stream.linear.gather [hbm4b:s14+s3], $0x80, $0x38;
	[tilespmem:$0xDF80] =	vst v63  }
0x9c: {  	_ =	swait.ge [sflag:s24], $0x80  }
0x9d: {  	[sflag:s24] =	ssyncset.done $0x0  }
0x9e: {  	[sflag:s24] =	ssyncadd.s32 $0xFFFFFF80  }
0x9f: {  	_ =	swait.ge [sflag:s31], $0x1800  }
0xa0: {  	[sflag:s31] =	ssyncset.done $0x0  }
.Ltmp4:
0xa1: {  	[sflag:s31] =	ssyncadd.s32 $0xFFFFE800;
	(pc) =	sbr.rel @p1 .LBB2_8-.Ltmp4, $4  }
0xa2: {  	[spmem:s2] =	stream.indirect.scatter.add.f32 [tilespmem:s26], [sflag:$0x3], $0x30, s30, s25, $0xb8;
	[tilespmem:$0xDF80] =	vst v63  }
0xa3: {  	_ =	swait.ge [sflag:s24], $0x1800  }
0xa4: {  	[sflag:s24] =	ssyncset.done $0x0  }
0xa5: {  	s13 =	sadd.s32 $0x1880, s13;
	s12 =	sadd.s32 $0x20, s12;
	[sflag:s24] =	ssyncadd.s32 $0xFFFFE800  }
.Ltmp5:
0xa6: {  	(pc) =	sbr.rel .LBB2_10-.Ltmp5, $4  }
0xa7: {  	_ = 	snop  }
0xa8: {  	[tilespmem:s26], [sflag:$0x2] =	stream.indirect.gather [hbm4b:s4+s25], $0x30, s13, s25, $0xb8;
	[tilespmem:$0xDF80] =	vst v63  }
0xa9: {  	s13 =	rddreg [dreg:$0x8]  }
0xaa: {  	s11 =	simm.s32 $0x1800;
	s15 =	rddreg [dreg:$0x9];
	s12 =	smov.u32 s18  }
.LBB2_4:
0xab: {  	s11 =	simm.s32 $0x0;
	s12 =	rddreg [dreg:$0x3]  }
0xac: {  	[tilespmem:s11], [sflag:$0x3] =	stream.linear.gather [hbm4b:s12+s11], $0x3680, $0x38;
	[tilespmem:$0xDF80] =	vst v63  }
0xad: {  	_ =	swait.ge [sflag:s24], $0x3680  }
0xae: {  	[sflag:s24] =	ssyncset.done $0x0  }
0xaf: {  	[sflag:s24] =	ssyncadd.s32 $0xFFFFC980  }
0xb0: {  	[tilespmem:s23], [sflag:$0x1] =	stream.indirect.gather [hbm4b:s4+s25], $0x30, s11, s25, $0xb8;
	[tilespmem:$0xDF80] =	vst v63  }
0xb1: {  	_ = 	snop  }
0xb2: {  	[tilespmem:s26], [sflag:$0x2] =	stream.indirect.gather [hbm4b:s4+s25], $0x30, s25, s25, $0xb8;
	[tilespmem:$0xDF80] =	vst v63  }
0xb3: {  	s16 =	sadd.s32 $0x0, s21  }
0xb4: {  	[tilespmem:s28], [sflag:$0x3] =	stream.linear.gather [hbm4b:s16+s3], $0x80, $0x38;
	[tilespmem:$0xDF80] =	vst v63  }
0xb5: {  	_ =	swait.ge [sflag:s24], $0x80  }
0xb6: {  	[sflag:s24] =	ssyncset.done $0x0  }
0xb7: {  	[sflag:s24] =	ssyncadd.s32 $0xFFFFFF80  }
0xb8: {  	_ =	swait.ge [sflag:s29], $0x1800  }
0xb9: {  	[sflag:s29] =	ssyncset.done $0x0  }
0xba: {  	[sflag:s29] =	ssyncadd.s32 $0xFFFFE800  }
0xbb: {  	[spmem:s2] =	stream.indirect.scatter.add.f32 [tilespmem:s23], [sflag:$0x3], $0x30, s28, s25, $0xb8;
	[tilespmem:$0xDF80] =	vst v63  }
0xbc: {  	_ =	swait.ge [sflag:s24], $0x1800  }
0xbd: {  	[sflag:s24] =	ssyncset.done $0x0  }
0xbe: {  	s17 =	simm.s32 $0x100;
	[sflag:s24] =	ssyncadd.s32 $0xFFFFE800  }
0xbf: {  	[tilespmem:s23], [sflag:$0x1] =	stream.indirect.gather [hbm4b:s4+s25], $0x30, s17, s25, $0xb8;
	[tilespmem:$0xDF80] =	vst v63  }
0xc0: {  	s11 =	sadd.s32 $0x10, s16  }
0xc1: {  	[tilespmem:s30], [sflag:$0x3] =	stream.linear.gather [hbm4b:s11+s3], $0x80, $0x38;
	[tilespmem:$0xDF80] =	vst v63  }
0xc2: {  	_ =	swait.ge [sflag:s24], $0x80  }
0xc3: {  	[sflag:s24] =	ssyncset.done $0x0  }
0xc4: {  	[sflag:s24] =	ssyncadd.s32 $0xFFFFFF80  }
0xc5: {  	_ =	swait.ge [sflag:s31], $0x1800  }
0xc6: {  	p1 =	por $0x0, $0x0;
	[sflag:s31] =	ssyncset.done $0x0  }
.Ltmp6:
0xc7: {  	[sflag:s31] =	ssyncadd.s32 $0xFFFFE800;
	(pc) =	sbr.rel @p1 .LBB2_6-.Ltmp6, $4  }
0xc8: {  	[spmem:s2] =	stream.indirect.scatter.add.f32 [tilespmem:s26], [sflag:$0x3], $0x30, s30, s25, $0xb8;
	[tilespmem:$0xDF80] =	vst v63  }
0xc9: {  	_ =	swait.ge [sflag:s24], $0x1800  }
0xca: {  	s15 =	simm.s32 $0x180;
	[sflag:s24] =	ssyncset.done $0x0  }
0xcb: {  	s12 =	simm.s32 $0x280;
	s11 =	simm.s32 $0x20;
	[sflag:s24] =	ssyncadd.s32 $0xFFFFE800  }
.LBB2_5:
0xcc: {  	[tilespmem:s26], [sflag:$0x2] =	stream.indirect.gather [hbm4b:s4+s25], $0x30, s15, s25, $0xb8;
	[tilespmem:$0xDF80] =	vst v63  }
0xcd: {  	s13 =	sadd.s32 s11, s21;
	p1 =	seq.s32 s11, $0x680;
	s11 =	sadd.s32 $0x20, s11  }
0xce: {  	[tilespmem:s28], [sflag:$0x3] =	stream.linear.gather [hbm4b:s13+s3], $0x80, $0x38;
	[tilespmem:$0xDF80] =	vst v63  }
0xcf: {  	s15 =	smov.u32 s12;
	_ =	swait.ge [sflag:s24], $0x80  }
0xd0: {  	[sflag:s24] =	ssyncset.done $0x0  }
0xd1: {  	[sflag:s24] =	ssyncadd.s32 $0xFFFFFF80  }
0xd2: {  	_ =	swait.ge [sflag:s29], $0x1800  }
0xd3: {  	[sflag:s29] =	ssyncset.done $0x0  }
0xd4: {  	[sflag:s29] =	ssyncadd.s32 $0xFFFFE800  }
0xd5: {  	[spmem:s2] =	stream.indirect.scatter.add.f32 [tilespmem:s23], [sflag:$0x3], $0x30, s28, s25, $0xb8;
	[tilespmem:$0xDF80] =	vst v63  }
0xd6: {  	_ =	swait.ge [sflag:s24], $0x1800  }
0xd7: {  	[sflag:s24] =	ssyncset.done $0x0  }
0xd8: {  	s14 =	sadd.s32 $0xFFFFFF80, s12;
	[sflag:s24] =	ssyncadd.s32 $0xFFFFE800  }
0xd9: {  	[tilespmem:s23], [sflag:$0x1] =	stream.indirect.gather [hbm4b:s4+s25], $0x30, s14, s25, $0xb8;
	[tilespmem:$0xDF80] =	vst v63  }
0xda: {  	s13 =	sadd.s32 $0x10, s13  }
0xdb: {  	[tilespmem:s30], [sflag:$0x3] =	stream.linear.gather [hbm4b:s13+s3], $0x80, $0x38;
	[tilespmem:$0xDF80] =	vst v63  }
0xdc: {  	_ =	swait.ge [sflag:s24], $0x80  }
0xdd: {  	[sflag:s24] =	ssyncset.done $0x0  }
0xde: {  	[sflag:s24] =	ssyncadd.s32 $0xFFFFFF80  }
0xdf: {  	_ =	swait.ge [sflag:s31], $0x1800  }
0xe0: {  	[sflag:s31] =	ssyncset.done $0x0  }
.Ltmp7:
0xe1: {  	[sflag:s31] =	ssyncadd.s32 $0xFFFFE800;
	(pc) =	sbr.rel @!p1 .LBB2_5-.Ltmp7, $4  }
0xe2: {  	[spmem:s2] =	stream.indirect.scatter.add.f32 [tilespmem:s26], [sflag:$0x3], $0x30, s30, s25, $0xb8;
	[tilespmem:$0xDF80] =	vst v63  }
0xe3: {  	_ =	swait.ge [sflag:s24], $0x1800  }
0xe4: {  	[sflag:s24] =	ssyncset.done $0x0  }
0xe5: {  	s12 =	sadd.s32 $0x100, s12;
	[sflag:s24] =	ssyncadd.s32 $0xFFFFE800  }
.Ltmp8:
0xe6: {  	_ = 	snop;
	(pc) =	sbr.rel .LBB2_6-.Ltmp8, $1  }
0xe7: {  	_ =	sdelay $0x3  }
.LBB2_11:
0xe8: {  	_ =	sfence.sel $0x180000  }
0xe9: {  	[bflag:$0x0] =	sbarrier.arrive $0xFFFF  }
0xea: {  	_ =	strace $0x90000050  }
0xeb: {  	[bflag:$0x2] =	sbarrier.arrive $0xFFFF  }
0xec: {  	p0 =	sne.s32 s1, $0x0;
	s0 =	rddreg [dreg:$0x2]  }
0xed: {  	s0 =	sadd.s32 @!p0 $0x100000, s0  }
0xee: {  	[sflag:s0] =	ssyncadd.tile.s32 @!p0 $0x1;
	_ =	shalt  }
.Lfunc_end2:
_tile_overlayer_lowered:
.L_overlay_start_2:
0xef: {  	(tag) =	ssettag $0x2  }
0xf0: {  	s0 =	rddreg [dreg:$0x0];
	s2 =	stileid.u32  }
0xf1: {  	s1 =	rddreg [dreg:$0x1];
	p0 =	sne.s32 s2, $0x0  }
0xf2: {  	s3 =	rddreg [dreg:$0x2];
	[bflag:$0x3] =	sbarrier.arrive $0xFFFF;
	s2 =	simm.s32 @!p0 $0x1C03  }
0xf3: {  	[timem:s3], [sflag:s2] =	dma.local @!p0 [hbm:s0], s1  }
0xf4: {  	s0 =	simm.s32 @!p0 $0x3  }
0xf5: {  	_ =	swait.ge @!p0 [sflag:s0], s1  }
0xf6: {  	s1 =	ssub.s32 @!p0 $0x0, s1;
	[sflag:s0] =	ssyncset.done @!p0 $0x0  }
0xf7: {  	[sflag:s0] =	ssyncadd.s32 @!p0 s1  }
0xf8: {  	[bflag:$0x3] =	sbarrier.arrive $0xFFFF  }
0xf9: {  	_ =	shalt  }

</sc_bundles>
